<compile_context>
chip_gen: v7x
topology: tpu7x:2x2x1
jax: 0.10.2.dev20260603
libtpu: 0.0.44.dev20260713+nightly
codegen_flags: <defaults>
</compile_context>

<pallas_src>
import functools

import jax
import jax.numpy as jnp
from jax import lax
from jax.experimental import pallas as pl
from jax.experimental.pallas import tpu as pltpu
from jax.experimental.pallas import tpu_sc as plsc

NC = 2
NS = 16
NW = NC * NS
L = 16

ENQ = 32
HALF = 512


def _gather_concat(table, idx2, B, D):
    n_per_w = idx2.shape[1]
    n_halves = n_per_w // HALF

    @functools.partial(
        pl.kernel,
        mesh=plsc.VectorSubcoreMesh(core_axis_name="c", subcore_axis_name="s"),
        out_type=jax.ShapeDtypeStruct((B, 2 * D), jnp.float32),
        scratch_types=[
            pltpu.VMEM((n_per_w,), jnp.int32),
            pltpu.VMEM((HALF, D), jnp.float32),
            pltpu.VMEM((HALF // 2, 2 * D), jnp.float32),
            pltpu.SemaphoreType.DMA,
            pltpu.SemaphoreType.DMA,
            pltpu.SemaphoreType.DMA,
        ],
        compiler_params=pltpu.CompilerParams(use_tc_tiling_on_sc=True),
    )
    def k(tab_hbm, idx_hbm, out_hbm, idx_v, rows_v, out_v, sem_i, sem_g, sem_w):
        wid = lax.axis_index("s") * NC + lax.axis_index("c")
        pltpu.async_copy(idx_hbm.at[wid], idx_v, sem_i).wait()

        for h in range(n_halves):
            def enq(step, _, h=h):
                base = h * HALF + step * ENQ
                for g in range(ENQ // L):
                    v = idx_v[pl.ds(base + g * L, L)]
                    for jj in range(L):
                        slot = step * ENQ + g * L + jj
                        pltpu.async_copy(
                            tab_hbm.at[pl.ds(v[jj], 1), :],
                            rows_v.at[pl.ds(slot, 1), :],
                            sem_g,
                        )
                return _

            lax.fori_loop(0, HALF // ENQ, enq, 0)
            pltpu.make_async_copy(
                tab_hbm.at[pl.ds(0, HALF), :], rows_v, sem_g
            ).wait()

            if h > 0:
                pltpu.make_async_copy(
                    out_v, out_hbm.at[pl.ds(0, HALF // 2)], sem_w
                ).wait()

            def pack(step, _):
                for s in range(L):
                    r = step * L + s
                    for p in range(2):
                        for q in range(D // L):
                            x = rows_v[2 * r + p, pl.ds(q * L, L)]
                            out_v[r, pl.ds(p * D + q * L, L)] = x
                return _

            lax.fori_loop(0, HALF // 2 // L, pack, 0)

            pltpu.async_copy(
                out_v,
                out_hbm.at[pl.ds(wid * (n_per_w // 2) + h * (HALF // 2),
                                 HALF // 2)],
                sem_w,
            )
        pltpu.make_async_copy(
            out_v, out_hbm.at[pl.ds(0, HALF // 2)], sem_w
        ).wait()

    return k(table, idx2)


def kernel(obj_category, sub_category, word_embs):
    (B,) = obj_category.shape
    V, D = word_embs.shape
    idx = jnp.stack(
        [obj_category.astype(jnp.int32), sub_category.astype(jnp.int32)], axis=1
    ).reshape(2 * B)
    return _gather_concat(word_embs, idx.reshape(NW, 2 * B // NW), B, D)

# --- scband reference (transcript-rebuilt; emitter-appended) ---
"""Pipeline reference for scband-word-emb-9792525435073 (READ-ONLY COPY).

The authoritative reference and input builder live on the scoring server;
editing this copy changes nothing except your own understanding.
"""

import jax, jax.numpy as jnp
import numpy as np

VOCAB = 1000000
DIM = 64
B = 16384


def setup_inputs(seed: int = 0) -> dict:
    key = jax.random.key(seed)
    k1, k2, k3 = jax.random.split(key, 3)
    obj_category = jax.random.randint(k1, (B,), 0, VOCAB, dtype=jnp.int64 if jax.config.jax_enable_x64 else jnp.int32)
    sub_category = jax.random.randint(k2, (B,), 0, VOCAB, dtype=jnp.int64 if jax.config.jax_enable_x64 else jnp.int32)
    word_embs = jax.random.normal(k3, (VOCAB, DIM), dtype=jnp.float32) * 0.02
    return {"obj_category": obj_category, "sub_category": sub_category, "word_embs": word_embs}


def reference(obj_category, sub_category, word_embs):
    # WordEmb.forward: gather obj and sub word vectors from the embedding
    # table (pandas .loc lookup -> row gather), then concat along feature axis.
    obj_emb = jnp.take(word_embs, obj_category, axis=0)
    sub_emb = jnp.take(word_embs, sub_category, axis=0)
    embs = jnp.concatenate([obj_emb, sub_emb], axis=1)
    return embs

if __name__ == "__main__":
    import jax
    _d = setup_inputs()
    print(jax.jit(kernel)(*tuple(_d.values())))

</pallas_src>

<mosaic_0001>
#map = affine_map<(d0, d1) -> (0, 0)>
module attributes {stable_mosaic.version = 14 : i64} {
  func.func @k(%arg0: i32, %arg1: i32, %arg2: memref<1000000x64xf32, #tpu.memory_space<hbm>>, %arg3: memref<32x1024xi32, #tpu.memory_space<hbm>>, %arg4: memref<16384x128xf32, #tpu.memory_space<hbm>>, %arg5: memref<1024xi32, #tpu.memory_space<vmem>>, %arg6: memref<512x64xf32, #tpu.memory_space<vmem>>, %arg7: memref<256x128xf32, #tpu.memory_space<vmem>>, %arg8: memref<!tpu.dma_semaphore, #tpu.memory_space<semaphore_mem>>, %arg9: memref<!tpu.dma_semaphore, #tpu.memory_space<semaphore_mem>>, %arg10: memref<!tpu.dma_semaphore, #tpu.memory_space<semaphore_mem>>) attributes {dimension_semantics = [#tpu.dimension_semantics<core_parallel>, #tpu.dimension_semantics<subcore_parallel>], iteration_bounds = array<i64: 2, 16>, scalar_prefetch = 0 : i64, scratch_operands = 6 : i64, tpu.core_type = #tpu.core_type<sc_vector_subcore>, window_params = [{transform_indices = #map}, {transform_indices = #map}, {transform_indices = #map}]} {
    %mul3A = arith.constant 2 : i32
    %mul3A_0 = arith.muli %arg1, %mul3A : i32
    %add3A = arith.addi %mul3A_0, %arg0 : i32
    %dma_start3A = arith.constant 0 : i32
    %dma_start3A_1 = tpu.memref_slice %arg3[%add3A, %dma_start3A] : memref<32x1024xi32, #tpu.memory_space<hbm>> -> memref<1x1024xi32, #tpu.memory_space<hbm>>
    %dma_start3A_2 = tpu.memref_squeeze %dma_start3A_1 : memref<1x1024xi32, #tpu.memory_space<hbm>> -> memref<1024xi32, #tpu.memory_space<hbm>>
    %dma_start3A_3 = arith.constant 0 : i32
    %dma_start3A_4 = tpu.memref_slice %arg3[%add3A, %dma_start3A_3] : memref<32x1024xi32, #tpu.memory_space<hbm>> -> memref<1x1024xi32, #tpu.memory_space<hbm>>
    %dma_start3A_5 = tpu.memref_squeeze %dma_start3A_4 : memref<1x1024xi32, #tpu.memory_space<hbm>> -> memref<1024xi32, #tpu.memory_space<hbm>>
    tpu.enqueue_dma source(%dma_start3A_5 : memref<1024xi32, #tpu.memory_space<hbm>>) target(%arg5 : memref<1024xi32, #tpu.memory_space<vmem>>) target_semaphore(%arg8 : memref<!tpu.dma_semaphore, #tpu.memory_space<semaphore_mem>>)
    %dma_wait3A = arith.constant 0 : i32
    %dma_wait3A_6 = tpu.memref_slice %arg3[%add3A, %dma_wait3A] : memref<32x1024xi32, #tpu.memory_space<hbm>> -> memref<1x1024xi32, #tpu.memory_space<hbm>>
    %dma_wait3A_7 = tpu.memref_squeeze %dma_wait3A_6 : memref<1x1024xi32, #tpu.memory_space<hbm>> -> memref<1024xi32, #tpu.memory_space<hbm>>
    %dma_wait3A_8 = arith.constant 0 : i32
    %dma_wait3A_9 = tpu.memref_slice %arg3[%add3A, %dma_wait3A_8] : memref<32x1024xi32, #tpu.memory_space<hbm>> -> memref<1x1024xi32, #tpu.memory_space<hbm>>
    %dma_wait3A_10 = tpu.memref_squeeze %dma_wait3A_9 : memref<1x1024xi32, #tpu.memory_space<hbm>> -> memref<1024xi32, #tpu.memory_space<hbm>>
    tpu.wait_dma2 semaphore(%arg8 : memref<!tpu.dma_semaphore, #tpu.memory_space<semaphore_mem>>) src(%dma_wait3A_10 : memref<1024xi32, #tpu.memory_space<hbm>>) dst(%arg5 : memref<1024xi32, #tpu.memory_space<vmem>>)
    %scan3A = arith.constant 0 : i32
    %scan3A_11 = arith.constant 0 : i32
    %scan3A_12 = arith.constant 16 : i32
    %scan3A_13 = arith.addi %scan3A_11, %scan3A_12 : i32
    %scan3A_14 = arith.constant 1 : i32
    scf.for %scan3A_74 = %scan3A_11 to %scan3A_13 step %scan3A_14  : i32 {
      %mul3A_75 = arith.constant 32 : i32
      %mul3A_76 = arith.muli %scan3A_74, %mul3A_75 : i32
      %add3A_77 = arith.constant 0 : i32
      %add3A_78 = arith.addi %add3A_77, %mul3A_76 : i32
      %add3A_79 = arith.constant 0 : i32
      %add3A_80 = arith.addi %add3A_78, %add3A_79 : i32
      %get3A = arith.index_cast %add3A_80 : i32 to index
      %get3A_81 = tpu.vector_load %arg5[%get3A] {strides = array<i32>} : memref<1024xi32, #tpu.memory_space<vmem>>, vector<16xi32>,
      %get3A_82 = vector.shape_cast %get3A_81 : vector<16xi32> to vector<16xi32>
      %mul3A_83 = arith.constant 32 : i32
      %mul3A_84 = arith.muli %scan3A_74, %mul3A_83 : i32
      %add3A_85 = arith.constant 0 : i32
      %add3A_86 = arith.addi %mul3A_84, %add3A_85 : i32
      %add3A_87 = arith.constant 0 : i32
      %add3A_88 = arith.addi %add3A_86, %add3A_87 : i32
      %slice3A = vector.extract_strided_slice %get3A_82 {offsets = [0], sizes = [1], strides = [1]} : vector<16xi32> to vector<1xi32>
      %squeeze3A = vector.extract %slice3A[0] : i32 from vector<1xi32>
      %dma_start3A_89 = arith.constant 0 : i32
      %dma_start3A_90 = tpu.memref_slice %arg6[%add3A_88, %dma_start3A_89] : memref<512x64xf32, #tpu.memory_space<vmem>> -> memref<1x64xf32, #tpu.memory_space<vmem>>
      %dma_start3A_91 = arith.constant 0 : i32
      %dma_start3A_92 = tpu.memref_slice %arg2[%squeeze3A, %dma_start3A_91] : memref<1000000x64xf32, #tpu.memory_space<hbm>> -> memref<1x64xf32, #tpu.memory_space<hbm>>
      %dma_start3A_93 = arith.constant 0 : i32
      %dma_start3A_94 = tpu.memref_slice %arg6[%add3A_88, %dma_start3A_93] : memref<512x64xf32, #tpu.memory_space<vmem>> -> memref<1x64xf32, #tpu.memory_space<vmem>>
      %dma_start3A_95 = arith.constant 0 : i32
      %dma_start3A_96 = tpu.memref_slice %arg2[%squeeze3A, %dma_start3A_95] : memref<1000000x64xf32, #tpu.memory_space<hbm>> -> memref<1x64xf32, #tpu.memory_space<hbm>>
      tpu.enqueue_dma source(%dma_start3A_96 : memref<1x64xf32, #tpu.memory_space<hbm>>) target(%dma_start3A_94 : memref<1x64xf32, #tpu.memory_space<vmem>>) target_semaphore(%arg9 : memref<!tpu.dma_semaphore, #tpu.memory_space<semaphore_mem>>)
      %mul3A_97 = arith.constant 32 : i32
      %mul3A_98 = arith.muli %scan3A_74, %mul3A_97 : i32
      %add3A_99 = arith.constant 0 : i32
      %add3A_100 = arith.addi %mul3A_98, %add3A_99 : i32
      %add3A_101 = arith.constant 1 : i32
      %add3A_102 = arith.addi %add3A_100, %add3A_101 : i32
      %slice3A_103 = vector.extract_strided_slice %get3A_82 {offsets = [1], sizes = [1], strides = [1]} : vector<16xi32> to vector<1xi32>
      %squeeze3A_104 = vector.extract %slice3A_103[0] : i32 from vector<1xi32>
      %dma_start3A_105 = arith.constant 0 : i32
      %dma_start3A_106 = tpu.memref_slice %arg6[%add3A_102, %dma_start3A_105] : memref<512x64xf32, #tpu.memory_space<vmem>> -> memref<1x64xf32, #tpu.memory_space<vmem>>
      %dma_start3A_107 = arith.constant 0 : i32
      %dma_start3A_108 = tpu.memref_slice %arg2[%squeeze3A_104, %dma_start3A_107] : memref<1000000x64xf32, #tpu.memory_space<hbm>> -> memref<1x64xf32, #tpu.memory_space<hbm>>
      %dma_start3A_109 = arith.constant 0 : i32
      %dma_start3A_110 = tpu.memref_slice %arg6[%add3A_102, %dma_start3A_109] : memref<512x64xf32, #tpu.memory_space<vmem>> -> memref<1x64xf32, #tpu.memory_space<vmem>>
      %dma_start3A_111 = arith.constant 0 : i32
      %dma_start3A_112 = tpu.memref_slice %arg2[%squeeze3A_104, %dma_start3A_111] : memref<1000000x64xf32, #tpu.memory_space<hbm>> -> memref<1x64xf32, #tpu.memory_space<hbm>>
      tpu.enqueue_dma source(%dma_start3A_112 : memref<1x64xf32, #tpu.memory_space<hbm>>) target(%dma_start3A_110 : memref<1x64xf32, #tpu.memory_space<vmem>>) target_semaphore(%arg9 : memref<!tpu.dma_semaphore, #tpu.memory_space<semaphore_mem>>)
      %mul3A_113 = arith.constant 32 : i32
      %mul3A_114 = arith.muli %scan3A_74, %mul3A_113 : i32
      %add3A_115 = arith.constant 0 : i32
      %add3A_116 = arith.addi %mul3A_114, %add3A_115 : i32
      %add3A_117 = arith.constant 2 : i32
      %add3A_118 = arith.addi %add3A_116, %add3A_117 : i32
      %slice3A_119 = vector.extract_strided_slice %get3A_82 {offsets = [2], sizes = [1], strides = [1]} : vector<16xi32> to vector<1xi32>
      %squeeze3A_120 = vector.extract %slice3A_119[0] : i32 from vector<1xi32>
      %dma_start3A_121 = arith.constant 0 : i32
      %dma_start3A_122 = tpu.memref_slice %arg6[%add3A_118, %dma_start3A_121] : memref<512x64xf32, #tpu.memory_space<vmem>> -> memref<1x64xf32, #tpu.memory_space<vmem>>
      %dma_start3A_123 = arith.constant 0 : i32
      %dma_start3A_124 = tpu.memref_slice %arg2[%squeeze3A_120, %dma_start3A_123] : memref<1000000x64xf32, #tpu.memory_space<hbm>> -> memref<1x64xf32, #tpu.memory_space<hbm>>
      %dma_start3A_125 = arith.constant 0 : i32
      %dma_start3A_126 = tpu.memref_slice %arg6[%add3A_118, %dma_start3A_125] : memref<512x64xf32, #tpu.memory_space<vmem>> -> memref<1x64xf32, #tpu.memory_space<vmem>>
      %dma_start3A_127 = arith.constant 0 : i32
      %dma_start3A_128 = tpu.memref_slice %arg2[%squeeze3A_120, %dma_start3A_127] : memref<1000000x64xf32, #tpu.memory_space<hbm>> -> memref<1x64xf32, #tpu.memory_space<hbm>>
      tpu.enqueue_dma source(%dma_start3A_128 : memref<1x64xf32, #tpu.memory_space<hbm>>) target(%dma_start3A_126 : memref<1x64xf32, #tpu.memory_space<vmem>>) target_semaphore(%arg9 : memref<!tpu.dma_semaphore, #tpu.memory_space<semaphore_mem>>)
      %mul3A_129 = arith.constant 32 : i32
      %mul3A_130 = arith.muli %scan3A_74, %mul3A_129 : i32
      %add3A_131 = arith.constant 0 : i32
      %add3A_132 = arith.addi %mul3A_130, %add3A_131 : i32
      %add3A_133 = arith.constant 3 : i32
      %add3A_134 = arith.addi %add3A_132, %add3A_133 : i32
      %slice3A_135 = vector.extract_strided_slice %get3A_82 {offsets = [3], sizes = [1], strides = [1]} : vector<16xi32> to vector<1xi32>
      %squeeze3A_136 = vector.extract %slice3A_135[0] : i32 from vector<1xi32>
      %dma_start3A_137 = arith.constant 0 : i32
      %dma_start3A_138 = tpu.memref_slice %arg6[%add3A_134, %dma_start3A_137] : memref<512x64xf32, #tpu.memory_space<vmem>> -> memref<1x64xf32, #tpu.memory_space<vmem>>
      %dma_start3A_139 = arith.constant 0 : i32
      %dma_start3A_140 = tpu.memref_slice %arg2[%squeeze3A_136, %dma_start3A_139] : memref<1000000x64xf32, #tpu.memory_space<hbm>> -> memref<1x64xf32, #tpu.memory_space<hbm>>
      %dma_start3A_141 = arith.constant 0 : i32
      %dma_start3A_142 = tpu.memref_slice %arg6[%add3A_134, %dma_start3A_141] : memref<512x64xf32, #tpu.memory_space<vmem>> -> memref<1x64xf32, #tpu.memory_space<vmem>>
      %dma_start3A_143 = arith.constant 0 : i32
      %dma_start3A_144 = tpu.memref_slice %arg2[%squeeze3A_136, %dma_start3A_143] : memref<1000000x64xf32, #tpu.memory_space<hbm>> -> memref<1x64xf32, #tpu.memory_space<hbm>>
      tpu.enqueue_dma source(%dma_start3A_144 : memref<1x64xf32, #tpu.memory_space<hbm>>) target(%dma_start3A_142 : memref<1x64xf32, #tpu.memory_space<vmem>>) target_semaphore(%arg9 : memref<!tpu.dma_semaphore, #tpu.memory_space<semaphore_mem>>)
      %mul3A_145 = arith.constant 32 : i32
      %mul3A_146 = arith.muli %scan3A_74, %mul3A_145 : i32
      %add3A_147 = arith.constant 0 : i32
      %add3A_148 = arith.addi %mul3A_146, %add3A_147 : i32
      %add3A_149 = arith.constant 4 : i32
      %add3A_150 = arith.addi %add3A_148, %add3A_149 : i32
      %slice3A_151 = vector.extract_strided_slice %get3A_82 {offsets = [4], sizes = [1], strides = [1]} : vector<16xi32> to vector<1xi32>
      %squeeze3A_152 = vector.extract %slice3A_151[0] : i32 from vector<1xi32>
      %dma_start3A_153 = arith.constant 0 : i32
      %dma_start3A_154 = tpu.memref_slice %arg6[%add3A_150, %dma_start3A_153] : memref<512x64xf32, #tpu.memory_space<vmem>> -> memref<1x64xf32, #tpu.memory_space<vmem>>
      %dma_start3A_155 = arith.constant 0 : i32
      %dma_start3A_156 = tpu.memref_slice %arg2[%squeeze3A_152, %dma_start3A_155] : memref<1000000x64xf32, #tpu.memory_space<hbm>> -> memref<1x64xf32, #tpu.memory_space<hbm>>
      %dma_start3A_157 = arith.constant 0 : i32
      %dma_start3A_158 = tpu.memref_slice %arg6[%add3A_150, %dma_start3A_157] : memref<512x64xf32, #tpu.memory_space<vmem>> -> memref<1x64xf32, #tpu.memory_space<vmem>>
      %dma_start3A_159 = arith.constant 0 : i32
      %dma_start3A_160 = tpu.memref_slice %arg2[%squeeze3A_152, %dma_start3A_159] : memref<1000000x64xf32, #tpu.memory_space<hbm>> -> memref<1x64xf32, #tpu.memory_space<hbm>>
      tpu.enqueue_dma source(%dma_start3A_160 : memref<1x64xf32, #tpu.memory_space<hbm>>) target(%dma_start3A_158 : memref<1x64xf32, #tpu.memory_space<vmem>>) target_semaphore(%arg9 : memref<!tpu.dma_semaphore, #tpu.memory_space<semaphore_mem>>)
      %mul3A_161 = arith.constant 32 : i32
      %mul3A_162 = arith.muli %scan3A_74, %mul3A_161 : i32
      %add3A_163 = arith.constant 0 : i32
      %add3A_164 = arith.addi %mul3A_162, %add3A_163 : i32
      %add3A_165 = arith.constant 5 : i32
      %add3A_166 = arith.addi %add3A_164, %add3A_165 : i32
      %slice3A_167 = vector.extract_strided_slice %get3A_82 {offsets = [5], sizes = [1], strides = [1]} : vector<16xi32> to vector<1xi32>
      %squeeze3A_168 = vector.extract %slice3A_167[0] : i32 from vector<1xi32>
      %dma_start3A_169 = arith.constant 0 : i32
      %dma_start3A_170 = tpu.memref_slice %arg6[%add3A_166, %dma_start3A_169] : memref<512x64xf32, #tpu.memory_space<vmem>> -> memref<1x64xf32, #tpu.memory_space<vmem>>
      %dma_start3A_171 = arith.constant 0 : i32
      %dma_start3A_172 = tpu.memref_slice %arg2[%squeeze3A_168, %dma_start3A_171] : memref<1000000x64xf32, #tpu.memory_space<hbm>> -> memref<1x64xf32, #tpu.memory_space<hbm>>
      %dma_start3A_173 = arith.constant 0 : i32
      %dma_start3A_174 = tpu.memref_slice %arg6[%add3A_166, %dma_start3A_173] : memref<512x64xf32, #tpu.memory_space<vmem>> -> memref<1x64xf32, #tpu.memory_space<vmem>>
      %dma_start3A_175 = arith.constant 0 : i32
      %dma_start3A_176 = tpu.memref_slice %arg2[%squeeze3A_168, %dma_start3A_175] : memref<1000000x64xf32, #tpu.memory_space<hbm>> -> memref<1x64xf32, #tpu.memory_space<hbm>>
      tpu.enqueue_dma source(%dma_start3A_176 : memref<1x64xf32, #tpu.memory_space<hbm>>) target(%dma_start3A_174 : memref<1x64xf32, #tpu.memory_space<vmem>>) target_semaphore(%arg9 : memref<!tpu.dma_semaphore, #tpu.memory_space<semaphore_mem>>)
      %mul3A_177 = arith.constant 32 : i32
      %mul3A_178 = arith.muli %scan3A_74, %mul3A_177 : i32
      %add3A_179 = arith.constant 0 : i32
      %add3A_180 = arith.addi %mul3A_178, %add3A_179 : i32
      %add3A_181 = arith.constant 6 : i32
      %add3A_182 = arith.addi %add3A_180, %add3A_181 : i32
      %slice3A_183 = vector.extract_strided_slice %get3A_82 {offsets = [6], sizes = [1], strides = [1]} : vector<16xi32> to vector<1xi32>
      %squeeze3A_184 = vector.extract %slice3A_183[0] : i32 from vector<1xi32>
      %dma_start3A_185 = arith.constant 0 : i32
      %dma_start3A_186 = tpu.memref_slice %arg6[%add3A_182, %dma_start3A_185] : memref<512x64xf32, #tpu.memory_space<vmem>> -> memref<1x64xf32, #tpu.memory_space<vmem>>
      %dma_start3A_187 = arith.constant 0 : i32
      %dma_start3A_188 = tpu.memref_slice %arg2[%squeeze3A_184, %dma_start3A_187] : memref<1000000x64xf32, #tpu.memory_space<hbm>> -> memref<1x64xf32, #tpu.memory_space<hbm>>
      %dma_start3A_189 = arith.constant 0 : i32
      %dma_start3A_190 = tpu.memref_slice %arg6[%add3A_182, %dma_start3A_189] : memref<512x64xf32, #tpu.memory_space<vmem>> -> memref<1x64xf32, #tpu.memory_space<vmem>>
      %dma_start3A_191 = arith.constant 0 : i32
      %dma_start3A_192 = tpu.memref_slice %arg2[%squeeze3A_184, %dma_start3A_191] : memref<1000000x64xf32, #tpu.memory_space<hbm>> -> memref<1x64xf32, #tpu.memory_space<hbm>>
      tpu.enqueue_dma source(%dma_start3A_192 : memref<1x64xf32, #tpu.memory_space<hbm>>) target(%dma_start3A_190 : memref<1x64xf32, #tpu.memory_space<vmem>>) target_semaphore(%arg9 : memref<!tpu.dma_semaphore, #tpu.memory_space<semaphore_mem>>)
      %mul3A_193 = arith.constant 32 : i32
      %mul3A_194 = arith.muli %scan3A_74, %mul3A_193 : i32
      %add3A_195 = arith.constant 0 : i32
      %add3A_196 = arith.addi %mul3A_194, %add3A_195 : i32
      %add3A_197 = arith.constant 7 : i32
      %add3A_198 = arith.addi %add3A_196, %add3A_197 : i32
      %slice3A_199 = vector.extract_strided_slice %get3A_82 {offsets = [7], sizes = [1], strides = [1]} : vector<16xi32> to vector<1xi32>
      %squeeze3A_200 = vector.extract %slice3A_199[0] : i32 from vector<1xi32>
      %dma_start3A_201 = arith.constant 0 : i32
      %dma_start3A_202 = tpu.memref_slice %arg6[%add3A_198, %dma_start3A_201] : memref<512x64xf32, #tpu.memory_space<vmem>> -> memref<1x64xf32, #tpu.memory_space<vmem>>
      %dma_start3A_203 = arith.constant 0 : i32
      %dma_start3A_204 = tpu.memref_slice %arg2[%squeeze3A_200, %dma_start3A_203] : memref<1000000x64xf32, #tpu.memory_space<hbm>> -> memref<1x64xf32, #tpu.memory_space<hbm>>
      %dma_start3A_205 = arith.constant 0 : i32
      %dma_start3A_206 = tpu.memref_slice %arg6[%add3A_198, %dma_start3A_205] : memref<512x64xf32, #tpu.memory_space<vmem>> -> memref<1x64xf32, #tpu.memory_space<vmem>>
      %dma_start3A_207 = arith.constant 0 : i32
      %dma_start3A_208 = tpu.memref_slice %arg2[%squeeze3A_200, %dma_start3A_207] : memref<1000000x64xf32, #tpu.memory_space<hbm>> -> memref<1x64xf32, #tpu.memory_space<hbm>>
      tpu.enqueue_dma source(%dma_start3A_208 : memref<1x64xf32, #tpu.memory_space<hbm>>) target(%dma_start3A_206 : memref<1x64xf32, #tpu.memory_space<vmem>>) target_semaphore(%arg9 : memref<!tpu.dma_semaphore, #tpu.memory_space<semaphore_mem>>)
      %mul3A_209 = arith.constant 32 : i32
      %mul3A_210 = arith.muli %scan3A_74, %mul3A_209 : i32
      %add3A_211 = arith.constant 0 : i32
      %add3A_212 = arith.addi %mul3A_210, %add3A_211 : i32
      %add3A_213 = arith.constant 8 : i32
      %add3A_214 = arith.addi %add3A_212, %add3A_213 : i32
      %slice3A_215 = vector.extract_strided_slice %get3A_82 {offsets = [8], sizes = [1], strides = [1]} : vector<16xi32> to vector<1xi32>
      %squeeze3A_216 = vector.extract %slice3A_215[0] : i32 from vector<1xi32>
      %dma_start3A_217 = arith.constant 0 : i32
      %dma_start3A_218 = tpu.memref_slice %arg6[%add3A_214, %dma_start3A_217] : memref<512x64xf32, #tpu.memory_space<vmem>> -> memref<1x64xf32, #tpu.memory_space<vmem>>
      %dma_start3A_219 = arith.constant 0 : i32
      %dma_start3A_220 = tpu.memref_slice %arg2[%squeeze3A_216, %dma_start3A_219] : memref<1000000x64xf32, #tpu.memory_space<hbm>> -> memref<1x64xf32, #tpu.memory_space<hbm>>
      %dma_start3A_221 = arith.constant 0 : i32
      %dma_start3A_222 = tpu.memref_slice %arg6[%add3A_214, %dma_start3A_221] : memref<512x64xf32, #tpu.memory_space<vmem>> -> memref<1x64xf32, #tpu.memory_space<vmem>>
      %dma_start3A_223 = arith.constant 0 : i32
      %dma_start3A_224 = tpu.memref_slice %arg2[%squeeze3A_216, %dma_start3A_223] : memref<1000000x64xf32, #tpu.memory_space<hbm>> -> memref<1x64xf32, #tpu.memory_space<hbm>>
      tpu.enqueue_dma source(%dma_start3A_224 : memref<1x64xf32, #tpu.memory_space<hbm>>) target(%dma_start3A_222 : memref<1x64xf32, #tpu.memory_space<vmem>>) target_semaphore(%arg9 : memref<!tpu.dma_semaphore, #tpu.memory_space<semaphore_mem>>)
      %mul3A_225 = arith.constant 32 : i32
      %mul3A_226 = arith.muli %scan3A_74, %mul3A_225 : i32
      %add3A_227 = arith.constant 0 : i32
      %add3A_228 = arith.addi %mul3A_226, %add3A_227 : i32
      %add3A_229 = arith.constant 9 : i32
      %add3A_230 = arith.addi %add3A_228, %add3A_229 : i32
      %slice3A_231 = vector.extract_strided_slice %get3A_82 {offsets = [9], sizes = [1], strides = [1]} : vector<16xi32> to vector<1xi32>
      %squeeze3A_232 = vector.extract %slice3A_231[0] : i32 from vector<1xi32>
      %dma_start3A_233 = arith.constant 0 : i32
      %dma_start3A_234 = tpu.memref_slice %arg6[%add3A_230, %dma_start3A_233] : memref<512x64xf32, #tpu.memory_space<vmem>> -> memref<1x64xf32, #tpu.memory_space<vmem>>
      %dma_start3A_235 = arith.constant 0 : i32
      %dma_start3A_236 = tpu.memref_slice %arg2[%squeeze3A_232, %dma_start3A_235] : memref<1000000x64xf32, #tpu.memory_space<hbm>> -> memref<1x64xf32, #tpu.memory_space<hbm>>
      %dma_start3A_237 = arith.constant 0 : i32
      %dma_start3A_238 = tpu.memref_slice %arg6[%add3A_230, %dma_start3A_237] : memref<512x64xf32, #tpu.memory_space<vmem>> -> memref<1x64xf32, #tpu.memory_space<vmem>>
      %dma_start3A_239 = arith.constant 0 : i32
      %dma_start3A_240 = tpu.memref_slice %arg2[%squeeze3A_232, %dma_start3A_239] : memref<1000000x64xf32, #tpu.memory_space<hbm>> -> memref<1x64xf32, #tpu.memory_space<hbm>>
      tpu.enqueue_dma source(%dma_start3A_240 : memref<1x64xf32, #tpu.memory_space<hbm>>) target(%dma_start3A_238 : memref<1x64xf32, #tpu.memory_space<vmem>>) target_semaphore(%arg9 : memref<!tpu.dma_semaphore, #tpu.memory_space<semaphore_mem>>)
      %mul3A_241 = arith.constant 32 : i32
      %mul3A_242 = arith.muli %scan3A_74, %mul3A_241 : i32
      %add3A_243 = arith.constant 0 : i32
      %add3A_244 = arith.addi %mul3A_242, %add3A_243 : i32
      %add3A_245 = arith.constant 10 : i32
      %add3A_246 = arith.addi %add3A_244, %add3A_245 : i32
      %slice3A_247 = vector.extract_strided_slice %get3A_82 {offsets = [10], sizes = [1], strides = [1]} : vector<16xi32> to vector<1xi32>
      %squeeze3A_248 = vector.extract %slice3A_247[0] : i32 from vector<1xi32>
      %dma_start3A_249 = arith.constant 0 : i32
      %dma_start3A_250 = tpu.memref_slice %arg6[%add3A_246, %dma_start3A_249] : memref<512x64xf32, #tpu.memory_space<vmem>> -> memref<1x64xf32, #tpu.memory_space<vmem>>
      %dma_start3A_251 = arith.constant 0 : i32
      %dma_start3A_252 = tpu.memref_slice %arg2[%squeeze3A_248, %dma_start3A_251] : memref<1000000x64xf32, #tpu.memory_space<hbm>> -> memref<1x64xf32, #tpu.memory_space<hbm>>
      %dma_start3A_253 = arith.constant 0 : i32
      %dma_start3A_254 = tpu.memref_slice %arg6[%add3A_246, %dma_start3A_253] : memref<512x64xf32, #tpu.memory_space<vmem>> -> memref<1x64xf32, #tpu.memory_space<vmem>>
      %dma_start3A_255 = arith.constant 0 : i32
      %dma_start3A_256 = tpu.memref_slice %arg2[%squeeze3A_248, %dma_start3A_255] : memref<1000000x64xf32, #tpu.memory_space<hbm>> -> memref<1x64xf32, #tpu.memory_space<hbm>>
      tpu.enqueue_dma source(%dma_start3A_256 : memref<1x64xf32, #tpu.memory_space<hbm>>) target(%dma_start3A_254 : memref<1x64xf32, #tpu.memory_space<vmem>>) target_semaphore(%arg9 : memref<!tpu.dma_semaphore, #tpu.memory_space<semaphore_mem>>)
      %mul3A_257 = arith.constant 32 : i32
      %mul3A_258 = arith.muli %scan3A_74, %mul3A_257 : i32
      %add3A_259 = arith.constant 0 : i32
      %add3A_260 = arith.addi %mul3A_258, %add3A_259 : i32
      %add3A_261 = arith.constant 11 : i32
      %add3A_262 = arith.addi %add3A_260, %add3A_261 : i32
      %slice3A_263 = vector.extract_strided_slice %get3A_82 {offsets = [11], sizes = [1], strides = [1]} : vector<16xi32> to vector<1xi32>
      %squeeze3A_264 = vector.extract %slice3A_263[0] : i32 from vector<1xi32>
      %dma_start3A_265 = arith.constant 0 : i32
      %dma_start3A_266 = tpu.memref_slice %arg6[%add3A_262, %dma_start3A_265] : memref<512x64xf32, #tpu.memory_space<vmem>> -> memref<1x64xf32, #tpu.memory_space<vmem>>
      %dma_start3A_267 = arith.constant 0 : i32
      %dma_start3A_268 = tpu.memref_slice %arg2[%squeeze3A_264, %dma_start3A_267] : memref<1000000x64xf32, #tpu.memory_space<hbm>> -> memref<1x64xf32, #tpu.memory_space<hbm>>
      %dma_start3A_269 = arith.constant 0 : i32
      %dma_start3A_270 = tpu.memref_slice %arg6[%add3A_262, %dma_start3A_269] : memref<512x64xf32, #tpu.memory_space<vmem>> -> memref<1x64xf32, #tpu.memory_space<vmem>>
      %dma_start3A_271 = arith.constant 0 : i32
      %dma_start3A_272 = tpu.memref_slice %arg2[%squeeze3A_264, %dma_start3A_271] : memref<1000000x64xf32, #tpu.memory_space<hbm>> -> memref<1x64xf32, #tpu.memory_space<hbm>>
      tpu.enqueue_dma source(%dma_start3A_272 : memref<1x64xf32, #tpu.memory_space<hbm>>) target(%dma_start3A_270 : memref<1x64xf32, #tpu.memory_space<vmem>>) target_semaphore(%arg9 : memref<!tpu.dma_semaphore, #tpu.memory_space<semaphore_mem>>)
      %mul3A_273 = arith.constant 32 : i32
      %mul3A_274 = arith.muli %scan3A_74, %mul3A_273 : i32
      %add3A_275 = arith.constant 0 : i32
      %add3A_276 = arith.addi %mul3A_274, %add3A_275 : i32
      %add3A_277 = arith.constant 12 : i32
      %add3A_278 = arith.addi %add3A_276, %add3A_277 : i32
      %slice3A_279 = vector.extract_strided_slice %get3A_82 {offsets = [12], sizes = [1], strides = [1]} : vector<16xi32> to vector<1xi32>
      %squeeze3A_280 = vector.extract %slice3A_279[0] : i32 from vector<1xi32>
      %dma_start3A_281 = arith.constant 0 : i32
      %dma_start3A_282 = tpu.memref_slice %arg6[%add3A_278, %dma_start3A_281] : memref<512x64xf32, #tpu.memory_space<vmem>> -> memref<1x64xf32, #tpu.memory_space<vmem>>
      %dma_start3A_283 = arith.constant 0 : i32
      %dma_start3A_284 = tpu.memref_slice %arg2[%squeeze3A_280, %dma_start3A_283] : memref<1000000x64xf32, #tpu.memory_space<hbm>> -> memref<1x64xf32, #tpu.memory_space<hbm>>
      %dma_start3A_285 = arith.constant 0 : i32
      %dma_start3A_286 = tpu.memref_slice %arg6[%add3A_278, %dma_start3A_285] : memref<512x64xf32, #tpu.memory_space<vmem>> -> memref<1x64xf32, #tpu.memory_space<vmem>>
      %dma_start3A_287 = arith.constant 0 : i32
      %dma_start3A_288 = tpu.memref_slice %arg2[%squeeze3A_280, %dma_start3A_287] : memref<1000000x64xf32, #tpu.memory_space<hbm>> -> memref<1x64xf32, #tpu.memory_space<hbm>>
      tpu.enqueue_dma source(%dma_start3A_288 : memref<1x64xf32, #tpu.memory_space<hbm>>) target(%dma_start3A_286 : memref<1x64xf32, #tpu.memory_space<vmem>>) target_semaphore(%arg9 : memref<!tpu.dma_semaphore, #tpu.memory_space<semaphore_mem>>)
      %mul3A_289 = arith.constant 32 : i32
      %mul3A_290 = arith.muli %scan3A_74, %mul3A_289 : i32
      %add3A_291 = arith.constant 0 : i32
      %add3A_292 = arith.addi %mul3A_290, %add3A_291 : i32
      %add3A_293 = arith.constant 13 : i32
      %add3A_294 = arith.addi %add3A_292, %add3A_293 : i32
      %slice3A_295 = vector.extract_strided_slice %get3A_82 {offsets = [13], sizes = [1], strides = [1]} : vector<16xi32> to vector<1xi32>
      %squeeze3A_296 = vector.extract %slice3A_295[0] : i32 from vector<1xi32>
      %dma_start3A_297 = arith.constant 0 : i32
      %dma_start3A_298 = tpu.memref_slice %arg6[%add3A_294, %dma_start3A_297] : memref<512x64xf32, #tpu.memory_space<vmem>> -> memref<1x64xf32, #tpu.memory_space<vmem>>
      %dma_start3A_299 = arith.constant 0 : i32
      %dma_start3A_300 = tpu.memref_slice %arg2[%squeeze3A_296, %dma_start3A_299] : memref<1000000x64xf32, #tpu.memory_space<hbm>> -> memref<1x64xf32, #tpu.memory_space<hbm>>
      %dma_start3A_301 = arith.constant 0 : i32
      %dma_start3A_302 = tpu.memref_slice %arg6[%add3A_294, %dma_start3A_301] : memref<512x64xf32, #tpu.memory_space<vmem>> -> memref<1x64xf32, #tpu.memory_space<vmem>>
      %dma_start3A_303 = arith.constant 0 : i32
      %dma_start3A_304 = tpu.memref_slice %arg2[%squeeze3A_296, %dma_start3A_303] : memref<1000000x64xf32, #tpu.memory_space<hbm>> -> memref<1x64xf32, #tpu.memory_space<hbm>>
      tpu.enqueue_dma source(%dma_start3A_304 : memref<1x64xf32, #tpu.memory_space<hbm>>) target(%dma_start3A_302 : memref<1x64xf32, #tpu.memory_space<vmem>>) target_semaphore(%arg9 : memref<!tpu.dma_semaphore, #tpu.memory_space<semaphore_mem>>)
      %mul3A_305 = arith.constant 32 : i32
      %mul3A_306 = arith.muli %scan3A_74, %mul3A_305 : i32
      %add3A_307 = arith.constant 0 : i32
      %add3A_308 = arith.addi %mul3A_306, %add3A_307 : i32
      %add3A_309 = arith.constant 14 : i32
      %add3A_310 = arith.addi %add3A_308, %add3A_309 : i32
      %slice3A_311 = vector.extract_strided_slice %get3A_82 {offsets = [14], sizes = [1], strides = [1]} : vector<16xi32> to vector<1xi32>
      %squeeze3A_312 = vector.extract %slice3A_311[0] : i32 from vector<1xi32>
      %dma_start3A_313 = arith.constant 0 : i32
      %dma_start3A_314 = tpu.memref_slice %arg6[%add3A_310, %dma_start3A_313] : memref<512x64xf32, #tpu.memory_space<vmem>> -> memref<1x64xf32, #tpu.memory_space<vmem>>
      %dma_start3A_315 = arith.constant 0 : i32
      %dma_start3A_316 = tpu.memref_slice %arg2[%squeeze3A_312, %dma_start3A_315] : memref<1000000x64xf32, #tpu.memory_space<hbm>> -> memref<1x64xf32, #tpu.memory_space<hbm>>
      %dma_start3A_317 = arith.constant 0 : i32
      %dma_start3A_318 = tpu.memref_slice %arg6[%add3A_310, %dma_start3A_317] : memref<512x64xf32, #tpu.memory_space<vmem>> -> memref<1x64xf32, #tpu.memory_space<vmem>>
      %dma_start3A_319 = arith.constant 0 : i32
      %dma_start3A_320 = tpu.memref_slice %arg2[%squeeze3A_312, %dma_start3A_319] : memref<1000000x64xf32, #tpu.memory_space<hbm>> -> memref<1x64xf32, #tpu.memory_space<hbm>>
      tpu.enqueue_dma source(%dma_start3A_320 : memref<1x64xf32, #tpu.memory_space<hbm>>) target(%dma_start3A_318 : memref<1x64xf32, #tpu.memory_space<vmem>>) target_semaphore(%arg9 : memref<!tpu.dma_semaphore, #tpu.memory_space<semaphore_mem>>)
      %mul3A_321 = arith.constant 32 : i32
      %mul3A_322 = arith.muli %scan3A_74, %mul3A_321 : i32
      %add3A_323 = arith.constant 0 : i32
      %add3A_324 = arith.addi %mul3A_322, %add3A_323 : i32
      %add3A_325 = arith.constant 15 : i32
      %add3A_326 = arith.addi %add3A_324, %add3A_325 : i32
      %slice3A_327 = vector.extract_strided_slice %get3A_82 {offsets = [15], sizes = [1], strides = [1]} : vector<16xi32> to vector<1xi32>
      %squeeze3A_328 = vector.extract %slice3A_327[0] : i32 from vector<1xi32>
      %dma_start3A_329 = arith.constant 0 : i32
      %dma_start3A_330 = tpu.memref_slice %arg6[%add3A_326, %dma_start3A_329] : memref<512x64xf32, #tpu.memory_space<vmem>> -> memref<1x64xf32, #tpu.memory_space<vmem>>
      %dma_start3A_331 = arith.constant 0 : i32
      %dma_start3A_332 = tpu.memref_slice %arg2[%squeeze3A_328, %dma_start3A_331] : memref<1000000x64xf32, #tpu.memory_space<hbm>> -> memref<1x64xf32, #tpu.memory_space<hbm>>
      %dma_start3A_333 = arith.constant 0 : i32
      %dma_start3A_334 = tpu.memref_slice %arg6[%add3A_326, %dma_start3A_333] : memref<512x64xf32, #tpu.memory_space<vmem>> -> memref<1x64xf32, #tpu.memory_space<vmem>>
      %dma_start3A_335 = arith.constant 0 : i32
      %dma_start3A_336 = tpu.memref_slice %arg2[%squeeze3A_328, %dma_start3A_335] : memref<1000000x64xf32, #tpu.memory_space<hbm>> -> memref<1x64xf32, #tpu.memory_space<hbm>>
      tpu.enqueue_dma source(%dma_start3A_336 : memref<1x64xf32, #tpu.memory_space<hbm>>) target(%dma_start3A_334 : memref<1x64xf32, #tpu.memory_space<vmem>>) target_semaphore(%arg9 : memref<!tpu.dma_semaphore, #tpu.memory_space<semaphore_mem>>)
      %add3A_337 = arith.constant 16 : i32
      %add3A_338 = arith.addi %add3A_78, %add3A_337 : i32
      %get3A_339 = arith.index_cast %add3A_338 : i32 to index
      %get3A_340 = tpu.vector_load %arg5[%get3A_339] {strides = array<i32>} : memref<1024xi32, #tpu.memory_space<vmem>>, vector<16xi32>,
      %get3A_341 = vector.shape_cast %get3A_340 : vector<16xi32> to vector<16xi32>
      %mul3A_342 = arith.constant 32 : i32
      %mul3A_343 = arith.muli %scan3A_74, %mul3A_342 : i32
      %add3A_344 = arith.constant 16 : i32
      %add3A_345 = arith.addi %mul3A_343, %add3A_344 : i32
      %add3A_346 = arith.constant 0 : i32
      %add3A_347 = arith.addi %add3A_345, %add3A_346 : i32
      %slice3A_348 = vector.extract_strided_slice %get3A_341 {offsets = [0], sizes = [1], strides = [1]} : vector<16xi32> to vector<1xi32>
      %squeeze3A_349 = vector.extract %slice3A_348[0] : i32 from vector<1xi32>
      %dma_start3A_350 = arith.constant 0 : i32
      %dma_start3A_351 = tpu.memref_slice %arg6[%add3A_347, %dma_start3A_350] : memref<512x64xf32, #tpu.memory_space<vmem>> -> memref<1x64xf32, #tpu.memory_space<vmem>>
      %dma_start3A_352 = arith.constant 0 : i32
      %dma_start3A_353 = tpu.memref_slice %arg2[%squeeze3A_349, %dma_start3A_352] : memref<1000000x64xf32, #tpu.memory_space<hbm>> -> memref<1x64xf32, #tpu.memory_space<hbm>>
      %dma_start3A_354 = arith.constant 0 : i32
      %dma_start3A_355 = tpu.memref_slice %arg6[%add3A_347, %dma_start3A_354] : memref<512x64xf32, #tpu.memory_space<vmem>> -> memref<1x64xf32, #tpu.memory_space<vmem>>
      %dma_start3A_356 = arith.constant 0 : i32
      %dma_start3A_357 = tpu.memref_slice %arg2[%squeeze3A_349, %dma_start3A_356] : memref<1000000x64xf32, #tpu.memory_space<hbm>> -> memref<1x64xf32, #tpu.memory_space<hbm>>
      tpu.enqueue_dma source(%dma_start3A_357 : memref<1x64xf32, #tpu.memory_space<hbm>>) target(%dma_start3A_355 : memref<1x64xf32, #tpu.memory_space<vmem>>) target_semaphore(%arg9 : memref<!tpu.dma_semaphore, #tpu.memory_space<semaphore_mem>>)
      %mul3A_358 = arith.constant 32 : i32
      %mul3A_359 = arith.muli %scan3A_74, %mul3A_358 : i32
      %add3A_360 = arith.constant 16 : i32
      %add3A_361 = arith.addi %mul3A_359, %add3A_360 : i32
      %add3A_362 = arith.constant 1 : i32
      %add3A_363 = arith.addi %add3A_361, %add3A_362 : i32
      %slice3A_364 = vector.extract_strided_slice %get3A_341 {offsets = [1], sizes = [1], strides = [1]} : vector<16xi32> to vector<1xi32>
      %squeeze3A_365 = vector.extract %slice3A_364[0] : i32 from vector<1xi32>
      %dma_start3A_366 = arith.constant 0 : i32
      %dma_start3A_367 = tpu.memref_slice %arg6[%add3A_363, %dma_start3A_366] : memref<512x64xf32, #tpu.memory_space<vmem>> -> memref<1x64xf32, #tpu.memory_space<vmem>>
      %dma_start3A_368 = arith.constant 0 : i32
      %dma_start3A_369 = tpu.memref_slice %arg2[%squeeze3A_365, %dma_start3A_368] : memref<1000000x64xf32, #tpu.memory_space<hbm>> -> memref<1x64xf32, #tpu.memory_space<hbm>>
      %dma_start3A_370 = arith.constant 0 : i32
      %dma_start3A_371 = tpu.memref_slice %arg6[%add3A_363, %dma_start3A_370] : memref<512x64xf32, #tpu.memory_space<vmem>> -> memref<1x64xf32, #tpu.memory_space<vmem>>
      %dma_start3A_372 = arith.constant 0 : i32
      %dma_start3A_373 = tpu.memref_slice %arg2[%squeeze3A_365, %dma_start3A_372] : memref<1000000x64xf32, #tpu.memory_space<hbm>> -> memref<1x64xf32, #tpu.memory_space<hbm>>
      tpu.enqueue_dma source(%dma_start3A_373 : memref<1x64xf32, #tpu.memory_space<hbm>>) target(%dma_start3A_371 : memref<1x64xf32, #tpu.memory_space<vmem>>) target_semaphore(%arg9 : memref<!tpu.dma_semaphore, #tpu.memory_space<semaphore_mem>>)
      %mul3A_374 = arith.constant 32 : i32
      %mul3A_375 = arith.muli %scan3A_74, %mul3A_374 : i32
      %add3A_376 = arith.constant 16 : i32
      %add3A_377 = arith.addi %mul3A_375, %add3A_376 : i32
      %add3A_378 = arith.constant 2 : i32
      %add3A_379 = arith.addi %add3A_377, %add3A_378 : i32
      %slice3A_380 = vector.extract_strided_slice %get3A_341 {offsets = [2], sizes = [1], strides = [1]} : vector<16xi32> to vector<1xi32>
      %squeeze3A_381 = vector.extract %slice3A_380[0] : i32 from vector<1xi32>
      %dma_start3A_382 = arith.constant 0 : i32
      %dma_start3A_383 = tpu.memref_slice %arg6[%add3A_379, %dma_start3A_382] : memref<512x64xf32, #tpu.memory_space<vmem>> -> memref<1x64xf32, #tpu.memory_space<vmem>>
      %dma_start3A_384 = arith.constant 0 : i32
      %dma_start3A_385 = tpu.memref_slice %arg2[%squeeze3A_381, %dma_start3A_384] : memref<1000000x64xf32, #tpu.memory_space<hbm>> -> memref<1x64xf32, #tpu.memory_space<hbm>>
      %dma_start3A_386 = arith.constant 0 : i32
      %dma_start3A_387 = tpu.memref_slice %arg6[%add3A_379, %dma_start3A_386] : memref<512x64xf32, #tpu.memory_space<vmem>> -> memref<1x64xf32, #tpu.memory_space<vmem>>
      %dma_start3A_388 = arith.constant 0 : i32
      %dma_start3A_389 = tpu.memref_slice %arg2[%squeeze3A_381, %dma_start3A_388] : memref<1000000x64xf32, #tpu.memory_space<hbm>> -> memref<1x64xf32, #tpu.memory_space<hbm>>
      tpu.enqueue_dma source(%dma_start3A_389 : memref<1x64xf32, #tpu.memory_space<hbm>>) target(%dma_start3A_387 : memref<1x64xf32, #tpu.memory_space<vmem>>) target_semaphore(%arg9 : memref<!tpu.dma_semaphore, #tpu.memory_space<semaphore_mem>>)
      %mul3A_390 = arith.constant 32 : i32
      %mul3A_391 = arith.muli %scan3A_74, %mul3A_390 : i32
      %add3A_392 = arith.constant 16 : i32
      %add3A_393 = arith.addi %mul3A_391, %add3A_392 : i32
      %add3A_394 = arith.constant 3 : i32
      %add3A_395 = arith.addi %add3A_393, %add3A_394 : i32
      %slice3A_396 = vector.extract_strided_slice %get3A_341 {offsets = [3], sizes = [1], strides = [1]} : vector<16xi32> to vector<1xi32>
      %squeeze3A_397 = vector.extract %slice3A_396[0] : i32 from vector<1xi32>
      %dma_start3A_398 = arith.constant 0 : i32
      %dma_start3A_399 = tpu.memref_slice %arg6[%add3A_395, %dma_start3A_398] : memref<512x64xf32, #tpu.memory_space<vmem>> -> memref<1x64xf32, #tpu.memory_space<vmem>>
      %dma_start3A_400 = arith.constant 0 : i32
      %dma_start3A_401 = tpu.memref_slice %arg2[%squeeze3A_397, %dma_start3A_400] : memref<1000000x64xf32, #tpu.memory_space<hbm>> -> memref<1x64xf32, #tpu.memory_space<hbm>>
      %dma_start3A_402 = arith.constant 0 : i32
      %dma_start3A_403 = tpu.memref_slice %arg6[%add3A_395, %dma_start3A_402] : memref<512x64xf32, #tpu.memory_space<vmem>> -> memref<1x64xf32, #tpu.memory_space<vmem>>
      %dma_start3A_404 = arith.constant 0 : i32
      %dma_start3A_405 = tpu.memref_slice %arg2[%squeeze3A_397, %dma_start3A_404] : memref<1000000x64xf32, #tpu.memory_space<hbm>> -> memref<1x64xf32, #tpu.memory_space<hbm>>
      tpu.enqueue_dma source(%dma_start3A_405 : memref<1x64xf32, #tpu.memory_space<hbm>>) target(%dma_start3A_403 : memref<1x64xf32, #tpu.memory_space<vmem>>) target_semaphore(%arg9 : memref<!tpu.dma_semaphore, #tpu.memory_space<semaphore_mem>>)
      %mul3A_406 = arith.constant 32 : i32
      %mul3A_407 = arith.muli %scan3A_74, %mul3A_406 : i32
      %add3A_408 = arith.constant 16 : i32
      %add3A_409 = arith.addi %mul3A_407, %add3A_408 : i32
      %add3A_410 = arith.constant 4 : i32
      %add3A_411 = arith.addi %add3A_409, %add3A_410 : i32
      %slice3A_412 = vector.extract_strided_slice %get3A_341 {offsets = [4], sizes = [1], strides = [1]} : vector<16xi32> to vector<1xi32>
      %squeeze3A_413 = vector.extract %slice3A_412[0] : i32 from vector<1xi32>
      %dma_start3A_414 = arith.constant 0 : i32
      %dma_start3A_415 = tpu.memref_slice %arg6[%add3A_411, %dma_start3A_414] : memref<512x64xf32, #tpu.memory_space<vmem>> -> memref<1x64xf32, #tpu.memory_space<vmem>>
      %dma_start3A_416 = arith.constant 0 : i32
      %dma_start3A_417 = tpu.memref_slice %arg2[%squeeze3A_413, %dma_start3A_416] : memref<1000000x64xf32, #tpu.memory_space<hbm>> -> memref<1x64xf32, #tpu.memory_space<hbm>>
      %dma_start3A_418 = arith.constant 0 : i32
      %dma_start3A_419 = tpu.memref_slice %arg6[%add3A_411, %dma_start3A_418] : memref<512x64xf32, #tpu.memory_space<vmem>> -> memref<1x64xf32, #tpu.memory_space<vmem>>
      %dma_start3A_420 = arith.constant 0 : i32
      %dma_start3A_421 = tpu.memref_slice %arg2[%squeeze3A_413, %dma_start3A_420] : memref<1000000x64xf32, #tpu.memory_space<hbm>> -> memref<1x64xf32, #tpu.memory_space<hbm>>
      tpu.enqueue_dma source(%dma_start3A_421 : memref<1x64xf32, #tpu.memory_space<hbm>>) target(%dma_start3A_419 : memref<1x64xf32, #tpu.memory_space<vmem>>) target_semaphore(%arg9 : memref<!tpu.dma_semaphore, #tpu.memory_space<semaphore_mem>>)
      %mul3A_422 = arith.constant 32 : i32
      %mul3A_423 = arith.muli %scan3A_74, %mul3A_422 : i32
      %add3A_424 = arith.constant 16 : i32
      %add3A_425 = arith.addi %mul3A_423, %add3A_424 : i32
      %add3A_426 = arith.constant 5 : i32
      %add3A_427 = arith.addi %add3A_425, %add3A_426 : i32
      %slice3A_428 = vector.extract_strided_slice %get3A_341 {offsets = [5], sizes = [1], strides = [1]} : vector<16xi32> to vector<1xi32>
      %squeeze3A_429 = vector.extract %slice3A_428[0] : i32 from vector<1xi32>
      %dma_start3A_430 = arith.constant 0 : i32
      %dma_start3A_431 = tpu.memref_slice %arg6[%add3A_427, %dma_start3A_430] : memref<512x64xf32, #tpu.memory_space<vmem>> -> memref<1x64xf32, #tpu.memory_space<vmem>>
      %dma_start3A_432 = arith.constant 0 : i32
      %dma_start3A_433 = tpu.memref_slice %arg2[%squeeze3A_429, %dma_start3A_432] : memref<1000000x64xf32, #tpu.memory_space<hbm>> -> memref<1x64xf32, #tpu.memory_space<hbm>>
      %dma_start3A_434 = arith.constant 0 : i32
      %dma_start3A_435 = tpu.memref_slice %arg6[%add3A_427, %dma_start3A_434] : memref<512x64xf32, #tpu.memory_space<vmem>> -> memref<1x64xf32, #tpu.memory_space<vmem>>
      %dma_start3A_436 = arith.constant 0 : i32
      %dma_start3A_437 = tpu.memref_slice %arg2[%squeeze3A_429, %dma_start3A_436] : memref<1000000x64xf32, #tpu.memory_space<hbm>> -> memref<1x64xf32, #tpu.memory_space<hbm>>
      tpu.enqueue_dma source(%dma_start3A_437 : memref<1x64xf32, #tpu.memory_space<hbm>>) target(%dma_start3A_435 : memref<1x64xf32, #tpu.memory_space<vmem>>) target_semaphore(%arg9 : memref<!tpu.dma_semaphore, #tpu.memory_space<semaphore_mem>>)
      %mul3A_438 = arith.constant 32 : i32
      %mul3A_439 = arith.muli %scan3A_74, %mul3A_438 : i32
      %add3A_440 = arith.constant 16 : i32
      %add3A_441 = arith.addi %mul3A_439, %add3A_440 : i32
      %add3A_442 = arith.constant 6 : i32
      %add3A_443 = arith.addi %add3A_441, %add3A_442 : i32
      %slice3A_444 = vector.extract_strided_slice %get3A_341 {offsets = [6], sizes = [1], strides = [1]} : vector<16xi32> to vector<1xi32>
      %squeeze3A_445 = vector.extract %slice3A_444[0] : i32 from vector<1xi32>
      %dma_start3A_446 = arith.constant 0 : i32
      %dma_start3A_447 = tpu.memref_slice %arg6[%add3A_443, %dma_start3A_446] : memref<512x64xf32, #tpu.memory_space<vmem>> -> memref<1x64xf32, #tpu.memory_space<vmem>>
      %dma_start3A_448 = arith.constant 0 : i32
      %dma_start3A_449 = tpu.memref_slice %arg2[%squeeze3A_445, %dma_start3A_448] : memref<1000000x64xf32, #tpu.memory_space<hbm>> -> memref<1x64xf32, #tpu.memory_space<hbm>>
      %dma_start3A_450 = arith.constant 0 : i32
      %dma_start3A_451 = tpu.memref_slice %arg6[%add3A_443, %dma_start3A_450] : memref<512x64xf32, #tpu.memory_space<vmem>> -> memref<1x64xf32, #tpu.memory_space<vmem>>
      %dma_start3A_452 = arith.constant 0 : i32
      %dma_start3A_453 = tpu.memref_slice %arg2[%squeeze3A_445, %dma_start3A_452] : memref<1000000x64xf32, #tpu.memory_space<hbm>> -> memref<1x64xf32, #tpu.memory_space<hbm>>
      tpu.enqueue_dma source(%dma_start3A_453 : memref<1x64xf32, #tpu.memory_space<hbm>>) target(%dma_start3A_451 : memref<1x64xf32, #tpu.memory_space<vmem>>) target_semaphore(%arg9 : memref<!tpu.dma_semaphore, #tpu.memory_space<semaphore_mem>>)
      %mul3A_454 = arith.constant 32 : i32
      %mul3A_455 = arith.muli %scan3A_74, %mul3A_454 : i32
      %add3A_456 = arith.constant 16 : i32
      %add3A_457 = arith.addi %mul3A_455, %add3A_456 : i32
      %add3A_458 = arith.constant 7 : i32
      %add3A_459 = arith.addi %add3A_457, %add3A_458 : i32
      %slice3A_460 = vector.extract_strided_slice %get3A_341 {offsets = [7], sizes = [1], strides = [1]} : vector<16xi32> to vector<1xi32>
      %squeeze3A_461 = vector.extract %slice3A_460[0] : i32 from vector<1xi32>
      %dma_start3A_462 = arith.constant 0 : i32
      %dma_start3A_463 = tpu.memref_slice %arg6[%add3A_459, %dma_start3A_462] : memref<512x64xf32, #tpu.memory_space<vmem>> -> memref<1x64xf32, #tpu.memory_space<vmem>>
      %dma_start3A_464 = arith.constant 0 : i32
      %dma_start3A_465 = tpu.memref_slice %arg2[%squeeze3A_461, %dma_start3A_464] : memref<1000000x64xf32, #tpu.memory_space<hbm>> -> memref<1x64xf32, #tpu.memory_space<hbm>>
      %dma_start3A_466 = arith.constant 0 : i32
      %dma_start3A_467 = tpu.memref_slice %arg6[%add3A_459, %dma_start3A_466] : memref<512x64xf32, #tpu.memory_space<vmem>> -> memref<1x64xf32, #tpu.memory_space<vmem>>
      %dma_start3A_468 = arith.constant 0 : i32
      %dma_start3A_469 = tpu.memref_slice %arg2[%squeeze3A_461, %dma_start3A_468] : memref<1000000x64xf32, #tpu.memory_space<hbm>> -> memref<1x64xf32, #tpu.memory_space<hbm>>
      tpu.enqueue_dma source(%dma_start3A_469 : memref<1x64xf32, #tpu.memory_space<hbm>>) target(%dma_start3A_467 : memref<1x64xf32, #tpu.memory_space<vmem>>) target_semaphore(%arg9 : memref<!tpu.dma_semaphore, #tpu.memory_space<semaphore_mem>>)
      %mul3A_470 = arith.constant 32 : i32
      %mul3A_471 = arith.muli %scan3A_74, %mul3A_470 : i32
      %add3A_472 = arith.constant 16 : i32
      %add3A_473 = arith.addi %mul3A_471, %add3A_472 : i32
      %add3A_474 = arith.constant 8 : i32
      %add3A_475 = arith.addi %add3A_473, %add3A_474 : i32
      %slice3A_476 = vector.extract_strided_slice %get3A_341 {offsets = [8], sizes = [1], strides = [1]} : vector<16xi32> to vector<1xi32>
      %squeeze3A_477 = vector.extract %slice3A_476[0] : i32 from vector<1xi32>
      %dma_start3A_478 = arith.constant 0 : i32
      %dma_start3A_479 = tpu.memref_slice %arg6[%add3A_475, %dma_start3A_478] : memref<512x64xf32, #tpu.memory_space<vmem>> -> memref<1x64xf32, #tpu.memory_space<vmem>>
      %dma_start3A_480 = arith.constant 0 : i32
      %dma_start3A_481 = tpu.memref_slice %arg2[%squeeze3A_477, %dma_start3A_480] : memref<1000000x64xf32, #tpu.memory_space<hbm>> -> memref<1x64xf32, #tpu.memory_space<hbm>>
      %dma_start3A_482 = arith.constant 0 : i32
      %dma_start3A_483 = tpu.memref_slice %arg6[%add3A_475, %dma_start3A_482] : memref<512x64xf32, #tpu.memory_space<vmem>> -> memref<1x64xf32, #tpu.memory_space<vmem>>
      %dma_start3A_484 = arith.constant 0 : i32
      %dma_start3A_485 = tpu.memref_slice %arg2[%squeeze3A_477, %dma_start3A_484] : memref<1000000x64xf32, #tpu.memory_space<hbm>> -> memref<1x64xf32, #tpu.memory_space<hbm>>
      tpu.enqueue_dma source(%dma_start3A_485 : memref<1x64xf32, #tpu.memory_space<hbm>>) target(%dma_start3A_483 : memref<1x64xf32, #tpu.memory_space<vmem>>) target_semaphore(%arg9 : memref<!tpu.dma_semaphore, #tpu.memory_space<semaphore_mem>>)
      %mul3A_486 = arith.constant 32 : i32
      %mul3A_487 = arith.muli %scan3A_74, %mul3A_486 : i32
      %add3A_488 = arith.constant 16 : i32
      %add3A_489 = arith.addi %mul3A_487, %add3A_488 : i32
      %add3A_490 = arith.constant 9 : i32
      %add3A_491 = arith.addi %add3A_489, %add3A_490 : i32
      %slice3A_492 = vector.extract_strided_slice %get3A_341 {offsets = [9], sizes = [1], strides = [1]} : vector<16xi32> to vector<1xi32>
      %squeeze3A_493 = vector.extract %slice3A_492[0] : i32 from vector<1xi32>
      %dma_start3A_494 = arith.constant 0 : i32
      %dma_start3A_495 = tpu.memref_slice %arg6[%add3A_491, %dma_start3A_494] : memref<512x64xf32, #tpu.memory_space<vmem>> -> memref<1x64xf32, #tpu.memory_space<vmem>>
      %dma_start3A_496 = arith.constant 0 : i32
      %dma_start3A_497 = tpu.memref_slice %arg2[%squeeze3A_493, %dma_start3A_496] : memref<1000000x64xf32, #tpu.memory_space<hbm>> -> memref<1x64xf32, #tpu.memory_space<hbm>>
      %dma_start3A_498 = arith.constant 0 : i32
      %dma_start3A_499 = tpu.memref_slice %arg6[%add3A_491, %dma_start3A_498] : memref<512x64xf32, #tpu.memory_space<vmem>> -> memref<1x64xf32, #tpu.memory_space<vmem>>
      %dma_start3A_500 = arith.constant 0 : i32
      %dma_start3A_501 = tpu.memref_slice %arg2[%squeeze3A_493, %dma_start3A_500] : memref<1000000x64xf32, #tpu.memory_space<hbm>> -> memref<1x64xf32, #tpu.memory_space<hbm>>
      tpu.enqueue_dma source(%dma_start3A_501 : memref<1x64xf32, #tpu.memory_space<hbm>>) target(%dma_start3A_499 : memref<1x64xf32, #tpu.memory_space<vmem>>) target_semaphore(%arg9 : memref<!tpu.dma_semaphore, #tpu.memory_space<semaphore_mem>>)
      %mul3A_502 = arith.constant 32 : i32
      %mul3A_503 = arith.muli %scan3A_74, %mul3A_502 : i32
      %add3A_504 = arith.constant 16 : i32
      %add3A_505 = arith.addi %mul3A_503, %add3A_504 : i32
      %add3A_506 = arith.constant 10 : i32
      %add3A_507 = arith.addi %add3A_505, %add3A_506 : i32
      %slice3A_508 = vector.extract_strided_slice %get3A_341 {offsets = [10], sizes = [1], strides = [1]} : vector<16xi32> to vector<1xi32>
      %squeeze3A_509 = vector.extract %slice3A_508[0] : i32 from vector<1xi32>
      %dma_start3A_510 = arith.constant 0 : i32
      %dma_start3A_511 = tpu.memref_slice %arg6[%add3A_507, %dma_start3A_510] : memref<512x64xf32, #tpu.memory_space<vmem>> -> memref<1x64xf32, #tpu.memory_space<vmem>>
      %dma_start3A_512 = arith.constant 0 : i32
      %dma_start3A_513 = tpu.memref_slice %arg2[%squeeze3A_509, %dma_start3A_512] : memref<1000000x64xf32, #tpu.memory_space<hbm>> -> memref<1x64xf32, #tpu.memory_space<hbm>>
      %dma_start3A_514 = arith.constant 0 : i32
      %dma_start3A_515 = tpu.memref_slice %arg6[%add3A_507, %dma_start3A_514] : memref<512x64xf32, #tpu.memory_space<vmem>> -> memref<1x64xf32, #tpu.memory_space<vmem>>
      %dma_start3A_516 = arith.constant 0 : i32
      %dma_start3A_517 = tpu.memref_slice %arg2[%squeeze3A_509, %dma_start3A_516] : memref<1000000x64xf32, #tpu.memory_space<hbm>> -> memref<1x64xf32, #tpu.memory_space<hbm>>
      tpu.enqueue_dma source(%dma_start3A_517 : memref<1x64xf32, #tpu.memory_space<hbm>>) target(%dma_start3A_515 : memref<1x64xf32, #tpu.memory_space<vmem>>) target_semaphore(%arg9 : memref<!tpu.dma_semaphore, #tpu.memory_space<semaphore_mem>>)
      %mul3A_518 = arith.constant 32 : i32
      %mul3A_519 = arith.muli %scan3A_74, %mul3A_518 : i32
      %add3A_520 = arith.constant 16 : i32
      %add3A_521 = arith.addi %mul3A_519, %add3A_520 : i32
      %add3A_522 = arith.constant 11 : i32
      %add3A_523 = arith.addi %add3A_521, %add3A_522 : i32
      %slice3A_524 = vector.extract_strided_slice %get3A_341 {offsets = [11], sizes = [1], strides = [1]} : vector<16xi32> to vector<1xi32>
      %squeeze3A_525 = vector.extract %slice3A_524[0] : i32 from vector<1xi32>
      %dma_start3A_526 = arith.constant 0 : i32
      %dma_start3A_527 = tpu.memref_slice %arg6[%add3A_523, %dma_start3A_526] : memref<512x64xf32, #tpu.memory_space<vmem>> -> memref<1x64xf32, #tpu.memory_space<vmem>>
      %dma_start3A_528 = arith.constant 0 : i32
      %dma_start3A_529 = tpu.memref_slice %arg2[%squeeze3A_525, %dma_start3A_528] : memref<1000000x64xf32, #tpu.memory_space<hbm>> -> memref<1x64xf32, #tpu.memory_space<hbm>>
      %dma_start3A_530 = arith.constant 0 : i32
      %dma_start3A_531 = tpu.memref_slice %arg6[%add3A_523, %dma_start3A_530] : memref<512x64xf32, #tpu.memory_space<vmem>> -> memref<1x64xf32, #tpu.memory_space<vmem>>
      %dma_start3A_532 = arith.constant 0 : i32
      %dma_start3A_533 = tpu.memref_slice %arg2[%squeeze3A_525, %dma_start3A_532] : memref<1000000x64xf32, #tpu.memory_space<hbm>> -> memref<1x64xf32, #tpu.memory_space<hbm>>
      tpu.enqueue_dma source(%dma_start3A_533 : memref<1x64xf32, #tpu.memory_space<hbm>>) target(%dma_start3A_531 : memref<1x64xf32, #tpu.memory_space<vmem>>) target_semaphore(%arg9 : memref<!tpu.dma_semaphore, #tpu.memory_space<semaphore_mem>>)
      %mul3A_534 = arith.constant 32 : i32
      %mul3A_535 = arith.muli %scan3A_74, %mul3A_534 : i32
      %add3A_536 = arith.constant 16 : i32
      %add3A_537 = arith.addi %mul3A_535, %add3A_536 : i32
      %add3A_538 = arith.constant 12 : i32
      %add3A_539 = arith.addi %add3A_537, %add3A_538 : i32
      %slice3A_540 = vector.extract_strided_slice %get3A_341 {offsets = [12], sizes = [1], strides = [1]} : vector<16xi32> to vector<1xi32>
      %squeeze3A_541 = vector.extract %slice3A_540[0] : i32 from vector<1xi32>
      %dma_start3A_542 = arith.constant 0 : i32
      %dma_start3A_543 = tpu.memref_slice %arg6[%add3A_539, %dma_start3A_542] : memref<512x64xf32, #tpu.memory_space<vmem>> -> memref<1x64xf32, #tpu.memory_space<vmem>>
      %dma_start3A_544 = arith.constant 0 : i32
      %dma_start3A_545 = tpu.memref_slice %arg2[%squeeze3A_541, %dma_start3A_544] : memref<1000000x64xf32, #tpu.memory_space<hbm>> -> memref<1x64xf32, #tpu.memory_space<hbm>>
      %dma_start3A_546 = arith.constant 0 : i32
      %dma_start3A_547 = tpu.memref_slice %arg6[%add3A_539, %dma_start3A_546] : memref<512x64xf32, #tpu.memory_space<vmem>> -> memref<1x64xf32, #tpu.memory_space<vmem>>
      %dma_start3A_548 = arith.constant 0 : i32
      %dma_start3A_549 = tpu.memref_slice %arg2[%squeeze3A_541, %dma_start3A_548] : memref<1000000x64xf32, #tpu.memory_space<hbm>> -> memref<1x64xf32, #tpu.memory_space<hbm>>
      tpu.enqueue_dma source(%dma_start3A_549 : memref<1x64xf32, #tpu.memory_space<hbm>>) target(%dma_start3A_547 : memref<1x64xf32, #tpu.memory_space<vmem>>) target_semaphore(%arg9 : memref<!tpu.dma_semaphore, #tpu.memory_space<semaphore_mem>>)
      %mul3A_550 = arith.constant 32 : i32
      %mul3A_551 = arith.muli %scan3A_74, %mul3A_550 : i32
      %add3A_552 = arith.constant 16 : i32
      %add3A_553 = arith.addi %mul3A_551, %add3A_552 : i32
      %add3A_554 = arith.constant 13 : i32
      %add3A_555 = arith.addi %add3A_553, %add3A_554 : i32
      %slice3A_556 = vector.extract_strided_slice %get3A_341 {offsets = [13], sizes = [1], strides = [1]} : vector<16xi32> to vector<1xi32>
      %squeeze3A_557 = vector.extract %slice3A_556[0] : i32 from vector<1xi32>
      %dma_start3A_558 = arith.constant 0 : i32
      %dma_start3A_559 = tpu.memref_slice %arg6[%add3A_555, %dma_start3A_558] : memref<512x64xf32, #tpu.memory_space<vmem>> -> memref<1x64xf32, #tpu.memory_space<vmem>>
      %dma_start3A_560 = arith.constant 0 : i32
      %dma_start3A_561 = tpu.memref_slice %arg2[%squeeze3A_557, %dma_start3A_560] : memref<1000000x64xf32, #tpu.memory_space<hbm>> -> memref<1x64xf32, #tpu.memory_space<hbm>>
      %dma_start3A_562 = arith.constant 0 : i32
      %dma_start3A_563 = tpu.memref_slice %arg6[%add3A_555, %dma_start3A_562] : memref<512x64xf32, #tpu.memory_space<vmem>> -> memref<1x64xf32, #tpu.memory_space<vmem>>
      %dma_start3A_564 = arith.constant 0 : i32
      %dma_start3A_565 = tpu.memref_slice %arg2[%squeeze3A_557, %dma_start3A_564] : memref<1000000x64xf32, #tpu.memory_space<hbm>> -> memref<1x64xf32, #tpu.memory_space<hbm>>
      tpu.enqueue_dma source(%dma_start3A_565 : memref<1x64xf32, #tpu.memory_space<hbm>>) target(%dma_start3A_563 : memref<1x64xf32, #tpu.memory_space<vmem>>) target_semaphore(%arg9 : memref<!tpu.dma_semaphore, #tpu.memory_space<semaphore_mem>>)
      %mul3A_566 = arith.constant 32 : i32
      %mul3A_567 = arith.muli %scan3A_74, %mul3A_566 : i32
      %add3A_568 = arith.constant 16 : i32
      %add3A_569 = arith.addi %mul3A_567, %add3A_568 : i32
      %add3A_570 = arith.constant 14 : i32
      %add3A_571 = arith.addi %add3A_569, %add3A_570 : i32
      %slice3A_572 = vector.extract_strided_slice %get3A_341 {offsets = [14], sizes = [1], strides = [1]} : vector<16xi32> to vector<1xi32>
      %squeeze3A_573 = vector.extract %slice3A_572[0] : i32 from vector<1xi32>
      %dma_start3A_574 = arith.constant 0 : i32
      %dma_start3A_575 = tpu.memref_slice %arg6[%add3A_571, %dma_start3A_574] : memref<512x64xf32, #tpu.memory_space<vmem>> -> memref<1x64xf32, #tpu.memory_space<vmem>>
      %dma_start3A_576 = arith.constant 0 : i32
      %dma_start3A_577 = tpu.memref_slice %arg2[%squeeze3A_573, %dma_start3A_576] : memref<1000000x64xf32, #tpu.memory_space<hbm>> -> memref<1x64xf32, #tpu.memory_space<hbm>>
      %dma_start3A_578 = arith.constant 0 : i32
      %dma_start3A_579 = tpu.memref_slice %arg6[%add3A_571, %dma_start3A_578] : memref<512x64xf32, #tpu.memory_space<vmem>> -> memref<1x64xf32, #tpu.memory_space<vmem>>
      %dma_start3A_580 = arith.constant 0 : i32
      %dma_start3A_581 = tpu.memref_slice %arg2[%squeeze3A_573, %dma_start3A_580] : memref<1000000x64xf32, #tpu.memory_space<hbm>> -> memref<1x64xf32, #tpu.memory_space<hbm>>
      tpu.enqueue_dma source(%dma_start3A_581 : memref<1x64xf32, #tpu.memory_space<hbm>>) target(%dma_start3A_579 : memref<1x64xf32, #tpu.memory_space<vmem>>) target_semaphore(%arg9 : memref<!tpu.dma_semaphore, #tpu.memory_space<semaphore_mem>>)
      %mul3A_582 = arith.constant 32 : i32
      %mul3A_583 = arith.muli %scan3A_74, %mul3A_582 : i32
      %add3A_584 = arith.constant 16 : i32
      %add3A_585 = arith.addi %mul3A_583, %add3A_584 : i32
      %add3A_586 = arith.constant 15 : i32
      %add3A_587 = arith.addi %add3A_585, %add3A_586 : i32
      %slice3A_588 = vector.extract_strided_slice %get3A_341 {offsets = [15], sizes = [1], strides = [1]} : vector<16xi32> to vector<1xi32>
      %squeeze3A_589 = vector.extract %slice3A_588[0] : i32 from vector<1xi32>
      %dma_start3A_590 = arith.constant 0 : i32
      %dma_start3A_591 = tpu.memref_slice %arg6[%add3A_587, %dma_start3A_590] : memref<512x64xf32, #tpu.memory_space<vmem>> -> memref<1x64xf32, #tpu.memory_space<vmem>>
      %dma_start3A_592 = arith.constant 0 : i32
      %dma_start3A_593 = tpu.memref_slice %arg2[%squeeze3A_589, %dma_start3A_592] : memref<1000000x64xf32, #tpu.memory_space<hbm>> -> memref<1x64xf32, #tpu.memory_space<hbm>>
      %dma_start3A_594 = arith.constant 0 : i32
      %dma_start3A_595 = tpu.memref_slice %arg6[%add3A_587, %dma_start3A_594] : memref<512x64xf32, #tpu.memory_space<vmem>> -> memref<1x64xf32, #tpu.memory_space<vmem>>
      %dma_start3A_596 = arith.constant 0 : i32
      %dma_start3A_597 = tpu.memref_slice %arg2[%squeeze3A_589, %dma_start3A_596] : memref<1000000x64xf32, #tpu.memory_space<hbm>> -> memref<1x64xf32, #tpu.memory_space<hbm>>
      tpu.enqueue_dma source(%dma_start3A_597 : memref<1x64xf32, #tpu.memory_space<hbm>>) target(%dma_start3A_595 : memref<1x64xf32, #tpu.memory_space<vmem>>) target_semaphore(%arg9 : memref<!tpu.dma_semaphore, #tpu.memory_space<semaphore_mem>>)
    }
    %scan3A_15 = arith.constant 16 : i32
    %dma_wait3A_16 = arith.constant 0 : i32
    %dma_wait3A_17 = arith.constant 0 : i32
    %dma_wait3A_18 = tpu.memref_slice %arg2[%dma_wait3A_16, %dma_wait3A_17] : memref<1000000x64xf32, #tpu.memory_space<hbm>> -> memref<512x64xf32, #tpu.memory_space<hbm>>
    %dma_wait3A_19 = arith.constant 0 : i32
    %dma_wait3A_20 = arith.constant 0 : i32
    %dma_wait3A_21 = tpu.memref_slice %arg2[%dma_wait3A_19, %dma_wait3A_20] : memref<1000000x64xf32, #tpu.memory_space<hbm>> -> memref<512x64xf32, #tpu.memory_space<hbm>>
    tpu.wait_dma2 semaphore(%arg9 : memref<!tpu.dma_semaphore, #tpu.memory_space<semaphore_mem>>) src(%dma_wait3A_21 : memref<512x64xf32, #tpu.memory_space<hbm>>) dst(%arg6 : memref<512x64xf32, #tpu.memory_space<vmem>>)
    %scan3A_22 = arith.constant 0 : i32
    %scan3A_23 = arith.constant 0 : i32
    %scan3A_24 = arith.constant 16 : i32
    %scan3A_25 = arith.addi %scan3A_23, %scan3A_24 : i32
    %scan3A_26 = arith.constant 1 : i32
    scf.for %scan3A_74 = %scan3A_23 to %scan3A_25 step %scan3A_26  : i32 {
      %mul3A_75 = arith.constant 16 : i32
      %mul3A_76 = arith.muli %scan3A_74, %mul3A_75 : i32
      %add3A_77 = arith.constant 0 : i32
      %add3A_78 = arith.addi %mul3A_76, %add3A_77 : i32
      %mul3A_79 = arith.constant 2 : i32
      %mul3A_80 = arith.muli %mul3A_79, %add3A_78 : i32
      %add3A_81 = arith.constant 0 : i32
      %add3A_82 = arith.addi %mul3A_80, %add3A_81 : i32
      %get3A = arith.index_cast %add3A_82 : i32 to index
      %get3A_83 = arith.constant 0 : index
      %get3A_84 = tpu.vector_load %arg6[%get3A, %get3A_83] {strides = array<i32>} : memref<512x64xf32, #tpu.memory_space<vmem>>, vector<1x16xf32>,
      %get3A_85 = vector.shape_cast %get3A_84 : vector<1x16xf32> to vector<16xf32>
      %swap3A = arith.index_cast %add3A_78 : i32 to index
      %swap3A_86 = arith.constant 0 : index
      %swap3A_87 = tpu.vector_load %arg7[%swap3A, %swap3A_86] {strides = array<i32>} : memref<256x128xf32, #tpu.memory_space<vmem>>, vector<1x16xf32>,
      %swap3A_88 = vector.shape_cast %swap3A_87 : vector<1x16xf32> to vector<16xf32>
      %swap3A_89 = vector.shape_cast %get3A_85 : vector<16xf32> to vector<1x16xf32>
      tpu.vector_store %arg7[%swap3A, %swap3A_86], %swap3A_89 {strides = array<i32>} : memref<256x128xf32, #tpu.memory_space<vmem>>, vector<1x16xf32>,
      %mul3A_90 = arith.constant 2 : i32
      %mul3A_91 = arith.muli %mul3A_90, %add3A_78 : i32
      %add3A_92 = arith.constant 0 : i32
      %add3A_93 = arith.addi %mul3A_91, %add3A_92 : i32
      %get3A_94 = arith.index_cast %add3A_93 : i32 to index
      %get3A_95 = arith.constant 16 : index
      %get3A_96 = tpu.vector_load %arg6[%get3A_94, %get3A_95] {strides = array<i32>} : memref<512x64xf32, #tpu.memory_space<vmem>>, vector<1x16xf32>,
      %get3A_97 = vector.shape_cast %get3A_96 : vector<1x16xf32> to vector<16xf32>
      %swap3A_98 = arith.index_cast %add3A_78 : i32 to index
      %swap3A_99 = arith.constant 16 : index
      %swap3A_100 = tpu.vector_load %arg7[%swap3A_98, %swap3A_99] {strides = array<i32>} : memref<256x128xf32, #tpu.memory_space<vmem>>, vector<1x16xf32>,
      %swap3A_101 = vector.shape_cast %swap3A_100 : vector<1x16xf32> to vector<16xf32>
      %swap3A_102 = vector.shape_cast %get3A_97 : vector<16xf32> to vector<1x16xf32>
      tpu.vector_store %arg7[%swap3A_98, %swap3A_99], %swap3A_102 {strides = array<i32>} : memref<256x128xf32, #tpu.memory_space<vmem>>, vector<1x16xf32>,
      %mul3A_103 = arith.constant 2 : i32
      %mul3A_104 = arith.muli %mul3A_103, %add3A_78 : i32
      %add3A_105 = arith.constant 0 : i32
      %add3A_106 = arith.addi %mul3A_104, %add3A_105 : i32
      %get3A_107 = arith.index_cast %add3A_106 : i32 to index
      %get3A_108 = arith.constant 32 : index
      %get3A_109 = tpu.vector_load %arg6[%get3A_107, %get3A_108] {strides = array<i32>} : memref<512x64xf32, #tpu.memory_space<vmem>>, vector<1x16xf32>,
      %get3A_110 = vector.shape_cast %get3A_109 : vector<1x16xf32> to vector<16xf32>
      %swap3A_111 = arith.index_cast %add3A_78 : i32 to index
      %swap3A_112 = arith.constant 32 : index
      %swap3A_113 = tpu.vector_load %arg7[%swap3A_111, %swap3A_112] {strides = array<i32>} : memref<256x128xf32, #tpu.memory_space<vmem>>, vector<1x16xf32>,
      %swap3A_114 = vector.shape_cast %swap3A_113 : vector<1x16xf32> to vector<16xf32>
      %swap3A_115 = vector.shape_cast %get3A_110 : vector<16xf32> to vector<1x16xf32>
      tpu.vector_store %arg7[%swap3A_111, %swap3A_112], %swap3A_115 {strides = array<i32>} : memref<256x128xf32, #tpu.memory_space<vmem>>, vector<1x16xf32>,
      %mul3A_116 = arith.constant 2 : i32
      %mul3A_117 = arith.muli %mul3A_116, %add3A_78 : i32
      %add3A_118 = arith.constant 0 : i32
      %add3A_119 = arith.addi %mul3A_117, %add3A_118 : i32
      %get3A_120 = arith.index_cast %add3A_119 : i32 to index
      %get3A_121 = arith.constant 48 : index
      %get3A_122 = tpu.vector_load %arg6[%get3A_120, %get3A_121] {strides = array<i32>} : memref<512x64xf32, #tpu.memory_space<vmem>>, vector<1x16xf32>,
      %get3A_123 = vector.shape_cast %get3A_122 : vector<1x16xf32> to vector<16xf32>
      %swap3A_124 = arith.index_cast %add3A_78 : i32 to index
      %swap3A_125 = arith.constant 48 : index
      %swap3A_126 = tpu.vector_load %arg7[%swap3A_124, %swap3A_125] {strides = array<i32>} : memref<256x128xf32, #tpu.memory_space<vmem>>, vector<1x16xf32>,
      %swap3A_127 = vector.shape_cast %swap3A_126 : vector<1x16xf32> to vector<16xf32>
      %swap3A_128 = vector.shape_cast %get3A_123 : vector<16xf32> to vector<1x16xf32>
      tpu.vector_store %arg7[%swap3A_124, %swap3A_125], %swap3A_128 {strides = array<i32>} : memref<256x128xf32, #tpu.memory_space<vmem>>, vector<1x16xf32>,
      %mul3A_129 = arith.constant 2 : i32
      %mul3A_130 = arith.muli %mul3A_129, %add3A_78 : i32
      %add3A_131 = arith.constant 1 : i32
      %add3A_132 = arith.addi %mul3A_130, %add3A_131 : i32
      %get3A_133 = arith.index_cast %add3A_132 : i32 to index
      %get3A_134 = arith.constant 0 : index
      %get3A_135 = tpu.vector_load %arg6[%get3A_133, %get3A_134] {strides = array<i32>} : memref<512x64xf32, #tpu.memory_space<vmem>>, vector<1x16xf32>,
      %get3A_136 = vector.shape_cast %get3A_135 : vector<1x16xf32> to vector<16xf32>
      %swap3A_137 = arith.index_cast %add3A_78 : i32 to index
      %swap3A_138 = arith.constant 64 : index
      %swap3A_139 = tpu.vector_load %arg7[%swap3A_137, %swap3A_138] {strides = array<i32>} : memref<256x128xf32, #tpu.memory_space<vmem>>, vector<1x16xf32>,
      %swap3A_140 = vector.shape_cast %swap3A_139 : vector<1x16xf32> to vector<16xf32>
      %swap3A_141 = vector.shape_cast %get3A_136 : vector<16xf32> to vector<1x16xf32>
      tpu.vector_store %arg7[%swap3A_137, %swap3A_138], %swap3A_141 {strides = array<i32>} : memref<256x128xf32, #tpu.memory_space<vmem>>, vector<1x16xf32>,
      %mul3A_142 = arith.constant 2 : i32
      %mul3A_143 = arith.muli %mul3A_142, %add3A_78 : i32
      %add3A_144 = arith.constant 1 : i32
      %add3A_145 = arith.addi %mul3A_143, %add3A_144 : i32
      %get3A_146 = arith.index_cast %add3A_145 : i32 to index
      %get3A_147 = arith.constant 16 : index
      %get3A_148 = tpu.vector_load %arg6[%get3A_146, %get3A_147] {strides = array<i32>} : memref<512x64xf32, #tpu.memory_space<vmem>>, vector<1x16xf32>,
      %get3A_149 = vector.shape_cast %get3A_148 : vector<1x16xf32> to vector<16xf32>
      %swap3A_150 = arith.index_cast %add3A_78 : i32 to index
      %swap3A_151 = arith.constant 80 : index
      %swap3A_152 = tpu.vector_load %arg7[%swap3A_150, %swap3A_151] {strides = array<i32>} : memref<256x128xf32, #tpu.memory_space<vmem>>, vector<1x16xf32>,
      %swap3A_153 = vector.shape_cast %swap3A_152 : vector<1x16xf32> to vector<16xf32>
      %swap3A_154 = vector.shape_cast %get3A_149 : vector<16xf32> to vector<1x16xf32>
      tpu.vector_store %arg7[%swap3A_150, %swap3A_151], %swap3A_154 {strides = array<i32>} : memref<256x128xf32, #tpu.memory_space<vmem>>, vector<1x16xf32>,
      %mul3A_155 = arith.constant 2 : i32
      %mul3A_156 = arith.muli %mul3A_155, %add3A_78 : i32
      %add3A_157 = arith.constant 1 : i32
      %add3A_158 = arith.addi %mul3A_156, %add3A_157 : i32
      %get3A_159 = arith.index_cast %add3A_158 : i32 to index
      %get3A_160 = arith.constant 32 : index
      %get3A_161 = tpu.vector_load %arg6[%get3A_159, %get3A_160] {strides = array<i32>} : memref<512x64xf32, #tpu.memory_space<vmem>>, vector<1x16xf32>,
      %get3A_162 = vector.shape_cast %get3A_161 : vector<1x16xf32> to vector<16xf32>
      %swap3A_163 = arith.index_cast %add3A_78 : i32 to index
      %swap3A_164 = arith.constant 96 : index
      %swap3A_165 = tpu.vector_load %arg7[%swap3A_163, %swap3A_164] {strides = array<i32>} : memref<256x128xf32, #tpu.memory_space<vmem>>, vector<1x16xf32>,
      %swap3A_166 = vector.shape_cast %swap3A_165 : vector<1x16xf32> to vector<16xf32>
      %swap3A_167 = vector.shape_cast %get3A_162 : vector<16xf32> to vector<1x16xf32>
      tpu.vector_store %arg7[%swap3A_163, %swap3A_164], %swap3A_167 {strides = array<i32>} : memref<256x128xf32, #tpu.memory_space<vmem>>, vector<1x16xf32>,
      %mul3A_168 = arith.constant 2 : i32
      %mul3A_169 = arith.muli %mul3A_168, %add3A_78 : i32
      %add3A_170 = arith.constant 1 : i32
      %add3A_171 = arith.addi %mul3A_169, %add3A_170 : i32
      %get3A_172 = arith.index_cast %add3A_171 : i32 to index
      %get3A_173 = arith.constant 48 : index
      %get3A_174 = tpu.vector_load %arg6[%get3A_172, %get3A_173] {strides = array<i32>} : memref<512x64xf32, #tpu.memory_space<vmem>>, vector<1x16xf32>,
      %get3A_175 = vector.shape_cast %get3A_174 : vector<1x16xf32> to vector<16xf32>
      %swap3A_176 = arith.index_cast %add3A_78 : i32 to index
      %swap3A_177 = arith.constant 112 : index
      %swap3A_178 = tpu.vector_load %arg7[%swap3A_176, %swap3A_177] {strides = array<i32>} : memref<256x128xf32, #tpu.memory_space<vmem>>, vector<1x16xf32>,
      %swap3A_179 = vector.shape_cast %swap3A_178 : vector<1x16xf32> to vector<16xf32>
      %swap3A_180 = vector.shape_cast %get3A_175 : vector<16xf32> to vector<1x16xf32>
      tpu.vector_store %arg7[%swap3A_176, %swap3A_177], %swap3A_180 {strides = array<i32>} : memref<256x128xf32, #tpu.memory_space<vmem>>, vector<1x16xf32>,
      %mul3A_181 = arith.constant 16 : i32
      %mul3A_182 = arith.muli %scan3A_74, %mul3A_181 : i32
      %add3A_183 = arith.constant 1 : i32
      %add3A_184 = arith.addi %mul3A_182, %add3A_183 : i32
      %mul3A_185 = arith.constant 2 : i32
      %mul3A_186 = arith.muli %mul3A_185, %add3A_184 : i32
      %add3A_187 = arith.constant 0 : i32
      %add3A_188 = arith.addi %mul3A_186, %add3A_187 : i32
      %get3A_189 = arith.index_cast %add3A_188 : i32 to index
      %get3A_190 = arith.constant 0 : index
      %get3A_191 = tpu.vector_load %arg6[%get3A_189, %get3A_190] {strides = array<i32>} : memref<512x64xf32, #tpu.memory_space<vmem>>, vector<1x16xf32>,
      %get3A_192 = vector.shape_cast %get3A_191 : vector<1x16xf32> to vector<16xf32>
      %swap3A_193 = arith.index_cast %add3A_184 : i32 to index
      %swap3A_194 = arith.constant 0 : index
      %swap3A_195 = tpu.vector_load %arg7[%swap3A_193, %swap3A_194] {strides = array<i32>} : memref<256x128xf32, #tpu.memory_space<vmem>>, vector<1x16xf32>,
      %swap3A_196 = vector.shape_cast %swap3A_195 : vector<1x16xf32> to vector<16xf32>
      %swap3A_197 = vector.shape_cast %get3A_192 : vector<16xf32> to vector<1x16xf32>
      tpu.vector_store %arg7[%swap3A_193, %swap3A_194], %swap3A_197 {strides = array<i32>} : memref<256x128xf32, #tpu.memory_space<vmem>>, vector<1x16xf32>,
      %mul3A_198 = arith.constant 2 : i32
      %mul3A_199 = arith.muli %mul3A_198, %add3A_184 : i32
      %add3A_200 = arith.constant 0 : i32
      %add3A_201 = arith.addi %mul3A_199, %add3A_200 : i32
      %get3A_202 = arith.index_cast %add3A_201 : i32 to index
      %get3A_203 = arith.constant 16 : index
      %get3A_204 = tpu.vector_load %arg6[%get3A_202, %get3A_203] {strides = array<i32>} : memref<512x64xf32, #tpu.memory_space<vmem>>, vector<1x16xf32>,
      %get3A_205 = vector.shape_cast %get3A_204 : vector<1x16xf32> to vector<16xf32>
      %swap3A_206 = arith.index_cast %add3A_184 : i32 to index
      %swap3A_207 = arith.constant 16 : index
      %swap3A_208 = tpu.vector_load %arg7[%swap3A_206, %swap3A_207] {strides = array<i32>} : memref<256x128xf32, #tpu.memory_space<vmem>>, vector<1x16xf32>,
      %swap3A_209 = vector.shape_cast %swap3A_208 : vector<1x16xf32> to vector<16xf32>
      %swap3A_210 = vector.shape_cast %get3A_205 : vector<16xf32> to vector<1x16xf32>
      tpu.vector_store %arg7[%swap3A_206, %swap3A_207], %swap3A_210 {strides = array<i32>} : memref<256x128xf32, #tpu.memory_space<vmem>>, vector<1x16xf32>,
      %mul3A_211 = arith.constant 2 : i32
      %mul3A_212 = arith.muli %mul3A_211, %add3A_184 : i32
      %add3A_213 = arith.constant 0 : i32
      %add3A_214 = arith.addi %mul3A_212, %add3A_213 : i32
      %get3A_215 = arith.index_cast %add3A_214 : i32 to index
      %get3A_216 = arith.constant 32 : index
      %get3A_217 = tpu.vector_load %arg6[%get3A_215, %get3A_216] {strides = array<i32>} : memref<512x64xf32, #tpu.memory_space<vmem>>, vector<1x16xf32>,
      %get3A_218 = vector.shape_cast %get3A_217 : vector<1x16xf32> to vector<16xf32>
      %swap3A_219 = arith.index_cast %add3A_184 : i32 to index
      %swap3A_220 = arith.constant 32 : index
      %swap3A_221 = tpu.vector_load %arg7[%swap3A_219, %swap3A_220] {strides = array<i32>} : memref<256x128xf32, #tpu.memory_space<vmem>>, vector<1x16xf32>,
      %swap3A_222 = vector.shape_cast %swap3A_221 : vector<1x16xf32> to vector<16xf32>
      %swap3A_223 = vector.shape_cast %get3A_218 : vector<16xf32> to vector<1x16xf32>
      tpu.vector_store %arg7[%swap3A_219, %swap3A_220], %swap3A_223 {strides = array<i32>} : memref<256x128xf32, #tpu.memory_space<vmem>>, vector<1x16xf32>,
      %mul3A_224 = arith.constant 2 : i32
      %mul3A_225 = arith.muli %mul3A_224, %add3A_184 : i32
      %add3A_226 = arith.constant 0 : i32
      %add3A_227 = arith.addi %mul3A_225, %add3A_226 : i32
      %get3A_228 = arith.index_cast %add3A_227 : i32 to index
      %get3A_229 = arith.constant 48 : index
      %get3A_230 = tpu.vector_load %arg6[%get3A_228, %get3A_229] {strides = array<i32>} : memref<512x64xf32, #tpu.memory_space<vmem>>, vector<1x16xf32>,
      %get3A_231 = vector.shape_cast %get3A_230 : vector<1x16xf32> to vector<16xf32>
      %swap3A_232 = arith.index_cast %add3A_184 : i32 to index
      %swap3A_233 = arith.constant 48 : index
      %swap3A_234 = tpu.vector_load %arg7[%swap3A_232, %swap3A_233] {strides = array<i32>} : memref<256x128xf32, #tpu.memory_space<vmem>>, vector<1x16xf32>,
      %swap3A_235 = vector.shape_cast %swap3A_234 : vector<1x16xf32> to vector<16xf32>
      %swap3A_236 = vector.shape_cast %get3A_231 : vector<16xf32> to vector<1x16xf32>
      tpu.vector_store %arg7[%swap3A_232, %swap3A_233], %swap3A_236 {strides = array<i32>} : memref<256x128xf32, #tpu.memory_space<vmem>>, vector<1x16xf32>,
      %mul3A_237 = arith.constant 2 : i32
      %mul3A_238 = arith.muli %mul3A_237, %add3A_184 : i32
      %add3A_239 = arith.constant 1 : i32
      %add3A_240 = arith.addi %mul3A_238, %add3A_239 : i32
      %get3A_241 = arith.index_cast %add3A_240 : i32 to index
      %get3A_242 = arith.constant 0 : index
      %get3A_243 = tpu.vector_load %arg6[%get3A_241, %get3A_242] {strides = array<i32>} : memref<512x64xf32, #tpu.memory_space<vmem>>, vector<1x16xf32>,
      %get3A_244 = vector.shape_cast %get3A_243 : vector<1x16xf32> to vector<16xf32>
      %swap3A_245 = arith.index_cast %add3A_184 : i32 to index
      %swap3A_246 = arith.constant 64 : index
      %swap3A_247 = tpu.vector_load %arg7[%swap3A_245, %swap3A_246] {strides = array<i32>} : memref<256x128xf32, #tpu.memory_space<vmem>>, vector<1x16xf32>,
      %swap3A_248 = vector.shape_cast %swap3A_247 : vector<1x16xf32> to vector<16xf32>
      %swap3A_249 = vector.shape_cast %get3A_244 : vector<16xf32> to vector<1x16xf32>
      tpu.vector_store %arg7[%swap3A_245, %swap3A_246], %swap3A_249 {strides = array<i32>} : memref<256x128xf32, #tpu.memory_space<vmem>>, vector<1x16xf32>,
      %mul3A_250 = arith.constant 2 : i32
      %mul3A_251 = arith.muli %mul3A_250, %add3A_184 : i32
      %add3A_252 = arith.constant 1 : i32
      %add3A_253 = arith.addi %mul3A_251, %add3A_252 : i32
      %get3A_254 = arith.index_cast %add3A_253 : i32 to index
      %get3A_255 = arith.constant 16 : index
      %get3A_256 = tpu.vector_load %arg6[%get3A_254, %get3A_255] {strides = array<i32>} : memref<512x64xf32, #tpu.memory_space<vmem>>, vector<1x16xf32>,
      %get3A_257 = vector.shape_cast %get3A_256 : vector<1x16xf32> to vector<16xf32>
      %swap3A_258 = arith.index_cast %add3A_184 : i32 to index
      %swap3A_259 = arith.constant 80 : index
      %swap3A_260 = tpu.vector_load %arg7[%swap3A_258, %swap3A_259] {strides = array<i32>} : memref<256x128xf32, #tpu.memory_space<vmem>>, vector<1x16xf32>,
      %swap3A_261 = vector.shape_cast %swap3A_260 : vector<1x16xf32> to vector<16xf32>
      %swap3A_262 = vector.shape_cast %get3A_257 : vector<16xf32> to vector<1x16xf32>
      tpu.vector_store %arg7[%swap3A_258, %swap3A_259], %swap3A_262 {strides = array<i32>} : memref<256x128xf32, #tpu.memory_space<vmem>>, vector<1x16xf32>,
      %mul3A_263 = arith.constant 2 : i32
      %mul3A_264 = arith.muli %mul3A_263, %add3A_184 : i32
      %add3A_265 = arith.constant 1 : i32
      %add3A_266 = arith.addi %mul3A_264, %add3A_265 : i32
      %get3A_267 = arith.index_cast %add3A_266 : i32 to index
      %get3A_268 = arith.constant 32 : index
      %get3A_269 = tpu.vector_load %arg6[%get3A_267, %get3A_268] {strides = array<i32>} : memref<512x64xf32, #tpu.memory_space<vmem>>, vector<1x16xf32>,
      %get3A_270 = vector.shape_cast %get3A_269 : vector<1x16xf32> to vector<16xf32>
      %swap3A_271 = arith.index_cast %add3A_184 : i32 to index
      %swap3A_272 = arith.constant 96 : index
      %swap3A_273 = tpu.vector_load %arg7[%swap3A_271, %swap3A_272] {strides = array<i32>} : memref<256x128xf32, #tpu.memory_space<vmem>>, vector<1x16xf32>,
      %swap3A_274 = vector.shape_cast %swap3A_273 : vector<1x16xf32> to vector<16xf32>
      %swap3A_275 = vector.shape_cast %get3A_270 : vector<16xf32> to vector<1x16xf32>
      tpu.vector_store %arg7[%swap3A_271, %swap3A_272], %swap3A_275 {strides = array<i32>} : memref<256x128xf32, #tpu.memory_space<vmem>>, vector<1x16xf32>,
      %mul3A_276 = arith.constant 2 : i32
      %mul3A_277 = arith.muli %mul3A_276, %add3A_184 : i32
      %add3A_278 = arith.constant 1 : i32
      %add3A_279 = arith.addi %mul3A_277, %add3A_278 : i32
      %get3A_280 = arith.index_cast %add3A_279 : i32 to index
      %get3A_281 = arith.constant 48 : index
      %get3A_282 = tpu.vector_load %arg6[%get3A_280, %get3A_281] {strides = array<i32>} : memref<512x64xf32, #tpu.memory_space<vmem>>, vector<1x16xf32>,
      %get3A_283 = vector.shape_cast %get3A_282 : vector<1x16xf32> to vector<16xf32>
      %swap3A_284 = arith.index_cast %add3A_184 : i32 to index
      %swap3A_285 = arith.constant 112 : index
      %swap3A_286 = tpu.vector_load %arg7[%swap3A_284, %swap3A_285] {strides = array<i32>} : memref<256x128xf32, #tpu.memory_space<vmem>>, vector<1x16xf32>,
      %swap3A_287 = vector.shape_cast %swap3A_286 : vector<1x16xf32> to vector<16xf32>
      %swap3A_288 = vector.shape_cast %get3A_283 : vector<16xf32> to vector<1x16xf32>
      tpu.vector_store %arg7[%swap3A_284, %swap3A_285], %swap3A_288 {strides = array<i32>} : memref<256x128xf32, #tpu.memory_space<vmem>>, vector<1x16xf32>,
      %mul3A_289 = arith.constant 16 : i32
      %mul3A_290 = arith.muli %scan3A_74, %mul3A_289 : i32
      %add3A_291 = arith.constant 2 : i32
      %add3A_292 = arith.addi %mul3A_290, %add3A_291 : i32
      %mul3A_293 = arith.constant 2 : i32
      %mul3A_294 = arith.muli %mul3A_293, %add3A_292 : i32
      %add3A_295 = arith.constant 0 : i32
      %add3A_296 = arith.addi %mul3A_294, %add3A_295 : i32
      %get3A_297 = arith.index_cast %add3A_296 : i32 to index
      %get3A_298 = arith.constant 0 : index
      %get3A_299 = tpu.vector_load %arg6[%get3A_297, %get3A_298] {strides = array<i32>} : memref<512x64xf32, #tpu.memory_space<vmem>>, vector<1x16xf32>,
      %get3A_300 = vector.shape_cast %get3A_299 : vector<1x16xf32> to vector<16xf32>
      %swap3A_301 = arith.index_cast %add3A_292 : i32 to index
      %swap3A_302 = arith.constant 0 : index
      %swap3A_303 = tpu.vector_load %arg7[%swap3A_301, %swap3A_302] {strides = array<i32>} : memref<256x128xf32, #tpu.memory_space<vmem>>, vector<1x16xf32>,
      %swap3A_304 = vector.shape_cast %swap3A_303 : vector<1x16xf32> to vector<16xf32>
      %swap3A_305 = vector.shape_cast %get3A_300 : vector<16xf32> to vector<1x16xf32>
      tpu.vector_store %arg7[%swap3A_301, %swap3A_302], %swap3A_305 {strides = array<i32>} : memref<256x128xf32, #tpu.memory_space<vmem>>, vector<1x16xf32>,
      %mul3A_306 = arith.constant 2 : i32
      %mul3A_307 = arith.muli %mul3A_306, %add3A_292 : i32
      %add3A_308 = arith.constant 0 : i32
      %add3A_309 = arith.addi %mul3A_307, %add3A_308 : i32
      %get3A_310 = arith.index_cast %add3A_309 : i32 to index
      %get3A_311 = arith.constant 16 : index
      %get3A_312 = tpu.vector_load %arg6[%get3A_310, %get3A_311] {strides = array<i32>} : memref<512x64xf32, #tpu.memory_space<vmem>>, vector<1x16xf32>,
      %get3A_313 = vector.shape_cast %get3A_312 : vector<1x16xf32> to vector<16xf32>
      %swap3A_314 = arith.index_cast %add3A_292 : i32 to index
      %swap3A_315 = arith.constant 16 : index
      %swap3A_316 = tpu.vector_load %arg7[%swap3A_314, %swap3A_315] {strides = array<i32>} : memref<256x128xf32, #tpu.memory_space<vmem>>, vector<1x16xf32>,
      %swap3A_317 = vector.shape_cast %swap3A_316 : vector<1x16xf32> to vector<16xf32>
      %swap3A_318 = vector.shape_cast %get3A_313 : vector<16xf32> to vector<1x16xf32>
      tpu.vector_store %arg7[%swap3A_314, %swap3A_315], %swap3A_318 {strides = array<i32>} : memref<256x128xf32, #tpu.memory_space<vmem>>, vector<1x16xf32>,
      %mul3A_319 = arith.constant 2 : i32
      %mul3A_320 = arith.muli %mul3A_319, %add3A_292 : i32
      %add3A_321 = arith.constant 0 : i32
      %add3A_322 = arith.addi %mul3A_320, %add3A_321 : i32
      %get3A_323 = arith.index_cast %add3A_322 : i32 to index
      %get3A_324 = arith.constant 32 : index
      %get3A_325 = tpu.vector_load %arg6[%get3A_323, %get3A_324] {strides = array<i32>} : memref<512x64xf32, #tpu.memory_space<vmem>>, vector<1x16xf32>,
      %get3A_326 = vector.shape_cast %get3A_325 : vector<1x16xf32> to vector<16xf32>
      %swap3A_327 = arith.index_cast %add3A_292 : i32 to index
      %swap3A_328 = arith.constant 32 : index
      %swap3A_329 = tpu.vector_load %arg7[%swap3A_327, %swap3A_328] {strides = array<i32>} : memref<256x128xf32, #tpu.memory_space<vmem>>, vector<1x16xf32>,
      %swap3A_330 = vector.shape_cast %swap3A_329 : vector<1x16xf32> to vector<16xf32>
      %swap3A_331 = vector.shape_cast %get3A_326 : vector<16xf32> to vector<1x16xf32>
      tpu.vector_store %arg7[%swap3A_327, %swap3A_328], %swap3A_331 {strides = array<i32>} : memref<256x128xf32, #tpu.memory_space<vmem>>, vector<1x16xf32>,
      %mul3A_332 = arith.constant 2 : i32
      %mul3A_333 = arith.muli %mul3A_332, %add3A_292 : i32
      %add3A_334 = arith.constant 0 : i32
      %add3A_335 = arith.addi %mul3A_333, %add3A_334 : i32
      %get3A_336 = arith.index_cast %add3A_335 : i32 to index
      %get3A_337 = arith.constant 48 : index
      %get3A_338 = tpu.vector_load %arg6[%get3A_336, %get3A_337] {strides = array<i32>} : memref<512x64xf32, #tpu.memory_space<vmem>>, vector<1x16xf32>,
      %get3A_339 = vector.shape_cast %get3A_338 : vector<1x16xf32> to vector<16xf32>
      %swap3A_340 = arith.index_cast %add3A_292 : i32 to index
      %swap3A_341 = arith.constant 48 : index
      %swap3A_342 = tpu.vector_load %arg7[%swap3A_340, %swap3A_341] {strides = array<i32>} : memref<256x128xf32, #tpu.memory_space<vmem>>, vector<1x16xf32>,
      %swap3A_343 = vector.shape_cast %swap3A_342 : vector<1x16xf32> to vector<16xf32>
      %swap3A_344 = vector.shape_cast %get3A_339 : vector<16xf32> to vector<1x16xf32>
      tpu.vector_store %arg7[%swap3A_340, %swap3A_341], %swap3A_344 {strides = array<i32>} : memref<256x128xf32, #tpu.memory_space<vmem>>, vector<1x16xf32>,
      %mul3A_345 = arith.constant 2 : i32
      %mul3A_346 = arith.muli %mul3A_345, %add3A_292 : i32
      %add3A_347 = arith.constant 1 : i32
      %add3A_348 = arith.addi %mul3A_346, %add3A_347 : i32
      %get3A_349 = arith.index_cast %add3A_348 : i32 to index
      %get3A_350 = arith.constant 0 : index
      %get3A_351 = tpu.vector_load %arg6[%get3A_349, %get3A_350] {strides = array<i32>} : memref<512x64xf32, #tpu.memory_space<vmem>>, vector<1x16xf32>,
      %get3A_352 = vector.shape_cast %get3A_351 : vector<1x16xf32> to vector<16xf32>
      %swap3A_353 = arith.index_cast %add3A_292 : i32 to index
      %swap3A_354 = arith.constant 64 : index
      %swap3A_355 = tpu.vector_load %arg7[%swap3A_353, %swap3A_354] {strides = array<i32>} : memref<256x128xf32, #tpu.memory_space<vmem>>, vector<1x16xf32>,
      %swap3A_356 = vector.shape_cast %swap3A_355 : vector<1x16xf32> to vector<16xf32>
      %swap3A_357 = vector.shape_cast %get3A_352 : vector<16xf32> to vector<1x16xf32>
      tpu.vector_store %arg7[%swap3A_353, %swap3A_354], %swap3A_357 {strides = array<i32>} : memref<256x128xf32, #tpu.memory_space<vmem>>, vector<1x16xf32>,
      %mul3A_358 = arith.constant 2 : i32
      %mul3A_359 = arith.muli %mul3A_358, %add3A_292 : i32
      %add3A_360 = arith.constant 1 : i32
      %add3A_361 = arith.addi %mul3A_359, %add3A_360 : i32
      %get3A_362 = arith.index_cast %add3A_361 : i32 to index
      %get3A_363 = arith.constant 16 : index
      %get3A_364 = tpu.vector_load %arg6[%get3A_362, %get3A_363] {strides = array<i32>} : memref<512x64xf32, #tpu.memory_space<vmem>>, vector<1x16xf32>,
      %get3A_365 = vector.shape_cast %get3A_364 : vector<1x16xf32> to vector<16xf32>
      %swap3A_366 = arith.index_cast %add3A_292 : i32 to index
      %swap3A_367 = arith.constant 80 : index
      %swap3A_368 = tpu.vector_load %arg7[%swap3A_366, %swap3A_367] {strides = array<i32>} : memref<256x128xf32, #tpu.memory_space<vmem>>, vector<1x16xf32>,
      %swap3A_369 = vector.shape_cast %swap3A_368 : vector<1x16xf32> to vector<16xf32>
      %swap3A_370 = vector.shape_cast %get3A_365 : vector<16xf32> to vector<1x16xf32>
      tpu.vector_store %arg7[%swap3A_366, %swap3A_367], %swap3A_370 {strides = array<i32>} : memref<256x128xf32, #tpu.memory_space<vmem>>, vector<1x16xf32>,
      %mul3A_371 = arith.constant 2 : i32
      %mul3A_372 = arith.muli %mul3A_371, %add3A_292 : i32
      %add3A_373 = arith.constant 1 : i32
      %add3A_374 = arith.addi %mul3A_372, %add3A_373 : i32
      %get3A_375 = arith.index_cast %add3A_374 : i32 to index
      %get3A_376 = arith.constant 32 : index
      %get3A_377 = tpu.vector_load %arg6[%get3A_375, %get3A_376] {strides = array<i32>} : memref<512x64xf32, #tpu.memory_space<vmem>>, vector<1x16xf32>,
      %get3A_378 = vector.shape_cast %get3A_377 : vector<1x16xf32> to vector<16xf32>
      %swap3A_379 = arith.index_cast %add3A_292 : i32 to index
      %swap3A_380 = arith.constant 96 : index
      %swap3A_381 = tpu.vector_load %arg7[%swap3A_379, %swap3A_380] {strides = array<i32>} : memref<256x128xf32, #tpu.memory_space<vmem>>, vector<1x16xf32>,
      %swap3A_382 = vector.shape_cast %swap3A_381 : vector<1x16xf32> to vector<16xf32>
      %swap3A_383 = vector.shape_cast %get3A_378 : vector<16xf32> to vector<1x16xf32>
      tpu.vector_store %arg7[%swap3A_379, %swap3A_380], %swap3A_383 {strides = array<i32>} : memref<256x128xf32, #tpu.memory_space<vmem>>, vector<1x16xf32>,
      %mul3A_384 = arith.constant 2 : i32
      %mul3A_385 = arith.muli %mul3A_384, %add3A_292 : i32
      %add3A_386 = arith.constant 1 : i32
      %add3A_387 = arith.addi %mul3A_385, %add3A_386 : i32
      %get3A_388 = arith.index_cast %add3A_387 : i32 to index
      %get3A_389 = arith.constant 48 : index
      %get3A_390 = tpu.vector_load %arg6[%get3A_388, %get3A_389] {strides = array<i32>} : memref<512x64xf32, #tpu.memory_space<vmem>>, vector<1x16xf32>,
      %get3A_391 = vector.shape_cast %get3A_390 : vector<1x16xf32> to vector<16xf32>
      %swap3A_392 = arith.index_cast %add3A_292 : i32 to index
      %swap3A_393 = arith.constant 112 : index
      %swap3A_394 = tpu.vector_load %arg7[%swap3A_392, %swap3A_393] {strides = array<i32>} : memref<256x128xf32, #tpu.memory_space<vmem>>, vector<1x16xf32>,
      %swap3A_395 = vector.shape_cast %swap3A_394 : vector<1x16xf32> to vector<16xf32>
      %swap3A_396 = vector.shape_cast %get3A_391 : vector<16xf32> to vector<1x16xf32>
      tpu.vector_store %arg7[%swap3A_392, %swap3A_393], %swap3A_396 {strides = array<i32>} : memref<256x128xf32, #tpu.memory_space<vmem>>, vector<1x16xf32>,
      %mul3A_397 = arith.constant 16 : i32
      %mul3A_398 = arith.muli %scan3A_74, %mul3A_397 : i32
      %add3A_399 = arith.constant 3 : i32
      %add3A_400 = arith.addi %mul3A_398, %add3A_399 : i32
      %mul3A_401 = arith.constant 2 : i32
      %mul3A_402 = arith.muli %mul3A_401, %add3A_400 : i32
      %add3A_403 = arith.constant 0 : i32
      %add3A_404 = arith.addi %mul3A_402, %add3A_403 : i32
      %get3A_405 = arith.index_cast %add3A_404 : i32 to index
      %get3A_406 = arith.constant 0 : index
      %get3A_407 = tpu.vector_load %arg6[%get3A_405, %get3A_406] {strides = array<i32>} : memref<512x64xf32, #tpu.memory_space<vmem>>, vector<1x16xf32>,
      %get3A_408 = vector.shape_cast %get3A_407 : vector<1x16xf32> to vector<16xf32>
      %swap3A_409 = arith.index_cast %add3A_400 : i32 to index
      %swap3A_410 = arith.constant 0 : index
      %swap3A_411 = tpu.vector_load %arg7[%swap3A_409, %swap3A_410] {strides = array<i32>} : memref<256x128xf32, #tpu.memory_space<vmem>>, vector<1x16xf32>,
      %swap3A_412 = vector.shape_cast %swap3A_411 : vector<1x16xf32> to vector<16xf32>
      %swap3A_413 = vector.shape_cast %get3A_408 : vector<16xf32> to vector<1x16xf32>
      tpu.vector_store %arg7[%swap3A_409, %swap3A_410], %swap3A_413 {strides = array<i32>} : memref<256x128xf32, #tpu.memory_space<vmem>>, vector<1x16xf32>,
      %mul3A_414 = arith.constant 2 : i32
      %mul3A_415 = arith.muli %mul3A_414, %add3A_400 : i32
      %add3A_416 = arith.constant 0 : i32
      %add3A_417 = arith.addi %mul3A_415, %add3A_416 : i32
      %get3A_418 = arith.index_cast %add3A_417 : i32 to index
      %get3A_419 = arith.constant 16 : index
      %get3A_420 = tpu.vector_load %arg6[%get3A_418, %get3A_419] {strides = array<i32>} : memref<512x64xf32, #tpu.memory_space<vmem>>, vector<1x16xf32>,
      %get3A_421 = vector.shape_cast %get3A_420 : vector<1x16xf32> to vector<16xf32>
      %swap3A_422 = arith.index_cast %add3A_400 : i32 to index
      %swap3A_423 = arith.constant 16 : index
      %swap3A_424 = tpu.vector_load %arg7[%swap3A_422, %swap3A_423] {strides = array<i32>} : memref<256x128xf32, #tpu.memory_space<vmem>>, vector<1x16xf32>,
      %swap3A_425 = vector.shape_cast %swap3A_424 : vector<1x16xf32> to vector<16xf32>
      %swap3A_426 = vector.shape_cast %get3A_421 : vector<16xf32> to vector<1x16xf32>
      tpu.vector_store %arg7[%swap3A_422, %swap3A_423], %swap3A_426 {strides = array<i32>} : memref<256x128xf32, #tpu.memory_space<vmem>>, vector<1x16xf32>,
      %mul3A_427 = arith.constant 2 : i32
      %mul3A_428 = arith.muli %mul3A_427, %add3A_400 : i32
      %add3A_429 = arith.constant 0 : i32
      %add3A_430 = arith.addi %mul3A_428, %add3A_429 : i32
      %get3A_431 = arith.index_cast %add3A_430 : i32 to index
      %get3A_432 = arith.constant 32 : index
      %get3A_433 = tpu.vector_load %arg6[%get3A_431, %get3A_432] {strides = array<i32>} : memref<512x64xf32, #tpu.memory_space<vmem>>, vector<1x16xf32>,
      %get3A_434 = vector.shape_cast %get3A_433 : vector<1x16xf32> to vector<16xf32>
      %swap3A_435 = arith.index_cast %add3A_400 : i32 to index
      %swap3A_436 = arith.constant 32 : index
      %swap3A_437 = tpu.vector_load %arg7[%swap3A_435, %swap3A_436] {strides = array<i32>} : memref<256x128xf32, #tpu.memory_space<vmem>>, vector<1x16xf32>,
      %swap3A_438 = vector.shape_cast %swap3A_437 : vector<1x16xf32> to vector<16xf32>
      %swap3A_439 = vector.shape_cast %get3A_434 : vector<16xf32> to vector<1x16xf32>
      tpu.vector_store %arg7[%swap3A_435, %swap3A_436], %swap3A_439 {strides = array<i32>} : memref<256x128xf32, #tpu.memory_space<vmem>>, vector<1x16xf32>,
      %mul3A_440 = arith.constant 2 : i32
      %mul3A_441 = arith.muli %mul3A_440, %add3A_400 : i32
      %add3A_442 = arith.constant 0 : i32
      %add3A_443 = arith.addi %mul3A_441, %add3A_442 : i32
      %get3A_444 = arith.index_cast %add3A_443 : i32 to index
      %get3A_445 = arith.constant 48 : index
      %get3A_446 = tpu.vector_load %arg6[%get3A_444, %get3A_445] {strides = array<i32>} : memref<512x64xf32, #tpu.memory_space<vmem>>, vector<1x16xf32>,
      %get3A_447 = vector.shape_cast %get3A_446 : vector<1x16xf32> to vector<16xf32>
      %swap3A_448 = arith.index_cast %add3A_400 : i32 to index
      %swap3A_449 = arith.constant 48 : index
      %swap3A_450 = tpu.vector_load %arg7[%swap3A_448, %swap3A_449] {strides = array<i32>} : memref<256x128xf32, #tpu.memory_space<vmem>>, vector<1x16xf32>,
      %swap3A_451 = vector.shape_cast %swap3A_450 : vector<1x16xf32> to vector<16xf32>
      %swap3A_452 = vector.shape_cast %get3A_447 : vector<16xf32> to vector<1x16xf32>
      tpu.vector_store %arg7[%swap3A_448, %swap3A_449], %swap3A_452 {strides = array<i32>} : memref<256x128xf32, #tpu.memory_space<vmem>>, vector<1x16xf32>,
      %mul3A_453 = arith.constant 2 : i32
      %mul3A_454 = arith.muli %mul3A_453, %add3A_400 : i32
      %add3A_455 = arith.constant 1 : i32
      %add3A_456 = arith.addi %mul3A_454, %add3A_455 : i32
      %get3A_457 = arith.index_cast %add3A_456 : i32 to index
      %get3A_458 = arith.constant 0 : index
      %get3A_459 = tpu.vector_load %arg6[%get3A_457, %get3A_458] {strides = array<i32>} : memref<512x64xf32, #tpu.memory_space<vmem>>, vector<1x16xf32>,
      %get3A_460 = vector.shape_cast %get3A_459 : vector<1x16xf32> to vector<16xf32>
      %swap3A_461 = arith.index_cast %add3A_400 : i32 to index
      %swap3A_462 = arith.constant 64 : index
      %swap3A_463 = tpu.vector_load %arg7[%swap3A_461, %swap3A_462] {strides = array<i32>} : memref<256x128xf32, #tpu.memory_space<vmem>>, vector<1x16xf32>,
      %swap3A_464 = vector.shape_cast %swap3A_463 : vector<1x16xf32> to vector<16xf32>
      %swap3A_465 = vector.shape_cast %get3A_460 : vector<16xf32> to vector<1x16xf32>
      tpu.vector_store %arg7[%swap3A_461, %swap3A_462], %swap3A_465 {strides = array<i32>} : memref<256x128xf32, #tpu.memory_space<vmem>>, vector<1x16xf32>,
      %mul3A_466 = arith.constant 2 : i32
      %mul3A_467 = arith.muli %mul3A_466, %add3A_400 : i32
      %add3A_468 = arith.constant 1 : i32
      %add3A_469 = arith.addi %mul3A_467, %add3A_468 : i32
      %get3A_470 = arith.index_cast %add3A_469 : i32 to index
      %get3A_471 = arith.constant 16 : index
      %get3A_472 = tpu.vector_load %arg6[%get3A_470, %get3A_471] {strides = array<i32>} : memref<512x64xf32, #tpu.memory_space<vmem>>, vector<1x16xf32>,
      %get3A_473 = vector.shape_cast %get3A_472 : vector<1x16xf32> to vector<16xf32>
      %swap3A_474 = arith.index_cast %add3A_400 : i32 to index
      %swap3A_475 = arith.constant 80 : index
      %swap3A_476 = tpu.vector_load %arg7[%swap3A_474, %swap3A_475] {strides = array<i32>} : memref<256x128xf32, #tpu.memory_space<vmem>>, vector<1x16xf32>,
      %swap3A_477 = vector.shape_cast %swap3A_476 : vector<1x16xf32> to vector<16xf32>
      %swap3A_478 = vector.shape_cast %get3A_473 : vector<16xf32> to vector<1x16xf32>
      tpu.vector_store %arg7[%swap3A_474, %swap3A_475], %swap3A_478 {strides = array<i32>} : memref<256x128xf32, #tpu.memory_space<vmem>>, vector<1x16xf32>,
      %mul3A_479 = arith.constant 2 : i32
      %mul3A_480 = arith.muli %mul3A_479, %add3A_400 : i32
      %add3A_481 = arith.constant 1 : i32
      %add3A_482 = arith.addi %mul3A_480, %add3A_481 : i32
      %get3A_483 = arith.index_cast %add3A_482 : i32 to index
      %get3A_484 = arith.constant 32 : index
      %get3A_485 = tpu.vector_load %arg6[%get3A_483, %get3A_484] {strides = array<i32>} : memref<512x64xf32, #tpu.memory_space<vmem>>, vector<1x16xf32>,
      %get3A_486 = vector.shape_cast %get3A_485 : vector<1x16xf32> to vector<16xf32>
      %swap3A_487 = arith.index_cast %add3A_400 : i32 to index
      %swap3A_488 = arith.constant 96 : index
      %swap3A_489 = tpu.vector_load %arg7[%swap3A_487, %swap3A_488] {strides = array<i32>} : memref<256x128xf32, #tpu.memory_space<vmem>>, vector<1x16xf32>,
      %swap3A_490 = vector.shape_cast %swap3A_489 : vector<1x16xf32> to vector<16xf32>
      %swap3A_491 = vector.shape_cast %get3A_486 : vector<16xf32> to vector<1x16xf32>
      tpu.vector_store %arg7[%swap3A_487, %swap3A_488], %swap3A_491 {strides = array<i32>} : memref<256x128xf32, #tpu.memory_space<vmem>>, vector<1x16xf32>,
      %mul3A_492 = arith.constant 2 : i32
      %mul3A_493 = arith.muli %mul3A_492, %add3A_400 : i32
      %add3A_494 = arith.constant 1 : i32
      %add3A_495 = arith.addi %mul3A_493, %add3A_494 : i32
      %get3A_496 = arith.index_cast %add3A_495 : i32 to index
      %get3A_497 = arith.constant 48 : index
      %get3A_498 = tpu.vector_load %arg6[%get3A_496, %get3A_497] {strides = array<i32>} : memref<512x64xf32, #tpu.memory_space<vmem>>, vector<1x16xf32>,
      %get3A_499 = vector.shape_cast %get3A_498 : vector<1x16xf32> to vector<16xf32>
      %swap3A_500 = arith.index_cast %add3A_400 : i32 to index
      %swap3A_501 = arith.constant 112 : index
      %swap3A_502 = tpu.vector_load %arg7[%swap3A_500, %swap3A_501] {strides = array<i32>} : memref<256x128xf32, #tpu.memory_space<vmem>>, vector<1x16xf32>,
      %swap3A_503 = vector.shape_cast %swap3A_502 : vector<1x16xf32> to vector<16xf32>
      %swap3A_504 = vector.shape_cast %get3A_499 : vector<16xf32> to vector<1x16xf32>
      tpu.vector_store %arg7[%swap3A_500, %swap3A_501], %swap3A_504 {strides = array<i32>} : memref<256x128xf32, #tpu.memory_space<vmem>>, vector<1x16xf32>,
      %mul3A_505 = arith.constant 16 : i32
      %mul3A_506 = arith.muli %scan3A_74, %mul3A_505 : i32
      %add3A_507 = arith.constant 4 : i32
      %add3A_508 = arith.addi %mul3A_506, %add3A_507 : i32
      %mul3A_509 = arith.constant 2 : i32
      %mul3A_510 = arith.muli %mul3A_509, %add3A_508 : i32
      %add3A_511 = arith.constant 0 : i32
      %add3A_512 = arith.addi %mul3A_510, %add3A_511 : i32
      %get3A_513 = arith.index_cast %add3A_512 : i32 to index
      %get3A_514 = arith.constant 0 : index
      %get3A_515 = tpu.vector_load %arg6[%get3A_513, %get3A_514] {strides = array<i32>} : memref<512x64xf32, #tpu.memory_space<vmem>>, vector<1x16xf32>,
      %get3A_516 = vector.shape_cast %get3A_515 : vector<1x16xf32> to vector<16xf32>
      %swap3A_517 = arith.index_cast %add3A_508 : i32 to index
      %swap3A_518 = arith.constant 0 : index
      %swap3A_519 = tpu.vector_load %arg7[%swap3A_517, %swap3A_518] {strides = array<i32>} : memref<256x128xf32, #tpu.memory_space<vmem>>, vector<1x16xf32>,
      %swap3A_520 = vector.shape_cast %swap3A_519 : vector<1x16xf32> to vector<16xf32>
      %swap3A_521 = vector.shape_cast %get3A_516 : vector<16xf32> to vector<1x16xf32>
      tpu.vector_store %arg7[%swap3A_517, %swap3A_518], %swap3A_521 {strides = array<i32>} : memref<256x128xf32, #tpu.memory_space<vmem>>, vector<1x16xf32>,
      %mul3A_522 = arith.constant 2 : i32
      %mul3A_523 = arith.muli %mul3A_522, %add3A_508 : i32
      %add3A_524 = arith.constant 0 : i32
      %add3A_525 = arith.addi %mul3A_523, %add3A_524 : i32
      %get3A_526 = arith.index_cast %add3A_525 : i32 to index
      %get3A_527 = arith.constant 16 : index
      %get3A_528 = tpu.vector_load %arg6[%get3A_526, %get3A_527] {strides = array<i32>} : memref<512x64xf32, #tpu.memory_space<vmem>>, vector<1x16xf32>,
      %get3A_529 = vector.shape_cast %get3A_528 : vector<1x16xf32> to vector<16xf32>
      %swap3A_530 = arith.index_cast %add3A_508 : i32 to index
      %swap3A_531 = arith.constant 16 : index
      %swap3A_532 = tpu.vector_load %arg7[%swap3A_530, %swap3A_531] {strides = array<i32>} : memref<256x128xf32, #tpu.memory_space<vmem>>, vector<1x16xf32>,
      %swap3A_533 = vector.shape_cast %swap3A_532 : vector<1x16xf32> to vector<16xf32>
      %swap3A_534 = vector.shape_cast %get3A_529 : vector<16xf32> to vector<1x16xf32>
      tpu.vector_store %arg7[%swap3A_530, %swap3A_531], %swap3A_534 {strides = array<i32>} : memref<256x128xf32, #tpu.memory_space<vmem>>, vector<1x16xf32>,
      %mul3A_535 = arith.constant 2 : i32
      %mul3A_536 = arith.muli %mul3A_535, %add3A_508 : i32
      %add3A_537 = arith.constant 0 : i32
      %add3A_538 = arith.addi %mul3A_536, %add3A_537 : i32
      %get3A_539 = arith.index_cast %add3A_538 : i32 to index
      %get3A_540 = arith.constant 32 : index
      %get3A_541 = tpu.vector_load %arg6[%get3A_539, %get3A_540] {strides = array<i32>} : memref<512x64xf32, #tpu.memory_space<vmem>>, vector<1x16xf32>,
      %get3A_542 = vector.shape_cast %get3A_541 : vector<1x16xf32> to vector<16xf32>
      %swap3A_543 = arith.index_cast %add3A_508 : i32 to index
      %swap3A_544 = arith.constant 32 : index
      %swap3A_545 = tpu.vector_load %arg7[%swap3A_543, %swap3A_544] {strides = array<i32>} : memref<256x128xf32, #tpu.memory_space<vmem>>, vector<1x16xf32>,
      %swap3A_546 = vector.shape_cast %swap3A_545 : vector<1x16xf32> to vector<16xf32>
      %swap3A_547 = vector.shape_cast %get3A_542 : vector<16xf32> to vector<1x16xf32>
      tpu.vector_store %arg7[%swap3A_543, %swap3A_544], %swap3A_547 {strides = array<i32>} : memref<256x128xf32, #tpu.memory_space<vmem>>, vector<1x16xf32>,
      %mul3A_548 = arith.constant 2 : i32
      %mul3A_549 = arith.muli %mul3A_548, %add3A_508 : i32
      %add3A_550 = arith.constant 0 : i32
      %add3A_551 = arith.addi %mul3A_549, %add3A_550 : i32
      %get3A_552 = arith.index_cast %add3A_551 : i32 to index
      %get3A_553 = arith.constant 48 : index
      %get3A_554 = tpu.vector_load %arg6[%get3A_552, %get3A_553] {strides = array<i32>} : memref<512x64xf32, #tpu.memory_space<vmem>>, vector<1x16xf32>,
      %get3A_555 = vector.shape_cast %get3A_554 : vector<1x16xf32> to vector<16xf32>
      %swap3A_556 = arith.index_cast %add3A_508 : i32 to index
      %swap3A_557 = arith.constant 48 : index
      %swap3A_558 = tpu.vector_load %arg7[%swap3A_556, %swap3A_557] {strides = array<i32>} : memref<256x128xf32, #tpu.memory_space<vmem>>, vector<1x16xf32>,
      %swap3A_559 = vector.shape_cast %swap3A_558 : vector<1x16xf32> to vector<16xf32>
      %swap3A_560 = vector.shape_cast %get3A_555 : vector<16xf32> to vector<1x16xf32>
      tpu.vector_store %arg7[%swap3A_556, %swap3A_557], %swap3A_560 {strides = array<i32>} : memref<256x128xf32, #tpu.memory_space<vmem>>, vector<1x16xf32>,
      %mul3A_561 = arith.constant 2 : i32
      %mul3A_562 = arith.muli %mul3A_561, %add3A_508 : i32
      %add3A_563 = arith.constant 1 : i32
      %add3A_564 = arith.addi %mul3A_562, %add3A_563 : i32
      %get3A_565 = arith.index_cast %add3A_564 : i32 to index
      %get3A_566 = arith.constant 0 : index
      %get3A_567 = tpu.vector_load %arg6[%get3A_565, %get3A_566] {strides = array<i32>} : memref<512x64xf32, #tpu.memory_space<vmem>>, vector<1x16xf32>,
      %get3A_568 = vector.shape_cast %get3A_567 : vector<1x16xf32> to vector<16xf32>
      %swap3A_569 = arith.index_cast %add3A_508 : i32 to index
      %swap3A_570 = arith.constant 64 : index
      %swap3A_571 = tpu.vector_load %arg7[%swap3A_569, %swap3A_570] {strides = array<i32>} : memref<256x128xf32, #tpu.memory_space<vmem>>, vector<1x16xf32>,
      %swap3A_572 = vector.shape_cast %swap3A_571 : vector<1x16xf32> to vector<16xf32>
      %swap3A_573 = vector.shape_cast %get3A_568 : vector<16xf32> to vector<1x16xf32>
      tpu.vector_store %arg7[%swap3A_569, %swap3A_570], %swap3A_573 {strides = array<i32>} : memref<256x128xf32, #tpu.memory_space<vmem>>, vector<1x16xf32>,
      %mul3A_574 = arith.constant 2 : i32
      %mul3A_575 = arith.muli %mul3A_574, %add3A_508 : i32
      %add3A_576 = arith.constant 1 : i32
      %add3A_577 = arith.addi %mul3A_575, %add3A_576 : i32
      %get3A_578 = arith.index_cast %add3A_577 : i32 to index
      %get3A_579 = arith.constant 16 : index
      %get3A_580 = tpu.vector_load %arg6[%get3A_578, %get3A_579] {strides = array<i32>} : memref<512x64xf32, #tpu.memory_space<vmem>>, vector<1x16xf32>,
      %get3A_581 = vector.shape_cast %get3A_580 : vector<1x16xf32> to vector<16xf32>
      %swap3A_582 = arith.index_cast %add3A_508 : i32 to index
      %swap3A_583 = arith.constant 80 : index
      %swap3A_584 = tpu.vector_load %arg7[%swap3A_582, %swap3A_583] {strides = array<i32>} : memref<256x128xf32, #tpu.memory_space<vmem>>, vector<1x16xf32>,
      %swap3A_585 = vector.shape_cast %swap3A_584 : vector<1x16xf32> to vector<16xf32>
      %swap3A_586 = vector.shape_cast %get3A_581 : vector<16xf32> to vector<1x16xf32>
      tpu.vector_store %arg7[%swap3A_582, %swap3A_583], %swap3A_586 {strides = array<i32>} : memref<256x128xf32, #tpu.memory_space<vmem>>, vector<1x16xf32>,
      %mul3A_587 = arith.constant 2 : i32
      %mul3A_588 = arith.muli %mul3A_587, %add3A_508 : i32
      %add3A_589 = arith.constant 1 : i32
      %add3A_590 = arith.addi %mul3A_588, %add3A_589 : i32
      %get3A_591 = arith.index_cast %add3A_590 : i32 to index
      %get3A_592 = arith.constant 32 : index
      %get3A_593 = tpu.vector_load %arg6[%get3A_591, %get3A_592] {strides = array<i32>} : memref<512x64xf32, #tpu.memory_space<vmem>>, vector<1x16xf32>,
      %get3A_594 = vector.shape_cast %get3A_593 : vector<1x16xf32> to vector<16xf32>
      %swap3A_595 = arith.index_cast %add3A_508 : i32 to index
      %swap3A_596 = arith.constant 96 : index
      %swap3A_597 = tpu.vector_load %arg7[%swap3A_595, %swap3A_596] {strides = array<i32>} : memref<256x128xf32, #tpu.memory_space<vmem>>, vector<1x16xf32>,
      %swap3A_598 = vector.shape_cast %swap3A_597 : vector<1x16xf32> to vector<16xf32>
      %swap3A_599 = vector.shape_cast %get3A_594 : vector<16xf32> to vector<1x16xf32>
      tpu.vector_store %arg7[%swap3A_595, %swap3A_596], %swap3A_599 {strides = array<i32>} : memref<256x128xf32, #tpu.memory_space<vmem>>, vector<1x16xf32>,
      %mul3A_600 = arith.constant 2 : i32
      %mul3A_601 = arith.muli %mul3A_600, %add3A_508 : i32
      %add3A_602 = arith.constant 1 : i32
      %add3A_603 = arith.addi %mul3A_601, %add3A_602 : i32
      %get3A_604 = arith.index_cast %add3A_603 : i32 to index
      %get3A_605 = arith.constant 48 : index
      %get3A_606 = tpu.vector_load %arg6[%get3A_604, %get3A_605] {strides = array<i32>} : memref<512x64xf32, #tpu.memory_space<vmem>>, vector<1x16xf32>,
      %get3A_607 = vector.shape_cast %get3A_606 : vector<1x16xf32> to vector<16xf32>
      %swap3A_608 = arith.index_cast %add3A_508 : i32 to index
      %swap3A_609 = arith.constant 112 : index
      %swap3A_610 = tpu.vector_load %arg7[%swap3A_608, %swap3A_609] {strides = array<i32>} : memref<256x128xf32, #tpu.memory_space<vmem>>, vector<1x16xf32>,
      %swap3A_611 = vector.shape_cast %swap3A_610 : vector<1x16xf32> to vector<16xf32>
      %swap3A_612 = vector.shape_cast %get3A_607 : vector<16xf32> to vector<1x16xf32>
      tpu.vector_store %arg7[%swap3A_608, %swap3A_609], %swap3A_612 {strides = array<i32>} : memref<256x128xf32, #tpu.memory_space<vmem>>, vector<1x16xf32>,
      %mul3A_613 = arith.constant 16 : i32
      %mul3A_614 = arith.muli %scan3A_74, %mul3A_613 : i32
      %add3A_615 = arith.constant 5 : i32
      %add3A_616 = arith.addi %mul3A_614, %add3A_615 : i32
      %mul3A_617 = arith.constant 2 : i32
      %mul3A_618 = arith.muli %mul3A_617, %add3A_616 : i32
      %add3A_619 = arith.constant 0 : i32
      %add3A_620 = arith.addi %mul3A_618, %add3A_619 : i32
      %get3A_621 = arith.index_cast %add3A_620 : i32 to index
      %get3A_622 = arith.constant 0 : index
      %get3A_623 = tpu.vector_load %arg6[%get3A_621, %get3A_622] {strides = array<i32>} : memref<512x64xf32, #tpu.memory_space<vmem>>, vector<1x16xf32>,
      %get3A_624 = vector.shape_cast %get3A_623 : vector<1x16xf32> to vector<16xf32>
      %swap3A_625 = arith.index_cast %add3A_616 : i32 to index
      %swap3A_626 = arith.constant 0 : index
      %swap3A_627 = tpu.vector_load %arg7[%swap3A_625, %swap3A_626] {strides = array<i32>} : memref<256x128xf32, #tpu.memory_space<vmem>>, vector<1x16xf32>,
      %swap3A_628 = vector.shape_cast %swap3A_627 : vector<1x16xf32> to vector<16xf32>
      %swap3A_629 = vector.shape_cast %get3A_624 : vector<16xf32> to vector<1x16xf32>
      tpu.vector_store %arg7[%swap3A_625, %swap3A_626], %swap3A_629 {strides = array<i32>} : memref<256x128xf32, #tpu.memory_space<vmem>>, vector<1x16xf32>,
      %mul3A_630 = arith.constant 2 : i32
      %mul3A_631 = arith.muli %mul3A_630, %add3A_616 : i32
      %add3A_632 = arith.constant 0 : i32
      %add3A_633 = arith.addi %mul3A_631, %add3A_632 : i32
      %get3A_634 = arith.index_cast %add3A_633 : i32 to index
      %get3A_635 = arith.constant 16 : index
      %get3A_636 = tpu.vector_load %arg6[%get3A_634, %get3A_635] {strides = array<i32>} : memref<512x64xf32, #tpu.memory_space<vmem>>, vector<1x16xf32>,
      %get3A_637 = vector.shape_cast %get3A_636 : vector<1x16xf32> to vector<16xf32>
      %swap3A_638 = arith.index_cast %add3A_616 : i32 to index
      %swap3A_639 = arith.constant 16 : index
      %swap3A_640 = tpu.vector_load %arg7[%swap3A_638, %swap3A_639] {strides = array<i32>} : memref<256x128xf32, #tpu.memory_space<vmem>>, vector<1x16xf32>,
      %swap3A_641 = vector.shape_cast %swap3A_640 : vector<1x16xf32> to vector<16xf32>
      %swap3A_642 = vector.shape_cast %get3A_637 : vector<16xf32> to vector<1x16xf32>
      tpu.vector_store %arg7[%swap3A_638, %swap3A_639], %swap3A_642 {strides = array<i32>} : memref<256x128xf32, #tpu.memory_space<vmem>>, vector<1x16xf32>,
      %mul3A_643 = arith.constant 2 : i32
      %mul3A_644 = arith.muli %mul3A_643, %add3A_616 : i32
      %add3A_645 = arith.constant 0 : i32
      %add3A_646 = arith.addi %mul3A_644, %add3A_645 : i32
      %get3A_647 = arith.index_cast %add3A_646 : i32 to index
      %get3A_648 = arith.constant 32 : index
      %get3A_649 = tpu.vector_load %arg6[%get3A_647, %get3A_648] {strides = array<i32>} : memref<512x64xf32, #tpu.memory_space<vmem>>, vector<1x16xf32>,
      %get3A_650 = vector.shape_cast %get3A_649 : vector<1x16xf32> to vector<16xf32>
      %swap3A_651 = arith.index_cast %add3A_616 : i32 to index
      %swap3A_652 = arith.constant 32 : index
      %swap3A_653 = tpu.vector_load %arg7[%swap3A_651, %swap3A_652] {strides = array<i32>} : memref<256x128xf32, #tpu.memory_space<vmem>>, vector<1x16xf32>,
      %swap3A_654 = vector.shape_cast %swap3A_653 : vector<1x16xf32> to vector<16xf32>
      %swap3A_655 = vector.shape_cast %get3A_650 : vector<16xf32> to vector<1x16xf32>
      tpu.vector_store %arg7[%swap3A_651, %swap3A_652], %swap3A_655 {strides = array<i32>} : memref<256x128xf32, #tpu.memory_space<vmem>>, vector<1x16xf32>,
      %mul3A_656 = arith.constant 2 : i32
      %mul3A_657 = arith.muli %mul3A_656, %add3A_616 : i32
      %add3A_658 = arith.constant 0 : i32
      %add3A_659 = arith.addi %mul3A_657, %add3A_658 : i32
      %get3A_660 = arith.index_cast %add3A_659 : i32 to index
      %get3A_661 = arith.constant 48 : index
      %get3A_662 = tpu.vector_load %arg6[%get3A_660, %get3A_661] {strides = array<i32>} : memref<512x64xf32, #tpu.memory_space<vmem>>, vector<1x16xf32>,
      %get3A_663 = vector.shape_cast %get3A_662 : vector<1x16xf32> to vector<16xf32>
      %swap3A_664 = arith.index_cast %add3A_616 : i32 to index
      %swap3A_665 = arith.constant 48 : index
      %swap3A_666 = tpu.vector_load %arg7[%swap3A_664, %swap3A_665] {strides = array<i32>} : memref<256x128xf32, #tpu.memory_space<vmem>>, vector<1x16xf32>,
      %swap3A_667 = vector.shape_cast %swap3A_666 : vector<1x16xf32> to vector<16xf32>
      %swap3A_668 = vector.shape_cast %get3A_663 : vector<16xf32> to vector<1x16xf32>
      tpu.vector_store %arg7[%swap3A_664, %swap3A_665], %swap3A_668 {strides = array<i32>} : memref<256x128xf32, #tpu.memory_space<vmem>>, vector<1x16xf32>,
      %mul3A_669 = arith.constant 2 : i32
      %mul3A_670 = arith.muli %mul3A_669, %add3A_616 : i32
      %add3A_671 = arith.constant 1 : i32
      %add3A_672 = arith.addi %mul3A_670, %add3A_671 : i32
      %get3A_673 = arith.index_cast %add3A_672 : i32 to index
      %get3A_674 = arith.constant 0 : index
      %get3A_675 = tpu.vector_load %arg6[%get3A_673, %get3A_674] {strides = array<i32>} : memref<512x64xf32, #tpu.memory_space<vmem>>, vector<1x16xf32>,
      %get3A_676 = vector.shape_cast %get3A_675 : vector<1x16xf32> to vector<16xf32>
      %swap3A_677 = arith.index_cast %add3A_616 : i32 to index
      %swap3A_678 = arith.constant 64 : index
      %swap3A_679 = tpu.vector_load %arg7[%swap3A_677, %swap3A_678] {strides = array<i32>} : memref<256x128xf32, #tpu.memory_space<vmem>>, vector<1x16xf32>,
      %swap3A_680 = vector.shape_cast %swap3A_679 : vector<1x16xf32> to vector<16xf32>
      %swap3A_681 = vector.shape_cast %get3A_676 : vector<16xf32> to vector<1x16xf32>
      tpu.vector_store %arg7[%swap3A_677, %swap3A_678], %swap3A_681 {strides = array<i32>} : memref<256x128xf32, #tpu.memory_space<vmem>>, vector<1x16xf32>,
      %mul3A_682 = arith.constant 2 : i32
      %mul3A_683 = arith.muli %mul3A_682, %add3A_616 : i32
      %add3A_684 = arith.constant 1 : i32
      %add3A_685 = arith.addi %mul3A_683, %add3A_684 : i32
      %get3A_686 = arith.index_cast %add3A_685 : i32 to index
      %get3A_687 = arith.constant 16 : index
      %get3A_688 = tpu.vector_load %arg6[%get3A_686, %get3A_687] {strides = array<i32>} : memref<512x64xf32, #tpu.memory_space<vmem>>, vector<1x16xf32>,
      %get3A_689 = vector.shape_cast %get3A_688 : vector<1x16xf32> to vector<16xf32>
      %swap3A_690 = arith.index_cast %add3A_616 : i32 to index
      %swap3A_691 = arith.constant 80 : index
      %swap3A_692 = tpu.vector_load %arg7[%swap3A_690, %swap3A_691] {strides = array<i32>} : memref<256x128xf32, #tpu.memory_space<vmem>>, vector<1x16xf32>,
      %swap3A_693 = vector.shape_cast %swap3A_692 : vector<1x16xf32> to vector<16xf32>
      %swap3A_694 = vector.shape_cast %get3A_689 : vector<16xf32> to vector<1x16xf32>
      tpu.vector_store %arg7[%swap3A_690, %swap3A_691], %swap3A_694 {strides = array<i32>} : memref<256x128xf32, #tpu.memory_space<vmem>>, vector<1x16xf32>,
      %mul3A_695 = arith.constant 2 : i32
      %mul3A_696 = arith.muli %mul3A_695, %add3A_616 : i32
      %add3A_697 = arith.constant 1 : i32
      %add3A_698 = arith.addi %mul3A_696, %add3A_697 : i32
      %get3A_699 = arith.index_cast %add3A_698 : i32 to index
      %get3A_700 = arith.constant 32 : index
      %get3A_701 = tpu.vector_load %arg6[%get3A_699, %get3A_700] {strides = array<i32>} : memref<512x64xf32, #tpu.memory_space<vmem>>, vector<1x16xf32>,
      %get3A_702 = vector.shape_cast %get3A_701 : vector<1x16xf32> to vector<16xf32>
      %swap3A_703 = arith.index_cast %add3A_616 : i32 to index
      %swap3A_704 = arith.constant 96 : index
      %swap3A_705 = tpu.vector_load %arg7[%swap3A_703, %swap3A_704] {strides = array<i32>} : memref<256x128xf32, #tpu.memory_space<vmem>>, vector<1x16xf32>,
      %swap3A_706 = vector.shape_cast %swap3A_705 : vector<1x16xf32> to vector<16xf32>
      %swap3A_707 = vector.shape_cast %get3A_702 : vector<16xf32> to vector<1x16xf32>
      tpu.vector_store %arg7[%swap3A_703, %swap3A_704], %swap3A_707 {strides = array<i32>} : memref<256x128xf32, #tpu.memory_space<vmem>>, vector<1x16xf32>,
      %mul3A_708 = arith.constant 2 : i32
      %mul3A_709 = arith.muli %mul3A_708, %add3A_616 : i32
      %add3A_710 = arith.constant 1 : i32
      %add3A_711 = arith.addi %mul3A_709, %add3A_710 : i32
      %get3A_712 = arith.index_cast %add3A_711 : i32 to index
      %get3A_713 = arith.constant 48 : index
      %get3A_714 = tpu.vector_load %arg6[%get3A_712, %get3A_713] {strides = array<i32>} : memref<512x64xf32, #tpu.memory_space<vmem>>, vector<1x16xf32>,
      %get3A_715 = vector.shape_cast %get3A_714 : vector<1x16xf32> to vector<16xf32>
      %swap3A_716 = arith.index_cast %add3A_616 : i32 to index
      %swap3A_717 = arith.constant 112 : index
      %swap3A_718 = tpu.vector_load %arg7[%swap3A_716, %swap3A_717] {strides = array<i32>} : memref<256x128xf32, #tpu.memory_space<vmem>>, vector<1x16xf32>,
      %swap3A_719 = vector.shape_cast %swap3A_718 : vector<1x16xf32> to vector<16xf32>
      %swap3A_720 = vector.shape_cast %get3A_715 : vector<16xf32> to vector<1x16xf32>
      tpu.vector_store %arg7[%swap3A_716, %swap3A_717], %swap3A_720 {strides = array<i32>} : memref<256x128xf32, #tpu.memory_space<vmem>>, vector<1x16xf32>,
      %mul3A_721 = arith.constant 16 : i32
      %mul3A_722 = arith.muli %scan3A_74, %mul3A_721 : i32
      %add3A_723 = arith.constant 6 : i32
      %add3A_724 = arith.addi %mul3A_722, %add3A_723 : i32
      %mul3A_725 = arith.constant 2 : i32
      %mul3A_726 = arith.muli %mul3A_725, %add3A_724 : i32
      %add3A_727 = arith.constant 0 : i32
      %add3A_728 = arith.addi %mul3A_726, %add3A_727 : i32
      %get3A_729 = arith.index_cast %add3A_728 : i32 to index
      %get3A_730 = arith.constant 0 : index
      %get3A_731 = tpu.vector_load %arg6[%get3A_729, %get3A_730] {strides = array<i32>} : memref<512x64xf32, #tpu.memory_space<vmem>>, vector<1x16xf32>,
      %get3A_732 = vector.shape_cast %get3A_731 : vector<1x16xf32> to vector<16xf32>
      %swap3A_733 = arith.index_cast %add3A_724 : i32 to index
      %swap3A_734 = arith.constant 0 : index
      %swap3A_735 = tpu.vector_load %arg7[%swap3A_733, %swap3A_734] {strides = array<i32>} : memref<256x128xf32, #tpu.memory_space<vmem>>, vector<1x16xf32>,
      %swap3A_736 = vector.shape_cast %swap3A_735 : vector<1x16xf32> to vector<16xf32>
      %swap3A_737 = vector.shape_cast %get3A_732 : vector<16xf32> to vector<1x16xf32>
      tpu.vector_store %arg7[%swap3A_733, %swap3A_734], %swap3A_737 {strides = array<i32>} : memref<256x128xf32, #tpu.memory_space<vmem>>, vector<1x16xf32>,
      %mul3A_738 = arith.constant 2 : i32
      %mul3A_739 = arith.muli %mul3A_738, %add3A_724 : i32
      %add3A_740 = arith.constant 0 : i32
      %add3A_741 = arith.addi %mul3A_739, %add3A_740 : i32
      %get3A_742 = arith.index_cast %add3A_741 : i32 to index
      %get3A_743 = arith.constant 16 : index
      %get3A_744 = tpu.vector_load %arg6[%get3A_742, %get3A_743] {strides = array<i32>} : memref<512x64xf32, #tpu.memory_space<vmem>>, vector<1x16xf32>,
      %get3A_745 = vector.shape_cast %get3A_744 : vector<1x16xf32> to vector<16xf32>
      %swap3A_746 = arith.index_cast %add3A_724 : i32 to index
      %swap3A_747 = arith.constant 16 : index
      %swap3A_748 = tpu.vector_load %arg7[%swap3A_746, %swap3A_747] {strides = array<i32>} : memref<256x128xf32, #tpu.memory_space<vmem>>, vector<1x16xf32>,
      %swap3A_749 = vector.shape_cast %swap3A_748 : vector<1x16xf32> to vector<16xf32>
      %swap3A_750 = vector.shape_cast %get3A_745 : vector<16xf32> to vector<1x16xf32>
      tpu.vector_store %arg7[%swap3A_746, %swap3A_747], %swap3A_750 {strides = array<i32>} : memref<256x128xf32, #tpu.memory_space<vmem>>, vector<1x16xf32>,
      %mul3A_751 = arith.constant 2 : i32
      %mul3A_752 = arith.muli %mul3A_751, %add3A_724 : i32
      %add3A_753 = arith.constant 0 : i32
      %add3A_754 = arith.addi %mul3A_752, %add3A_753 : i32
      %get3A_755 = arith.index_cast %add3A_754 : i32 to index
      %get3A_756 = arith.constant 32 : index
      %get3A_757 = tpu.vector_load %arg6[%get3A_755, %get3A_756] {strides = array<i32>} : memref<512x64xf32, #tpu.memory_space<vmem>>, vector<1x16xf32>,
      %get3A_758 = vector.shape_cast %get3A_757 : vector<1x16xf32> to vector<16xf32>
      %swap3A_759 = arith.index_cast %add3A_724 : i32 to index
      %swap3A_760 = arith.constant 32 : index
      %swap3A_761 = tpu.vector_load %arg7[%swap3A_759, %swap3A_760] {strides = array<i32>} : memref<256x128xf32, #tpu.memory_space<vmem>>, vector<1x16xf32>,
      %swap3A_762 = vector.shape_cast %swap3A_761 : vector<1x16xf32> to vector<16xf32>
      %swap3A_763 = vector.shape_cast %get3A_758 : vector<16xf32> to vector<1x16xf32>
      tpu.vector_store %arg7[%swap3A_759, %swap3A_760], %swap3A_763 {strides = array<i32>} : memref<256x128xf32, #tpu.memory_space<vmem>>, vector<1x16xf32>,
      %mul3A_764 = arith.constant 2 : i32
      %mul3A_765 = arith.muli %mul3A_764, %add3A_724 : i32
      %add3A_766 = arith.constant 0 : i32
      %add3A_767 = arith.addi %mul3A_765, %add3A_766 : i32
      %get3A_768 = arith.index_cast %add3A_767 : i32 to index
      %get3A_769 = arith.constant 48 : index
      %get3A_770 = tpu.vector_load %arg6[%get3A_768, %get3A_769] {strides = array<i32>} : memref<512x64xf32, #tpu.memory_space<vmem>>, vector<1x16xf32>,
      %get3A_771 = vector.shape_cast %get3A_770 : vector<1x16xf32> to vector<16xf32>
      %swap3A_772 = arith.index_cast %add3A_724 : i32 to index
      %swap3A_773 = arith.constant 48 : index
      %swap3A_774 = tpu.vector_load %arg7[%swap3A_772, %swap3A_773] {strides = array<i32>} : memref<256x128xf32, #tpu.memory_space<vmem>>, vector<1x16xf32>,
      %swap3A_775 = vector.shape_cast %swap3A_774 : vector<1x16xf32> to vector<16xf32>
      %swap3A_776 = vector.shape_cast %get3A_771 : vector<16xf32> to vector<1x16xf32>
      tpu.vector_store %arg7[%swap3A_772, %swap3A_773], %swap3A_776 {strides = array<i32>} : memref<256x128xf32, #tpu.memory_space<vmem>>, vector<1x16xf32>,
      %mul3A_777 = arith.constant 2 : i32
      %mul3A_778 = arith.muli %mul3A_777, %add3A_724 : i32
      %add3A_779 = arith.constant 1 : i32
      %add3A_780 = arith.addi %mul3A_778, %add3A_779 : i32
      %get3A_781 = arith.index_cast %add3A_780 : i32 to index
      %get3A_782 = arith.constant 0 : index
      %get3A_783 = tpu.vector_load %arg6[%get3A_781, %get3A_782] {strides = array<i32>} : memref<512x64xf32, #tpu.memory_space<vmem>>, vector<1x16xf32>,
      %get3A_784 = vector.shape_cast %get3A_783 : vector<1x16xf32> to vector<16xf32>
      %swap3A_785 = arith.index_cast %add3A_724 : i32 to index
      %swap3A_786 = arith.constant 64 : index
      %swap3A_787 = tpu.vector_load %arg7[%swap3A_785, %swap3A_786] {strides = array<i32>} : memref<256x128xf32, #tpu.memory_space<vmem>>, vector<1x16xf32>,
      %swap3A_788 = vector.shape_cast %swap3A_787 : vector<1x16xf32> to vector<16xf32>
      %swap3A_789 = vector.shape_cast %get3A_784 : vector<16xf32> to vector<1x16xf32>
      tpu.vector_store %arg7[%swap3A_785, %swap3A_786], %swap3A_789 {strides = array<i32>} : memref<256x128xf32, #tpu.memory_space<vmem>>, vector<1x16xf32>,
      %mul3A_790 = arith.constant 2 : i32
      %mul3A_791 = arith.muli %mul3A_790, %add3A_724 : i32
      %add3A_792 = arith.constant 1 : i32
      %add3A_793 = arith.addi %mul3A_791, %add3A_792 : i32
      %get3A_794 = arith.index_cast %add3A_793 : i32 to index
      %get3A_795 = arith.constant 16 : index
      %get3A_796 = tpu.vector_load %arg6[%get3A_794, %get3A_795] {strides = array<i32>} : memref<512x64xf32, #tpu.memory_space<vmem>>, vector<1x16xf32>,
      %get3A_797 = vector.shape_cast %get3A_796 : vector<1x16xf32> to vector<16xf32>
      %swap3A_798 = arith.index_cast %add3A_724 : i32 to index
      %swap3A_799 = arith.constant 80 : index
      %swap3A_800 = tpu.vector_load %arg7[%swap3A_798, %swap3A_799] {strides = array<i32>} : memref<256x128xf32, #tpu.memory_space<vmem>>, vector<1x16xf32>,
      %swap3A_801 = vector.shape_cast %swap3A_800 : vector<1x16xf32> to vector<16xf32>
      %swap3A_802 = vector.shape_cast %get3A_797 : vector<16xf32> to vector<1x16xf32>
      tpu.vector_store %arg7[%swap3A_798, %swap3A_799], %swap3A_802 {strides = array<i32>} : memref<256x128xf32, #tpu.memory_space<vmem>>, vector<1x16xf32>,
      %mul3A_803 = arith.constant 2 : i32
      %mul3A_804 = arith.muli %mul3A_803, %add3A_724 : i32
      %add3A_805 = arith.constant 1 : i32
      %add3A_806 = arith.addi %mul3A_804, %add3A_805 : i32
      %get3A_807 = arith.index_cast %add3A_806 : i32 to index
      %get3A_808 = arith.constant 32 : index
      %get3A_809 = tpu.vector_load %arg6[%get3A_807, %get3A_808] {strides = array<i32>} : memref<512x64xf32, #tpu.memory_space<vmem>>, vector<1x16xf32>,
      %get3A_810 = vector.shape_cast %get3A_809 : vector<1x16xf32> to vector<16xf32>
      %swap3A_811 = arith.index_cast %add3A_724 : i32 to index
      %swap3A_812 = arith.constant 96 : index
      %swap3A_813 = tpu.vector_load %arg7[%swap3A_811, %swap3A_812] {strides = array<i32>} : memref<256x128xf32, #tpu.memory_space<vmem>>, vector<1x16xf32>,
      %swap3A_814 = vector.shape_cast %swap3A_813 : vector<1x16xf32> to vector<16xf32>
      %swap3A_815 = vector.shape_cast %get3A_810 : vector<16xf32> to vector<1x16xf32>
      tpu.vector_store %arg7[%swap3A_811, %swap3A_812], %swap3A_815 {strides = array<i32>} : memref<256x128xf32, #tpu.memory_space<vmem>>, vector<1x16xf32>,
      %mul3A_816 = arith.constant 2 : i32
      %mul3A_817 = arith.muli %mul3A_816, %add3A_724 : i32
      %add3A_818 = arith.constant 1 : i32
      %add3A_819 = arith.addi %mul3A_817, %add3A_818 : i32
      %get3A_820 = arith.index_cast %add3A_819 : i32 to index
      %get3A_821 = arith.constant 48 : index
      %get3A_822 = tpu.vector_load %arg6[%get3A_820, %get3A_821] {strides = array<i32>} : memref<512x64xf32, #tpu.memory_space<vmem>>, vector<1x16xf32>,
      %get3A_823 = vector.shape_cast %get3A_822 : vector<1x16xf32> to vector<16xf32>
      %swap3A_824 = arith.index_cast %add3A_724 : i32 to index
      %swap3A_825 = arith.constant 112 : index
      %swap3A_826 = tpu.vector_load %arg7[%swap3A_824, %swap3A_825] {strides = array<i32>} : memref<256x128xf32, #tpu.memory_space<vmem>>, vector<1x16xf32>,
      %swap3A_827 = vector.shape_cast %swap3A_826 : vector<1x16xf32> to vector<16xf32>
      %swap3A_828 = vector.shape_cast %get3A_823 : vector<16xf32> to vector<1x16xf32>
      tpu.vector_store %arg7[%swap3A_824, %swap3A_825], %swap3A_828 {strides = array<i32>} : memref<256x128xf32, #tpu.memory_space<vmem>>, vector<1x16xf32>,
      %mul3A_829 = arith.constant 16 : i32
      %mul3A_830 = arith.muli %scan3A_74, %mul3A_829 : i32
      %add3A_831 = arith.constant 7 : i32
      %add3A_832 = arith.addi %mul3A_830, %add3A_831 : i32
      %mul3A_833 = arith.constant 2 : i32
      %mul3A_834 = arith.muli %mul3A_833, %add3A_832 : i32
      %add3A_835 = arith.constant 0 : i32
      %add3A_836 = arith.addi %mul3A_834, %add3A_835 : i32
      %get3A_837 = arith.index_cast %add3A_836 : i32 to index
      %get3A_838 = arith.constant 0 : index
      %get3A_839 = tpu.vector_load %arg6[%get3A_837, %get3A_838] {strides = array<i32>} : memref<512x64xf32, #tpu.memory_space<vmem>>, vector<1x16xf32>,
      %get3A_840 = vector.shape_cast %get3A_839 : vector<1x16xf32> to vector<16xf32>
      %swap3A_841 = arith.index_cast %add3A_832 : i32 to index
      %swap3A_842 = arith.constant 0 : index
      %swap3A_843 = tpu.vector_load %arg7[%swap3A_841, %swap3A_842] {strides = array<i32>} : memref<256x128xf32, #tpu.memory_space<vmem>>, vector<1x16xf32>,
      %swap3A_844 = vector.shape_cast %swap3A_843 : vector<1x16xf32> to vector<16xf32>
      %swap3A_845 = vector.shape_cast %get3A_840 : vector<16xf32> to vector<1x16xf32>
      tpu.vector_store %arg7[%swap3A_841, %swap3A_842], %swap3A_845 {strides = array<i32>} : memref<256x128xf32, #tpu.memory_space<vmem>>, vector<1x16xf32>,
      %mul3A_846 = arith.constant 2 : i32
      %mul3A_847 = arith.muli %mul3A_846, %add3A_832 : i32
      %add3A_848 = arith.constant 0 : i32
      %add3A_849 = arith.addi %mul3A_847, %add3A_848 : i32
      %get3A_850 = arith.index_cast %add3A_849 : i32 to index
      %get3A_851 = arith.constant 16 : index
      %get3A_852 = tpu.vector_load %arg6[%get3A_850, %get3A_851] {strides = array<i32>} : memref<512x64xf32, #tpu.memory_space<vmem>>, vector<1x16xf32>,
      %get3A_853 = vector.shape_cast %get3A_852 : vector<1x16xf32> to vector<16xf32>
      %swap3A_854 = arith.index_cast %add3A_832 : i32 to index
      %swap3A_855 = arith.constant 16 : index
      %swap3A_856 = tpu.vector_load %arg7[%swap3A_854, %swap3A_855] {strides = array<i32>} : memref<256x128xf32, #tpu.memory_space<vmem>>, vector<1x16xf32>,
      %swap3A_857 = vector.shape_cast %swap3A_856 : vector<1x16xf32> to vector<16xf32>
      %swap3A_858 = vector.shape_cast %get3A_853 : vector<16xf32> to vector<1x16xf32>
      tpu.vector_store %arg7[%swap3A_854, %swap3A_855], %swap3A_858 {strides = array<i32>} : memref<256x128xf32, #tpu.memory_space<vmem>>, vector<1x16xf32>,
      %mul3A_859 = arith.constant 2 : i32
      %mul3A_860 = arith.muli %mul3A_859, %add3A_832 : i32
      %add3A_861 = arith.constant 0 : i32
      %add3A_862 = arith.addi %mul3A_860, %add3A_861 : i32
      %get3A_863 = arith.index_cast %add3A_862 : i32 to index
      %get3A_864 = arith.constant 32 : index
      %get3A_865 = tpu.vector_load %arg6[%get3A_863, %get3A_864] {strides = array<i32>} : memref<512x64xf32, #tpu.memory_space<vmem>>, vector<1x16xf32>,
      %get3A_866 = vector.shape_cast %get3A_865 : vector<1x16xf32> to vector<16xf32>
      %swap3A_867 = arith.index_cast %add3A_832 : i32 to index
      %swap3A_868 = arith.constant 32 : index
      %swap3A_869 = tpu.vector_load %arg7[%swap3A_867, %swap3A_868] {strides = array<i32>} : memref<256x128xf32, #tpu.memory_space<vmem>>, vector<1x16xf32>,
      %swap3A_870 = vector.shape_cast %swap3A_869 : vector<1x16xf32> to vector<16xf32>
      %swap3A_871 = vector.shape_cast %get3A_866 : vector<16xf32> to vector<1x16xf32>
      tpu.vector_store %arg7[%swap3A_867, %swap3A_868], %swap3A_871 {strides = array<i32>} : memref<256x128xf32, #tpu.memory_space<vmem>>, vector<1x16xf32>,
      %mul3A_872 = arith.constant 2 : i32
      %mul3A_873 = arith.muli %mul3A_872, %add3A_832 : i32
      %add3A_874 = arith.constant 0 : i32
      %add3A_875 = arith.addi %mul3A_873, %add3A_874 : i32
      %get3A_876 = arith.index_cast %add3A_875 : i32 to index
      %get3A_877 = arith.constant 48 : index
      %get3A_878 = tpu.vector_load %arg6[%get3A_876, %get3A_877] {strides = array<i32>} : memref<512x64xf32, #tpu.memory_space<vmem>>, vector<1x16xf32>,
      %get3A_879 = vector.shape_cast %get3A_878 : vector<1x16xf32> to vector<16xf32>
      %swap3A_880 = arith.index_cast %add3A_832 : i32 to index
      %swap3A_881 = arith.constant 48 : index
      %swap3A_882 = tpu.vector_load %arg7[%swap3A_880, %swap3A_881] {strides = array<i32>} : memref<256x128xf32, #tpu.memory_space<vmem>>, vector<1x16xf32>,
      %swap3A_883 = vector.shape_cast %swap3A_882 : vector<1x16xf32> to vector<16xf32>
      %swap3A_884 = vector.shape_cast %get3A_879 : vector<16xf32> to vector<1x16xf32>
      tpu.vector_store %arg7[%swap3A_880, %swap3A_881], %swap3A_884 {strides = array<i32>} : memref<256x128xf32, #tpu.memory_space<vmem>>, vector<1x16xf32>,
      %mul3A_885 = arith.constant 2 : i32
      %mul3A_886 = arith.muli %mul3A_885, %add3A_832 : i32
      %add3A_887 = arith.constant 1 : i32
      %add3A_888 = arith.addi %mul3A_886, %add3A_887 : i32
      %get3A_889 = arith.index_cast %add3A_888 : i32 to index
      %get3A_890 = arith.constant 0 : index
      %get3A_891 = tpu.vector_load %arg6[%get3A_889, %get3A_890] {strides = array<i32>} : memref<512x64xf32, #tpu.memory_space<vmem>>, vector<1x16xf32>,
      %get3A_892 = vector.shape_cast %get3A_891 : vector<1x16xf32> to vector<16xf32>
      %swap3A_893 = arith.index_cast %add3A_832 : i32 to index
      %swap3A_894 = arith.constant 64 : index
      %swap3A_895 = tpu.vector_load %arg7[%swap3A_893, %swap3A_894] {strides = array<i32>} : memref<256x128xf32, #tpu.memory_space<vmem>>, vector<1x16xf32>,
      %swap3A_896 = vector.shape_cast %swap3A_895 : vector<1x16xf32> to vector<16xf32>
      %swap3A_897 = vector.shape_cast %get3A_892 : vector<16xf32> to vector<1x16xf32>
      tpu.vector_store %arg7[%swap3A_893, %swap3A_894], %swap3A_897 {strides = array<i32>} : memref<256x128xf32, #tpu.memory_space<vmem>>, vector<1x16xf32>,
      %mul3A_898 = arith.constant 2 : i32
      %mul3A_899 = arith.muli %mul3A_898, %add3A_832 : i32
      %add3A_900 = arith.constant 1 : i32
      %add3A_901 = arith.addi %mul3A_899, %add3A_900 : i32
      %get3A_902 = arith.index_cast %add3A_901 : i32 to index
      %get3A_903 = arith.constant 16 : index
      %get3A_904 = tpu.vector_load %arg6[%get3A_902, %get3A_903] {strides = array<i32>} : memref<512x64xf32, #tpu.memory_space<vmem>>, vector<1x16xf32>,
      %get3A_905 = vector.shape_cast %get3A_904 : vector<1x16xf32> to vector<16xf32>
      %swap3A_906 = arith.index_cast %add3A_832 : i32 to index
      %swap3A_907 = arith.constant 80 : index
      %swap3A_908 = tpu.vector_load %arg7[%swap3A_906, %swap3A_907] {strides = array<i32>} : memref<256x128xf32, #tpu.memory_space<vmem>>, vector<1x16xf32>,
      %swap3A_909 = vector.shape_cast %swap3A_908 : vector<1x16xf32> to vector<16xf32>
      %swap3A_910 = vector.shape_cast %get3A_905 : vector<16xf32> to vector<1x16xf32>
      tpu.vector_store %arg7[%swap3A_906, %swap3A_907], %swap3A_910 {strides = array<i32>} : memref<256x128xf32, #tpu.memory_space<vmem>>, vector<1x16xf32>,
      %mul3A_911 = arith.constant 2 : i32
      %mul3A_912 = arith.muli %mul3A_911, %add3A_832 : i32
      %add3A_913 = arith.constant 1 : i32
      %add3A_914 = arith.addi %mul3A_912, %add3A_913 : i32
      %get3A_915 = arith.index_cast %add3A_914 : i32 to index
      %get3A_916 = arith.constant 32 : index
      %get3A_917 = tpu.vector_load %arg6[%get3A_915, %get3A_916] {strides = array<i32>} : memref<512x64xf32, #tpu.memory_space<vmem>>, vector<1x16xf32>,
      %get3A_918 = vector.shape_cast %get3A_917 : vector<1x16xf32> to vector<16xf32>
      %swap3A_919 = arith.index_cast %add3A_832 : i32 to index
      %swap3A_920 = arith.constant 96 : index
      %swap3A_921 = tpu.vector_load %arg7[%swap3A_919, %swap3A_920] {strides = array<i32>} : memref<256x128xf32, #tpu.memory_space<vmem>>, vector<1x16xf32>,
      %swap3A_922 = vector.shape_cast %swap3A_921 : vector<1x16xf32> to vector<16xf32>
      %swap3A_923 = vector.shape_cast %get3A_918 : vector<16xf32> to vector<1x16xf32>
      tpu.vector_store %arg7[%swap3A_919, %swap3A_920], %swap3A_923 {strides = array<i32>} : memref<256x128xf32, #tpu.memory_space<vmem>>, vector<1x16xf32>,
      %mul3A_924 = arith.constant 2 : i32
      %mul3A_925 = arith.muli %mul3A_924, %add3A_832 : i32
      %add3A_926 = arith.constant 1 : i32
      %add3A_927 = arith.addi %mul3A_925, %add3A_926 : i32
      %get3A_928 = arith.index_cast %add3A_927 : i32 to index
      %get3A_929 = arith.constant 48 : index
      %get3A_930 = tpu.vector_load %arg6[%get3A_928, %get3A_929] {strides = array<i32>} : memref<512x64xf32, #tpu.memory_space<vmem>>, vector<1x16xf32>,
      %get3A_931 = vector.shape_cast %get3A_930 : vector<1x16xf32> to vector<16xf32>
      %swap3A_932 = arith.index_cast %add3A_832 : i32 to index
      %swap3A_933 = arith.constant 112 : index
      %swap3A_934 = tpu.vector_load %arg7[%swap3A_932, %swap3A_933] {strides = array<i32>} : memref<256x128xf32, #tpu.memory_space<vmem>>, vector<1x16xf32>,
      %swap3A_935 = vector.shape_cast %swap3A_934 : vector<1x16xf32> to vector<16xf32>
      %swap3A_936 = vector.shape_cast %get3A_931 : vector<16xf32> to vector<1x16xf32>
      tpu.vector_store %arg7[%swap3A_932, %swap3A_933], %swap3A_936 {strides = array<i32>} : memref<256x128xf32, #tpu.memory_space<vmem>>, vector<1x16xf32>,
      %mul3A_937 = arith.constant 16 : i32
      %mul3A_938 = arith.muli %scan3A_74, %mul3A_937 : i32
      %add3A_939 = arith.constant 8 : i32
      %add3A_940 = arith.addi %mul3A_938, %add3A_939 : i32
      %mul3A_941 = arith.constant 2 : i32
      %mul3A_942 = arith.muli %mul3A_941, %add3A_940 : i32
      %add3A_943 = arith.constant 0 : i32
      %add3A_944 = arith.addi %mul3A_942, %add3A_943 : i32
      %get3A_945 = arith.index_cast %add3A_944 : i32 to index
      %get3A_946 = arith.constant 0 : index
      %get3A_947 = tpu.vector_load %arg6[%get3A_945, %get3A_946] {strides = array<i32>} : memref<512x64xf32, #tpu.memory_space<vmem>>, vector<1x16xf32>,
      %get3A_948 = vector.shape_cast %get3A_947 : vector<1x16xf32> to vector<16xf32>
      %swap3A_949 = arith.index_cast %add3A_940 : i32 to index
      %swap3A_950 = arith.constant 0 : index
      %swap3A_951 = tpu.vector_load %arg7[%swap3A_949, %swap3A_950] {strides = array<i32>} : memref<256x128xf32, #tpu.memory_space<vmem>>, vector<1x16xf32>,
      %swap3A_952 = vector.shape_cast %swap3A_951 : vector<1x16xf32> to vector<16xf32>
      %swap3A_953 = vector.shape_cast %get3A_948 : vector<16xf32> to vector<1x16xf32>
      tpu.vector_store %arg7[%swap3A_949, %swap3A_950], %swap3A_953 {strides = array<i32>} : memref<256x128xf32, #tpu.memory_space<vmem>>, vector<1x16xf32>,
      %mul3A_954 = arith.constant 2 : i32
      %mul3A_955 = arith.muli %mul3A_954, %add3A_940 : i32
      %add3A_956 = arith.constant 0 : i32
      %add3A_957 = arith.addi %mul3A_955, %add3A_956 : i32
      %get3A_958 = arith.index_cast %add3A_957 : i32 to index
      %get3A_959 = arith.constant 16 : index
      %get3A_960 = tpu.vector_load %arg6[%get3A_958, %get3A_959] {strides = array<i32>} : memref<512x64xf32, #tpu.memory_space<vmem>>, vector<1x16xf32>,
      %get3A_961 = vector.shape_cast %get3A_960 : vector<1x16xf32> to vector<16xf32>
      %swap3A_962 = arith.index_cast %add3A_940 : i32 to index
      %swap3A_963 = arith.constant 16 : index
      %swap3A_964 = tpu.vector_load %arg7[%swap3A_962, %swap3A_963] {strides = array<i32>} : memref<256x128xf32, #tpu.memory_space<vmem>>, vector<1x16xf32>,
      %swap3A_965 = vector.shape_cast %swap3A_964 : vector<1x16xf32> to vector<16xf32>
      %swap3A_966 = vector.shape_cast %get3A_961 : vector<16xf32> to vector<1x16xf32>
      tpu.vector_store %arg7[%swap3A_962, %swap3A_963], %swap3A_966 {strides = array<i32>} : memref<256x128xf32, #tpu.memory_space<vmem>>, vector<1x16xf32>,
      %mul3A_967 = arith.constant 2 : i32
      %mul3A_968 = arith.muli %mul3A_967, %add3A_940 : i32
      %add3A_969 = arith.constant 0 : i32
      %add3A_970 = arith.addi %mul3A_968, %add3A_969 : i32
      %get3A_971 = arith.index_cast %add3A_970 : i32 to index
      %get3A_972 = arith.constant 32 : index
      %get3A_973 = tpu.vector_load %arg6[%get3A_971, %get3A_972] {strides = array<i32>} : memref<512x64xf32, #tpu.memory_space<vmem>>, vector<1x16xf32>,
      %get3A_974 = vector.shape_cast %get3A_973 : vector<1x16xf32> to vector<16xf32>
      %swap3A_975 = arith.index_cast %add3A_940 : i32 to index
      %swap3A_976 = arith.constant 32 : index
      %swap3A_977 = tpu.vector_load %arg7[%swap3A_975, %swap3A_976] {strides = array<i32>} : memref<256x128xf32, #tpu.memory_space<vmem>>, vector<1x16xf32>,
      %swap3A_978 = vector.shape_cast %swap3A_977 : vector<1x16xf32> to vector<16xf32>
      %swap3A_979 = vector.shape_cast %get3A_974 : vector<16xf32> to vector<1x16xf32>
      tpu.vector_store %arg7[%swap3A_975, %swap3A_976], %swap3A_979 {strides = array<i32>} : memref<256x128xf32, #tpu.memory_space<vmem>>, vector<1x16xf32>,
      %mul3A_980 = arith.constant 2 : i32
      %mul3A_981 = arith.muli %mul3A_980, %add3A_940 : i32
      %add3A_982 = arith.constant 0 : i32
      %add3A_983 = arith.addi %mul3A_981, %add3A_982 : i32
      %get3A_984 = arith.index_cast %add3A_983 : i32 to index
      %get3A_985 = arith.constant 48 : index
      %get3A_986 = tpu.vector_load %arg6[%get3A_984, %get3A_985] {strides = array<i32>} : memref<512x64xf32, #tpu.memory_space<vmem>>, vector<1x16xf32>,
      %get3A_987 = vector.shape_cast %get3A_986 : vector<1x16xf32> to vector<16xf32>
      %swap3A_988 = arith.index_cast %add3A_940 : i32 to index
      %swap3A_989 = arith.constant 48 : index
      %swap3A_990 = tpu.vector_load %arg7[%swap3A_988, %swap3A_989] {strides = array<i32>} : memref<256x128xf32, #tpu.memory_space<vmem>>, vector<1x16xf32>,
      %swap3A_991 = vector.shape_cast %swap3A_990 : vector<1x16xf32> to vector<16xf32>
      %swap3A_992 = vector.shape_cast %get3A_987 : vector<16xf32> to vector<1x16xf32>
      tpu.vector_store %arg7[%swap3A_988, %swap3A_989], %swap3A_992 {strides = array<i32>} : memref<256x128xf32, #tpu.memory_space<vmem>>, vector<1x16xf32>,
      %mul3A_993 = arith.constant 2 : i32
      %mul3A_994 = arith.muli %mul3A_993, %add3A_940 : i32
      %add3A_995 = arith.constant 1 : i32
      %add3A_996 = arith.addi %mul3A_994, %add3A_995 : i32
      %get3A_997 = arith.index_cast %add3A_996 : i32 to index
      %get3A_998 = arith.constant 0 : index
      %get3A_999 = tpu.vector_load %arg6[%get3A_997, %get3A_998] {strides = array<i32>} : memref<512x64xf32, #tpu.memory_space<vmem>>, vector<1x16xf32>,
      %get3A_1000 = vector.shape_cast %get3A_999 : vector<1x16xf32> to vector<16xf32>
      %swap3A_1001 = arith.index_cast %add3A_940 : i32 to index
      %swap3A_1002 = arith.constant 64 : index
      %swap3A_1003 = tpu.vector_load %arg7[%swap3A_1001, %swap3A_1002] {strides = array<i32>} : memref<256x128xf32, #tpu.memory_space<vmem>>, vector<1x16xf32>,
      %swap3A_1004 = vector.shape_cast %swap3A_1003 : vector<1x16xf32> to vector<16xf32>
      %swap3A_1005 = vector.shape_cast %get3A_1000 : vector<16xf32> to vector<1x16xf32>
      tpu.vector_store %arg7[%swap3A_1001, %swap3A_1002], %swap3A_1005 {strides = array<i32>} : memref<256x128xf32, #tpu.memory_space<vmem>>, vector<1x16xf32>,
      %mul3A_1006 = arith.constant 2 : i32
      %mul3A_1007 = arith.muli %mul3A_1006, %add3A_940 : i32
      %add3A_1008 = arith.constant 1 : i32
      %add3A_1009 = arith.addi %mul3A_1007, %add3A_1008 : i32
      %get3A_1010 = arith.index_cast %add3A_1009 : i32 to index
      %get3A_1011 = arith.constant 16 : index
      %get3A_1012 = tpu.vector_load %arg6[%get3A_1010, %get3A_1011] {strides = array<i32>} : memref<512x64xf32, #tpu.memory_space<vmem>>, vector<1x16xf32>,
      %get3A_1013 = vector.shape_cast %get3A_1012 : vector<1x16xf32> to vector<16xf32>
      %swap3A_1014 = arith.index_cast %add3A_940 : i32 to index
      %swap3A_1015 = arith.constant 80 : index
      %swap3A_1016 = tpu.vector_load %arg7[%swap3A_1014, %swap3A_1015] {strides = array<i32>} : memref<256x128xf32, #tpu.memory_space<vmem>>, vector<1x16xf32>,
      %swap3A_1017 = vector.shape_cast %swap3A_1016 : vector<1x16xf32> to vector<16xf32>
      %swap3A_1018 = vector.shape_cast %get3A_1013 : vector<16xf32> to vector<1x16xf32>
      tpu.vector_store %arg7[%swap3A_1014, %swap3A_1015], %swap3A_1018 {strides = array<i32>} : memref<256x128xf32, #tpu.memory_space<vmem>>, vector<1x16xf32>,
      %mul3A_1019 = arith.constant 2 : i32
      %mul3A_1020 = arith.muli %mul3A_1019, %add3A_940 : i32
      %add3A_1021 = arith.constant 1 : i32
      %add3A_1022 = arith.addi %mul3A_1020, %add3A_1021 : i32
      %get3A_1023 = arith.index_cast %add3A_1022 : i32 to index
      %get3A_1024 = arith.constant 32 : index
      %get3A_1025 = tpu.vector_load %arg6[%get3A_1023, %get3A_1024] {strides = array<i32>} : memref<512x64xf32, #tpu.memory_space<vmem>>, vector<1x16xf32>,
      %get3A_1026 = vector.shape_cast %get3A_1025 : vector<1x16xf32> to vector<16xf32>
      %swap3A_1027 = arith.index_cast %add3A_940 : i32 to index
      %swap3A_1028 = arith.constant 96 : index
      %swap3A_1029 = tpu.vector_load %arg7[%swap3A_1027, %swap3A_1028] {strides = array<i32>} : memref<256x128xf32, #tpu.memory_space<vmem>>, vector<1x16xf32>,
      %swap3A_1030 = vector.shape_cast %swap3A_1029 : vector<1x16xf32> to vector<16xf32>
      %swap3A_1031 = vector.shape_cast %get3A_1026 : vector<16xf32> to vector<1x16xf32>
      tpu.vector_store %arg7[%swap3A_1027, %swap3A_1028], %swap3A_1031 {strides = array<i32>} : memref<256x128xf32, #tpu.memory_space<vmem>>, vector<1x16xf32>,
      %mul3A_1032 = arith.constant 2 : i32
      %mul3A_1033 = arith.muli %mul3A_1032, %add3A_940 : i32
      %add3A_1034 = arith.constant 1 : i32
      %add3A_1035 = arith.addi %mul3A_1033, %add3A_1034 : i32
      %get3A_1036 = arith.index_cast %add3A_1035 : i32 to index
      %get3A_1037 = arith.constant 48 : index
      %get3A_1038 = tpu.vector_load %arg6[%get3A_1036, %get3A_1037] {strides = array<i32>} : memref<512x64xf32, #tpu.memory_space<vmem>>, vector<1x16xf32>,
      %get3A_1039 = vector.shape_cast %get3A_1038 : vector<1x16xf32> to vector<16xf32>
      %swap3A_1040 = arith.index_cast %add3A_940 : i32 to index
      %swap3A_1041 = arith.constant 112 : index
      %swap3A_1042 = tpu.vector_load %arg7[%swap3A_1040, %swap3A_1041] {strides = array<i32>} : memref<256x128xf32, #tpu.memory_space<vmem>>, vector<1x16xf32>,
      %swap3A_1043 = vector.shape_cast %swap3A_1042 : vector<1x16xf32> to vector<16xf32>
      %swap3A_1044 = vector.shape_cast %get3A_1039 : vector<16xf32> to vector<1x16xf32>
      tpu.vector_store %arg7[%swap3A_1040, %swap3A_1041], %swap3A_1044 {strides = array<i32>} : memref<256x128xf32, #tpu.memory_space<vmem>>, vector<1x16xf32>,
      %mul3A_1045 = arith.constant 16 : i32
      %mul3A_1046 = arith.muli %scan3A_74, %mul3A_1045 : i32
      %add3A_1047 = arith.constant 9 : i32
      %add3A_1048 = arith.addi %mul3A_1046, %add3A_1047 : i32
      %mul3A_1049 = arith.constant 2 : i32
      %mul3A_1050 = arith.muli %mul3A_1049, %add3A_1048 : i32
      %add3A_1051 = arith.constant 0 : i32
      %add3A_1052 = arith.addi %mul3A_1050, %add3A_1051 : i32
      %get3A_1053 = arith.index_cast %add3A_1052 : i32 to index
      %get3A_1054 = arith.constant 0 : index
      %get3A_1055 = tpu.vector_load %arg6[%get3A_1053, %get3A_1054] {strides = array<i32>} : memref<512x64xf32, #tpu.memory_space<vmem>>, vector<1x16xf32>,
      %get3A_1056 = vector.shape_cast %get3A_1055 : vector<1x16xf32> to vector<16xf32>
      %swap3A_1057 = arith.index_cast %add3A_1048 : i32 to index
      %swap3A_1058 = arith.constant 0 : index
      %swap3A_1059 = tpu.vector_load %arg7[%swap3A_1057, %swap3A_1058] {strides = array<i32>} : memref<256x128xf32, #tpu.memory_space<vmem>>, vector<1x16xf32>,
      %swap3A_1060 = vector.shape_cast %swap3A_1059 : vector<1x16xf32> to vector<16xf32>
      %swap3A_1061 = vector.shape_cast %get3A_1056 : vector<16xf32> to vector<1x16xf32>
      tpu.vector_store %arg7[%swap3A_1057, %swap3A_1058], %swap3A_1061 {strides = array<i32>} : memref<256x128xf32, #tpu.memory_space<vmem>>, vector<1x16xf32>,
      %mul3A_1062 = arith.constant 2 : i32
      %mul3A_1063 = arith.muli %mul3A_1062, %add3A_1048 : i32
      %add3A_1064 = arith.constant 0 : i32
      %add3A_1065 = arith.addi %mul3A_1063, %add3A_1064 : i32
      %get3A_1066 = arith.index_cast %add3A_1065 : i32 to index
      %get3A_1067 = arith.constant 16 : index
      %get3A_1068 = tpu.vector_load %arg6[%get3A_1066, %get3A_1067] {strides = array<i32>} : memref<512x64xf32, #tpu.memory_space<vmem>>, vector<1x16xf32>,
      %get3A_1069 = vector.shape_cast %get3A_1068 : vector<1x16xf32> to vector<16xf32>
      %swap3A_1070 = arith.index_cast %add3A_1048 : i32 to index
      %swap3A_1071 = arith.constant 16 : index
      %swap3A_1072 = tpu.vector_load %arg7[%swap3A_1070, %swap3A_1071] {strides = array<i32>} : memref<256x128xf32, #tpu.memory_space<vmem>>, vector<1x16xf32>,
      %swap3A_1073 = vector.shape_cast %swap3A_1072 : vector<1x16xf32> to vector<16xf32>
      %swap3A_1074 = vector.shape_cast %get3A_1069 : vector<16xf32> to vector<1x16xf32>
      tpu.vector_store %arg7[%swap3A_1070, %swap3A_1071], %swap3A_1074 {strides = array<i32>} : memref<256x128xf32, #tpu.memory_space<vmem>>, vector<1x16xf32>,
      %mul3A_1075 = arith.constant 2 : i32
      %mul3A_1076 = arith.muli %mul3A_1075, %add3A_1048 : i32
      %add3A_1077 = arith.constant 0 : i32
      %add3A_1078 = arith.addi %mul3A_1076, %add3A_1077 : i32
      %get3A_1079 = arith.index_cast %add3A_1078 : i32 to index
      %get3A_1080 = arith.constant 32 : index
      %get3A_1081 = tpu.vector_load %arg6[%get3A_1079, %get3A_1080] {strides = array<i32>} : memref<512x64xf32, #tpu.memory_space<vmem>>, vector<1x16xf32>,
      %get3A_1082 = vector.shape_cast %get3A_1081 : vector<1x16xf32> to vector<16xf32>
      %swap3A_1083 = arith.index_cast %add3A_1048 : i32 to index
      %swap3A_1084 = arith.constant 32 : index
      %swap3A_1085 = tpu.vector_load %arg7[%swap3A_1083, %swap3A_1084] {strides = array<i32>} : memref<256x128xf32, #tpu.memory_space<vmem>>, vector<1x16xf32>,
      %swap3A_1086 = vector.shape_cast %swap3A_1085 : vector<1x16xf32> to vector<16xf32>
      %swap3A_1087 = vector.shape_cast %get3A_1082 : vector<16xf32> to vector<1x16xf32>
      tpu.vector_store %arg7[%swap3A_1083, %swap3A_1084], %swap3A_1087 {strides = array<i32>} : memref<256x128xf32, #tpu.memory_space<vmem>>, vector<1x16xf32>,
      %mul3A_1088 = arith.constant 2 : i32
      %mul3A_1089 = arith.muli %mul3A_1088, %add3A_1048 : i32
      %add3A_1090 = arith.constant 0 : i32
      %add3A_1091 = arith.addi %mul3A_1089, %add3A_1090 : i32
      %get3A_1092 = arith.index_cast %add3A_1091 : i32 to index
      %get3A_1093 = arith.constant 48 : index
      %get3A_1094 = tpu.vector_load %arg6[%get3A_1092, %get3A_1093] {strides = array<i32>} : memref<512x64xf32, #tpu.memory_space<vmem>>, vector<1x16xf32>,
      %get3A_1095 = vector.shape_cast %get3A_1094 : vector<1x16xf32> to vector<16xf32>
      %swap3A_1096 = arith.index_cast %add3A_1048 : i32 to index
      %swap3A_1097 = arith.constant 48 : index
      %swap3A_1098 = tpu.vector_load %arg7[%swap3A_1096, %swap3A_1097] {strides = array<i32>} : memref<256x128xf32, #tpu.memory_space<vmem>>, vector<1x16xf32>,
      %swap3A_1099 = vector.shape_cast %swap3A_1098 : vector<1x16xf32> to vector<16xf32>
      %swap3A_1100 = vector.shape_cast %get3A_1095 : vector<16xf32> to vector<1x16xf32>
      tpu.vector_store %arg7[%swap3A_1096, %swap3A_1097], %swap3A_1100 {strides = array<i32>} : memref<256x128xf32, #tpu.memory_space<vmem>>, vector<1x16xf32>,
      %mul3A_1101 = arith.constant 2 : i32
      %mul3A_1102 = arith.muli %mul3A_1101, %add3A_1048 : i32
      %add3A_1103 = arith.constant 1 : i32
      %add3A_1104 = arith.addi %mul3A_1102, %add3A_1103 : i32
      %get3A_1105 = arith.index_cast %add3A_1104 : i32 to index
      %get3A_1106 = arith.constant 0 : index
      %get3A_1107 = tpu.vector_load %arg6[%get3A_1105, %get3A_1106] {strides = array<i32>} : memref<512x64xf32, #tpu.memory_space<vmem>>, vector<1x16xf32>,
      %get3A_1108 = vector.shape_cast %get3A_1107 : vector<1x16xf32> to vector<16xf32>
      %swap3A_1109 = arith.index_cast %add3A_1048 : i32 to index
      %swap3A_1110 = arith.constant 64 : index
      %swap3A_1111 = tpu.vector_load %arg7[%swap3A_1109, %swap3A_1110] {strides = array<i32>} : memref<256x128xf32, #tpu.memory_space<vmem>>, vector<1x16xf32>,
      %swap3A_1112 = vector.shape_cast %swap3A_1111 : vector<1x16xf32> to vector<16xf32>
      %swap3A_1113 = vector.shape_cast %get3A_1108 : vector<16xf32> to vector<1x16xf32>
      tpu.vector_store %arg7[%swap3A_1109, %swap3A_1110], %swap3A_1113 {strides = array<i32>} : memref<256x128xf32, #tpu.memory_space<vmem>>, vector<1x16xf32>,
      %mul3A_1114 = arith.constant 2 : i32
      %mul3A_1115 = arith.muli %mul3A_1114, %add3A_1048 : i32
      %add3A_1116 = arith.constant 1 : i32
      %add3A_1117 = arith.addi %mul3A_1115, %add3A_1116 : i32
      %get3A_1118 = arith.index_cast %add3A_1117 : i32 to index
      %get3A_1119 = arith.constant 16 : index
      %get3A_1120 = tpu.vector_load %arg6[%get3A_1118, %get3A_1119] {strides = array<i32>} : memref<512x64xf32, #tpu.memory_space<vmem>>, vector<1x16xf32>,
      %get3A_1121 = vector.shape_cast %get3A_1120 : vector<1x16xf32> to vector<16xf32>
      %swap3A_1122 = arith.index_cast %add3A_1048 : i32 to index
      %swap3A_1123 = arith.constant 80 : index
      %swap3A_1124 = tpu.vector_load %arg7[%swap3A_1122, %swap3A_1123] {strides = array<i32>} : memref<256x128xf32, #tpu.memory_space<vmem>>, vector<1x16xf32>,
      %swap3A_1125 = vector.shape_cast %swap3A_1124 : vector<1x16xf32> to vector<16xf32>
      %swap3A_1126 = vector.shape_cast %get3A_1121 : vector<16xf32> to vector<1x16xf32>
      tpu.vector_store %arg7[%swap3A_1122, %swap3A_1123], %swap3A_1126 {strides = array<i32>} : memref<256x128xf32, #tpu.memory_space<vmem>>, vector<1x16xf32>,
      %mul3A_1127 = arith.constant 2 : i32
      %mul3A_1128 = arith.muli %mul3A_1127, %add3A_1048 : i32
      %add3A_1129 = arith.constant 1 : i32
      %add3A_1130 = arith.addi %mul3A_1128, %add3A_1129 : i32
      %get3A_1131 = arith.index_cast %add3A_1130 : i32 to index
      %get3A_1132 = arith.constant 32 : index
      %get3A_1133 = tpu.vector_load %arg6[%get3A_1131, %get3A_1132] {strides = array<i32>} : memref<512x64xf32, #tpu.memory_space<vmem>>, vector<1x16xf32>,
      %get3A_1134 = vector.shape_cast %get3A_1133 : vector<1x16xf32> to vector<16xf32>
      %swap3A_1135 = arith.index_cast %add3A_1048 : i32 to index
      %swap3A_1136 = arith.constant 96 : index
      %swap3A_1137 = tpu.vector_load %arg7[%swap3A_1135, %swap3A_1136] {strides = array<i32>} : memref<256x128xf32, #tpu.memory_space<vmem>>, vector<1x16xf32>,
      %swap3A_1138 = vector.shape_cast %swap3A_1137 : vector<1x16xf32> to vector<16xf32>
      %swap3A_1139 = vector.shape_cast %get3A_1134 : vector<16xf32> to vector<1x16xf32>
      tpu.vector_store %arg7[%swap3A_1135, %swap3A_1136], %swap3A_1139 {strides = array<i32>} : memref<256x128xf32, #tpu.memory_space<vmem>>, vector<1x16xf32>,
      %mul3A_1140 = arith.constant 2 : i32
      %mul3A_1141 = arith.muli %mul3A_1140, %add3A_1048 : i32
      %add3A_1142 = arith.constant 1 : i32
      %add3A_1143 = arith.addi %mul3A_1141, %add3A_1142 : i32
      %get3A_1144 = arith.index_cast %add3A_1143 : i32 to index
      %get3A_1145 = arith.constant 48 : index
      %get3A_1146 = tpu.vector_load %arg6[%get3A_1144, %get3A_1145] {strides = array<i32>} : memref<512x64xf32, #tpu.memory_space<vmem>>, vector<1x16xf32>,
      %get3A_1147 = vector.shape_cast %get3A_1146 : vector<1x16xf32> to vector<16xf32>
      %swap3A_1148 = arith.index_cast %add3A_1048 : i32 to index
      %swap3A_1149 = arith.constant 112 : index
      %swap3A_1150 = tpu.vector_load %arg7[%swap3A_1148, %swap3A_1149] {strides = array<i32>} : memref<256x128xf32, #tpu.memory_space<vmem>>, vector<1x16xf32>,
      %swap3A_1151 = vector.shape_cast %swap3A_1150 : vector<1x16xf32> to vector<16xf32>
      %swap3A_1152 = vector.shape_cast %get3A_1147 : vector<16xf32> to vector<1x16xf32>
      tpu.vector_store %arg7[%swap3A_1148, %swap3A_1149], %swap3A_1152 {strides = array<i32>} : memref<256x128xf32, #tpu.memory_space<vmem>>, vector<1x16xf32>,
      %mul3A_1153 = arith.constant 16 : i32
      %mul3A_1154 = arith.muli %scan3A_74, %mul3A_1153 : i32
      %add3A_1155 = arith.constant 10 : i32
      %add3A_1156 = arith.addi %mul3A_1154, %add3A_1155 : i32
      %mul3A_1157 = arith.constant 2 : i32
      %mul3A_1158 = arith.muli %mul3A_1157, %add3A_1156 : i32
      %add3A_1159 = arith.constant 0 : i32
      %add3A_1160 = arith.addi %mul3A_1158, %add3A_1159 : i32
      %get3A_1161 = arith.index_cast %add3A_1160 : i32 to index
      %get3A_1162 = arith.constant 0 : index
      %get3A_1163 = tpu.vector_load %arg6[%get3A_1161, %get3A_1162] {strides = array<i32>} : memref<512x64xf32, #tpu.memory_space<vmem>>, vector<1x16xf32>,
      %get3A_1164 = vector.shape_cast %get3A_1163 : vector<1x16xf32> to vector<16xf32>
      %swap3A_1165 = arith.index_cast %add3A_1156 : i32 to index
      %swap3A_1166 = arith.constant 0 : index
      %swap3A_1167 = tpu.vector_load %arg7[%swap3A_1165, %swap3A_1166] {strides = array<i32>} : memref<256x128xf32, #tpu.memory_space<vmem>>, vector<1x16xf32>,
      %swap3A_1168 = vector.shape_cast %swap3A_1167 : vector<1x16xf32> to vector<16xf32>
      %swap3A_1169 = vector.shape_cast %get3A_1164 : vector<16xf32> to vector<1x16xf32>
      tpu.vector_store %arg7[%swap3A_1165, %swap3A_1166], %swap3A_1169 {strides = array<i32>} : memref<256x128xf32, #tpu.memory_space<vmem>>, vector<1x16xf32>,
      %mul3A_1170 = arith.constant 2 : i32
      %mul3A_1171 = arith.muli %mul3A_1170, %add3A_1156 : i32
      %add3A_1172 = arith.constant 0 : i32
      %add3A_1173 = arith.addi %mul3A_1171, %add3A_1172 : i32
      %get3A_1174 = arith.index_cast %add3A_1173 : i32 to index
      %get3A_1175 = arith.constant 16 : index
      %get3A_1176 = tpu.vector_load %arg6[%get3A_1174, %get3A_1175] {strides = array<i32>} : memref<512x64xf32, #tpu.memory_space<vmem>>, vector<1x16xf32>,
      %get3A_1177 = vector.shape_cast %get3A_1176 : vector<1x16xf32> to vector<16xf32>
      %swap3A_1178 = arith.index_cast %add3A_1156 : i32 to index
      %swap3A_1179 = arith.constant 16 : index
      %swap3A_1180 = tpu.vector_load %arg7[%swap3A_1178, %swap3A_1179] {strides = array<i32>} : memref<256x128xf32, #tpu.memory_space<vmem>>, vector<1x16xf32>,
      %swap3A_1181 = vector.shape_cast %swap3A_1180 : vector<1x16xf32> to vector<16xf32>
      %swap3A_1182 = vector.shape_cast %get3A_1177 : vector<16xf32> to vector<1x16xf32>
      tpu.vector_store %arg7[%swap3A_1178, %swap3A_1179], %swap3A_1182 {strides = array<i32>} : memref<256x128xf32, #tpu.memory_space<vmem>>, vector<1x16xf32>,
      %mul3A_1183 = arith.constant 2 : i32
      %mul3A_1184 = arith.muli %mul3A_1183, %add3A_1156 : i32
      %add3A_1185 = arith.constant 0 : i32
      %add3A_1186 = arith.addi %mul3A_1184, %add3A_1185 : i32
      %get3A_1187 = arith.index_cast %add3A_1186 : i32 to index
      %get3A_1188 = arith.constant 32 : index
      %get3A_1189 = tpu.vector_load %arg6[%get3A_1187, %get3A_1188] {strides = array<i32>} : memref<512x64xf32, #tpu.memory_space<vmem>>, vector<1x16xf32>,
      %get3A_1190 = vector.shape_cast %get3A_1189 : vector<1x16xf32> to vector<16xf32>
      %swap3A_1191 = arith.index_cast %add3A_1156 : i32 to index
      %swap3A_1192 = arith.constant 32 : index
      %swap3A_1193 = tpu.vector_load %arg7[%swap3A_1191, %swap3A_1192] {strides = array<i32>} : memref<256x128xf32, #tpu.memory_space<vmem>>, vector<1x16xf32>,
      %swap3A_1194 = vector.shape_cast %swap3A_1193 : vector<1x16xf32> to vector<16xf32>
      %swap3A_1195 = vector.shape_cast %get3A_1190 : vector<16xf32> to vector<1x16xf32>
      tpu.vector_store %arg7[%swap3A_1191, %swap3A_1192], %swap3A_1195 {strides = array<i32>} : memref<256x128xf32, #tpu.memory_space<vmem>>, vector<1x16xf32>,
      %mul3A_1196 = arith.constant 2 : i32
      %mul3A_1197 = arith.muli %mul3A_1196, %add3A_1156 : i32
      %add3A_1198 = arith.constant 0 : i32
      %add3A_1199 = arith.addi %mul3A_1197, %add3A_1198 : i32
      %get3A_1200 = arith.index_cast %add3A_1199 : i32 to index
      %get3A_1201 = arith.constant 48 : index
      %get3A_1202 = tpu.vector_load %arg6[%get3A_1200, %get3A_1201] {strides = array<i32>} : memref<512x64xf32, #tpu.memory_space<vmem>>, vector<1x16xf32>,
      %get3A_1203 = vector.shape_cast %get3A_1202 : vector<1x16xf32> to vector<16xf32>
      %swap3A_1204 = arith.index_cast %add3A_1156 : i32 to index
      %swap3A_1205 = arith.constant 48 : index
      %swap3A_1206 = tpu.vector_load %arg7[%swap3A_1204, %swap3A_1205] {strides = array<i32>} : memref<256x128xf32, #tpu.memory_space<vmem>>, vector<1x16xf32>,
      %swap3A_1207 = vector.shape_cast %swap3A_1206 : vector<1x16xf32> to vector<16xf32>
      %swap3A_1208 = vector.shape_cast %get3A_1203 : vector<16xf32> to vector<1x16xf32>
      tpu.vector_store %arg7[%swap3A_1204, %swap3A_1205], %swap3A_1208 {strides = array<i32>} : memref<256x128xf32, #tpu.memory_space<vmem>>, vector<1x16xf32>,
      %mul3A_1209 = arith.constant 2 : i32
      %mul3A_1210 = arith.muli %mul3A_1209, %add3A_1156 : i32
      %add3A_1211 = arith.constant 1 : i32
      %add3A_1212 = arith.addi %mul3A_1210, %add3A_1211 : i32
      %get3A_1213 = arith.index_cast %add3A_1212 : i32 to index
      %get3A_1214 = arith.constant 0 : index
      %get3A_1215 = tpu.vector_load %arg6[%get3A_1213, %get3A_1214] {strides = array<i32>} : memref<512x64xf32, #tpu.memory_space<vmem>>, vector<1x16xf32>,
      %get3A_1216 = vector.shape_cast %get3A_1215 : vector<1x16xf32> to vector<16xf32>
      %swap3A_1217 = arith.index_cast %add3A_1156 : i32 to index
      %swap3A_1218 = arith.constant 64 : index
      %swap3A_1219 = tpu.vector_load %arg7[%swap3A_1217, %swap3A_1218] {strides = array<i32>} : memref<256x128xf32, #tpu.memory_space<vmem>>, vector<1x16xf32>,
      %swap3A_1220 = vector.shape_cast %swap3A_1219 : vector<1x16xf32> to vector<16xf32>
      %swap3A_1221 = vector.shape_cast %get3A_1216 : vector<16xf32> to vector<1x16xf32>
      tpu.vector_store %arg7[%swap3A_1217, %swap3A_1218], %swap3A_1221 {strides = array<i32>} : memref<256x128xf32, #tpu.memory_space<vmem>>, vector<1x16xf32>,
      %mul3A_1222 = arith.constant 2 : i32
      %mul3A_1223 = arith.muli %mul3A_1222, %add3A_1156 : i32
      %add3A_1224 = arith.constant 1 : i32
      %add3A_1225 = arith.addi %mul3A_1223, %add3A_1224 : i32
      %get3A_1226 = arith.index_cast %add3A_1225 : i32 to index
      %get3A_1227 = arith.constant 16 : index
      %get3A_1228 = tpu.vector_load %arg6[%get3A_1226, %get3A_1227] {strides = array<i32>} : memref<512x64xf32, #tpu.memory_space<vmem>>, vector<1x16xf32>,
      %get3A_1229 = vector.shape_cast %get3A_1228 : vector<1x16xf32> to vector<16xf32>
      %swap3A_1230 = arith.index_cast %add3A_1156 : i32 to index
      %swap3A_1231 = arith.constant 80 : index
      %swap3A_1232 = tpu.vector_load %arg7[%swap3A_1230, %swap3A_1231] {strides = array<i32>} : memref<256x128xf32, #tpu.memory_space<vmem>>, vector<1x16xf32>,
      %swap3A_1233 = vector.shape_cast %swap3A_1232 : vector<1x16xf32> to vector<16xf32>
      %swap3A_1234 = vector.shape_cast %get3A_1229 : vector<16xf32> to vector<1x16xf32>
      tpu.vector_store %arg7[%swap3A_1230, %swap3A_1231], %swap3A_1234 {strides = array<i32>} : memref<256x128xf32, #tpu.memory_space<vmem>>, vector<1x16xf32>,
      %mul3A_1235 = arith.constant 2 : i32
      %mul3A_1236 = arith.muli %mul3A_1235, %add3A_1156 : i32
      %add3A_1237 = arith.constant 1 : i32
      %add3A_1238 = arith.addi %mul3A_1236, %add3A_1237 : i32
      %get3A_1239 = arith.index_cast %add3A_1238 : i32 to index
      %get3A_1240 = arith.constant 32 : index
      %get3A_1241 = tpu.vector_load %arg6[%get3A_1239, %get3A_1240] {strides = array<i32>} : memref<512x64xf32, #tpu.memory_space<vmem>>, vector<1x16xf32>,
      %get3A_1242 = vector.shape_cast %get3A_1241 : vector<1x16xf32> to vector<16xf32>
      %swap3A_1243 = arith.index_cast %add3A_1156 : i32 to index
      %swap3A_1244 = arith.constant 96 : index
      %swap3A_1245 = tpu.vector_load %arg7[%swap3A_1243, %swap3A_1244] {strides = array<i32>} : memref<256x128xf32, #tpu.memory_space<vmem>>, vector<1x16xf32>,
      %swap3A_1246 = vector.shape_cast %swap3A_1245 : vector<1x16xf32> to vector<16xf32>
      %swap3A_1247 = vector.shape_cast %get3A_1242 : vector<16xf32> to vector<1x16xf32>
      tpu.vector_store %arg7[%swap3A_1243, %swap3A_1244], %swap3A_1247 {strides = array<i32>} : memref<256x128xf32, #tpu.memory_space<vmem>>, vector<1x16xf32>,
      %mul3A_1248 = arith.constant 2 : i32
      %mul3A_1249 = arith.muli %mul3A_1248, %add3A_1156 : i32
      %add3A_1250 = arith.constant 1 : i32
      %add3A_1251 = arith.addi %mul3A_1249, %add3A_1250 : i32
      %get3A_1252 = arith.index_cast %add3A_1251 : i32 to index
      %get3A_1253 = arith.constant 48 : index
      %get3A_1254 = tpu.vector_load %arg6[%get3A_1252, %get3A_1253] {strides = array<i32>} : memref<512x64xf32, #tpu.memory_space<vmem>>, vector<1x16xf32>,
      %get3A_1255 = vector.shape_cast %get3A_1254 : vector<1x16xf32> to vector<16xf32>
      %swap3A_1256 = arith.index_cast %add3A_1156 : i32 to index
      %swap3A_1257 = arith.constant 112 : index
      %swap3A_1258 = tpu.vector_load %arg7[%swap3A_1256, %swap3A_1257] {strides = array<i32>} : memref<256x128xf32, #tpu.memory_space<vmem>>, vector<1x16xf32>,
      %swap3A_1259 = vector.shape_cast %swap3A_1258 : vector<1x16xf32> to vector<16xf32>
      %swap3A_1260 = vector.shape_cast %get3A_1255 : vector<16xf32> to vector<1x16xf32>
      tpu.vector_store %arg7[%swap3A_1256, %swap3A_1257], %swap3A_1260 {strides = array<i32>} : memref<256x128xf32, #tpu.memory_space<vmem>>, vector<1x16xf32>,
      %mul3A_1261 = arith.constant 16 : i32
      %mul3A_1262 = arith.muli %scan3A_74, %mul3A_1261 : i32
      %add3A_1263 = arith.constant 11 : i32
      %add3A_1264 = arith.addi %mul3A_1262, %add3A_1263 : i32
      %mul3A_1265 = arith.constant 2 : i32
      %mul3A_1266 = arith.muli %mul3A_1265, %add3A_1264 : i32
      %add3A_1267 = arith.constant 0 : i32
      %add3A_1268 = arith.addi %mul3A_1266, %add3A_1267 : i32
      %get3A_1269 = arith.index_cast %add3A_1268 : i32 to index
      %get3A_1270 = arith.constant 0 : index
      %get3A_1271 = tpu.vector_load %arg6[%get3A_1269, %get3A_1270] {strides = array<i32>} : memref<512x64xf32, #tpu.memory_space<vmem>>, vector<1x16xf32>,
      %get3A_1272 = vector.shape_cast %get3A_1271 : vector<1x16xf32> to vector<16xf32>
      %swap3A_1273 = arith.index_cast %add3A_1264 : i32 to index
      %swap3A_1274 = arith.constant 0 : index
      %swap3A_1275 = tpu.vector_load %arg7[%swap3A_1273, %swap3A_1274] {strides = array<i32>} : memref<256x128xf32, #tpu.memory_space<vmem>>, vector<1x16xf32>,
      %swap3A_1276 = vector.shape_cast %swap3A_1275 : vector<1x16xf32> to vector<16xf32>
      %swap3A_1277 = vector.shape_cast %get3A_1272 : vector<16xf32> to vector<1x16xf32>
      tpu.vector_store %arg7[%swap3A_1273, %swap3A_1274], %swap3A_1277 {strides = array<i32>} : memref<256x128xf32, #tpu.memory_space<vmem>>, vector<1x16xf32>,
      %mul3A_1278 = arith.constant 2 : i32
      %mul3A_1279 = arith.muli %mul3A_1278, %add3A_1264 : i32
      %add3A_1280 = arith.constant 0 : i32
      %add3A_1281 = arith.addi %mul3A_1279, %add3A_1280 : i32
      %get3A_1282 = arith.index_cast %add3A_1281 : i32 to index
      %get3A_1283 = arith.constant 16 : index
      %get3A_1284 = tpu.vector_load %arg6[%get3A_1282, %get3A_1283] {strides = array<i32>} : memref<512x64xf32, #tpu.memory_space<vmem>>, vector<1x16xf32>,
      %get3A_1285 = vector.shape_cast %get3A_1284 : vector<1x16xf32> to vector<16xf32>
      %swap3A_1286 = arith.index_cast %add3A_1264 : i32 to index
      %swap3A_1287 = arith.constant 16 : index
      %swap3A_1288 = tpu.vector_load %arg7[%swap3A_1286, %swap3A_1287] {strides = array<i32>} : memref<256x128xf32, #tpu.memory_space<vmem>>, vector<1x16xf32>,
      %swap3A_1289 = vector.shape_cast %swap3A_1288 : vector<1x16xf32> to vector<16xf32>
      %swap3A_1290 = vector.shape_cast %get3A_1285 : vector<16xf32> to vector<1x16xf32>
      tpu.vector_store %arg7[%swap3A_1286, %swap3A_1287], %swap3A_1290 {strides = array<i32>} : memref<256x128xf32, #tpu.memory_space<vmem>>, vector<1x16xf32>,
      %mul3A_1291 = arith.constant 2 : i32
      %mul3A_1292 = arith.muli %mul3A_1291, %add3A_1264 : i32
      %add3A_1293 = arith.constant 0 : i32
      %add3A_1294 = arith.addi %mul3A_1292, %add3A_1293 : i32
      %get3A_1295 = arith.index_cast %add3A_1294 : i32 to index
      %get3A_1296 = arith.constant 32 : index
      %get3A_1297 = tpu.vector_load %arg6[%get3A_1295, %get3A_1296] {strides = array<i32>} : memref<512x64xf32, #tpu.memory_space<vmem>>, vector<1x16xf32>,
      %get3A_1298 = vector.shape_cast %get3A_1297 : vector<1x16xf32> to vector<16xf32>
      %swap3A_1299 = arith.index_cast %add3A_1264 : i32 to index
      %swap3A_1300 = arith.constant 32 : index
      %swap3A_1301 = tpu.vector_load %arg7[%swap3A_1299, %swap3A_1300] {strides = array<i32>} : memref<256x128xf32, #tpu.memory_space<vmem>>, vector<1x16xf32>,
      %swap3A_1302 = vector.shape_cast %swap3A_1301 : vector<1x16xf32> to vector<16xf32>
      %swap3A_1303 = vector.shape_cast %get3A_1298 : vector<16xf32> to vector<1x16xf32>
      tpu.vector_store %arg7[%swap3A_1299, %swap3A_1300], %swap3A_1303 {strides = array<i32>} : memref<256x128xf32, #tpu.memory_space<vmem>>, vector<1x16xf32>,
      %mul3A_1304 = arith.constant 2 : i32
      %mul3A_1305 = arith.muli %mul3A_1304, %add3A_1264 : i32
      %add3A_1306 = arith.constant 0 : i32
      %add3A_1307 = arith.addi %mul3A_1305, %add3A_1306 : i32
      %get3A_1308 = arith.index_cast %add3A_1307 : i32 to index
      %get3A_1309 = arith.constant 48 : index
      %get3A_1310 = tpu.vector_load %arg6[%get3A_1308, %get3A_1309] {strides = array<i32>} : memref<512x64xf32, #tpu.memory_space<vmem>>, vector<1x16xf32>,
      %get3A_1311 = vector.shape_cast %get3A_1310 : vector<1x16xf32> to vector<16xf32>
      %swap3A_1312 = arith.index_cast %add3A_1264 : i32 to index
      %swap3A_1313 = arith.constant 48 : index
      %swap3A_1314 = tpu.vector_load %arg7[%swap3A_1312, %swap3A_1313] {strides = array<i32>} : memref<256x128xf32, #tpu.memory_space<vmem>>, vector<1x16xf32>,
      %swap3A_1315 = vector.shape_cast %swap3A_1314 : vector<1x16xf32> to vector<16xf32>
      %swap3A_1316 = vector.shape_cast %get3A_1311 : vector<16xf32> to vector<1x16xf32>
      tpu.vector_store %arg7[%swap3A_1312, %swap3A_1313], %swap3A_1316 {strides = array<i32>} : memref<256x128xf32, #tpu.memory_space<vmem>>, vector<1x16xf32>,
      %mul3A_1317 = arith.constant 2 : i32
      %mul3A_1318 = arith.muli %mul3A_1317, %add3A_1264 : i32
      %add3A_1319 = arith.constant 1 : i32
      %add3A_1320 = arith.addi %mul3A_1318, %add3A_1319 : i32
      %get3A_1321 = arith.index_cast %add3A_1320 : i32 to index
      %get3A_1322 = arith.constant 0 : index
      %get3A_1323 = tpu.vector_load %arg6[%get3A_1321, %get3A_1322] {strides = array<i32>} : memref<512x64xf32, #tpu.memory_space<vmem>>, vector<1x16xf32>,
      %get3A_1324 = vector.shape_cast %get3A_1323 : vector<1x16xf32> to vector<16xf32>
      %swap3A_1325 = arith.index_cast %add3A_1264 : i32 to index
      %swap3A_1326 = arith.constant 64 : index
      %swap3A_1327 = tpu.vector_load %arg7[%swap3A_1325, %swap3A_1326] {strides = array<i32>} : memref<256x128xf32, #tpu.memory_space<vmem>>, vector<1x16xf32>,
      %swap3A_1328 = vector.shape_cast %swap3A_1327 : vector<1x16xf32> to vector<16xf32>
      %swap3A_1329 = vector.shape_cast %get3A_1324 : vector<16xf32> to vector<1x16xf32>
      tpu.vector_store %arg7[%swap3A_1325, %swap3A_1326], %swap3A_1329 {strides = array<i32>} : memref<256x128xf32, #tpu.memory_space<vmem>>, vector<1x16xf32>,
      %mul3A_1330 = arith.constant 2 : i32
      %mul3A_1331 = arith.muli %mul3A_1330, %add3A_1264 : i32
      %add3A_1332 = arith.constant 1 : i32
      %add3A_1333 = arith.addi %mul3A_1331, %add3A_1332 : i32
      %get3A_1334 = arith.index_cast %add3A_1333 : i32 to index
      %get3A_1335 = arith.constant 16 : index
      %get3A_1336 = tpu.vector_load %arg6[%get3A_1334, %get3A_1335] {strides = array<i32>} : memref<512x64xf32, #tpu.memory_space<vmem>>, vector<1x16xf32>,
      %get3A_1337 = vector.shape_cast %get3A_1336 : vector<1x16xf32> to vector<16xf32>
      %swap3A_1338 = arith.index_cast %add3A_1264 : i32 to index
      %swap3A_1339 = arith.constant 80 : index
      %swap3A_1340 = tpu.vector_load %arg7[%swap3A_1338, %swap3A_1339] {strides = array<i32>} : memref<256x128xf32, #tpu.memory_space<vmem>>, vector<1x16xf32>,
      %swap3A_1341 = vector.shape_cast %swap3A_1340 : vector<1x16xf32> to vector<16xf32>
      %swap3A_1342 = vector.shape_cast %get3A_1337 : vector<16xf32> to vector<1x16xf32>
      tpu.vector_store %arg7[%swap3A_1338, %swap3A_1339], %swap3A_1342 {strides = array<i32>} : memref<256x128xf32, #tpu.memory_space<vmem>>, vector<1x16xf32>,
      %mul3A_1343 = arith.constant 2 : i32
      %mul3A_1344 = arith.muli %mul3A_1343, %add3A_1264 : i32
      %add3A_1345 = arith.constant 1 : i32
      %add3A_1346 = arith.addi %mul3A_1344, %add3A_1345 : i32
      %get3A_1347 = arith.index_cast %add3A_1346 : i32 to index
      %get3A_1348 = arith.constant 32 : index
      %get3A_1349 = tpu.vector_load %arg6[%get3A_1347, %get3A_1348] {strides = array<i32>} : memref<512x64xf32, #tpu.memory_space<vmem>>, vector<1x16xf32>,
      %get3A_1350 = vector.shape_cast %get3A_1349 : vector<1x16xf32> to vector<16xf32>
      %swap3A_1351 = arith.index_cast %add3A_1264 : i32 to index
      %swap3A_1352 = arith.constant 96 : index
      %swap3A_1353 = tpu.vector_load %arg7[%swap3A_1351, %swap3A_1352] {strides = array<i32>} : memref<256x128xf32, #tpu.memory_space<vmem>>, vector<1x16xf32>,
      %swap3A_1354 = vector.shape_cast %swap3A_1353 : vector<1x16xf32> to vector<16xf32>
      %swap3A_1355 = vector.shape_cast %get3A_1350 : vector<16xf32> to vector<1x16xf32>
      tpu.vector_store %arg7[%swap3A_1351, %swap3A_1352], %swap3A_1355 {strides = array<i32>} : memref<256x128xf32, #tpu.memory_space<vmem>>, vector<1x16xf32>,
      %mul3A_1356 = arith.constant 2 : i32
      %mul3A_1357 = arith.muli %mul3A_1356, %add3A_1264 : i32
      %add3A_1358 = arith.constant 1 : i32
      %add3A_1359 = arith.addi %mul3A_1357, %add3A_1358 : i32
      %get3A_1360 = arith.index_cast %add3A_1359 : i32 to index
      %get3A_1361 = arith.constant 48 : index
      %get3A_1362 = tpu.vector_load %arg6[%get3A_1360, %get3A_1361] {strides = array<i32>} : memref<512x64xf32, #tpu.memory_space<vmem>>, vector<1x16xf32>,
      %get3A_1363 = vector.shape_cast %get3A_1362 : vector<1x16xf32> to vector<16xf32>
      %swap3A_1364 = arith.index_cast %add3A_1264 : i32 to index
      %swap3A_1365 = arith.constant 112 : index
      %swap3A_1366 = tpu.vector_load %arg7[%swap3A_1364, %swap3A_1365] {strides = array<i32>} : memref<256x128xf32, #tpu.memory_space<vmem>>, vector<1x16xf32>,
      %swap3A_1367 = vector.shape_cast %swap3A_1366 : vector<1x16xf32> to vector<16xf32>
      %swap3A_1368 = vector.shape_cast %get3A_1363 : vector<16xf32> to vector<1x16xf32>
      tpu.vector_store %arg7[%swap3A_1364, %swap3A_1365], %swap3A_1368 {strides = array<i32>} : memref<256x128xf32, #tpu.memory_space<vmem>>, vector<1x16xf32>,
      %mul3A_1369 = arith.constant 16 : i32
      %mul3A_1370 = arith.muli %scan3A_74, %mul3A_1369 : i32
      %add3A_1371 = arith.constant 12 : i32
      %add3A_1372 = arith.addi %mul3A_1370, %add3A_1371 : i32
      %mul3A_1373 = arith.constant 2 : i32
      %mul3A_1374 = arith.muli %mul3A_1373, %add3A_1372 : i32
      %add3A_1375 = arith.constant 0 : i32
      %add3A_1376 = arith.addi %mul3A_1374, %add3A_1375 : i32
      %get3A_1377 = arith.index_cast %add3A_1376 : i32 to index
      %get3A_1378 = arith.constant 0 : index
      %get3A_1379 = tpu.vector_load %arg6[%get3A_1377, %get3A_1378] {strides = array<i32>} : memref<512x64xf32, #tpu.memory_space<vmem>>, vector<1x16xf32>,
      %get3A_1380 = vector.shape_cast %get3A_1379 : vector<1x16xf32> to vector<16xf32>
      %swap3A_1381 = arith.index_cast %add3A_1372 : i32 to index
      %swap3A_1382 = arith.constant 0 : index
      %swap3A_1383 = tpu.vector_load %arg7[%swap3A_1381, %swap3A_1382] {strides = array<i32>} : memref<256x128xf32, #tpu.memory_space<vmem>>, vector<1x16xf32>,
      %swap3A_1384 = vector.shape_cast %swap3A_1383 : vector<1x16xf32> to vector<16xf32>
      %swap3A_1385 = vector.shape_cast %get3A_1380 : vector<16xf32> to vector<1x16xf32>
      tpu.vector_store %arg7[%swap3A_1381, %swap3A_1382], %swap3A_1385 {strides = array<i32>} : memref<256x128xf32, #tpu.memory_space<vmem>>, vector<1x16xf32>,
      %mul3A_1386 = arith.constant 2 : i32
      %mul3A_1387 = arith.muli %mul3A_1386, %add3A_1372 : i32
      %add3A_1388 = arith.constant 0 : i32
      %add3A_1389 = arith.addi %mul3A_1387, %add3A_1388 : i32
      %get3A_1390 = arith.index_cast %add3A_1389 : i32 to index
      %get3A_1391 = arith.constant 16 : index
      %get3A_1392 = tpu.vector_load %arg6[%get3A_1390, %get3A_1391] {strides = array<i32>} : memref<512x64xf32, #tpu.memory_space<vmem>>, vector<1x16xf32>,
      %get3A_1393 = vector.shape_cast %get3A_1392 : vector<1x16xf32> to vector<16xf32>
      %swap3A_1394 = arith.index_cast %add3A_1372 : i32 to index
      %swap3A_1395 = arith.constant 16 : index
      %swap3A_1396 = tpu.vector_load %arg7[%swap3A_1394, %swap3A_1395] {strides = array<i32>} : memref<256x128xf32, #tpu.memory_space<vmem>>, vector<1x16xf32>,
      %swap3A_1397 = vector.shape_cast %swap3A_1396 : vector<1x16xf32> to vector<16xf32>
      %swap3A_1398 = vector.shape_cast %get3A_1393 : vector<16xf32> to vector<1x16xf32>
      tpu.vector_store %arg7[%swap3A_1394, %swap3A_1395], %swap3A_1398 {strides = array<i32>} : memref<256x128xf32, #tpu.memory_space<vmem>>, vector<1x16xf32>,
      %mul3A_1399 = arith.constant 2 : i32
      %mul3A_1400 = arith.muli %mul3A_1399, %add3A_1372 : i32
      %add3A_1401 = arith.constant 0 : i32
      %add3A_1402 = arith.addi %mul3A_1400, %add3A_1401 : i32
      %get3A_1403 = arith.index_cast %add3A_1402 : i32 to index
      %get3A_1404 = arith.constant 32 : index
      %get3A_1405 = tpu.vector_load %arg6[%get3A_1403, %get3A_1404] {strides = array<i32>} : memref<512x64xf32, #tpu.memory_space<vmem>>, vector<1x16xf32>,
      %get3A_1406 = vector.shape_cast %get3A_1405 : vector<1x16xf32> to vector<16xf32>
      %swap3A_1407 = arith.index_cast %add3A_1372 : i32 to index
      %swap3A_1408 = arith.constant 32 : index
      %swap3A_1409 = tpu.vector_load %arg7[%swap3A_1407, %swap3A_1408] {strides = array<i32>} : memref<256x128xf32, #tpu.memory_space<vmem>>, vector<1x16xf32>,
      %swap3A_1410 = vector.shape_cast %swap3A_1409 : vector<1x16xf32> to vector<16xf32>
      %swap3A_1411 = vector.shape_cast %get3A_1406 : vector<16xf32> to vector<1x16xf32>
      tpu.vector_store %arg7[%swap3A_1407, %swap3A_1408], %swap3A_1411 {strides = array<i32>} : memref<256x128xf32, #tpu.memory_space<vmem>>, vector<1x16xf32>,
      %mul3A_1412 = arith.constant 2 : i32
      %mul3A_1413 = arith.muli %mul3A_1412, %add3A_1372 : i32
      %add3A_1414 = arith.constant 0 : i32
      %add3A_1415 = arith.addi %mul3A_1413, %add3A_1414 : i32
      %get3A_1416 = arith.index_cast %add3A_1415 : i32 to index
      %get3A_1417 = arith.constant 48 : index
      %get3A_1418 = tpu.vector_load %arg6[%get3A_1416, %get3A_1417] {strides = array<i32>} : memref<512x64xf32, #tpu.memory_space<vmem>>, vector<1x16xf32>,
      %get3A_1419 = vector.shape_cast %get3A_1418 : vector<1x16xf32> to vector<16xf32>
      %swap3A_1420 = arith.index_cast %add3A_1372 : i32 to index
      %swap3A_1421 = arith.constant 48 : index
      %swap3A_1422 = tpu.vector_load %arg7[%swap3A_1420, %swap3A_1421] {strides = array<i32>} : memref<256x128xf32, #tpu.memory_space<vmem>>, vector<1x16xf32>,
      %swap3A_1423 = vector.shape_cast %swap3A_1422 : vector<1x16xf32> to vector<16xf32>
      %swap3A_1424 = vector.shape_cast %get3A_1419 : vector<16xf32> to vector<1x16xf32>
      tpu.vector_store %arg7[%swap3A_1420, %swap3A_1421], %swap3A_1424 {strides = array<i32>} : memref<256x128xf32, #tpu.memory_space<vmem>>, vector<1x16xf32>,
      %mul3A_1425 = arith.constant 2 : i32
      %mul3A_1426 = arith.muli %mul3A_1425, %add3A_1372 : i32
      %add3A_1427 = arith.constant 1 : i32
      %add3A_1428 = arith.addi %mul3A_1426, %add3A_1427 : i32
      %get3A_1429 = arith.index_cast %add3A_1428 : i32 to index
      %get3A_1430 = arith.constant 0 : index
      %get3A_1431 = tpu.vector_load %arg6[%get3A_1429, %get3A_1430] {strides = array<i32>} : memref<512x64xf32, #tpu.memory_space<vmem>>, vector<1x16xf32>,
      %get3A_1432 = vector.shape_cast %get3A_1431 : vector<1x16xf32> to vector<16xf32>
      %swap3A_1433 = arith.index_cast %add3A_1372 : i32 to index
      %swap3A_1434 = arith.constant 64 : index
      %swap3A_1435 = tpu.vector_load %arg7[%swap3A_1433, %swap3A_1434] {strides = array<i32>} : memref<256x128xf32, #tpu.memory_space<vmem>>, vector<1x16xf32>,
      %swap3A_1436 = vector.shape_cast %swap3A_1435 : vector<1x16xf32> to vector<16xf32>
      %swap3A_1437 = vector.shape_cast %get3A_1432 : vector<16xf32> to vector<1x16xf32>
      tpu.vector_store %arg7[%swap3A_1433, %swap3A_1434], %swap3A_1437 {strides = array<i32>} : memref<256x128xf32, #tpu.memory_space<vmem>>, vector<1x16xf32>,
      %mul3A_1438 = arith.constant 2 : i32
      %mul3A_1439 = arith.muli %mul3A_1438, %add3A_1372 : i32
      %add3A_1440 = arith.constant 1 : i32
      %add3A_1441 = arith.addi %mul3A_1439, %add3A_1440 : i32
      %get3A_1442 = arith.index_cast %add3A_1441 : i32 to index
      %get3A_1443 = arith.constant 16 : index
      %get3A_1444 = tpu.vector_load %arg6[%get3A_1442, %get3A_1443] {strides = array<i32>} : memref<512x64xf32, #tpu.memory_space<vmem>>, vector<1x16xf32>,
      %get3A_1445 = vector.shape_cast %get3A_1444 : vector<1x16xf32> to vector<16xf32>
      %swap3A_1446 = arith.index_cast %add3A_1372 : i32 to index
      %swap3A_1447 = arith.constant 80 : index
      %swap3A_1448 = tpu.vector_load %arg7[%swap3A_1446, %swap3A_1447] {strides = array<i32>} : memref<256x128xf32, #tpu.memory_space<vmem>>, vector<1x16xf32>,
      %swap3A_1449 = vector.shape_cast %swap3A_1448 : vector<1x16xf32> to vector<16xf32>
      %swap3A_1450 = vector.shape_cast %get3A_1445 : vector<16xf32> to vector<1x16xf32>
      tpu.vector_store %arg7[%swap3A_1446, %swap3A_1447], %swap3A_1450 {strides = array<i32>} : memref<256x128xf32, #tpu.memory_space<vmem>>, vector<1x16xf32>,
      %mul3A_1451 = arith.constant 2 : i32
      %mul3A_1452 = arith.muli %mul3A_1451, %add3A_1372 : i32
      %add3A_1453 = arith.constant 1 : i32
      %add3A_1454 = arith.addi %mul3A_1452, %add3A_1453 : i32
      %get3A_1455 = arith.index_cast %add3A_1454 : i32 to index
      %get3A_1456 = arith.constant 32 : index
      %get3A_1457 = tpu.vector_load %arg6[%get3A_1455, %get3A_1456] {strides = array<i32>} : memref<512x64xf32, #tpu.memory_space<vmem>>, vector<1x16xf32>,
      %get3A_1458 = vector.shape_cast %get3A_1457 : vector<1x16xf32> to vector<16xf32>
      %swap3A_1459 = arith.index_cast %add3A_1372 : i32 to index
      %swap3A_1460 = arith.constant 96 : index
      %swap3A_1461 = tpu.vector_load %arg7[%swap3A_1459, %swap3A_1460] {strides = array<i32>} : memref<256x128xf32, #tpu.memory_space<vmem>>, vector<1x16xf32>,
      %swap3A_1462 = vector.shape_cast %swap3A_1461 : vector<1x16xf32> to vector<16xf32>
      %swap3A_1463 = vector.shape_cast %get3A_1458 : vector<16xf32> to vector<1x16xf32>
      tpu.vector_store %arg7[%swap3A_1459, %swap3A_1460], %swap3A_1463 {strides = array<i32>} : memref<256x128xf32, #tpu.memory_space<vmem>>, vector<1x16xf32>,
      %mul3A_1464 = arith.constant 2 : i32
      %mul3A_1465 = arith.muli %mul3A_1464, %add3A_1372 : i32
      %add3A_1466 = arith.constant 1 : i32
      %add3A_1467 = arith.addi %mul3A_1465, %add3A_1466 : i32
      %get3A_1468 = arith.index_cast %add3A_1467 : i32 to index
      %get3A_1469 = arith.constant 48 : index
      %get3A_1470 = tpu.vector_load %arg6[%get3A_1468, %get3A_1469] {strides = array<i32>} : memref<512x64xf32, #tpu.memory_space<vmem>>, vector<1x16xf32>,
      %get3A_1471 = vector.shape_cast %get3A_1470 : vector<1x16xf32> to vector<16xf32>
      %swap3A_1472 = arith.index_cast %add3A_1372 : i32 to index
      %swap3A_1473 = arith.constant 112 : index
      %swap3A_1474 = tpu.vector_load %arg7[%swap3A_1472, %swap3A_1473] {strides = array<i32>} : memref<256x128xf32, #tpu.memory_space<vmem>>, vector<1x16xf32>,
      %swap3A_1475 = vector.shape_cast %swap3A_1474 : vector<1x16xf32> to vector<16xf32>
      %swap3A_1476 = vector.shape_cast %get3A_1471 : vector<16xf32> to vector<1x16xf32>
      tpu.vector_store %arg7[%swap3A_1472, %swap3A_1473], %swap3A_1476 {strides = array<i32>} : memref<256x128xf32, #tpu.memory_space<vmem>>, vector<1x16xf32>,
      %mul3A_1477 = arith.constant 16 : i32
      %mul3A_1478 = arith.muli %scan3A_74, %mul3A_1477 : i32
      %add3A_1479 = arith.constant 13 : i32
      %add3A_1480 = arith.addi %mul3A_1478, %add3A_1479 : i32
      %mul3A_1481 = arith.constant 2 : i32
      %mul3A_1482 = arith.muli %mul3A_1481, %add3A_1480 : i32
      %add3A_1483 = arith.constant 0 : i32
      %add3A_1484 = arith.addi %mul3A_1482, %add3A_1483 : i32
      %get3A_1485 = arith.index_cast %add3A_1484 : i32 to index
      %get3A_1486 = arith.constant 0 : index
      %get3A_1487 = tpu.vector_load %arg6[%get3A_1485, %get3A_1486] {strides = array<i32>} : memref<512x64xf32, #tpu.memory_space<vmem>>, vector<1x16xf32>,
      %get3A_1488 = vector.shape_cast %get3A_1487 : vector<1x16xf32> to vector<16xf32>
      %swap3A_1489 = arith.index_cast %add3A_1480 : i32 to index
      %swap3A_1490 = arith.constant 0 : index
      %swap3A_1491 = tpu.vector_load %arg7[%swap3A_1489, %swap3A_1490] {strides = array<i32>} : memref<256x128xf32, #tpu.memory_space<vmem>>, vector<1x16xf32>,
      %swap3A_1492 = vector.shape_cast %swap3A_1491 : vector<1x16xf32> to vector<16xf32>
      %swap3A_1493 = vector.shape_cast %get3A_1488 : vector<16xf32> to vector<1x16xf32>
      tpu.vector_store %arg7[%swap3A_1489, %swap3A_1490], %swap3A_1493 {strides = array<i32>} : memref<256x128xf32, #tpu.memory_space<vmem>>, vector<1x16xf32>,
      %mul3A_1494 = arith.constant 2 : i32
      %mul3A_1495 = arith.muli %mul3A_1494, %add3A_1480 : i32
      %add3A_1496 = arith.constant 0 : i32
      %add3A_1497 = arith.addi %mul3A_1495, %add3A_1496 : i32
      %get3A_1498 = arith.index_cast %add3A_1497 : i32 to index
      %get3A_1499 = arith.constant 16 : index
      %get3A_1500 = tpu.vector_load %arg6[%get3A_1498, %get3A_1499] {strides = array<i32>} : memref<512x64xf32, #tpu.memory_space<vmem>>, vector<1x16xf32>,
      %get3A_1501 = vector.shape_cast %get3A_1500 : vector<1x16xf32> to vector<16xf32>
      %swap3A_1502 = arith.index_cast %add3A_1480 : i32 to index
      %swap3A_1503 = arith.constant 16 : index
      %swap3A_1504 = tpu.vector_load %arg7[%swap3A_1502, %swap3A_1503] {strides = array<i32>} : memref<256x128xf32, #tpu.memory_space<vmem>>, vector<1x16xf32>,
      %swap3A_1505 = vector.shape_cast %swap3A_1504 : vector<1x16xf32> to vector<16xf32>
      %swap3A_1506 = vector.shape_cast %get3A_1501 : vector<16xf32> to vector<1x16xf32>
      tpu.vector_store %arg7[%swap3A_1502, %swap3A_1503], %swap3A_1506 {strides = array<i32>} : memref<256x128xf32, #tpu.memory_space<vmem>>, vector<1x16xf32>,
      %mul3A_1507 = arith.constant 2 : i32
      %mul3A_1508 = arith.muli %mul3A_1507, %add3A_1480 : i32
      %add3A_1509 = arith.constant 0 : i32
      %add3A_1510 = arith.addi %mul3A_1508, %add3A_1509 : i32
      %get3A_1511 = arith.index_cast %add3A_1510 : i32 to index
      %get3A_1512 = arith.constant 32 : index
      %get3A_1513 = tpu.vector_load %arg6[%get3A_1511, %get3A_1512] {strides = array<i32>} : memref<512x64xf32, #tpu.memory_space<vmem>>, vector<1x16xf32>,
      %get3A_1514 = vector.shape_cast %get3A_1513 : vector<1x16xf32> to vector<16xf32>
      %swap3A_1515 = arith.index_cast %add3A_1480 : i32 to index
      %swap3A_1516 = arith.constant 32 : index
      %swap3A_1517 = tpu.vector_load %arg7[%swap3A_1515, %swap3A_1516] {strides = array<i32>} : memref<256x128xf32, #tpu.memory_space<vmem>>, vector<1x16xf32>,
      %swap3A_1518 = vector.shape_cast %swap3A_1517 : vector<1x16xf32> to vector<16xf32>
      %swap3A_1519 = vector.shape_cast %get3A_1514 : vector<16xf32> to vector<1x16xf32>
      tpu.vector_store %arg7[%swap3A_1515, %swap3A_1516], %swap3A_1519 {strides = array<i32>} : memref<256x128xf32, #tpu.memory_space<vmem>>, vector<1x16xf32>,
      %mul3A_1520 = arith.constant 2 : i32
      %mul3A_1521 = arith.muli %mul3A_1520, %add3A_1480 : i32
      %add3A_1522 = arith.constant 0 : i32
      %add3A_1523 = arith.addi %mul3A_1521, %add3A_1522 : i32
      %get3A_1524 = arith.index_cast %add3A_1523 : i32 to index
      %get3A_1525 = arith.constant 48 : index
      %get3A_1526 = tpu.vector_load %arg6[%get3A_1524, %get3A_1525] {strides = array<i32>} : memref<512x64xf32, #tpu.memory_space<vmem>>, vector<1x16xf32>,
      %get3A_1527 = vector.shape_cast %get3A_1526 : vector<1x16xf32> to vector<16xf32>
      %swap3A_1528 = arith.index_cast %add3A_1480 : i32 to index
      %swap3A_1529 = arith.constant 48 : index
      %swap3A_1530 = tpu.vector_load %arg7[%swap3A_1528, %swap3A_1529] {strides = array<i32>} : memref<256x128xf32, #tpu.memory_space<vmem>>, vector<1x16xf32>,
      %swap3A_1531 = vector.shape_cast %swap3A_1530 : vector<1x16xf32> to vector<16xf32>
      %swap3A_1532 = vector.shape_cast %get3A_1527 : vector<16xf32> to vector<1x16xf32>
      tpu.vector_store %arg7[%swap3A_1528, %swap3A_1529], %swap3A_1532 {strides = array<i32>} : memref<256x128xf32, #tpu.memory_space<vmem>>, vector<1x16xf32>,
      %mul3A_1533 = arith.constant 2 : i32
      %mul3A_1534 = arith.muli %mul3A_1533, %add3A_1480 : i32
      %add3A_1535 = arith.constant 1 : i32
      %add3A_1536 = arith.addi %mul3A_1534, %add3A_1535 : i32
      %get3A_1537 = arith.index_cast %add3A_1536 : i32 to index
      %get3A_1538 = arith.constant 0 : index
      %get3A_1539 = tpu.vector_load %arg6[%get3A_1537, %get3A_1538] {strides = array<i32>} : memref<512x64xf32, #tpu.memory_space<vmem>>, vector<1x16xf32>,
      %get3A_1540 = vector.shape_cast %get3A_1539 : vector<1x16xf32> to vector<16xf32>
      %swap3A_1541 = arith.index_cast %add3A_1480 : i32 to index
      %swap3A_1542 = arith.constant 64 : index
      %swap3A_1543 = tpu.vector_load %arg7[%swap3A_1541, %swap3A_1542] {strides = array<i32>} : memref<256x128xf32, #tpu.memory_space<vmem>>, vector<1x16xf32>,
      %swap3A_1544 = vector.shape_cast %swap3A_1543 : vector<1x16xf32> to vector<16xf32>
      %swap3A_1545 = vector.shape_cast %get3A_1540 : vector<16xf32> to vector<1x16xf32>
      tpu.vector_store %arg7[%swap3A_1541, %swap3A_1542], %swap3A_1545 {strides = array<i32>} : memref<256x128xf32, #tpu.memory_space<vmem>>, vector<1x16xf32>,
      %mul3A_1546 = arith.constant 2 : i32
      %mul3A_1547 = arith.muli %mul3A_1546, %add3A_1480 : i32
      %add3A_1548 = arith.constant 1 : i32
      %add3A_1549 = arith.addi %mul3A_1547, %add3A_1548 : i32
      %get3A_1550 = arith.index_cast %add3A_1549 : i32 to index
      %get3A_1551 = arith.constant 16 : index
      %get3A_1552 = tpu.vector_load %arg6[%get3A_1550, %get3A_1551] {strides = array<i32>} : memref<512x64xf32, #tpu.memory_space<vmem>>, vector<1x16xf32>,
      %get3A_1553 = vector.shape_cast %get3A_1552 : vector<1x16xf32> to vector<16xf32>
      %swap3A_1554 = arith.index_cast %add3A_1480 : i32 to index
      %swap3A_1555 = arith.constant 80 : index
      %swap3A_1556 = tpu.vector_load %arg7[%swap3A_1554, %swap3A_1555] {strides = array<i32>} : memref<256x128xf32, #tpu.memory_space<vmem>>, vector<1x16xf32>,
      %swap3A_1557 = vector.shape_cast %swap3A_1556 : vector<1x16xf32> to vector<16xf32>
      %swap3A_1558 = vector.shape_cast %get3A_1553 : vector<16xf32> to vector<1x16xf32>
      tpu.vector_store %arg7[%swap3A_1554, %swap3A_1555], %swap3A_1558 {strides = array<i32>} : memref<256x128xf32, #tpu.memory_space<vmem>>, vector<1x16xf32>,
      %mul3A_1559 = arith.constant 2 : i32
      %mul3A_1560 = arith.muli %mul3A_1559, %add3A_1480 : i32
      %add3A_1561 = arith.constant 1 : i32
      %add3A_1562 = arith.addi %mul3A_1560, %add3A_1561 : i32
      %get3A_1563 = arith.index_cast %add3A_1562 : i32 to index
      %get3A_1564 = arith.constant 32 : index
      %get3A_1565 = tpu.vector_load %arg6[%get3A_1563, %get3A_1564] {strides = array<i32>} : memref<512x64xf32, #tpu.memory_space<vmem>>, vector<1x16xf32>,
      %get3A_1566 = vector.shape_cast %get3A_1565 : vector<1x16xf32> to vector<16xf32>
      %swap3A_1567 = arith.index_cast %add3A_1480 : i32 to index
      %swap3A_1568 = arith.constant 96 : index
      %swap3A_1569 = tpu.vector_load %arg7[%swap3A_1567, %swap3A_1568] {strides = array<i32>} : memref<256x128xf32, #tpu.memory_space<vmem>>, vector<1x16xf32>,
      %swap3A_1570 = vector.shape_cast %swap3A_1569 : vector<1x16xf32> to vector<16xf32>
      %swap3A_1571 = vector.shape_cast %get3A_1566 : vector<16xf32> to vector<1x16xf32>
      tpu.vector_store %arg7[%swap3A_1567, %swap3A_1568], %swap3A_1571 {strides = array<i32>} : memref<256x128xf32, #tpu.memory_space<vmem>>, vector<1x16xf32>,
      %mul3A_1572 = arith.constant 2 : i32
      %mul3A_1573 = arith.muli %mul3A_1572, %add3A_1480 : i32
      %add3A_1574 = arith.constant 1 : i32
      %add3A_1575 = arith.addi %mul3A_1573, %add3A_1574 : i32
      %get3A_1576 = arith.index_cast %add3A_1575 : i32 to index
      %get3A_1577 = arith.constant 48 : index
      %get3A_1578 = tpu.vector_load %arg6[%get3A_1576, %get3A_1577] {strides = array<i32>} : memref<512x64xf32, #tpu.memory_space<vmem>>, vector<1x16xf32>,
      %get3A_1579 = vector.shape_cast %get3A_1578 : vector<1x16xf32> to vector<16xf32>
      %swap3A_1580 = arith.index_cast %add3A_1480 : i32 to index
      %swap3A_1581 = arith.constant 112 : index
      %swap3A_1582 = tpu.vector_load %arg7[%swap3A_1580, %swap3A_1581] {strides = array<i32>} : memref<256x128xf32, #tpu.memory_space<vmem>>, vector<1x16xf32>,
      %swap3A_1583 = vector.shape_cast %swap3A_1582 : vector<1x16xf32> to vector<16xf32>
      %swap3A_1584 = vector.shape_cast %get3A_1579 : vector<16xf32> to vector<1x16xf32>
      tpu.vector_store %arg7[%swap3A_1580, %swap3A_1581], %swap3A_1584 {strides = array<i32>} : memref<256x128xf32, #tpu.memory_space<vmem>>, vector<1x16xf32>,
      %mul3A_1585 = arith.constant 16 : i32
      %mul3A_1586 = arith.muli %scan3A_74, %mul3A_1585 : i32
      %add3A_1587 = arith.constant 14 : i32
      %add3A_1588 = arith.addi %mul3A_1586, %add3A_1587 : i32
      %mul3A_1589 = arith.constant 2 : i32
      %mul3A_1590 = arith.muli %mul3A_1589, %add3A_1588 : i32
      %add3A_1591 = arith.constant 0 : i32
      %add3A_1592 = arith.addi %mul3A_1590, %add3A_1591 : i32
      %get3A_1593 = arith.index_cast %add3A_1592 : i32 to index
      %get3A_1594 = arith.constant 0 : index
      %get3A_1595 = tpu.vector_load %arg6[%get3A_1593, %get3A_1594] {strides = array<i32>} : memref<512x64xf32, #tpu.memory_space<vmem>>, vector<1x16xf32>,
      %get3A_1596 = vector.shape_cast %get3A_1595 : vector<1x16xf32> to vector<16xf32>
      %swap3A_1597 = arith.index_cast %add3A_1588 : i32 to index
      %swap3A_1598 = arith.constant 0 : index
      %swap3A_1599 = tpu.vector_load %arg7[%swap3A_1597, %swap3A_1598] {strides = array<i32>} : memref<256x128xf32, #tpu.memory_space<vmem>>, vector<1x16xf32>,
      %swap3A_1600 = vector.shape_cast %swap3A_1599 : vector<1x16xf32> to vector<16xf32>
      %swap3A_1601 = vector.shape_cast %get3A_1596 : vector<16xf32> to vector<1x16xf32>
      tpu.vector_store %arg7[%swap3A_1597, %swap3A_1598], %swap3A_1601 {strides = array<i32>} : memref<256x128xf32, #tpu.memory_space<vmem>>, vector<1x16xf32>,
      %mul3A_1602 = arith.constant 2 : i32
      %mul3A_1603 = arith.muli %mul3A_1602, %add3A_1588 : i32
      %add3A_1604 = arith.constant 0 : i32
      %add3A_1605 = arith.addi %mul3A_1603, %add3A_1604 : i32
      %get3A_1606 = arith.index_cast %add3A_1605 : i32 to index
      %get3A_1607 = arith.constant 16 : index
      %get3A_1608 = tpu.vector_load %arg6[%get3A_1606, %get3A_1607] {strides = array<i32>} : memref<512x64xf32, #tpu.memory_space<vmem>>, vector<1x16xf32>,
      %get3A_1609 = vector.shape_cast %get3A_1608 : vector<1x16xf32> to vector<16xf32>
      %swap3A_1610 = arith.index_cast %add3A_1588 : i32 to index
      %swap3A_1611 = arith.constant 16 : index
      %swap3A_1612 = tpu.vector_load %arg7[%swap3A_1610, %swap3A_1611] {strides = array<i32>} : memref<256x128xf32, #tpu.memory_space<vmem>>, vector<1x16xf32>,
      %swap3A_1613 = vector.shape_cast %swap3A_1612 : vector<1x16xf32> to vector<16xf32>
      %swap3A_1614 = vector.shape_cast %get3A_1609 : vector<16xf32> to vector<1x16xf32>
      tpu.vector_store %arg7[%swap3A_1610, %swap3A_1611], %swap3A_1614 {strides = array<i32>} : memref<256x128xf32, #tpu.memory_space<vmem>>, vector<1x16xf32>,
      %mul3A_1615 = arith.constant 2 : i32
      %mul3A_1616 = arith.muli %mul3A_1615, %add3A_1588 : i32
      %add3A_1617 = arith.constant 0 : i32
      %add3A_1618 = arith.addi %mul3A_1616, %add3A_1617 : i32
      %get3A_1619 = arith.index_cast %add3A_1618 : i32 to index
      %get3A_1620 = arith.constant 32 : index
      %get3A_1621 = tpu.vector_load %arg6[%get3A_1619, %get3A_1620] {strides = array<i32>} : memref<512x64xf32, #tpu.memory_space<vmem>>, vector<1x16xf32>,
      %get3A_1622 = vector.shape_cast %get3A_1621 : vector<1x16xf32> to vector<16xf32>
      %swap3A_1623 = arith.index_cast %add3A_1588 : i32 to index
      %swap3A_1624 = arith.constant 32 : index
      %swap3A_1625 = tpu.vector_load %arg7[%swap3A_1623, %swap3A_1624] {strides = array<i32>} : memref<256x128xf32, #tpu.memory_space<vmem>>, vector<1x16xf32>,
      %swap3A_1626 = vector.shape_cast %swap3A_1625 : vector<1x16xf32> to vector<16xf32>
      %swap3A_1627 = vector.shape_cast %get3A_1622 : vector<16xf32> to vector<1x16xf32>
      tpu.vector_store %arg7[%swap3A_1623, %swap3A_1624], %swap3A_1627 {strides = array<i32>} : memref<256x128xf32, #tpu.memory_space<vmem>>, vector<1x16xf32>,
      %mul3A_1628 = arith.constant 2 : i32
      %mul3A_1629 = arith.muli %mul3A_1628, %add3A_1588 : i32
      %add3A_1630 = arith.constant 0 : i32
      %add3A_1631 = arith.addi %mul3A_1629, %add3A_1630 : i32
      %get3A_1632 = arith.index_cast %add3A_1631 : i32 to index
      %get3A_1633 = arith.constant 48 : index
      %get3A_1634 = tpu.vector_load %arg6[%get3A_1632, %get3A_1633] {strides = array<i32>} : memref<512x64xf32, #tpu.memory_space<vmem>>, vector<1x16xf32>,
      %get3A_1635 = vector.shape_cast %get3A_1634 : vector<1x16xf32> to vector<16xf32>
      %swap3A_1636 = arith.index_cast %add3A_1588 : i32 to index
      %swap3A_1637 = arith.constant 48 : index
      %swap3A_1638 = tpu.vector_load %arg7[%swap3A_1636, %swap3A_1637] {strides = array<i32>} : memref<256x128xf32, #tpu.memory_space<vmem>>, vector<1x16xf32>,
      %swap3A_1639 = vector.shape_cast %swap3A_1638 : vector<1x16xf32> to vector<16xf32>
      %swap3A_1640 = vector.shape_cast %get3A_1635 : vector<16xf32> to vector<1x16xf32>
      tpu.vector_store %arg7[%swap3A_1636, %swap3A_1637], %swap3A_1640 {strides = array<i32>} : memref<256x128xf32, #tpu.memory_space<vmem>>, vector<1x16xf32>,
      %mul3A_1641 = arith.constant 2 : i32
      %mul3A_1642 = arith.muli %mul3A_1641, %add3A_1588 : i32
      %add3A_1643 = arith.constant 1 : i32
      %add3A_1644 = arith.addi %mul3A_1642, %add3A_1643 : i32
      %get3A_1645 = arith.index_cast %add3A_1644 : i32 to index
      %get3A_1646 = arith.constant 0 : index
      %get3A_1647 = tpu.vector_load %arg6[%get3A_1645, %get3A_1646] {strides = array<i32>} : memref<512x64xf32, #tpu.memory_space<vmem>>, vector<1x16xf32>,
      %get3A_1648 = vector.shape_cast %get3A_1647 : vector<1x16xf32> to vector<16xf32>
      %swap3A_1649 = arith.index_cast %add3A_1588 : i32 to index
      %swap3A_1650 = arith.constant 64 : index
      %swap3A_1651 = tpu.vector_load %arg7[%swap3A_1649, %swap3A_1650] {strides = array<i32>} : memref<256x128xf32, #tpu.memory_space<vmem>>, vector<1x16xf32>,
      %swap3A_1652 = vector.shape_cast %swap3A_1651 : vector<1x16xf32> to vector<16xf32>
      %swap3A_1653 = vector.shape_cast %get3A_1648 : vector<16xf32> to vector<1x16xf32>
      tpu.vector_store %arg7[%swap3A_1649, %swap3A_1650], %swap3A_1653 {strides = array<i32>} : memref<256x128xf32, #tpu.memory_space<vmem>>, vector<1x16xf32>,
      %mul3A_1654 = arith.constant 2 : i32
      %mul3A_1655 = arith.muli %mul3A_1654, %add3A_1588 : i32
      %add3A_1656 = arith.constant 1 : i32
      %add3A_1657 = arith.addi %mul3A_1655, %add3A_1656 : i32
      %get3A_1658 = arith.index_cast %add3A_1657 : i32 to index
      %get3A_1659 = arith.constant 16 : index
      %get3A_1660 = tpu.vector_load %arg6[%get3A_1658, %get3A_1659] {strides = array<i32>} : memref<512x64xf32, #tpu.memory_space<vmem>>, vector<1x16xf32>,
      %get3A_1661 = vector.shape_cast %get3A_1660 : vector<1x16xf32> to vector<16xf32>
      %swap3A_1662 = arith.index_cast %add3A_1588 : i32 to index
      %swap3A_1663 = arith.constant 80 : index
      %swap3A_1664 = tpu.vector_load %arg7[%swap3A_1662, %swap3A_1663] {strides = array<i32>} : memref<256x128xf32, #tpu.memory_space<vmem>>, vector<1x16xf32>,
      %swap3A_1665 = vector.shape_cast %swap3A_1664 : vector<1x16xf32> to vector<16xf32>
      %swap3A_1666 = vector.shape_cast %get3A_1661 : vector<16xf32> to vector<1x16xf32>
      tpu.vector_store %arg7[%swap3A_1662, %swap3A_1663], %swap3A_1666 {strides = array<i32>} : memref<256x128xf32, #tpu.memory_space<vmem>>, vector<1x16xf32>,
      %mul3A_1667 = arith.constant 2 : i32
      %mul3A_1668 = arith.muli %mul3A_1667, %add3A_1588 : i32
      %add3A_1669 = arith.constant 1 : i32
      %add3A_1670 = arith.addi %mul3A_1668, %add3A_1669 : i32
      %get3A_1671 = arith.index_cast %add3A_1670 : i32 to index
      %get3A_1672 = arith.constant 32 : index
      %get3A_1673 = tpu.vector_load %arg6[%get3A_1671, %get3A_1672] {strides = array<i32>} : memref<512x64xf32, #tpu.memory_space<vmem>>, vector<1x16xf32>,
      %get3A_1674 = vector.shape_cast %get3A_1673 : vector<1x16xf32> to vector<16xf32>
      %swap3A_1675 = arith.index_cast %add3A_1588 : i32 to index
      %swap3A_1676 = arith.constant 96 : index
      %swap3A_1677 = tpu.vector_load %arg7[%swap3A_1675, %swap3A_1676] {strides = array<i32>} : memref<256x128xf32, #tpu.memory_space<vmem>>, vector<1x16xf32>,
      %swap3A_1678 = vector.shape_cast %swap3A_1677 : vector<1x16xf32> to vector<16xf32>
      %swap3A_1679 = vector.shape_cast %get3A_1674 : vector<16xf32> to vector<1x16xf32>
      tpu.vector_store %arg7[%swap3A_1675, %swap3A_1676], %swap3A_1679 {strides = array<i32>} : memref<256x128xf32, #tpu.memory_space<vmem>>, vector<1x16xf32>,
      %mul3A_1680 = arith.constant 2 : i32
      %mul3A_1681 = arith.muli %mul3A_1680, %add3A_1588 : i32
      %add3A_1682 = arith.constant 1 : i32
      %add3A_1683 = arith.addi %mul3A_1681, %add3A_1682 : i32
      %get3A_1684 = arith.index_cast %add3A_1683 : i32 to index
      %get3A_1685 = arith.constant 48 : index
      %get3A_1686 = tpu.vector_load %arg6[%get3A_1684, %get3A_1685] {strides = array<i32>} : memref<512x64xf32, #tpu.memory_space<vmem>>, vector<1x16xf32>,
      %get3A_1687 = vector.shape_cast %get3A_1686 : vector<1x16xf32> to vector<16xf32>
      %swap3A_1688 = arith.index_cast %add3A_1588 : i32 to index
      %swap3A_1689 = arith.constant 112 : index
      %swap3A_1690 = tpu.vector_load %arg7[%swap3A_1688, %swap3A_1689] {strides = array<i32>} : memref<256x128xf32, #tpu.memory_space<vmem>>, vector<1x16xf32>,
      %swap3A_1691 = vector.shape_cast %swap3A_1690 : vector<1x16xf32> to vector<16xf32>
      %swap3A_1692 = vector.shape_cast %get3A_1687 : vector<16xf32> to vector<1x16xf32>
      tpu.vector_store %arg7[%swap3A_1688, %swap3A_1689], %swap3A_1692 {strides = array<i32>} : memref<256x128xf32, #tpu.memory_space<vmem>>, vector<1x16xf32>,
      %mul3A_1693 = arith.constant 16 : i32
      %mul3A_1694 = arith.muli %scan3A_74, %mul3A_1693 : i32
      %add3A_1695 = arith.constant 15 : i32
      %add3A_1696 = arith.addi %mul3A_1694, %add3A_1695 : i32
      %mul3A_1697 = arith.constant 2 : i32
      %mul3A_1698 = arith.muli %mul3A_1697, %add3A_1696 : i32
      %add3A_1699 = arith.constant 0 : i32
      %add3A_1700 = arith.addi %mul3A_1698, %add3A_1699 : i32
      %get3A_1701 = arith.index_cast %add3A_1700 : i32 to index
      %get3A_1702 = arith.constant 0 : index
      %get3A_1703 = tpu.vector_load %arg6[%get3A_1701, %get3A_1702] {strides = array<i32>} : memref<512x64xf32, #tpu.memory_space<vmem>>, vector<1x16xf32>,
      %get3A_1704 = vector.shape_cast %get3A_1703 : vector<1x16xf32> to vector<16xf32>
      %swap3A_1705 = arith.index_cast %add3A_1696 : i32 to index
      %swap3A_1706 = arith.constant 0 : index
      %swap3A_1707 = tpu.vector_load %arg7[%swap3A_1705, %swap3A_1706] {strides = array<i32>} : memref<256x128xf32, #tpu.memory_space<vmem>>, vector<1x16xf32>,
      %swap3A_1708 = vector.shape_cast %swap3A_1707 : vector<1x16xf32> to vector<16xf32>
      %swap3A_1709 = vector.shape_cast %get3A_1704 : vector<16xf32> to vector<1x16xf32>
      tpu.vector_store %arg7[%swap3A_1705, %swap3A_1706], %swap3A_1709 {strides = array<i32>} : memref<256x128xf32, #tpu.memory_space<vmem>>, vector<1x16xf32>,
      %mul3A_1710 = arith.constant 2 : i32
      %mul3A_1711 = arith.muli %mul3A_1710, %add3A_1696 : i32
      %add3A_1712 = arith.constant 0 : i32
      %add3A_1713 = arith.addi %mul3A_1711, %add3A_1712 : i32
      %get3A_1714 = arith.index_cast %add3A_1713 : i32 to index
      %get3A_1715 = arith.constant 16 : index
      %get3A_1716 = tpu.vector_load %arg6[%get3A_1714, %get3A_1715] {strides = array<i32>} : memref<512x64xf32, #tpu.memory_space<vmem>>, vector<1x16xf32>,
      %get3A_1717 = vector.shape_cast %get3A_1716 : vector<1x16xf32> to vector<16xf32>
      %swap3A_1718 = arith.index_cast %add3A_1696 : i32 to index
      %swap3A_1719 = arith.constant 16 : index
      %swap3A_1720 = tpu.vector_load %arg7[%swap3A_1718, %swap3A_1719] {strides = array<i32>} : memref<256x128xf32, #tpu.memory_space<vmem>>, vector<1x16xf32>,
      %swap3A_1721 = vector.shape_cast %swap3A_1720 : vector<1x16xf32> to vector<16xf32>
      %swap3A_1722 = vector.shape_cast %get3A_1717 : vector<16xf32> to vector<1x16xf32>
      tpu.vector_store %arg7[%swap3A_1718, %swap3A_1719], %swap3A_1722 {strides = array<i32>} : memref<256x128xf32, #tpu.memory_space<vmem>>, vector<1x16xf32>,
      %mul3A_1723 = arith.constant 2 : i32
      %mul3A_1724 = arith.muli %mul3A_1723, %add3A_1696 : i32
      %add3A_1725 = arith.constant 0 : i32
      %add3A_1726 = arith.addi %mul3A_1724, %add3A_1725 : i32
      %get3A_1727 = arith.index_cast %add3A_1726 : i32 to index
      %get3A_1728 = arith.constant 32 : index
      %get3A_1729 = tpu.vector_load %arg6[%get3A_1727, %get3A_1728] {strides = array<i32>} : memref<512x64xf32, #tpu.memory_space<vmem>>, vector<1x16xf32>,
      %get3A_1730 = vector.shape_cast %get3A_1729 : vector<1x16xf32> to vector<16xf32>
      %swap3A_1731 = arith.index_cast %add3A_1696 : i32 to index
      %swap3A_1732 = arith.constant 32 : index
      %swap3A_1733 = tpu.vector_load %arg7[%swap3A_1731, %swap3A_1732] {strides = array<i32>} : memref<256x128xf32, #tpu.memory_space<vmem>>, vector<1x16xf32>,
      %swap3A_1734 = vector.shape_cast %swap3A_1733 : vector<1x16xf32> to vector<16xf32>
      %swap3A_1735 = vector.shape_cast %get3A_1730 : vector<16xf32> to vector<1x16xf32>
      tpu.vector_store %arg7[%swap3A_1731, %swap3A_1732], %swap3A_1735 {strides = array<i32>} : memref<256x128xf32, #tpu.memory_space<vmem>>, vector<1x16xf32>,
      %mul3A_1736 = arith.constant 2 : i32
      %mul3A_1737 = arith.muli %mul3A_1736, %add3A_1696 : i32
      %add3A_1738 = arith.constant 0 : i32
      %add3A_1739 = arith.addi %mul3A_1737, %add3A_1738 : i32
      %get3A_1740 = arith.index_cast %add3A_1739 : i32 to index
      %get3A_1741 = arith.constant 48 : index
      %get3A_1742 = tpu.vector_load %arg6[%get3A_1740, %get3A_1741] {strides = array<i32>} : memref<512x64xf32, #tpu.memory_space<vmem>>, vector<1x16xf32>,
      %get3A_1743 = vector.shape_cast %get3A_1742 : vector<1x16xf32> to vector<16xf32>
      %swap3A_1744 = arith.index_cast %add3A_1696 : i32 to index
      %swap3A_1745 = arith.constant 48 : index
      %swap3A_1746 = tpu.vector_load %arg7[%swap3A_1744, %swap3A_1745] {strides = array<i32>} : memref<256x128xf32, #tpu.memory_space<vmem>>, vector<1x16xf32>,
      %swap3A_1747 = vector.shape_cast %swap3A_1746 : vector<1x16xf32> to vector<16xf32>
      %swap3A_1748 = vector.shape_cast %get3A_1743 : vector<16xf32> to vector<1x16xf32>
      tpu.vector_store %arg7[%swap3A_1744, %swap3A_1745], %swap3A_1748 {strides = array<i32>} : memref<256x128xf32, #tpu.memory_space<vmem>>, vector<1x16xf32>,
      %mul3A_1749 = arith.constant 2 : i32
      %mul3A_1750 = arith.muli %mul3A_1749, %add3A_1696 : i32
      %add3A_1751 = arith.constant 1 : i32
      %add3A_1752 = arith.addi %mul3A_1750, %add3A_1751 : i32
      %get3A_1753 = arith.index_cast %add3A_1752 : i32 to index
      %get3A_1754 = arith.constant 0 : index
      %get3A_1755 = tpu.vector_load %arg6[%get3A_1753, %get3A_1754] {strides = array<i32>} : memref<512x64xf32, #tpu.memory_space<vmem>>, vector<1x16xf32>,
      %get3A_1756 = vector.shape_cast %get3A_1755 : vector<1x16xf32> to vector<16xf32>
      %swap3A_1757 = arith.index_cast %add3A_1696 : i32 to index
      %swap3A_1758 = arith.constant 64 : index
      %swap3A_1759 = tpu.vector_load %arg7[%swap3A_1757, %swap3A_1758] {strides = array<i32>} : memref<256x128xf32, #tpu.memory_space<vmem>>, vector<1x16xf32>,
      %swap3A_1760 = vector.shape_cast %swap3A_1759 : vector<1x16xf32> to vector<16xf32>
      %swap3A_1761 = vector.shape_cast %get3A_1756 : vector<16xf32> to vector<1x16xf32>
      tpu.vector_store %arg7[%swap3A_1757, %swap3A_1758], %swap3A_1761 {strides = array<i32>} : memref<256x128xf32, #tpu.memory_space<vmem>>, vector<1x16xf32>,
      %mul3A_1762 = arith.constant 2 : i32
      %mul3A_1763 = arith.muli %mul3A_1762, %add3A_1696 : i32
      %add3A_1764 = arith.constant 1 : i32
      %add3A_1765 = arith.addi %mul3A_1763, %add3A_1764 : i32
      %get3A_1766 = arith.index_cast %add3A_1765 : i32 to index
      %get3A_1767 = arith.constant 16 : index
      %get3A_1768 = tpu.vector_load %arg6[%get3A_1766, %get3A_1767] {strides = array<i32>} : memref<512x64xf32, #tpu.memory_space<vmem>>, vector<1x16xf32>,
      %get3A_1769 = vector.shape_cast %get3A_1768 : vector<1x16xf32> to vector<16xf32>
      %swap3A_1770 = arith.index_cast %add3A_1696 : i32 to index
      %swap3A_1771 = arith.constant 80 : index
      %swap3A_1772 = tpu.vector_load %arg7[%swap3A_1770, %swap3A_1771] {strides = array<i32>} : memref<256x128xf32, #tpu.memory_space<vmem>>, vector<1x16xf32>,
      %swap3A_1773 = vector.shape_cast %swap3A_1772 : vector<1x16xf32> to vector<16xf32>
      %swap3A_1774 = vector.shape_cast %get3A_1769 : vector<16xf32> to vector<1x16xf32>
      tpu.vector_store %arg7[%swap3A_1770, %swap3A_1771], %swap3A_1774 {strides = array<i32>} : memref<256x128xf32, #tpu.memory_space<vmem>>, vector<1x16xf32>,
      %mul3A_1775 = arith.constant 2 : i32
      %mul3A_1776 = arith.muli %mul3A_1775, %add3A_1696 : i32
      %add3A_1777 = arith.constant 1 : i32
      %add3A_1778 = arith.addi %mul3A_1776, %add3A_1777 : i32
      %get3A_1779 = arith.index_cast %add3A_1778 : i32 to index
      %get3A_1780 = arith.constant 32 : index
      %get3A_1781 = tpu.vector_load %arg6[%get3A_1779, %get3A_1780] {strides = array<i32>} : memref<512x64xf32, #tpu.memory_space<vmem>>, vector<1x16xf32>,
      %get3A_1782 = vector.shape_cast %get3A_1781 : vector<1x16xf32> to vector<16xf32>
      %swap3A_1783 = arith.index_cast %add3A_1696 : i32 to index
      %swap3A_1784 = arith.constant 96 : index
      %swap3A_1785 = tpu.vector_load %arg7[%swap3A_1783, %swap3A_1784] {strides = array<i32>} : memref<256x128xf32, #tpu.memory_space<vmem>>, vector<1x16xf32>,
      %swap3A_1786 = vector.shape_cast %swap3A_1785 : vector<1x16xf32> to vector<16xf32>
      %swap3A_1787 = vector.shape_cast %get3A_1782 : vector<16xf32> to vector<1x16xf32>
      tpu.vector_store %arg7[%swap3A_1783, %swap3A_1784], %swap3A_1787 {strides = array<i32>} : memref<256x128xf32, #tpu.memory_space<vmem>>, vector<1x16xf32>,
      %mul3A_1788 = arith.constant 2 : i32
      %mul3A_1789 = arith.muli %mul3A_1788, %add3A_1696 : i32
      %add3A_1790 = arith.constant 1 : i32
      %add3A_1791 = arith.addi %mul3A_1789, %add3A_1790 : i32
      %get3A_1792 = arith.index_cast %add3A_1791 : i32 to index
      %get3A_1793 = arith.constant 48 : index
      %get3A_1794 = tpu.vector_load %arg6[%get3A_1792, %get3A_1793] {strides = array<i32>} : memref<512x64xf32, #tpu.memory_space<vmem>>, vector<1x16xf32>,
      %get3A_1795 = vector.shape_cast %get3A_1794 : vector<1x16xf32> to vector<16xf32>
      %swap3A_1796 = arith.index_cast %add3A_1696 : i32 to index
      %swap3A_1797 = arith.constant 112 : index
      %swap3A_1798 = tpu.vector_load %arg7[%swap3A_1796, %swap3A_1797] {strides = array<i32>} : memref<256x128xf32, #tpu.memory_space<vmem>>, vector<1x16xf32>,
      %swap3A_1799 = vector.shape_cast %swap3A_1798 : vector<1x16xf32> to vector<16xf32>
      %swap3A_1800 = vector.shape_cast %get3A_1795 : vector<16xf32> to vector<1x16xf32>
      tpu.vector_store %arg7[%swap3A_1796, %swap3A_1797], %swap3A_1800 {strides = array<i32>} : memref<256x128xf32, #tpu.memory_space<vmem>>, vector<1x16xf32>,
    }
    %scan3A_27 = arith.constant 16 : i32
    %mul3A_28 = arith.constant 512 : i32
    %mul3A_29 = arith.muli %add3A, %mul3A_28 : i32
    %add3A_30 = arith.constant 0 : i32
    %add3A_31 = arith.addi %mul3A_29, %add3A_30 : i32
    %dma_start3A_32 = arith.constant 0 : i32
    %dma_start3A_33 = tpu.memref_slice %arg4[%add3A_31, %dma_start3A_32] : memref<16384x128xf32, #tpu.memory_space<hbm>> -> memref<256x128xf32, #tpu.memory_space<hbm>>
    %dma_start3A_34 = arith.constant 0 : i32
    %dma_start3A_35 = tpu.memref_slice %arg4[%add3A_31, %dma_start3A_34] : memref<16384x128xf32, #tpu.memory_space<hbm>> -> memref<256x128xf32, #tpu.memory_space<hbm>>
    tpu.enqueue_dma source(%arg7 : memref<256x128xf32, #tpu.memory_space<vmem>>) target(%dma_start3A_35 : memref<256x128xf32, #tpu.memory_space<hbm>>) target_semaphore(%arg10 : memref<!tpu.dma_semaphore, #tpu.memory_space<semaphore_mem>>)
    %scan3A_36 = arith.constant 0 : i32
    %scan3A_37 = arith.constant 0 : i32
    %scan3A_38 = arith.constant 16 : i32
    %scan3A_39 = arith.addi %scan3A_37, %scan3A_38 : i32
    %scan3A_40 = arith.constant 1 : i32
    scf.for %scan3A_74 = %scan3A_37 to %scan3A_39 step %scan3A_40  : i32 {
      %mul3A_75 = arith.constant 32 : i32
      %mul3A_76 = arith.muli %scan3A_74, %mul3A_75 : i32
      %add3A_77 = arith.constant 512 : i32
      %add3A_78 = arith.addi %add3A_77, %mul3A_76 : i32
      %add3A_79 = arith.constant 0 : i32
      %add3A_80 = arith.addi %add3A_78, %add3A_79 : i32
      %get3A = arith.index_cast %add3A_80 : i32 to index
      %get3A_81 = tpu.vector_load %arg5[%get3A] {strides = array<i32>} : memref<1024xi32, #tpu.memory_space<vmem>>, vector<16xi32>,
      %get3A_82 = vector.shape_cast %get3A_81 : vector<16xi32> to vector<16xi32>
      %mul3A_83 = arith.constant 32 : i32
      %mul3A_84 = arith.muli %scan3A_74, %mul3A_83 : i32
      %add3A_85 = arith.constant 0 : i32
      %add3A_86 = arith.addi %mul3A_84, %add3A_85 : i32
      %add3A_87 = arith.constant 0 : i32
      %add3A_88 = arith.addi %add3A_86, %add3A_87 : i32
      %slice3A = vector.extract_strided_slice %get3A_82 {offsets = [0], sizes = [1], strides = [1]} : vector<16xi32> to vector<1xi32>
      %squeeze3A = vector.extract %slice3A[0] : i32 from vector<1xi32>
      %dma_start3A_89 = arith.constant 0 : i32
      %dma_start3A_90 = tpu.memref_slice %arg6[%add3A_88, %dma_start3A_89] : memref<512x64xf32, #tpu.memory_space<vmem>> -> memref<1x64xf32, #tpu.memory_space<vmem>>
      %dma_start3A_91 = arith.constant 0 : i32
      %dma_start3A_92 = tpu.memref_slice %arg2[%squeeze3A, %dma_start3A_91] : memref<1000000x64xf32, #tpu.memory_space<hbm>> -> memref<1x64xf32, #tpu.memory_space<hbm>>
      %dma_start3A_93 = arith.constant 0 : i32
      %dma_start3A_94 = tpu.memref_slice %arg6[%add3A_88, %dma_start3A_93] : memref<512x64xf32, #tpu.memory_space<vmem>> -> memref<1x64xf32, #tpu.memory_space<vmem>>
      %dma_start3A_95 = arith.constant 0 : i32
      %dma_start3A_96 = tpu.memref_slice %arg2[%squeeze3A, %dma_start3A_95] : memref<1000000x64xf32, #tpu.memory_space<hbm>> -> memref<1x64xf32, #tpu.memory_space<hbm>>
      tpu.enqueue_dma source(%dma_start3A_96 : memref<1x64xf32, #tpu.memory_space<hbm>>) target(%dma_start3A_94 : memref<1x64xf32, #tpu.memory_space<vmem>>) target_semaphore(%arg9 : memref<!tpu.dma_semaphore, #tpu.memory_space<semaphore_mem>>)
      %mul3A_97 = arith.constant 32 : i32
      %mul3A_98 = arith.muli %scan3A_74, %mul3A_97 : i32
      %add3A_99 = arith.constant 0 : i32
      %add3A_100 = arith.addi %mul3A_98, %add3A_99 : i32
      %add3A_101 = arith.constant 1 : i32
      %add3A_102 = arith.addi %add3A_100, %add3A_101 : i32
      %slice3A_103 = vector.extract_strided_slice %get3A_82 {offsets = [1], sizes = [1], strides = [1]} : vector<16xi32> to vector<1xi32>
      %squeeze3A_104 = vector.extract %slice3A_103[0] : i32 from vector<1xi32>
      %dma_start3A_105 = arith.constant 0 : i32
      %dma_start3A_106 = tpu.memref_slice %arg6[%add3A_102, %dma_start3A_105] : memref<512x64xf32, #tpu.memory_space<vmem>> -> memref<1x64xf32, #tpu.memory_space<vmem>>
      %dma_start3A_107 = arith.constant 0 : i32
      %dma_start3A_108 = tpu.memref_slice %arg2[%squeeze3A_104, %dma_start3A_107] : memref<1000000x64xf32, #tpu.memory_space<hbm>> -> memref<1x64xf32, #tpu.memory_space<hbm>>
      %dma_start3A_109 = arith.constant 0 : i32
      %dma_start3A_110 = tpu.memref_slice %arg6[%add3A_102, %dma_start3A_109] : memref<512x64xf32, #tpu.memory_space<vmem>> -> memref<1x64xf32, #tpu.memory_space<vmem>>
      %dma_start3A_111 = arith.constant 0 : i32
      %dma_start3A_112 = tpu.memref_slice %arg2[%squeeze3A_104, %dma_start3A_111] : memref<1000000x64xf32, #tpu.memory_space<hbm>> -> memref<1x64xf32, #tpu.memory_space<hbm>>
      tpu.enqueue_dma source(%dma_start3A_112 : memref<1x64xf32, #tpu.memory_space<hbm>>) target(%dma_start3A_110 : memref<1x64xf32, #tpu.memory_space<vmem>>) target_semaphore(%arg9 : memref<!tpu.dma_semaphore, #tpu.memory_space<semaphore_mem>>)
      %mul3A_113 = arith.constant 32 : i32
      %mul3A_114 = arith.muli %scan3A_74, %mul3A_113 : i32
      %add3A_115 = arith.constant 0 : i32
      %add3A_116 = arith.addi %mul3A_114, %add3A_115 : i32
      %add3A_117 = arith.constant 2 : i32
      %add3A_118 = arith.addi %add3A_116, %add3A_117 : i32
      %slice3A_119 = vector.extract_strided_slice %get3A_82 {offsets = [2], sizes = [1], strides = [1]} : vector<16xi32> to vector<1xi32>
      %squeeze3A_120 = vector.extract %slice3A_119[0] : i32 from vector<1xi32>
      %dma_start3A_121 = arith.constant 0 : i32
      %dma_start3A_122 = tpu.memref_slice %arg6[%add3A_118, %dma_start3A_121] : memref<512x64xf32, #tpu.memory_space<vmem>> -> memref<1x64xf32, #tpu.memory_space<vmem>>
      %dma_start3A_123 = arith.constant 0 : i32
      %dma_start3A_124 = tpu.memref_slice %arg2[%squeeze3A_120, %dma_start3A_123] : memref<1000000x64xf32, #tpu.memory_space<hbm>> -> memref<1x64xf32, #tpu.memory_space<hbm>>
      %dma_start3A_125 = arith.constant 0 : i32
      %dma_start3A_126 = tpu.memref_slice %arg6[%add3A_118, %dma_start3A_125] : memref<512x64xf32, #tpu.memory_space<vmem>> -> memref<1x64xf32, #tpu.memory_space<vmem>>
      %dma_start3A_127 = arith.constant 0 : i32
      %dma_start3A_128 = tpu.memref_slice %arg2[%squeeze3A_120, %dma_start3A_127] : memref<1000000x64xf32, #tpu.memory_space<hbm>> -> memref<1x64xf32, #tpu.memory_space<hbm>>
      tpu.enqueue_dma source(%dma_start3A_128 : memref<1x64xf32, #tpu.memory_space<hbm>>) target(%dma_start3A_126 : memref<1x64xf32, #tpu.memory_space<vmem>>) target_semaphore(%arg9 : memref<!tpu.dma_semaphore, #tpu.memory_space<semaphore_mem>>)
      %mul3A_129 = arith.constant 32 : i32
      %mul3A_130 = arith.muli %scan3A_74, %mul3A_129 : i32
      %add3A_131 = arith.constant 0 : i32
      %add3A_132 = arith.addi %mul3A_130, %add3A_131 : i32
      %add3A_133 = arith.constant 3 : i32
      %add3A_134 = arith.addi %add3A_132, %add3A_133 : i32
      %slice3A_135 = vector.extract_strided_slice %get3A_82 {offsets = [3], sizes = [1], strides = [1]} : vector<16xi32> to vector<1xi32>
      %squeeze3A_136 = vector.extract %slice3A_135[0] : i32 from vector<1xi32>
      %dma_start3A_137 = arith.constant 0 : i32
      %dma_start3A_138 = tpu.memref_slice %arg6[%add3A_134, %dma_start3A_137] : memref<512x64xf32, #tpu.memory_space<vmem>> -> memref<1x64xf32, #tpu.memory_space<vmem>>
      %dma_start3A_139 = arith.constant 0 : i32
      %dma_start3A_140 = tpu.memref_slice %arg2[%squeeze3A_136, %dma_start3A_139] : memref<1000000x64xf32, #tpu.memory_space<hbm>> -> memref<1x64xf32, #tpu.memory_space<hbm>>
      %dma_start3A_141 = arith.constant 0 : i32
      %dma_start3A_142 = tpu.memref_slice %arg6[%add3A_134, %dma_start3A_141] : memref<512x64xf32, #tpu.memory_space<vmem>> -> memref<1x64xf32, #tpu.memory_space<vmem>>
      %dma_start3A_143 = arith.constant 0 : i32
      %dma_start3A_144 = tpu.memref_slice %arg2[%squeeze3A_136, %dma_start3A_143] : memref<1000000x64xf32, #tpu.memory_space<hbm>> -> memref<1x64xf32, #tpu.memory_space<hbm>>
      tpu.enqueue_dma source(%dma_start3A_144 : memref<1x64xf32, #tpu.memory_space<hbm>>) target(%dma_start3A_142 : memref<1x64xf32, #tpu.memory_space<vmem>>) target_semaphore(%arg9 : memref<!tpu.dma_semaphore, #tpu.memory_space<semaphore_mem>>)
      %mul3A_145 = arith.constant 32 : i32
      %mul3A_146 = arith.muli %scan3A_74, %mul3A_145 : i32
      %add3A_147 = arith.constant 0 : i32
      %add3A_148 = arith.addi %mul3A_146, %add3A_147 : i32
      %add3A_149 = arith.constant 4 : i32
      %add3A_150 = arith.addi %add3A_148, %add3A_149 : i32
      %slice3A_151 = vector.extract_strided_slice %get3A_82 {offsets = [4], sizes = [1], strides = [1]} : vector<16xi32> to vector<1xi32>
      %squeeze3A_152 = vector.extract %slice3A_151[0] : i32 from vector<1xi32>
      %dma_start3A_153 = arith.constant 0 : i32
      %dma_start3A_154 = tpu.memref_slice %arg6[%add3A_150, %dma_start3A_153] : memref<512x64xf32, #tpu.memory_space<vmem>> -> memref<1x64xf32, #tpu.memory_space<vmem>>
      %dma_start3A_155 = arith.constant 0 : i32
      %dma_start3A_156 = tpu.memref_slice %arg2[%squeeze3A_152, %dma_start3A_155] : memref<1000000x64xf32, #tpu.memory_space<hbm>> -> memref<1x64xf32, #tpu.memory_space<hbm>>
      %dma_start3A_157 = arith.constant 0 : i32
      %dma_start3A_158 = tpu.memref_slice %arg6[%add3A_150, %dma_start3A_157] : memref<512x64xf32, #tpu.memory_space<vmem>> -> memref<1x64xf32, #tpu.memory_space<vmem>>
      %dma_start3A_159 = arith.constant 0 : i32
      %dma_start3A_160 = tpu.memref_slice %arg2[%squeeze3A_152, %dma_start3A_159] : memref<1000000x64xf32, #tpu.memory_space<hbm>> -> memref<1x64xf32, #tpu.memory_space<hbm>>
      tpu.enqueue_dma source(%dma_start3A_160 : memref<1x64xf32, #tpu.memory_space<hbm>>) target(%dma_start3A_158 : memref<1x64xf32, #tpu.memory_space<vmem>>) target_semaphore(%arg9 : memref<!tpu.dma_semaphore, #tpu.memory_space<semaphore_mem>>)
      %mul3A_161 = arith.constant 32 : i32
      %mul3A_162 = arith.muli %scan3A_74, %mul3A_161 : i32
      %add3A_163 = arith.constant 0 : i32
      %add3A_164 = arith.addi %mul3A_162, %add3A_163 : i32
      %add3A_165 = arith.constant 5 : i32
      %add3A_166 = arith.addi %add3A_164, %add3A_165 : i32
      %slice3A_167 = vector.extract_strided_slice %get3A_82 {offsets = [5], sizes = [1], strides = [1]} : vector<16xi32> to vector<1xi32>
      %squeeze3A_168 = vector.extract %slice3A_167[0] : i32 from vector<1xi32>
      %dma_start3A_169 = arith.constant 0 : i32
      %dma_start3A_170 = tpu.memref_slice %arg6[%add3A_166, %dma_start3A_169] : memref<512x64xf32, #tpu.memory_space<vmem>> -> memref<1x64xf32, #tpu.memory_space<vmem>>
      %dma_start3A_171 = arith.constant 0 : i32
      %dma_start3A_172 = tpu.memref_slice %arg2[%squeeze3A_168, %dma_start3A_171] : memref<1000000x64xf32, #tpu.memory_space<hbm>> -> memref<1x64xf32, #tpu.memory_space<hbm>>
      %dma_start3A_173 = arith.constant 0 : i32
      %dma_start3A_174 = tpu.memref_slice %arg6[%add3A_166, %dma_start3A_173] : memref<512x64xf32, #tpu.memory_space<vmem>> -> memref<1x64xf32, #tpu.memory_space<vmem>>
      %dma_start3A_175 = arith.constant 0 : i32
      %dma_start3A_176 = tpu.memref_slice %arg2[%squeeze3A_168, %dma_start3A_175] : memref<1000000x64xf32, #tpu.memory_space<hbm>> -> memref<1x64xf32, #tpu.memory_space<hbm>>
      tpu.enqueue_dma source(%dma_start3A_176 : memref<1x64xf32, #tpu.memory_space<hbm>>) target(%dma_start3A_174 : memref<1x64xf32, #tpu.memory_space<vmem>>) target_semaphore(%arg9 : memref<!tpu.dma_semaphore, #tpu.memory_space<semaphore_mem>>)
      %mul3A_177 = arith.constant 32 : i32
      %mul3A_178 = arith.muli %scan3A_74, %mul3A_177 : i32
      %add3A_179 = arith.constant 0 : i32
      %add3A_180 = arith.addi %mul3A_178, %add3A_179 : i32
      %add3A_181 = arith.constant 6 : i32
      %add3A_182 = arith.addi %add3A_180, %add3A_181 : i32
      %slice3A_183 = vector.extract_strided_slice %get3A_82 {offsets = [6], sizes = [1], strides = [1]} : vector<16xi32> to vector<1xi32>
      %squeeze3A_184 = vector.extract %slice3A_183[0] : i32 from vector<1xi32>
      %dma_start3A_185 = arith.constant 0 : i32
      %dma_start3A_186 = tpu.memref_slice %arg6[%add3A_182, %dma_start3A_185] : memref<512x64xf32, #tpu.memory_space<vmem>> -> memref<1x64xf32, #tpu.memory_space<vmem>>
      %dma_start3A_187 = arith.constant 0 : i32
      %dma_start3A_188 = tpu.memref_slice %arg2[%squeeze3A_184, %dma_start3A_187] : memref<1000000x64xf32, #tpu.memory_space<hbm>> -> memref<1x64xf32, #tpu.memory_space<hbm>>
      %dma_start3A_189 = arith.constant 0 : i32
      %dma_start3A_190 = tpu.memref_slice %arg6[%add3A_182, %dma_start3A_189] : memref<512x64xf32, #tpu.memory_space<vmem>> -> memref<1x64xf32, #tpu.memory_space<vmem>>
      %dma_start3A_191 = arith.constant 0 : i32
      %dma_start3A_192 = tpu.memref_slice %arg2[%squeeze3A_184, %dma_start3A_191] : memref<1000000x64xf32, #tpu.memory_space<hbm>> -> memref<1x64xf32, #tpu.memory_space<hbm>>
      tpu.enqueue_dma source(%dma_start3A_192 : memref<1x64xf32, #tpu.memory_space<hbm>>) target(%dma_start3A_190 : memref<1x64xf32, #tpu.memory_space<vmem>>) target_semaphore(%arg9 : memref<!tpu.dma_semaphore, #tpu.memory_space<semaphore_mem>>)
      %mul3A_193 = arith.constant 32 : i32
      %mul3A_194 = arith.muli %scan3A_74, %mul3A_193 : i32
      %add3A_195 = arith.constant 0 : i32
      %add3A_196 = arith.addi %mul3A_194, %add3A_195 : i32
      %add3A_197 = arith.constant 7 : i32
      %add3A_198 = arith.addi %add3A_196, %add3A_197 : i32
      %slice3A_199 = vector.extract_strided_slice %get3A_82 {offsets = [7], sizes = [1], strides = [1]} : vector<16xi32> to vector<1xi32>
      %squeeze3A_200 = vector.extract %slice3A_199[0] : i32 from vector<1xi32>
      %dma_start3A_201 = arith.constant 0 : i32
      %dma_start3A_202 = tpu.memref_slice %arg6[%add3A_198, %dma_start3A_201] : memref<512x64xf32, #tpu.memory_space<vmem>> -> memref<1x64xf32, #tpu.memory_space<vmem>>
      %dma_start3A_203 = arith.constant 0 : i32
      %dma_start3A_204 = tpu.memref_slice %arg2[%squeeze3A_200, %dma_start3A_203] : memref<1000000x64xf32, #tpu.memory_space<hbm>> -> memref<1x64xf32, #tpu.memory_space<hbm>>
      %dma_start3A_205 = arith.constant 0 : i32
      %dma_start3A_206 = tpu.memref_slice %arg6[%add3A_198, %dma_start3A_205] : memref<512x64xf32, #tpu.memory_space<vmem>> -> memref<1x64xf32, #tpu.memory_space<vmem>>
      %dma_start3A_207 = arith.constant 0 : i32
      %dma_start3A_208 = tpu.memref_slice %arg2[%squeeze3A_200, %dma_start3A_207] : memref<1000000x64xf32, #tpu.memory_space<hbm>> -> memref<1x64xf32, #tpu.memory_space<hbm>>
      tpu.enqueue_dma source(%dma_start3A_208 : memref<1x64xf32, #tpu.memory_space<hbm>>) target(%dma_start3A_206 : memref<1x64xf32, #tpu.memory_space<vmem>>) target_semaphore(%arg9 : memref<!tpu.dma_semaphore, #tpu.memory_space<semaphore_mem>>)
      %mul3A_209 = arith.constant 32 : i32
      %mul3A_210 = arith.muli %scan3A_74, %mul3A_209 : i32
      %add3A_211 = arith.constant 0 : i32
      %add3A_212 = arith.addi %mul3A_210, %add3A_211 : i32
      %add3A_213 = arith.constant 8 : i32
      %add3A_214 = arith.addi %add3A_212, %add3A_213 : i32
      %slice3A_215 = vector.extract_strided_slice %get3A_82 {offsets = [8], sizes = [1], strides = [1]} : vector<16xi32> to vector<1xi32>
      %squeeze3A_216 = vector.extract %slice3A_215[0] : i32 from vector<1xi32>
      %dma_start3A_217 = arith.constant 0 : i32
      %dma_start3A_218 = tpu.memref_slice %arg6[%add3A_214, %dma_start3A_217] : memref<512x64xf32, #tpu.memory_space<vmem>> -> memref<1x64xf32, #tpu.memory_space<vmem>>
      %dma_start3A_219 = arith.constant 0 : i32
      %dma_start3A_220 = tpu.memref_slice %arg2[%squeeze3A_216, %dma_start3A_219] : memref<1000000x64xf32, #tpu.memory_space<hbm>> -> memref<1x64xf32, #tpu.memory_space<hbm>>
      %dma_start3A_221 = arith.constant 0 : i32
      %dma_start3A_222 = tpu.memref_slice %arg6[%add3A_214, %dma_start3A_221] : memref<512x64xf32, #tpu.memory_space<vmem>> -> memref<1x64xf32, #tpu.memory_space<vmem>>
      %dma_start3A_223 = arith.constant 0 : i32
      %dma_start3A_224 = tpu.memref_slice %arg2[%squeeze3A_216, %dma_start3A_223] : memref<1000000x64xf32, #tpu.memory_space<hbm>> -> memref<1x64xf32, #tpu.memory_space<hbm>>
      tpu.enqueue_dma source(%dma_start3A_224 : memref<1x64xf32, #tpu.memory_space<hbm>>) target(%dma_start3A_222 : memref<1x64xf32, #tpu.memory_space<vmem>>) target_semaphore(%arg9 : memref<!tpu.dma_semaphore, #tpu.memory_space<semaphore_mem>>)
      %mul3A_225 = arith.constant 32 : i32
      %mul3A_226 = arith.muli %scan3A_74, %mul3A_225 : i32
      %add3A_227 = arith.constant 0 : i32
      %add3A_228 = arith.addi %mul3A_226, %add3A_227 : i32
      %add3A_229 = arith.constant 9 : i32
      %add3A_230 = arith.addi %add3A_228, %add3A_229 : i32
      %slice3A_231 = vector.extract_strided_slice %get3A_82 {offsets = [9], sizes = [1], strides = [1]} : vector<16xi32> to vector<1xi32>
      %squeeze3A_232 = vector.extract %slice3A_231[0] : i32 from vector<1xi32>
      %dma_start3A_233 = arith.constant 0 : i32
      %dma_start3A_234 = tpu.memref_slice %arg6[%add3A_230, %dma_start3A_233] : memref<512x64xf32, #tpu.memory_space<vmem>> -> memref<1x64xf32, #tpu.memory_space<vmem>>
      %dma_start3A_235 = arith.constant 0 : i32
      %dma_start3A_236 = tpu.memref_slice %arg2[%squeeze3A_232, %dma_start3A_235] : memref<1000000x64xf32, #tpu.memory_space<hbm>> -> memref<1x64xf32, #tpu.memory_space<hbm>>
      %dma_start3A_237 = arith.constant 0 : i32
      %dma_start3A_238 = tpu.memref_slice %arg6[%add3A_230, %dma_start3A_237] : memref<512x64xf32, #tpu.memory_space<vmem>> -> memref<1x64xf32, #tpu.memory_space<vmem>>
      %dma_start3A_239 = arith.constant 0 : i32
      %dma_start3A_240 = tpu.memref_slice %arg2[%squeeze3A_232, %dma_start3A_239] : memref<1000000x64xf32, #tpu.memory_space<hbm>> -> memref<1x64xf32, #tpu.memory_space<hbm>>
      tpu.enqueue_dma source(%dma_start3A_240 : memref<1x64xf32, #tpu.memory_space<hbm>>) target(%dma_start3A_238 : memref<1x64xf32, #tpu.memory_space<vmem>>) target_semaphore(%arg9 : memref<!tpu.dma_semaphore, #tpu.memory_space<semaphore_mem>>)
      %mul3A_241 = arith.constant 32 : i32
      %mul3A_242 = arith.muli %scan3A_74, %mul3A_241 : i32
      %add3A_243 = arith.constant 0 : i32
      %add3A_244 = arith.addi %mul3A_242, %add3A_243 : i32
      %add3A_245 = arith.constant 10 : i32
      %add3A_246 = arith.addi %add3A_244, %add3A_245 : i32
      %slice3A_247 = vector.extract_strided_slice %get3A_82 {offsets = [10], sizes = [1], strides = [1]} : vector<16xi32> to vector<1xi32>
      %squeeze3A_248 = vector.extract %slice3A_247[0] : i32 from vector<1xi32>
      %dma_start3A_249 = arith.constant 0 : i32
      %dma_start3A_250 = tpu.memref_slice %arg6[%add3A_246, %dma_start3A_249] : memref<512x64xf32, #tpu.memory_space<vmem>> -> memref<1x64xf32, #tpu.memory_space<vmem>>
      %dma_start3A_251 = arith.constant 0 : i32
      %dma_start3A_252 = tpu.memref_slice %arg2[%squeeze3A_248, %dma_start3A_251] : memref<1000000x64xf32, #tpu.memory_space<hbm>> -> memref<1x64xf32, #tpu.memory_space<hbm>>
      %dma_start3A_253 = arith.constant 0 : i32
      %dma_start3A_254 = tpu.memref_slice %arg6[%add3A_246, %dma_start3A_253] : memref<512x64xf32, #tpu.memory_space<vmem>> -> memref<1x64xf32, #tpu.memory_space<vmem>>
      %dma_start3A_255 = arith.constant 0 : i32
      %dma_start3A_256 = tpu.memref_slice %arg2[%squeeze3A_248, %dma_start3A_255] : memref<1000000x64xf32, #tpu.memory_space<hbm>> -> memref<1x64xf32, #tpu.memory_space<hbm>>
      tpu.enqueue_dma source(%dma_start3A_256 : memref<1x64xf32, #tpu.memory_space<hbm>>) target(%dma_start3A_254 : memref<1x64xf32, #tpu.memory_space<vmem>>) target_semaphore(%arg9 : memref<!tpu.dma_semaphore, #tpu.memory_space<semaphore_mem>>)
      %mul3A_257 = arith.constant 32 : i32
      %mul3A_258 = arith.muli %scan3A_74, %mul3A_257 : i32
      %add3A_259 = arith.constant 0 : i32
      %add3A_260 = arith.addi %mul3A_258, %add3A_259 : i32
      %add3A_261 = arith.constant 11 : i32
      %add3A_262 = arith.addi %add3A_260, %add3A_261 : i32
      %slice3A_263 = vector.extract_strided_slice %get3A_82 {offsets = [11], sizes = [1], strides = [1]} : vector<16xi32> to vector<1xi32>
      %squeeze3A_264 = vector.extract %slice3A_263[0] : i32 from vector<1xi32>
      %dma_start3A_265 = arith.constant 0 : i32
      %dma_start3A_266 = tpu.memref_slice %arg6[%add3A_262, %dma_start3A_265] : memref<512x64xf32, #tpu.memory_space<vmem>> -> memref<1x64xf32, #tpu.memory_space<vmem>>
      %dma_start3A_267 = arith.constant 0 : i32
      %dma_start3A_268 = tpu.memref_slice %arg2[%squeeze3A_264, %dma_start3A_267] : memref<1000000x64xf32, #tpu.memory_space<hbm>> -> memref<1x64xf32, #tpu.memory_space<hbm>>
      %dma_start3A_269 = arith.constant 0 : i32
      %dma_start3A_270 = tpu.memref_slice %arg6[%add3A_262, %dma_start3A_269] : memref<512x64xf32, #tpu.memory_space<vmem>> -> memref<1x64xf32, #tpu.memory_space<vmem>>
      %dma_start3A_271 = arith.constant 0 : i32
      %dma_start3A_272 = tpu.memref_slice %arg2[%squeeze3A_264, %dma_start3A_271] : memref<1000000x64xf32, #tpu.memory_space<hbm>> -> memref<1x64xf32, #tpu.memory_space<hbm>>
      tpu.enqueue_dma source(%dma_start3A_272 : memref<1x64xf32, #tpu.memory_space<hbm>>) target(%dma_start3A_270 : memref<1x64xf32, #tpu.memory_space<vmem>>) target_semaphore(%arg9 : memref<!tpu.dma_semaphore, #tpu.memory_space<semaphore_mem>>)
      %mul3A_273 = arith.constant 32 : i32
      %mul3A_274 = arith.muli %scan3A_74, %mul3A_273 : i32
      %add3A_275 = arith.constant 0 : i32
      %add3A_276 = arith.addi %mul3A_274, %add3A_275 : i32
      %add3A_277 = arith.constant 12 : i32
      %add3A_278 = arith.addi %add3A_276, %add3A_277 : i32
      %slice3A_279 = vector.extract_strided_slice %get3A_82 {offsets = [12], sizes = [1], strides = [1]} : vector<16xi32> to vector<1xi32>
      %squeeze3A_280 = vector.extract %slice3A_279[0] : i32 from vector<1xi32>
      %dma_start3A_281 = arith.constant 0 : i32
      %dma_start3A_282 = tpu.memref_slice %arg6[%add3A_278, %dma_start3A_281] : memref<512x64xf32, #tpu.memory_space<vmem>> -> memref<1x64xf32, #tpu.memory_space<vmem>>
      %dma_start3A_283 = arith.constant 0 : i32
      %dma_start3A_284 = tpu.memref_slice %arg2[%squeeze3A_280, %dma_start3A_283] : memref<1000000x64xf32, #tpu.memory_space<hbm>> -> memref<1x64xf32, #tpu.memory_space<hbm>>
      %dma_start3A_285 = arith.constant 0 : i32
      %dma_start3A_286 = tpu.memref_slice %arg6[%add3A_278, %dma_start3A_285] : memref<512x64xf32, #tpu.memory_space<vmem>> -> memref<1x64xf32, #tpu.memory_space<vmem>>
      %dma_start3A_287 = arith.constant 0 : i32
      %dma_start3A_288 = tpu.memref_slice %arg2[%squeeze3A_280, %dma_start3A_287] : memref<1000000x64xf32, #tpu.memory_space<hbm>> -> memref<1x64xf32, #tpu.memory_space<hbm>>
      tpu.enqueue_dma source(%dma_start3A_288 : memref<1x64xf32, #tpu.memory_space<hbm>>) target(%dma_start3A_286 : memref<1x64xf32, #tpu.memory_space<vmem>>) target_semaphore(%arg9 : memref<!tpu.dma_semaphore, #tpu.memory_space<semaphore_mem>>)
      %mul3A_289 = arith.constant 32 : i32
      %mul3A_290 = arith.muli %scan3A_74, %mul3A_289 : i32
      %add3A_291 = arith.constant 0 : i32
      %add3A_292 = arith.addi %mul3A_290, %add3A_291 : i32
      %add3A_293 = arith.constant 13 : i32
      %add3A_294 = arith.addi %add3A_292, %add3A_293 : i32
      %slice3A_295 = vector.extract_strided_slice %get3A_82 {offsets = [13], sizes = [1], strides = [1]} : vector<16xi32> to vector<1xi32>
      %squeeze3A_296 = vector.extract %slice3A_295[0] : i32 from vector<1xi32>
      %dma_start3A_297 = arith.constant 0 : i32
      %dma_start3A_298 = tpu.memref_slice %arg6[%add3A_294, %dma_start3A_297] : memref<512x64xf32, #tpu.memory_space<vmem>> -> memref<1x64xf32, #tpu.memory_space<vmem>>
      %dma_start3A_299 = arith.constant 0 : i32
      %dma_start3A_300 = tpu.memref_slice %arg2[%squeeze3A_296, %dma_start3A_299] : memref<1000000x64xf32, #tpu.memory_space<hbm>> -> memref<1x64xf32, #tpu.memory_space<hbm>>
      %dma_start3A_301 = arith.constant 0 : i32
      %dma_start3A_302 = tpu.memref_slice %arg6[%add3A_294, %dma_start3A_301] : memref<512x64xf32, #tpu.memory_space<vmem>> -> memref<1x64xf32, #tpu.memory_space<vmem>>
      %dma_start3A_303 = arith.constant 0 : i32
      %dma_start3A_304 = tpu.memref_slice %arg2[%squeeze3A_296, %dma_start3A_303] : memref<1000000x64xf32, #tpu.memory_space<hbm>> -> memref<1x64xf32, #tpu.memory_space<hbm>>
      tpu.enqueue_dma source(%dma_start3A_304 : memref<1x64xf32, #tpu.memory_space<hbm>>) target(%dma_start3A_302 : memref<1x64xf32, #tpu.memory_space<vmem>>) target_semaphore(%arg9 : memref<!tpu.dma_semaphore, #tpu.memory_space<semaphore_mem>>)
      %mul3A_305 = arith.constant 32 : i32
      %mul3A_306 = arith.muli %scan3A_74, %mul3A_305 : i32
      %add3A_307 = arith.constant 0 : i32
      %add3A_308 = arith.addi %mul3A_306, %add3A_307 : i32
      %add3A_309 = arith.constant 14 : i32
      %add3A_310 = arith.addi %add3A_308, %add3A_309 : i32
      %slice3A_311 = vector.extract_strided_slice %get3A_82 {offsets = [14], sizes = [1], strides = [1]} : vector<16xi32> to vector<1xi32>
      %squeeze3A_312 = vector.extract %slice3A_311[0] : i32 from vector<1xi32>
      %dma_start3A_313 = arith.constant 0 : i32
      %dma_start3A_314 = tpu.memref_slice %arg6[%add3A_310, %dma_start3A_313] : memref<512x64xf32, #tpu.memory_space<vmem>> -> memref<1x64xf32, #tpu.memory_space<vmem>>
      %dma_start3A_315 = arith.constant 0 : i32
      %dma_start3A_316 = tpu.memref_slice %arg2[%squeeze3A_312, %dma_start3A_315] : memref<1000000x64xf32, #tpu.memory_space<hbm>> -> memref<1x64xf32, #tpu.memory_space<hbm>>
      %dma_start3A_317 = arith.constant 0 : i32
      %dma_start3A_318 = tpu.memref_slice %arg6[%add3A_310, %dma_start3A_317] : memref<512x64xf32, #tpu.memory_space<vmem>> -> memref<1x64xf32, #tpu.memory_space<vmem>>
      %dma_start3A_319 = arith.constant 0 : i32
      %dma_start3A_320 = tpu.memref_slice %arg2[%squeeze3A_312, %dma_start3A_319] : memref<1000000x64xf32, #tpu.memory_space<hbm>> -> memref<1x64xf32, #tpu.memory_space<hbm>>
      tpu.enqueue_dma source(%dma_start3A_320 : memref<1x64xf32, #tpu.memory_space<hbm>>) target(%dma_start3A_318 : memref<1x64xf32, #tpu.memory_space<vmem>>) target_semaphore(%arg9 : memref<!tpu.dma_semaphore, #tpu.memory_space<semaphore_mem>>)
      %mul3A_321 = arith.constant 32 : i32
      %mul3A_322 = arith.muli %scan3A_74, %mul3A_321 : i32
      %add3A_323 = arith.constant 0 : i32
      %add3A_324 = arith.addi %mul3A_322, %add3A_323 : i32
      %add3A_325 = arith.constant 15 : i32
      %add3A_326 = arith.addi %add3A_324, %add3A_325 : i32
      %slice3A_327 = vector.extract_strided_slice %get3A_82 {offsets = [15], sizes = [1], strides = [1]} : vector<16xi32> to vector<1xi32>
      %squeeze3A_328 = vector.extract %slice3A_327[0] : i32 from vector<1xi32>
      %dma_start3A_329 = arith.constant 0 : i32
      %dma_start3A_330 = tpu.memref_slice %arg6[%add3A_326, %dma_start3A_329] : memref<512x64xf32, #tpu.memory_space<vmem>> -> memref<1x64xf32, #tpu.memory_space<vmem>>
      %dma_start3A_331 = arith.constant 0 : i32
      %dma_start3A_332 = tpu.memref_slice %arg2[%squeeze3A_328, %dma_start3A_331] : memref<1000000x64xf32, #tpu.memory_space<hbm>> -> memref<1x64xf32, #tpu.memory_space<hbm>>
      %dma_start3A_333 = arith.constant 0 : i32
      %dma_start3A_334 = tpu.memref_slice %arg6[%add3A_326, %dma_start3A_333] : memref<512x64xf32, #tpu.memory_space<vmem>> -> memref<1x64xf32, #tpu.memory_space<vmem>>
      %dma_start3A_335 = arith.constant 0 : i32
      %dma_start3A_336 = tpu.memref_slice %arg2[%squeeze3A_328, %dma_start3A_335] : memref<1000000x64xf32, #tpu.memory_space<hbm>> -> memref<1x64xf32, #tpu.memory_space<hbm>>
      tpu.enqueue_dma source(%dma_start3A_336 : memref<1x64xf32, #tpu.memory_space<hbm>>) target(%dma_start3A_334 : memref<1x64xf32, #tpu.memory_space<vmem>>) target_semaphore(%arg9 : memref<!tpu.dma_semaphore, #tpu.memory_space<semaphore_mem>>)
      %add3A_337 = arith.constant 16 : i32
      %add3A_338 = arith.addi %add3A_78, %add3A_337 : i32
      %get3A_339 = arith.index_cast %add3A_338 : i32 to index
      %get3A_340 = tpu.vector_load %arg5[%get3A_339] {strides = array<i32>} : memref<1024xi32, #tpu.memory_space<vmem>>, vector<16xi32>,
      %get3A_341 = vector.shape_cast %get3A_340 : vector<16xi32> to vector<16xi32>
      %mul3A_342 = arith.constant 32 : i32
      %mul3A_343 = arith.muli %scan3A_74, %mul3A_342 : i32
      %add3A_344 = arith.constant 16 : i32
      %add3A_345 = arith.addi %mul3A_343, %add3A_344 : i32
      %add3A_346 = arith.constant 0 : i32
      %add3A_347 = arith.addi %add3A_345, %add3A_346 : i32
      %slice3A_348 = vector.extract_strided_slice %get3A_341 {offsets = [0], sizes = [1], strides = [1]} : vector<16xi32> to vector<1xi32>
      %squeeze3A_349 = vector.extract %slice3A_348[0] : i32 from vector<1xi32>
      %dma_start3A_350 = arith.constant 0 : i32
      %dma_start3A_351 = tpu.memref_slice %arg6[%add3A_347, %dma_start3A_350] : memref<512x64xf32, #tpu.memory_space<vmem>> -> memref<1x64xf32, #tpu.memory_space<vmem>>
      %dma_start3A_352 = arith.constant 0 : i32
      %dma_start3A_353 = tpu.memref_slice %arg2[%squeeze3A_349, %dma_start3A_352] : memref<1000000x64xf32, #tpu.memory_space<hbm>> -> memref<1x64xf32, #tpu.memory_space<hbm>>
      %dma_start3A_354 = arith.constant 0 : i32
      %dma_start3A_355 = tpu.memref_slice %arg6[%add3A_347, %dma_start3A_354] : memref<512x64xf32, #tpu.memory_space<vmem>> -> memref<1x64xf32, #tpu.memory_space<vmem>>
      %dma_start3A_356 = arith.constant 0 : i32
      %dma_start3A_357 = tpu.memref_slice %arg2[%squeeze3A_349, %dma_start3A_356] : memref<1000000x64xf32, #tpu.memory_space<hbm>> -> memref<1x64xf32, #tpu.memory_space<hbm>>
      tpu.enqueue_dma source(%dma_start3A_357 : memref<1x64xf32, #tpu.memory_space<hbm>>) target(%dma_start3A_355 : memref<1x64xf32, #tpu.memory_space<vmem>>) target_semaphore(%arg9 : memref<!tpu.dma_semaphore, #tpu.memory_space<semaphore_mem>>)
      %mul3A_358 = arith.constant 32 : i32
      %mul3A_359 = arith.muli %scan3A_74, %mul3A_358 : i32
      %add3A_360 = arith.constant 16 : i32
      %add3A_361 = arith.addi %mul3A_359, %add3A_360 : i32
      %add3A_362 = arith.constant 1 : i32
      %add3A_363 = arith.addi %add3A_361, %add3A_362 : i32
      %slice3A_364 = vector.extract_strided_slice %get3A_341 {offsets = [1], sizes = [1], strides = [1]} : vector<16xi32> to vector<1xi32>
      %squeeze3A_365 = vector.extract %slice3A_364[0] : i32 from vector<1xi32>
      %dma_start3A_366 = arith.constant 0 : i32
      %dma_start3A_367 = tpu.memref_slice %arg6[%add3A_363, %dma_start3A_366] : memref<512x64xf32, #tpu.memory_space<vmem>> -> memref<1x64xf32, #tpu.memory_space<vmem>>
      %dma_start3A_368 = arith.constant 0 : i32
      %dma_start3A_369 = tpu.memref_slice %arg2[%squeeze3A_365, %dma_start3A_368] : memref<1000000x64xf32, #tpu.memory_space<hbm>> -> memref<1x64xf32, #tpu.memory_space<hbm>>
      %dma_start3A_370 = arith.constant 0 : i32
      %dma_start3A_371 = tpu.memref_slice %arg6[%add3A_363, %dma_start3A_370] : memref<512x64xf32, #tpu.memory_space<vmem>> -> memref<1x64xf32, #tpu.memory_space<vmem>>
      %dma_start3A_372 = arith.constant 0 : i32
      %dma_start3A_373 = tpu.memref_slice %arg2[%squeeze3A_365, %dma_start3A_372] : memref<1000000x64xf32, #tpu.memory_space<hbm>> -> memref<1x64xf32, #tpu.memory_space<hbm>>
      tpu.enqueue_dma source(%dma_start3A_373 : memref<1x64xf32, #tpu.memory_space<hbm>>) target(%dma_start3A_371 : memref<1x64xf32, #tpu.memory_space<vmem>>) target_semaphore(%arg9 : memref<!tpu.dma_semaphore, #tpu.memory_space<semaphore_mem>>)
      %mul3A_374 = arith.constant 32 : i32
      %mul3A_375 = arith.muli %scan3A_74, %mul3A_374 : i32
      %add3A_376 = arith.constant 16 : i32
      %add3A_377 = arith.addi %mul3A_375, %add3A_376 : i32
      %add3A_378 = arith.constant 2 : i32
      %add3A_379 = arith.addi %add3A_377, %add3A_378 : i32
      %slice3A_380 = vector.extract_strided_slice %get3A_341 {offsets = [2], sizes = [1], strides = [1]} : vector<16xi32> to vector<1xi32>
      %squeeze3A_381 = vector.extract %slice3A_380[0] : i32 from vector<1xi32>
      %dma_start3A_382 = arith.constant 0 : i32
      %dma_start3A_383 = tpu.memref_slice %arg6[%add3A_379, %dma_start3A_382] : memref<512x64xf32, #tpu.memory_space<vmem>> -> memref<1x64xf32, #tpu.memory_space<vmem>>
      %dma_start3A_384 = arith.constant 0 : i32
      %dma_start3A_385 = tpu.memref_slice %arg2[%squeeze3A_381, %dma_start3A_384] : memref<1000000x64xf32, #tpu.memory_space<hbm>> -> memref<1x64xf32, #tpu.memory_space<hbm>>
      %dma_start3A_386 = arith.constant 0 : i32
      %dma_start3A_387 = tpu.memref_slice %arg6[%add3A_379, %dma_start3A_386] : memref<512x64xf32, #tpu.memory_space<vmem>> -> memref<1x64xf32, #tpu.memory_space<vmem>>
      %dma_start3A_388 = arith.constant 0 : i32
      %dma_start3A_389 = tpu.memref_slice %arg2[%squeeze3A_381, %dma_start3A_388] : memref<1000000x64xf32, #tpu.memory_space<hbm>> -> memref<1x64xf32, #tpu.memory_space<hbm>>
      tpu.enqueue_dma source(%dma_start3A_389 : memref<1x64xf32, #tpu.memory_space<hbm>>) target(%dma_start3A_387 : memref<1x64xf32, #tpu.memory_space<vmem>>) target_semaphore(%arg9 : memref<!tpu.dma_semaphore, #tpu.memory_space<semaphore_mem>>)
      %mul3A_390 = arith.constant 32 : i32
      %mul3A_391 = arith.muli %scan3A_74, %mul3A_390 : i32
      %add3A_392 = arith.constant 16 : i32
      %add3A_393 = arith.addi %mul3A_391, %add3A_392 : i32
      %add3A_394 = arith.constant 3 : i32
      %add3A_395 = arith.addi %add3A_393, %add3A_394 : i32
      %slice3A_396 = vector.extract_strided_slice %get3A_341 {offsets = [3], sizes = [1], strides = [1]} : vector<16xi32> to vector<1xi32>
      %squeeze3A_397 = vector.extract %slice3A_396[0] : i32 from vector<1xi32>
      %dma_start3A_398 = arith.constant 0 : i32
      %dma_start3A_399 = tpu.memref_slice %arg6[%add3A_395, %dma_start3A_398] : memref<512x64xf32, #tpu.memory_space<vmem>> -> memref<1x64xf32, #tpu.memory_space<vmem>>
      %dma_start3A_400 = arith.constant 0 : i32
      %dma_start3A_401 = tpu.memref_slice %arg2[%squeeze3A_397, %dma_start3A_400] : memref<1000000x64xf32, #tpu.memory_space<hbm>> -> memref<1x64xf32, #tpu.memory_space<hbm>>
      %dma_start3A_402 = arith.constant 0 : i32
      %dma_start3A_403 = tpu.memref_slice %arg6[%add3A_395, %dma_start3A_402] : memref<512x64xf32, #tpu.memory_space<vmem>> -> memref<1x64xf32, #tpu.memory_space<vmem>>
      %dma_start3A_404 = arith.constant 0 : i32
      %dma_start3A_405 = tpu.memref_slice %arg2[%squeeze3A_397, %dma_start3A_404] : memref<1000000x64xf32, #tpu.memory_space<hbm>> -> memref<1x64xf32, #tpu.memory_space<hbm>>
      tpu.enqueue_dma source(%dma_start3A_405 : memref<1x64xf32, #tpu.memory_space<hbm>>) target(%dma_start3A_403 : memref<1x64xf32, #tpu.memory_space<vmem>>) target_semaphore(%arg9 : memref<!tpu.dma_semaphore, #tpu.memory_space<semaphore_mem>>)
      %mul3A_406 = arith.constant 32 : i32
      %mul3A_407 = arith.muli %scan3A_74, %mul3A_406 : i32
      %add3A_408 = arith.constant 16 : i32
      %add3A_409 = arith.addi %mul3A_407, %add3A_408 : i32
      %add3A_410 = arith.constant 4 : i32
      %add3A_411 = arith.addi %add3A_409, %add3A_410 : i32
      %slice3A_412 = vector.extract_strided_slice %get3A_341 {offsets = [4], sizes = [1], strides = [1]} : vector<16xi32> to vector<1xi32>
      %squeeze3A_413 = vector.extract %slice3A_412[0] : i32 from vector<1xi32>
      %dma_start3A_414 = arith.constant 0 : i32
      %dma_start3A_415 = tpu.memref_slice %arg6[%add3A_411, %dma_start3A_414] : memref<512x64xf32, #tpu.memory_space<vmem>> -> memref<1x64xf32, #tpu.memory_space<vmem>>
      %dma_start3A_416 = arith.constant 0 : i32
      %dma_start3A_417 = tpu.memref_slice %arg2[%squeeze3A_413, %dma_start3A_416] : memref<1000000x64xf32, #tpu.memory_space<hbm>> -> memref<1x64xf32, #tpu.memory_space<hbm>>
      %dma_start3A_418 = arith.constant 0 : i32
      %dma_start3A_419 = tpu.memref_slice %arg6[%add3A_411, %dma_start3A_418] : memref<512x64xf32, #tpu.memory_space<vmem>> -> memref<1x64xf32, #tpu.memory_space<vmem>>
      %dma_start3A_420 = arith.constant 0 : i32
      %dma_start3A_421 = tpu.memref_slice %arg2[%squeeze3A_413, %dma_start3A_420] : memref<1000000x64xf32, #tpu.memory_space<hbm>> -> memref<1x64xf32, #tpu.memory_space<hbm>>
      tpu.enqueue_dma source(%dma_start3A_421 : memref<1x64xf32, #tpu.memory_space<hbm>>) target(%dma_start3A_419 : memref<1x64xf32, #tpu.memory_space<vmem>>) target_semaphore(%arg9 : memref<!tpu.dma_semaphore, #tpu.memory_space<semaphore_mem>>)
      %mul3A_422 = arith.constant 32 : i32
      %mul3A_423 = arith.muli %scan3A_74, %mul3A_422 : i32
      %add3A_424 = arith.constant 16 : i32
      %add3A_425 = arith.addi %mul3A_423, %add3A_424 : i32
      %add3A_426 = arith.constant 5 : i32
      %add3A_427 = arith.addi %add3A_425, %add3A_426 : i32
      %slice3A_428 = vector.extract_strided_slice %get3A_341 {offsets = [5], sizes = [1], strides = [1]} : vector<16xi32> to vector<1xi32>
      %squeeze3A_429 = vector.extract %slice3A_428[0] : i32 from vector<1xi32>
      %dma_start3A_430 = arith.constant 0 : i32
      %dma_start3A_431 = tpu.memref_slice %arg6[%add3A_427, %dma_start3A_430] : memref<512x64xf32, #tpu.memory_space<vmem>> -> memref<1x64xf32, #tpu.memory_space<vmem>>
      %dma_start3A_432 = arith.constant 0 : i32
      %dma_start3A_433 = tpu.memref_slice %arg2[%squeeze3A_429, %dma_start3A_432] : memref<1000000x64xf32, #tpu.memory_space<hbm>> -> memref<1x64xf32, #tpu.memory_space<hbm>>
      %dma_start3A_434 = arith.constant 0 : i32
      %dma_start3A_435 = tpu.memref_slice %arg6[%add3A_427, %dma_start3A_434] : memref<512x64xf32, #tpu.memory_space<vmem>> -> memref<1x64xf32, #tpu.memory_space<vmem>>
      %dma_start3A_436 = arith.constant 0 : i32
      %dma_start3A_437 = tpu.memref_slice %arg2[%squeeze3A_429, %dma_start3A_436] : memref<1000000x64xf32, #tpu.memory_space<hbm>> -> memref<1x64xf32, #tpu.memory_space<hbm>>
      tpu.enqueue_dma source(%dma_start3A_437 : memref<1x64xf32, #tpu.memory_space<hbm>>) target(%dma_start3A_435 : memref<1x64xf32, #tpu.memory_space<vmem>>) target_semaphore(%arg9 : memref<!tpu.dma_semaphore, #tpu.memory_space<semaphore_mem>>)
      %mul3A_438 = arith.constant 32 : i32
      %mul3A_439 = arith.muli %scan3A_74, %mul3A_438 : i32
      %add3A_440 = arith.constant 16 : i32
      %add3A_441 = arith.addi %mul3A_439, %add3A_440 : i32
      %add3A_442 = arith.constant 6 : i32
      %add3A_443 = arith.addi %add3A_441, %add3A_442 : i32
      %slice3A_444 = vector.extract_strided_slice %get3A_341 {offsets = [6], sizes = [1], strides = [1]} : vector<16xi32> to vector<1xi32>
      %squeeze3A_445 = vector.extract %slice3A_444[0] : i32 from vector<1xi32>
      %dma_start3A_446 = arith.constant 0 : i32
      %dma_start3A_447 = tpu.memref_slice %arg6[%add3A_443, %dma_start3A_446] : memref<512x64xf32, #tpu.memory_space<vmem>> -> memref<1x64xf32, #tpu.memory_space<vmem>>
      %dma_start3A_448 = arith.constant 0 : i32
      %dma_start3A_449 = tpu.memref_slice %arg2[%squeeze3A_445, %dma_start3A_448] : memref<1000000x64xf32, #tpu.memory_space<hbm>> -> memref<1x64xf32, #tpu.memory_space<hbm>>
      %dma_start3A_450 = arith.constant 0 : i32
      %dma_start3A_451 = tpu.memref_slice %arg6[%add3A_443, %dma_start3A_450] : memref<512x64xf32, #tpu.memory_space<vmem>> -> memref<1x64xf32, #tpu.memory_space<vmem>>
      %dma_start3A_452 = arith.constant 0 : i32
      %dma_start3A_453 = tpu.memref_slice %arg2[%squeeze3A_445, %dma_start3A_452] : memref<1000000x64xf32, #tpu.memory_space<hbm>> -> memref<1x64xf32, #tpu.memory_space<hbm>>
      tpu.enqueue_dma source(%dma_start3A_453 : memref<1x64xf32, #tpu.memory_space<hbm>>) target(%dma_start3A_451 : memref<1x64xf32, #tpu.memory_space<vmem>>) target_semaphore(%arg9 : memref<!tpu.dma_semaphore, #tpu.memory_space<semaphore_mem>>)
      %mul3A_454 = arith.constant 32 : i32
      %mul3A_455 = arith.muli %scan3A_74, %mul3A_454 : i32
      %add3A_456 = arith.constant 16 : i32
      %add3A_457 = arith.addi %mul3A_455, %add3A_456 : i32
      %add3A_458 = arith.constant 7 : i32
      %add3A_459 = arith.addi %add3A_457, %add3A_458 : i32
      %slice3A_460 = vector.extract_strided_slice %get3A_341 {offsets = [7], sizes = [1], strides = [1]} : vector<16xi32> to vector<1xi32>
      %squeeze3A_461 = vector.extract %slice3A_460[0] : i32 from vector<1xi32>
      %dma_start3A_462 = arith.constant 0 : i32
      %dma_start3A_463 = tpu.memref_slice %arg6[%add3A_459, %dma_start3A_462] : memref<512x64xf32, #tpu.memory_space<vmem>> -> memref<1x64xf32, #tpu.memory_space<vmem>>
      %dma_start3A_464 = arith.constant 0 : i32
      %dma_start3A_465 = tpu.memref_slice %arg2[%squeeze3A_461, %dma_start3A_464] : memref<1000000x64xf32, #tpu.memory_space<hbm>> -> memref<1x64xf32, #tpu.memory_space<hbm>>
      %dma_start3A_466 = arith.constant 0 : i32
      %dma_start3A_467 = tpu.memref_slice %arg6[%add3A_459, %dma_start3A_466] : memref<512x64xf32, #tpu.memory_space<vmem>> -> memref<1x64xf32, #tpu.memory_space<vmem>>
      %dma_start3A_468 = arith.constant 0 : i32
      %dma_start3A_469 = tpu.memref_slice %arg2[%squeeze3A_461, %dma_start3A_468] : memref<1000000x64xf32, #tpu.memory_space<hbm>> -> memref<1x64xf32, #tpu.memory_space<hbm>>
      tpu.enqueue_dma source(%dma_start3A_469 : memref<1x64xf32, #tpu.memory_space<hbm>>) target(%dma_start3A_467 : memref<1x64xf32, #tpu.memory_space<vmem>>) target_semaphore(%arg9 : memref<!tpu.dma_semaphore, #tpu.memory_space<semaphore_mem>>)
      %mul3A_470 = arith.constant 32 : i32
      %mul3A_471 = arith.muli %scan3A_74, %mul3A_470 : i32
      %add3A_472 = arith.constant 16 : i32
      %add3A_473 = arith.addi %mul3A_471, %add3A_472 : i32
      %add3A_474 = arith.constant 8 : i32
      %add3A_475 = arith.addi %add3A_473, %add3A_474 : i32
      %slice3A_476 = vector.extract_strided_slice %get3A_341 {offsets = [8], sizes = [1], strides = [1]} : vector<16xi32> to vector<1xi32>
      %squeeze3A_477 = vector.extract %slice3A_476[0] : i32 from vector<1xi32>
      %dma_start3A_478 = arith.constant 0 : i32
      %dma_start3A_479 = tpu.memref_slice %arg6[%add3A_475, %dma_start3A_478] : memref<512x64xf32, #tpu.memory_space<vmem>> -> memref<1x64xf32, #tpu.memory_space<vmem>>
      %dma_start3A_480 = arith.constant 0 : i32
      %dma_start3A_481 = tpu.memref_slice %arg2[%squeeze3A_477, %dma_start3A_480] : memref<1000000x64xf32, #tpu.memory_space<hbm>> -> memref<1x64xf32, #tpu.memory_space<hbm>>
      %dma_start3A_482 = arith.constant 0 : i32
      %dma_start3A_483 = tpu.memref_slice %arg6[%add3A_475, %dma_start3A_482] : memref<512x64xf32, #tpu.memory_space<vmem>> -> memref<1x64xf32, #tpu.memory_space<vmem>>
      %dma_start3A_484 = arith.constant 0 : i32
      %dma_start3A_485 = tpu.memref_slice %arg2[%squeeze3A_477, %dma_start3A_484] : memref<1000000x64xf32, #tpu.memory_space<hbm>> -> memref<1x64xf32, #tpu.memory_space<hbm>>
      tpu.enqueue_dma source(%dma_start3A_485 : memref<1x64xf32, #tpu.memory_space<hbm>>) target(%dma_start3A_483 : memref<1x64xf32, #tpu.memory_space<vmem>>) target_semaphore(%arg9 : memref<!tpu.dma_semaphore, #tpu.memory_space<semaphore_mem>>)
      %mul3A_486 = arith.constant 32 : i32
      %mul3A_487 = arith.muli %scan3A_74, %mul3A_486 : i32
      %add3A_488 = arith.constant 16 : i32
      %add3A_489 = arith.addi %mul3A_487, %add3A_488 : i32
      %add3A_490 = arith.constant 9 : i32
      %add3A_491 = arith.addi %add3A_489, %add3A_490 : i32
      %slice3A_492 = vector.extract_strided_slice %get3A_341 {offsets = [9], sizes = [1], strides = [1]} : vector<16xi32> to vector<1xi32>
      %squeeze3A_493 = vector.extract %slice3A_492[0] : i32 from vector<1xi32>
      %dma_start3A_494 = arith.constant 0 : i32
      %dma_start3A_495 = tpu.memref_slice %arg6[%add3A_491, %dma_start3A_494] : memref<512x64xf32, #tpu.memory_space<vmem>> -> memref<1x64xf32, #tpu.memory_space<vmem>>
      %dma_start3A_496 = arith.constant 0 : i32
      %dma_start3A_497 = tpu.memref_slice %arg2[%squeeze3A_493, %dma_start3A_496] : memref<1000000x64xf32, #tpu.memory_space<hbm>> -> memref<1x64xf32, #tpu.memory_space<hbm>>
      %dma_start3A_498 = arith.constant 0 : i32
      %dma_start3A_499 = tpu.memref_slice %arg6[%add3A_491, %dma_start3A_498] : memref<512x64xf32, #tpu.memory_space<vmem>> -> memref<1x64xf32, #tpu.memory_space<vmem>>
      %dma_start3A_500 = arith.constant 0 : i32
      %dma_start3A_501 = tpu.memref_slice %arg2[%squeeze3A_493, %dma_start3A_500] : memref<1000000x64xf32, #tpu.memory_space<hbm>> -> memref<1x64xf32, #tpu.memory_space<hbm>>
      tpu.enqueue_dma source(%dma_start3A_501 : memref<1x64xf32, #tpu.memory_space<hbm>>) target(%dma_start3A_499 : memref<1x64xf32, #tpu.memory_space<vmem>>) target_semaphore(%arg9 : memref<!tpu.dma_semaphore, #tpu.memory_space<semaphore_mem>>)
      %mul3A_502 = arith.constant 32 : i32
      %mul3A_503 = arith.muli %scan3A_74, %mul3A_502 : i32
      %add3A_504 = arith.constant 16 : i32
      %add3A_505 = arith.addi %mul3A_503, %add3A_504 : i32
      %add3A_506 = arith.constant 10 : i32
      %add3A_507 = arith.addi %add3A_505, %add3A_506 : i32
      %slice3A_508 = vector.extract_strided_slice %get3A_341 {offsets = [10], sizes = [1], strides = [1]} : vector<16xi32> to vector<1xi32>
      %squeeze3A_509 = vector.extract %slice3A_508[0] : i32 from vector<1xi32>
      %dma_start3A_510 = arith.constant 0 : i32
      %dma_start3A_511 = tpu.memref_slice %arg6[%add3A_507, %dma_start3A_510] : memref<512x64xf32, #tpu.memory_space<vmem>> -> memref<1x64xf32, #tpu.memory_space<vmem>>
      %dma_start3A_512 = arith.constant 0 : i32
      %dma_start3A_513 = tpu.memref_slice %arg2[%squeeze3A_509, %dma_start3A_512] : memref<1000000x64xf32, #tpu.memory_space<hbm>> -> memref<1x64xf32, #tpu.memory_space<hbm>>
      %dma_start3A_514 = arith.constant 0 : i32
      %dma_start3A_515 = tpu.memref_slice %arg6[%add3A_507, %dma_start3A_514] : memref<512x64xf32, #tpu.memory_space<vmem>> -> memref<1x64xf32, #tpu.memory_space<vmem>>
      %dma_start3A_516 = arith.constant 0 : i32
      %dma_start3A_517 = tpu.memref_slice %arg2[%squeeze3A_509, %dma_start3A_516] : memref<1000000x64xf32, #tpu.memory_space<hbm>> -> memref<1x64xf32, #tpu.memory_space<hbm>>
      tpu.enqueue_dma source(%dma_start3A_517 : memref<1x64xf32, #tpu.memory_space<hbm>>) target(%dma_start3A_515 : memref<1x64xf32, #tpu.memory_space<vmem>>) target_semaphore(%arg9 : memref<!tpu.dma_semaphore, #tpu.memory_space<semaphore_mem>>)
      %mul3A_518 = arith.constant 32 : i32
      %mul3A_519 = arith.muli %scan3A_74, %mul3A_518 : i32
      %add3A_520 = arith.constant 16 : i32
      %add3A_521 = arith.addi %mul3A_519, %add3A_520 : i32
      %add3A_522 = arith.constant 11 : i32
      %add3A_523 = arith.addi %add3A_521, %add3A_522 : i32
      %slice3A_524 = vector.extract_strided_slice %get3A_341 {offsets = [11], sizes = [1], strides = [1]} : vector<16xi32> to vector<1xi32>
      %squeeze3A_525 = vector.extract %slice3A_524[0] : i32 from vector<1xi32>
      %dma_start3A_526 = arith.constant 0 : i32
      %dma_start3A_527 = tpu.memref_slice %arg6[%add3A_523, %dma_start3A_526] : memref<512x64xf32, #tpu.memory_space<vmem>> -> memref<1x64xf32, #tpu.memory_space<vmem>>
      %dma_start3A_528 = arith.constant 0 : i32
      %dma_start3A_529 = tpu.memref_slice %arg2[%squeeze3A_525, %dma_start3A_528] : memref<1000000x64xf32, #tpu.memory_space<hbm>> -> memref<1x64xf32, #tpu.memory_space<hbm>>
      %dma_start3A_530 = arith.constant 0 : i32
      %dma_start3A_531 = tpu.memref_slice %arg6[%add3A_523, %dma_start3A_530] : memref<512x64xf32, #tpu.memory_space<vmem>> -> memref<1x64xf32, #tpu.memory_space<vmem>>
      %dma_start3A_532 = arith.constant 0 : i32
      %dma_start3A_533 = tpu.memref_slice %arg2[%squeeze3A_525, %dma_start3A_532] : memref<1000000x64xf32, #tpu.memory_space<hbm>> -> memref<1x64xf32, #tpu.memory_space<hbm>>
      tpu.enqueue_dma source(%dma_start3A_533 : memref<1x64xf32, #tpu.memory_space<hbm>>) target(%dma_start3A_531 : memref<1x64xf32, #tpu.memory_space<vmem>>) target_semaphore(%arg9 : memref<!tpu.dma_semaphore, #tpu.memory_space<semaphore_mem>>)
      %mul3A_534 = arith.constant 32 : i32
      %mul3A_535 = arith.muli %scan3A_74, %mul3A_534 : i32
      %add3A_536 = arith.constant 16 : i32
      %add3A_537 = arith.addi %mul3A_535, %add3A_536 : i32
      %add3A_538 = arith.constant 12 : i32
      %add3A_539 = arith.addi %add3A_537, %add3A_538 : i32
      %slice3A_540 = vector.extract_strided_slice %get3A_341 {offsets = [12], sizes = [1], strides = [1]} : vector<16xi32> to vector<1xi32>
      %squeeze3A_541 = vector.extract %slice3A_540[0] : i32 from vector<1xi32>
      %dma_start3A_542 = arith.constant 0 : i32
      %dma_start3A_543 = tpu.memref_slice %arg6[%add3A_539, %dma_start3A_542] : memref<512x64xf32, #tpu.memory_space<vmem>> -> memref<1x64xf32, #tpu.memory_space<vmem>>
      %dma_start3A_544 = arith.constant 0 : i32
      %dma_start3A_545 = tpu.memref_slice %arg2[%squeeze3A_541, %dma_start3A_544] : memref<1000000x64xf32, #tpu.memory_space<hbm>> -> memref<1x64xf32, #tpu.memory_space<hbm>>
      %dma_start3A_546 = arith.constant 0 : i32
      %dma_start3A_547 = tpu.memref_slice %arg6[%add3A_539, %dma_start3A_546] : memref<512x64xf32, #tpu.memory_space<vmem>> -> memref<1x64xf32, #tpu.memory_space<vmem>>
      %dma_start3A_548 = arith.constant 0 : i32
      %dma_start3A_549 = tpu.memref_slice %arg2[%squeeze3A_541, %dma_start3A_548] : memref<1000000x64xf32, #tpu.memory_space<hbm>> -> memref<1x64xf32, #tpu.memory_space<hbm>>
      tpu.enqueue_dma source(%dma_start3A_549 : memref<1x64xf32, #tpu.memory_space<hbm>>) target(%dma_start3A_547 : memref<1x64xf32, #tpu.memory_space<vmem>>) target_semaphore(%arg9 : memref<!tpu.dma_semaphore, #tpu.memory_space<semaphore_mem>>)
      %mul3A_550 = arith.constant 32 : i32
      %mul3A_551 = arith.muli %scan3A_74, %mul3A_550 : i32
      %add3A_552 = arith.constant 16 : i32
      %add3A_553 = arith.addi %mul3A_551, %add3A_552 : i32
      %add3A_554 = arith.constant 13 : i32
      %add3A_555 = arith.addi %add3A_553, %add3A_554 : i32
      %slice3A_556 = vector.extract_strided_slice %get3A_341 {offsets = [13], sizes = [1], strides = [1]} : vector<16xi32> to vector<1xi32>
      %squeeze3A_557 = vector.extract %slice3A_556[0] : i32 from vector<1xi32>
      %dma_start3A_558 = arith.constant 0 : i32
      %dma_start3A_559 = tpu.memref_slice %arg6[%add3A_555, %dma_start3A_558] : memref<512x64xf32, #tpu.memory_space<vmem>> -> memref<1x64xf32, #tpu.memory_space<vmem>>
      %dma_start3A_560 = arith.constant 0 : i32
      %dma_start3A_561 = tpu.memref_slice %arg2[%squeeze3A_557, %dma_start3A_560] : memref<1000000x64xf32, #tpu.memory_space<hbm>> -> memref<1x64xf32, #tpu.memory_space<hbm>>
      %dma_start3A_562 = arith.constant 0 : i32
      %dma_start3A_563 = tpu.memref_slice %arg6[%add3A_555, %dma_start3A_562] : memref<512x64xf32, #tpu.memory_space<vmem>> -> memref<1x64xf32, #tpu.memory_space<vmem>>
      %dma_start3A_564 = arith.constant 0 : i32
      %dma_start3A_565 = tpu.memref_slice %arg2[%squeeze3A_557, %dma_start3A_564] : memref<1000000x64xf32, #tpu.memory_space<hbm>> -> memref<1x64xf32, #tpu.memory_space<hbm>>
      tpu.enqueue_dma source(%dma_start3A_565 : memref<1x64xf32, #tpu.memory_space<hbm>>) target(%dma_start3A_563 : memref<1x64xf32, #tpu.memory_space<vmem>>) target_semaphore(%arg9 : memref<!tpu.dma_semaphore, #tpu.memory_space<semaphore_mem>>)
      %mul3A_566 = arith.constant 32 : i32
      %mul3A_567 = arith.muli %scan3A_74, %mul3A_566 : i32
      %add3A_568 = arith.constant 16 : i32
      %add3A_569 = arith.addi %mul3A_567, %add3A_568 : i32
      %add3A_570 = arith.constant 14 : i32
      %add3A_571 = arith.addi %add3A_569, %add3A_570 : i32
      %slice3A_572 = vector.extract_strided_slice %get3A_341 {offsets = [14], sizes = [1], strides = [1]} : vector<16xi32> to vector<1xi32>
      %squeeze3A_573 = vector.extract %slice3A_572[0] : i32 from vector<1xi32>
      %dma_start3A_574 = arith.constant 0 : i32
      %dma_start3A_575 = tpu.memref_slice %arg6[%add3A_571, %dma_start3A_574] : memref<512x64xf32, #tpu.memory_space<vmem>> -> memref<1x64xf32, #tpu.memory_space<vmem>>
      %dma_start3A_576 = arith.constant 0 : i32
      %dma_start3A_577 = tpu.memref_slice %arg2[%squeeze3A_573, %dma_start3A_576] : memref<1000000x64xf32, #tpu.memory_space<hbm>> -> memref<1x64xf32, #tpu.memory_space<hbm>>
      %dma_start3A_578 = arith.constant 0 : i32
      %dma_start3A_579 = tpu.memref_slice %arg6[%add3A_571, %dma_start3A_578] : memref<512x64xf32, #tpu.memory_space<vmem>> -> memref<1x64xf32, #tpu.memory_space<vmem>>
      %dma_start3A_580 = arith.constant 0 : i32
      %dma_start3A_581 = tpu.memref_slice %arg2[%squeeze3A_573, %dma_start3A_580] : memref<1000000x64xf32, #tpu.memory_space<hbm>> -> memref<1x64xf32, #tpu.memory_space<hbm>>
      tpu.enqueue_dma source(%dma_start3A_581 : memref<1x64xf32, #tpu.memory_space<hbm>>) target(%dma_start3A_579 : memref<1x64xf32, #tpu.memory_space<vmem>>) target_semaphore(%arg9 : memref<!tpu.dma_semaphore, #tpu.memory_space<semaphore_mem>>)
      %mul3A_582 = arith.constant 32 : i32
      %mul3A_583 = arith.muli %scan3A_74, %mul3A_582 : i32
      %add3A_584 = arith.constant 16 : i32
      %add3A_585 = arith.addi %mul3A_583, %add3A_584 : i32
      %add3A_586 = arith.constant 15 : i32
      %add3A_587 = arith.addi %add3A_585, %add3A_586 : i32
      %slice3A_588 = vector.extract_strided_slice %get3A_341 {offsets = [15], sizes = [1], strides = [1]} : vector<16xi32> to vector<1xi32>
      %squeeze3A_589 = vector.extract %slice3A_588[0] : i32 from vector<1xi32>
      %dma_start3A_590 = arith.constant 0 : i32
      %dma_start3A_591 = tpu.memref_slice %arg6[%add3A_587, %dma_start3A_590] : memref<512x64xf32, #tpu.memory_space<vmem>> -> memref<1x64xf32, #tpu.memory_space<vmem>>
      %dma_start3A_592 = arith.constant 0 : i32
      %dma_start3A_593 = tpu.memref_slice %arg2[%squeeze3A_589, %dma_start3A_592] : memref<1000000x64xf32, #tpu.memory_space<hbm>> -> memref<1x64xf32, #tpu.memory_space<hbm>>
      %dma_start3A_594 = arith.constant 0 : i32
      %dma_start3A_595 = tpu.memref_slice %arg6[%add3A_587, %dma_start3A_594] : memref<512x64xf32, #tpu.memory_space<vmem>> -> memref<1x64xf32, #tpu.memory_space<vmem>>
      %dma_start3A_596 = arith.constant 0 : i32
      %dma_start3A_597 = tpu.memref_slice %arg2[%squeeze3A_589, %dma_start3A_596] : memref<1000000x64xf32, #tpu.memory_space<hbm>> -> memref<1x64xf32, #tpu.memory_space<hbm>>
      tpu.enqueue_dma source(%dma_start3A_597 : memref<1x64xf32, #tpu.memory_space<hbm>>) target(%dma_start3A_595 : memref<1x64xf32, #tpu.memory_space<vmem>>) target_semaphore(%arg9 : memref<!tpu.dma_semaphore, #tpu.memory_space<semaphore_mem>>)
    }
    %scan3A_41 = arith.constant 16 : i32
    %dma_wait3A_42 = arith.constant 0 : i32
    %dma_wait3A_43 = arith.constant 0 : i32
    %dma_wait3A_44 = tpu.memref_slice %arg2[%dma_wait3A_42, %dma_wait3A_43] : memref<1000000x64xf32, #tpu.memory_space<hbm>> -> memref<512x64xf32, #tpu.memory_space<hbm>>
    %dma_wait3A_45 = arith.constant 0 : i32
    %dma_wait3A_46 = arith.constant 0 : i32
    %dma_wait3A_47 = tpu.memref_slice %arg2[%dma_wait3A_45, %dma_wait3A_46] : memref<1000000x64xf32, #tpu.memory_space<hbm>> -> memref<512x64xf32, #tpu.memory_space<hbm>>
    tpu.wait_dma2 semaphore(%arg9 : memref<!tpu.dma_semaphore, #tpu.memory_space<semaphore_mem>>) src(%dma_wait3A_47 : memref<512x64xf32, #tpu.memory_space<hbm>>) dst(%arg6 : memref<512x64xf32, #tpu.memory_space<vmem>>)
    %dma_wait3A_48 = arith.constant 0 : i32
    %dma_wait3A_49 = arith.constant 0 : i32
    %dma_wait3A_50 = tpu.memref_slice %arg4[%dma_wait3A_48, %dma_wait3A_49] : memref<16384x128xf32, #tpu.memory_space<hbm>> -> memref<256x128xf32, #tpu.memory_space<hbm>>
    %dma_wait3A_51 = arith.constant 0 : i32
    %dma_wait3A_52 = arith.constant 0 : i32
    %dma_wait3A_53 = tpu.memref_slice %arg4[%dma_wait3A_51, %dma_wait3A_52] : memref<16384x128xf32, #tpu.memory_space<hbm>> -> memref<256x128xf32, #tpu.memory_space<hbm>>
    tpu.wait_dma2 semaphore(%arg10 : memref<!tpu.dma_semaphore, #tpu.memory_space<semaphore_mem>>) src(%arg7 : memref<256x128xf32, #tpu.memory_space<vmem>>) dst(%dma_wait3A_53 : memref<256x128xf32, #tpu.memory_space<hbm>>)
    %scan3A_54 = arith.constant 0 : i32
    %scan3A_55 = arith.constant 0 : i32
    %scan3A_56 = arith.constant 16 : i32
    %scan3A_57 = arith.addi %scan3A_55, %scan3A_56 : i32
    %scan3A_58 = arith.constant 1 : i32
    scf.for %scan3A_74 = %scan3A_55 to %scan3A_57 step %scan3A_58  : i32 {
      %mul3A_75 = arith.constant 16 : i32
      %mul3A_76 = arith.muli %scan3A_74, %mul3A_75 : i32
      %add3A_77 = arith.constant 0 : i32
      %add3A_78 = arith.addi %mul3A_76, %add3A_77 : i32
      %mul3A_79 = arith.constant 2 : i32
      %mul3A_80 = arith.muli %mul3A_79, %add3A_78 : i32
      %add3A_81 = arith.constant 0 : i32
      %add3A_82 = arith.addi %mul3A_80, %add3A_81 : i32
      %get3A = arith.index_cast %add3A_82 : i32 to index
      %get3A_83 = arith.constant 0 : index
      %get3A_84 = tpu.vector_load %arg6[%get3A, %get3A_83] {strides = array<i32>} : memref<512x64xf32, #tpu.memory_space<vmem>>, vector<1x16xf32>,
      %get3A_85 = vector.shape_cast %get3A_84 : vector<1x16xf32> to vector<16xf32>
      %swap3A = arith.index_cast %add3A_78 : i32 to index
      %swap3A_86 = arith.constant 0 : index
      %swap3A_87 = tpu.vector_load %arg7[%swap3A, %swap3A_86] {strides = array<i32>} : memref<256x128xf32, #tpu.memory_space<vmem>>, vector<1x16xf32>,
      %swap3A_88 = vector.shape_cast %swap3A_87 : vector<1x16xf32> to vector<16xf32>
      %swap3A_89 = vector.shape_cast %get3A_85 : vector<16xf32> to vector<1x16xf32>
      tpu.vector_store %arg7[%swap3A, %swap3A_86], %swap3A_89 {strides = array<i32>} : memref<256x128xf32, #tpu.memory_space<vmem>>, vector<1x16xf32>,
      %mul3A_90 = arith.constant 2 : i32
      %mul3A_91 = arith.muli %mul3A_90, %add3A_78 : i32
      %add3A_92 = arith.constant 0 : i32
      %add3A_93 = arith.addi %mul3A_91, %add3A_92 : i32
      %get3A_94 = arith.index_cast %add3A_93 : i32 to index
      %get3A_95 = arith.constant 16 : index
      %get3A_96 = tpu.vector_load %arg6[%get3A_94, %get3A_95] {strides = array<i32>} : memref<512x64xf32, #tpu.memory_space<vmem>>, vector<1x16xf32>,
      %get3A_97 = vector.shape_cast %get3A_96 : vector<1x16xf32> to vector<16xf32>
      %swap3A_98 = arith.index_cast %add3A_78 : i32 to index
      %swap3A_99 = arith.constant 16 : index
      %swap3A_100 = tpu.vector_load %arg7[%swap3A_98, %swap3A_99] {strides = array<i32>} : memref<256x128xf32, #tpu.memory_space<vmem>>, vector<1x16xf32>,
      %swap3A_101 = vector.shape_cast %swap3A_100 : vector<1x16xf32> to vector<16xf32>
      %swap3A_102 = vector.shape_cast %get3A_97 : vector<16xf32> to vector<1x16xf32>
      tpu.vector_store %arg7[%swap3A_98, %swap3A_99], %swap3A_102 {strides = array<i32>} : memref<256x128xf32, #tpu.memory_space<vmem>>, vector<1x16xf32>,
      %mul3A_103 = arith.constant 2 : i32
      %mul3A_104 = arith.muli %mul3A_103, %add3A_78 : i32
      %add3A_105 = arith.constant 0 : i32
      %add3A_106 = arith.addi %mul3A_104, %add3A_105 : i32
      %get3A_107 = arith.index_cast %add3A_106 : i32 to index
      %get3A_108 = arith.constant 32 : index
      %get3A_109 = tpu.vector_load %arg6[%get3A_107, %get3A_108] {strides = array<i32>} : memref<512x64xf32, #tpu.memory_space<vmem>>, vector<1x16xf32>,
      %get3A_110 = vector.shape_cast %get3A_109 : vector<1x16xf32> to vector<16xf32>
      %swap3A_111 = arith.index_cast %add3A_78 : i32 to index
      %swap3A_112 = arith.constant 32 : index
      %swap3A_113 = tpu.vector_load %arg7[%swap3A_111, %swap3A_112] {strides = array<i32>} : memref<256x128xf32, #tpu.memory_space<vmem>>, vector<1x16xf32>,
      %swap3A_114 = vector.shape_cast %swap3A_113 : vector<1x16xf32> to vector<16xf32>
      %swap3A_115 = vector.shape_cast %get3A_110 : vector<16xf32> to vector<1x16xf32>
      tpu.vector_store %arg7[%swap3A_111, %swap3A_112], %swap3A_115 {strides = array<i32>} : memref<256x128xf32, #tpu.memory_space<vmem>>, vector<1x16xf32>,
      %mul3A_116 = arith.constant 2 : i32
      %mul3A_117 = arith.muli %mul3A_116, %add3A_78 : i32
      %add3A_118 = arith.constant 0 : i32
      %add3A_119 = arith.addi %mul3A_117, %add3A_118 : i32
      %get3A_120 = arith.index_cast %add3A_119 : i32 to index
      %get3A_121 = arith.constant 48 : index
      %get3A_122 = tpu.vector_load %arg6[%get3A_120, %get3A_121] {strides = array<i32>} : memref<512x64xf32, #tpu.memory_space<vmem>>, vector<1x16xf32>,
      %get3A_123 = vector.shape_cast %get3A_122 : vector<1x16xf32> to vector<16xf32>
      %swap3A_124 = arith.index_cast %add3A_78 : i32 to index
      %swap3A_125 = arith.constant 48 : index
      %swap3A_126 = tpu.vector_load %arg7[%swap3A_124, %swap3A_125] {strides = array<i32>} : memref<256x128xf32, #tpu.memory_space<vmem>>, vector<1x16xf32>,
      %swap3A_127 = vector.shape_cast %swap3A_126 : vector<1x16xf32> to vector<16xf32>
      %swap3A_128 = vector.shape_cast %get3A_123 : vector<16xf32> to vector<1x16xf32>
      tpu.vector_store %arg7[%swap3A_124, %swap3A_125], %swap3A_128 {strides = array<i32>} : memref<256x128xf32, #tpu.memory_space<vmem>>, vector<1x16xf32>,
      %mul3A_129 = arith.constant 2 : i32
      %mul3A_130 = arith.muli %mul3A_129, %add3A_78 : i32
      %add3A_131 = arith.constant 1 : i32
      %add3A_132 = arith.addi %mul3A_130, %add3A_131 : i32
      %get3A_133 = arith.index_cast %add3A_132 : i32 to index
      %get3A_134 = arith.constant 0 : index
      %get3A_135 = tpu.vector_load %arg6[%get3A_133, %get3A_134] {strides = array<i32>} : memref<512x64xf32, #tpu.memory_space<vmem>>, vector<1x16xf32>,
      %get3A_136 = vector.shape_cast %get3A_135 : vector<1x16xf32> to vector<16xf32>
      %swap3A_137 = arith.index_cast %add3A_78 : i32 to index
      %swap3A_138 = arith.constant 64 : index
      %swap3A_139 = tpu.vector_load %arg7[%swap3A_137, %swap3A_138] {strides = array<i32>} : memref<256x128xf32, #tpu.memory_space<vmem>>, vector<1x16xf32>,
      %swap3A_140 = vector.shape_cast %swap3A_139 : vector<1x16xf32> to vector<16xf32>
      %swap3A_141 = vector.shape_cast %get3A_136 : vector<16xf32> to vector<1x16xf32>
      tpu.vector_store %arg7[%swap3A_137, %swap3A_138], %swap3A_141 {strides = array<i32>} : memref<256x128xf32, #tpu.memory_space<vmem>>, vector<1x16xf32>,
      %mul3A_142 = arith.constant 2 : i32
      %mul3A_143 = arith.muli %mul3A_142, %add3A_78 : i32
      %add3A_144 = arith.constant 1 : i32
      %add3A_145 = arith.addi %mul3A_143, %add3A_144 : i32
      %get3A_146 = arith.index_cast %add3A_145 : i32 to index
      %get3A_147 = arith.constant 16 : index
      %get3A_148 = tpu.vector_load %arg6[%get3A_146, %get3A_147] {strides = array<i32>} : memref<512x64xf32, #tpu.memory_space<vmem>>, vector<1x16xf32>,
      %get3A_149 = vector.shape_cast %get3A_148 : vector<1x16xf32> to vector<16xf32>
      %swap3A_150 = arith.index_cast %add3A_78 : i32 to index
      %swap3A_151 = arith.constant 80 : index
      %swap3A_152 = tpu.vector_load %arg7[%swap3A_150, %swap3A_151] {strides = array<i32>} : memref<256x128xf32, #tpu.memory_space<vmem>>, vector<1x16xf32>,
      %swap3A_153 = vector.shape_cast %swap3A_152 : vector<1x16xf32> to vector<16xf32>
      %swap3A_154 = vector.shape_cast %get3A_149 : vector<16xf32> to vector<1x16xf32>
      tpu.vector_store %arg7[%swap3A_150, %swap3A_151], %swap3A_154 {strides = array<i32>} : memref<256x128xf32, #tpu.memory_space<vmem>>, vector<1x16xf32>,
      %mul3A_155 = arith.constant 2 : i32
      %mul3A_156 = arith.muli %mul3A_155, %add3A_78 : i32
      %add3A_157 = arith.constant 1 : i32
      %add3A_158 = arith.addi %mul3A_156, %add3A_157 : i32
      %get3A_159 = arith.index_cast %add3A_158 : i32 to index
      %get3A_160 = arith.constant 32 : index
      %get3A_161 = tpu.vector_load %arg6[%get3A_159, %get3A_160] {strides = array<i32>} : memref<512x64xf32, #tpu.memory_space<vmem>>, vector<1x16xf32>,
      %get3A_162 = vector.shape_cast %get3A_161 : vector<1x16xf32> to vector<16xf32>
      %swap3A_163 = arith.index_cast %add3A_78 : i32 to index
      %swap3A_164 = arith.constant 96 : index
      %swap3A_165 = tpu.vector_load %arg7[%swap3A_163, %swap3A_164] {strides = array<i32>} : memref<256x128xf32, #tpu.memory_space<vmem>>, vector<1x16xf32>,
      %swap3A_166 = vector.shape_cast %swap3A_165 : vector<1x16xf32> to vector<16xf32>
      %swap3A_167 = vector.shape_cast %get3A_162 : vector<16xf32> to vector<1x16xf32>
      tpu.vector_store %arg7[%swap3A_163, %swap3A_164], %swap3A_167 {strides = array<i32>} : memref<256x128xf32, #tpu.memory_space<vmem>>, vector<1x16xf32>,
      %mul3A_168 = arith.constant 2 : i32
      %mul3A_169 = arith.muli %mul3A_168, %add3A_78 : i32
      %add3A_170 = arith.constant 1 : i32
      %add3A_171 = arith.addi %mul3A_169, %add3A_170 : i32
      %get3A_172 = arith.index_cast %add3A_171 : i32 to index
      %get3A_173 = arith.constant 48 : index
      %get3A_174 = tpu.vector_load %arg6[%get3A_172, %get3A_173] {strides = array<i32>} : memref<512x64xf32, #tpu.memory_space<vmem>>, vector<1x16xf32>,
      %get3A_175 = vector.shape_cast %get3A_174 : vector<1x16xf32> to vector<16xf32>
      %swap3A_176 = arith.index_cast %add3A_78 : i32 to index
      %swap3A_177 = arith.constant 112 : index
      %swap3A_178 = tpu.vector_load %arg7[%swap3A_176, %swap3A_177] {strides = array<i32>} : memref<256x128xf32, #tpu.memory_space<vmem>>, vector<1x16xf32>,
      %swap3A_179 = vector.shape_cast %swap3A_178 : vector<1x16xf32> to vector<16xf32>
      %swap3A_180 = vector.shape_cast %get3A_175 : vector<16xf32> to vector<1x16xf32>
      tpu.vector_store %arg7[%swap3A_176, %swap3A_177], %swap3A_180 {strides = array<i32>} : memref<256x128xf32, #tpu.memory_space<vmem>>, vector<1x16xf32>,
      %mul3A_181 = arith.constant 16 : i32
      %mul3A_182 = arith.muli %scan3A_74, %mul3A_181 : i32
      %add3A_183 = arith.constant 1 : i32
      %add3A_184 = arith.addi %mul3A_182, %add3A_183 : i32
      %mul3A_185 = arith.constant 2 : i32
      %mul3A_186 = arith.muli %mul3A_185, %add3A_184 : i32
      %add3A_187 = arith.constant 0 : i32
      %add3A_188 = arith.addi %mul3A_186, %add3A_187 : i32
      %get3A_189 = arith.index_cast %add3A_188 : i32 to index
      %get3A_190 = arith.constant 0 : index
      %get3A_191 = tpu.vector_load %arg6[%get3A_189, %get3A_190] {strides = array<i32>} : memref<512x64xf32, #tpu.memory_space<vmem>>, vector<1x16xf32>,
      %get3A_192 = vector.shape_cast %get3A_191 : vector<1x16xf32> to vector<16xf32>
      %swap3A_193 = arith.index_cast %add3A_184 : i32 to index
      %swap3A_194 = arith.constant 0 : index
      %swap3A_195 = tpu.vector_load %arg7[%swap3A_193, %swap3A_194] {strides = array<i32>} : memref<256x128xf32, #tpu.memory_space<vmem>>, vector<1x16xf32>,
      %swap3A_196 = vector.shape_cast %swap3A_195 : vector<1x16xf32> to vector<16xf32>
      %swap3A_197 = vector.shape_cast %get3A_192 : vector<16xf32> to vector<1x16xf32>
      tpu.vector_store %arg7[%swap3A_193, %swap3A_194], %swap3A_197 {strides = array<i32>} : memref<256x128xf32, #tpu.memory_space<vmem>>, vector<1x16xf32>,
      %mul3A_198 = arith.constant 2 : i32
      %mul3A_199 = arith.muli %mul3A_198, %add3A_184 : i32
      %add3A_200 = arith.constant 0 : i32
      %add3A_201 = arith.addi %mul3A_199, %add3A_200 : i32
      %get3A_202 = arith.index_cast %add3A_201 : i32 to index
      %get3A_203 = arith.constant 16 : index
      %get3A_204 = tpu.vector_load %arg6[%get3A_202, %get3A_203] {strides = array<i32>} : memref<512x64xf32, #tpu.memory_space<vmem>>, vector<1x16xf32>,
      %get3A_205 = vector.shape_cast %get3A_204 : vector<1x16xf32> to vector<16xf32>
      %swap3A_206 = arith.index_cast %add3A_184 : i32 to index
      %swap3A_207 = arith.constant 16 : index
      %swap3A_208 = tpu.vector_load %arg7[%swap3A_206, %swap3A_207] {strides = array<i32>} : memref<256x128xf32, #tpu.memory_space<vmem>>, vector<1x16xf32>,
      %swap3A_209 = vector.shape_cast %swap3A_208 : vector<1x16xf32> to vector<16xf32>
      %swap3A_210 = vector.shape_cast %get3A_205 : vector<16xf32> to vector<1x16xf32>
      tpu.vector_store %arg7[%swap3A_206, %swap3A_207], %swap3A_210 {strides = array<i32>} : memref<256x128xf32, #tpu.memory_space<vmem>>, vector<1x16xf32>,
      %mul3A_211 = arith.constant 2 : i32
      %mul3A_212 = arith.muli %mul3A_211, %add3A_184 : i32
      %add3A_213 = arith.constant 0 : i32
      %add3A_214 = arith.addi %mul3A_212, %add3A_213 : i32
      %get3A_215 = arith.index_cast %add3A_214 : i32 to index
      %get3A_216 = arith.constant 32 : index
      %get3A_217 = tpu.vector_load %arg6[%get3A_215, %get3A_216] {strides = array<i32>} : memref<512x64xf32, #tpu.memory_space<vmem>>, vector<1x16xf32>,
      %get3A_218 = vector.shape_cast %get3A_217 : vector<1x16xf32> to vector<16xf32>
      %swap3A_219 = arith.index_cast %add3A_184 : i32 to index
      %swap3A_220 = arith.constant 32 : index
      %swap3A_221 = tpu.vector_load %arg7[%swap3A_219, %swap3A_220] {strides = array<i32>} : memref<256x128xf32, #tpu.memory_space<vmem>>, vector<1x16xf32>,
      %swap3A_222 = vector.shape_cast %swap3A_221 : vector<1x16xf32> to vector<16xf32>
      %swap3A_223 = vector.shape_cast %get3A_218 : vector<16xf32> to vector<1x16xf32>
      tpu.vector_store %arg7[%swap3A_219, %swap3A_220], %swap3A_223 {strides = array<i32>} : memref<256x128xf32, #tpu.memory_space<vmem>>, vector<1x16xf32>,
      %mul3A_224 = arith.constant 2 : i32
      %mul3A_225 = arith.muli %mul3A_224, %add3A_184 : i32
      %add3A_226 = arith.constant 0 : i32
      %add3A_227 = arith.addi %mul3A_225, %add3A_226 : i32
      %get3A_228 = arith.index_cast %add3A_227 : i32 to index
      %get3A_229 = arith.constant 48 : index
      %get3A_230 = tpu.vector_load %arg6[%get3A_228, %get3A_229] {strides = array<i32>} : memref<512x64xf32, #tpu.memory_space<vmem>>, vector<1x16xf32>,
      %get3A_231 = vector.shape_cast %get3A_230 : vector<1x16xf32> to vector<16xf32>
      %swap3A_232 = arith.index_cast %add3A_184 : i32 to index
      %swap3A_233 = arith.constant 48 : index
      %swap3A_234 = tpu.vector_load %arg7[%swap3A_232, %swap3A_233] {strides = array<i32>} : memref<256x128xf32, #tpu.memory_space<vmem>>, vector<1x16xf32>,
      %swap3A_235 = vector.shape_cast %swap3A_234 : vector<1x16xf32> to vector<16xf32>
      %swap3A_236 = vector.shape_cast %get3A_231 : vector<16xf32> to vector<1x16xf32>
      tpu.vector_store %arg7[%swap3A_232, %swap3A_233], %swap3A_236 {strides = array<i32>} : memref<256x128xf32, #tpu.memory_space<vmem>>, vector<1x16xf32>,
      %mul3A_237 = arith.constant 2 : i32
      %mul3A_238 = arith.muli %mul3A_237, %add3A_184 : i32
      %add3A_239 = arith.constant 1 : i32
      %add3A_240 = arith.addi %mul3A_238, %add3A_239 : i32
      %get3A_241 = arith.index_cast %add3A_240 : i32 to index
      %get3A_242 = arith.constant 0 : index
      %get3A_243 = tpu.vector_load %arg6[%get3A_241, %get3A_242] {strides = array<i32>} : memref<512x64xf32, #tpu.memory_space<vmem>>, vector<1x16xf32>,
      %get3A_244 = vector.shape_cast %get3A_243 : vector<1x16xf32> to vector<16xf32>
      %swap3A_245 = arith.index_cast %add3A_184 : i32 to index
      %swap3A_246 = arith.constant 64 : index
      %swap3A_247 = tpu.vector_load %arg7[%swap3A_245, %swap3A_246] {strides = array<i32>} : memref<256x128xf32, #tpu.memory_space<vmem>>, vector<1x16xf32>,
      %swap3A_248 = vector.shape_cast %swap3A_247 : vector<1x16xf32> to vector<16xf32>
      %swap3A_249 = vector.shape_cast %get3A_244 : vector<16xf32> to vector<1x16xf32>
      tpu.vector_store %arg7[%swap3A_245, %swap3A_246], %swap3A_249 {strides = array<i32>} : memref<256x128xf32, #tpu.memory_space<vmem>>, vector<1x16xf32>,
      %mul3A_250 = arith.constant 2 : i32
      %mul3A_251 = arith.muli %mul3A_250, %add3A_184 : i32
      %add3A_252 = arith.constant 1 : i32
      %add3A_253 = arith.addi %mul3A_251, %add3A_252 : i32
      %get3A_254 = arith.index_cast %add3A_253 : i32 to index
      %get3A_255 = arith.constant 16 : index
      %get3A_256 = tpu.vector_load %arg6[%get3A_254, %get3A_255] {strides = array<i32>} : memref<512x64xf32, #tpu.memory_space<vmem>>, vector<1x16xf32>,
      %get3A_257 = vector.shape_cast %get3A_256 : vector<1x16xf32> to vector<16xf32>
      %swap3A_258 = arith.index_cast %add3A_184 : i32 to index
      %swap3A_259 = arith.constant 80 : index
      %swap3A_260 = tpu.vector_load %arg7[%swap3A_258, %swap3A_259] {strides = array<i32>} : memref<256x128xf32, #tpu.memory_space<vmem>>, vector<1x16xf32>,
      %swap3A_261 = vector.shape_cast %swap3A_260 : vector<1x16xf32> to vector<16xf32>
      %swap3A_262 = vector.shape_cast %get3A_257 : vector<16xf32> to vector<1x16xf32>
      tpu.vector_store %arg7[%swap3A_258, %swap3A_259], %swap3A_262 {strides = array<i32>} : memref<256x128xf32, #tpu.memory_space<vmem>>, vector<1x16xf32>,
      %mul3A_263 = arith.constant 2 : i32
      %mul3A_264 = arith.muli %mul3A_263, %add3A_184 : i32
      %add3A_265 = arith.constant 1 : i32
      %add3A_266 = arith.addi %mul3A_264, %add3A_265 : i32
      %get3A_267 = arith.index_cast %add3A_266 : i32 to index
      %get3A_268 = arith.constant 32 : index
      %get3A_269 = tpu.vector_load %arg6[%get3A_267, %get3A_268] {strides = array<i32>} : memref<512x64xf32, #tpu.memory_space<vmem>>, vector<1x16xf32>,
      %get3A_270 = vector.shape_cast %get3A_269 : vector<1x16xf32> to vector<16xf32>
      %swap3A_271 = arith.index_cast %add3A_184 : i32 to index
      %swap3A_272 = arith.constant 96 : index
      %swap3A_273 = tpu.vector_load %arg7[%swap3A_271, %swap3A_272] {strides = array<i32>} : memref<256x128xf32, #tpu.memory_space<vmem>>, vector<1x16xf32>,
      %swap3A_274 = vector.shape_cast %swap3A_273 : vector<1x16xf32> to vector<16xf32>
      %swap3A_275 = vector.shape_cast %get3A_270 : vector<16xf32> to vector<1x16xf32>
      tpu.vector_store %arg7[%swap3A_271, %swap3A_272], %swap3A_275 {strides = array<i32>} : memref<256x128xf32, #tpu.memory_space<vmem>>, vector<1x16xf32>,
      %mul3A_276 = arith.constant 2 : i32
      %mul3A_277 = arith.muli %mul3A_276, %add3A_184 : i32
      %add3A_278 = arith.constant 1 : i32
      %add3A_279 = arith.addi %mul3A_277, %add3A_278 : i32
      %get3A_280 = arith.index_cast %add3A_279 : i32 to index
      %get3A_281 = arith.constant 48 : index
      %get3A_282 = tpu.vector_load %arg6[%get3A_280, %get3A_281] {strides = array<i32>} : memref<512x64xf32, #tpu.memory_space<vmem>>, vector<1x16xf32>,
      %get3A_283 = vector.shape_cast %get3A_282 : vector<1x16xf32> to vector<16xf32>
      %swap3A_284 = arith.index_cast %add3A_184 : i32 to index
      %swap3A_285 = arith.constant 112 : index
      %swap3A_286 = tpu.vector_load %arg7[%swap3A_284, %swap3A_285] {strides = array<i32>} : memref<256x128xf32, #tpu.memory_space<vmem>>, vector<1x16xf32>,
      %swap3A_287 = vector.shape_cast %swap3A_286 : vector<1x16xf32> to vector<16xf32>
      %swap3A_288 = vector.shape_cast %get3A_283 : vector<16xf32> to vector<1x16xf32>
      tpu.vector_store %arg7[%swap3A_284, %swap3A_285], %swap3A_288 {strides = array<i32>} : memref<256x128xf32, #tpu.memory_space<vmem>>, vector<1x16xf32>,
      %mul3A_289 = arith.constant 16 : i32
      %mul3A_290 = arith.muli %scan3A_74, %mul3A_289 : i32
      %add3A_291 = arith.constant 2 : i32
      %add3A_292 = arith.addi %mul3A_290, %add3A_291 : i32
      %mul3A_293 = arith.constant 2 : i32
      %mul3A_294 = arith.muli %mul3A_293, %add3A_292 : i32
      %add3A_295 = arith.constant 0 : i32
      %add3A_296 = arith.addi %mul3A_294, %add3A_295 : i32
      %get3A_297 = arith.index_cast %add3A_296 : i32 to index
      %get3A_298 = arith.constant 0 : index
      %get3A_299 = tpu.vector_load %arg6[%get3A_297, %get3A_298] {strides = array<i32>} : memref<512x64xf32, #tpu.memory_space<vmem>>, vector<1x16xf32>,
      %get3A_300 = vector.shape_cast %get3A_299 : vector<1x16xf32> to vector<16xf32>
      %swap3A_301 = arith.index_cast %add3A_292 : i32 to index
      %swap3A_302 = arith.constant 0 : index
      %swap3A_303 = tpu.vector_load %arg7[%swap3A_301, %swap3A_302] {strides = array<i32>} : memref<256x128xf32, #tpu.memory_space<vmem>>, vector<1x16xf32>,
      %swap3A_304 = vector.shape_cast %swap3A_303 : vector<1x16xf32> to vector<16xf32>
      %swap3A_305 = vector.shape_cast %get3A_300 : vector<16xf32> to vector<1x16xf32>
      tpu.vector_store %arg7[%swap3A_301, %swap3A_302], %swap3A_305 {strides = array<i32>} : memref<256x128xf32, #tpu.memory_space<vmem>>, vector<1x16xf32>,
      %mul3A_306 = arith.constant 2 : i32
      %mul3A_307 = arith.muli %mul3A_306, %add3A_292 : i32
      %add3A_308 = arith.constant 0 : i32
      %add3A_309 = arith.addi %mul3A_307, %add3A_308 : i32
      %get3A_310 = arith.index_cast %add3A_309 : i32 to index
      %get3A_311 = arith.constant 16 : index
      %get3A_312 = tpu.vector_load %arg6[%get3A_310, %get3A_311] {strides = array<i32>} : memref<512x64xf32, #tpu.memory_space<vmem>>, vector<1x16xf32>,
      %get3A_313 = vector.shape_cast %get3A_312 : vector<1x16xf32> to vector<16xf32>
      %swap3A_314 = arith.index_cast %add3A_292 : i32 to index
      %swap3A_315 = arith.constant 16 : index
      %swap3A_316 = tpu.vector_load %arg7[%swap3A_314, %swap3A_315] {strides = array<i32>} : memref<256x128xf32, #tpu.memory_space<vmem>>, vector<1x16xf32>,
      %swap3A_317 = vector.shape_cast %swap3A_316 : vector<1x16xf32> to vector<16xf32>
      %swap3A_318 = vector.shape_cast %get3A_313 : vector<16xf32> to vector<1x16xf32>
      tpu.vector_store %arg7[%swap3A_314, %swap3A_315], %swap3A_318 {strides = array<i32>} : memref<256x128xf32, #tpu.memory_space<vmem>>, vector<1x16xf32>,
      %mul3A_319 = arith.constant 2 : i32
      %mul3A_320 = arith.muli %mul3A_319, %add3A_292 : i32
      %add3A_321 = arith.constant 0 : i32
      %add3A_322 = arith.addi %mul3A_320, %add3A_321 : i32
      %get3A_323 = arith.index_cast %add3A_322 : i32 to index
      %get3A_324 = arith.constant 32 : index
      %get3A_325 = tpu.vector_load %arg6[%get3A_323, %get3A_324] {strides = array<i32>} : memref<512x64xf32, #tpu.memory_space<vmem>>, vector<1x16xf32>,
      %get3A_326 = vector.shape_cast %get3A_325 : vector<1x16xf32> to vector<16xf32>
      %swap3A_327 = arith.index_cast %add3A_292 : i32 to index
      %swap3A_328 = arith.constant 32 : index
      %swap3A_329 = tpu.vector_load %arg7[%swap3A_327, %swap3A_328] {strides = array<i32>} : memref<256x128xf32, #tpu.memory_space<vmem>>, vector<1x16xf32>,
      %swap3A_330 = vector.shape_cast %swap3A_329 : vector<1x16xf32> to vector<16xf32>
      %swap3A_331 = vector.shape_cast %get3A_326 : vector<16xf32> to vector<1x16xf32>
      tpu.vector_store %arg7[%swap3A_327, %swap3A_328], %swap3A_331 {strides = array<i32>} : memref<256x128xf32, #tpu.memory_space<vmem>>, vector<1x16xf32>,
      %mul3A_332 = arith.constant 2 : i32
      %mul3A_333 = arith.muli %mul3A_332, %add3A_292 : i32
      %add3A_334 = arith.constant 0 : i32
      %add3A_335 = arith.addi %mul3A_333, %add3A_334 : i32
      %get3A_336 = arith.index_cast %add3A_335 : i32 to index
      %get3A_337 = arith.constant 48 : index
      %get3A_338 = tpu.vector_load %arg6[%get3A_336, %get3A_337] {strides = array<i32>} : memref<512x64xf32, #tpu.memory_space<vmem>>, vector<1x16xf32>,
      %get3A_339 = vector.shape_cast %get3A_338 : vector<1x16xf32> to vector<16xf32>
      %swap3A_340 = arith.index_cast %add3A_292 : i32 to index
      %swap3A_341 = arith.constant 48 : index
      %swap3A_342 = tpu.vector_load %arg7[%swap3A_340, %swap3A_341] {strides = array<i32>} : memref<256x128xf32, #tpu.memory_space<vmem>>, vector<1x16xf32>,
      %swap3A_343 = vector.shape_cast %swap3A_342 : vector<1x16xf32> to vector<16xf32>
      %swap3A_344 = vector.shape_cast %get3A_339 : vector<16xf32> to vector<1x16xf32>
      tpu.vector_store %arg7[%swap3A_340, %swap3A_341], %swap3A_344 {strides = array<i32>} : memref<256x128xf32, #tpu.memory_space<vmem>>, vector<1x16xf32>,
      %mul3A_345 = arith.constant 2 : i32
      %mul3A_346 = arith.muli %mul3A_345, %add3A_292 : i32
      %add3A_347 = arith.constant 1 : i32
      %add3A_348 = arith.addi %mul3A_346, %add3A_347 : i32
      %get3A_349 = arith.index_cast %add3A_348 : i32 to index
      %get3A_350 = arith.constant 0 : index
      %get3A_351 = tpu.vector_load %arg6[%get3A_349, %get3A_350] {strides = array<i32>} : memref<512x64xf32, #tpu.memory_space<vmem>>, vector<1x16xf32>,
      %get3A_352 = vector.shape_cast %get3A_351 : vector<1x16xf32> to vector<16xf32>
      %swap3A_353 = arith.index_cast %add3A_292 : i32 to index
      %swap3A_354 = arith.constant 64 : index
      %swap3A_355 = tpu.vector_load %arg7[%swap3A_353, %swap3A_354] {strides = array<i32>} : memref<256x128xf32, #tpu.memory_space<vmem>>, vector<1x16xf32>,
      %swap3A_356 = vector.shape_cast %swap3A_355 : vector<1x16xf32> to vector<16xf32>
      %swap3A_357 = vector.shape_cast %get3A_352 : vector<16xf32> to vector<1x16xf32>
      tpu.vector_store %arg7[%swap3A_353, %swap3A_354], %swap3A_357 {strides = array<i32>} : memref<256x128xf32, #tpu.memory_space<vmem>>, vector<1x16xf32>,
      %mul3A_358 = arith.constant 2 : i32
      %mul3A_359 = arith.muli %mul3A_358, %add3A_292 : i32
      %add3A_360 = arith.constant 1 : i32
      %add3A_361 = arith.addi %mul3A_359, %add3A_360 : i32
      %get3A_362 = arith.index_cast %add3A_361 : i32 to index
      %get3A_363 = arith.constant 16 : index
      %get3A_364 = tpu.vector_load %arg6[%get3A_362, %get3A_363] {strides = array<i32>} : memref<512x64xf32, #tpu.memory_space<vmem>>, vector<1x16xf32>,
      %get3A_365 = vector.shape_cast %get3A_364 : vector<1x16xf32> to vector<16xf32>
      %swap3A_366 = arith.index_cast %add3A_292 : i32 to index
      %swap3A_367 = arith.constant 80 : index
      %swap3A_368 = tpu.vector_load %arg7[%swap3A_366, %swap3A_367] {strides = array<i32>} : memref<256x128xf32, #tpu.memory_space<vmem>>, vector<1x16xf32>,
      %swap3A_369 = vector.shape_cast %swap3A_368 : vector<1x16xf32> to vector<16xf32>
      %swap3A_370 = vector.shape_cast %get3A_365 : vector<16xf32> to vector<1x16xf32>
      tpu.vector_store %arg7[%swap3A_366, %swap3A_367], %swap3A_370 {strides = array<i32>} : memref<256x128xf32, #tpu.memory_space<vmem>>, vector<1x16xf32>,
      %mul3A_371 = arith.constant 2 : i32
      %mul3A_372 = arith.muli %mul3A_371, %add3A_292 : i32
      %add3A_373 = arith.constant 1 : i32
      %add3A_374 = arith.addi %mul3A_372, %add3A_373 : i32
      %get3A_375 = arith.index_cast %add3A_374 : i32 to index
      %get3A_376 = arith.constant 32 : index
      %get3A_377 = tpu.vector_load %arg6[%get3A_375, %get3A_376] {strides = array<i32>} : memref<512x64xf32, #tpu.memory_space<vmem>>, vector<1x16xf32>,
      %get3A_378 = vector.shape_cast %get3A_377 : vector<1x16xf32> to vector<16xf32>
      %swap3A_379 = arith.index_cast %add3A_292 : i32 to index
      %swap3A_380 = arith.constant 96 : index
      %swap3A_381 = tpu.vector_load %arg7[%swap3A_379, %swap3A_380] {strides = array<i32>} : memref<256x128xf32, #tpu.memory_space<vmem>>, vector<1x16xf32>,
      %swap3A_382 = vector.shape_cast %swap3A_381 : vector<1x16xf32> to vector<16xf32>
      %swap3A_383 = vector.shape_cast %get3A_378 : vector<16xf32> to vector<1x16xf32>
      tpu.vector_store %arg7[%swap3A_379, %swap3A_380], %swap3A_383 {strides = array<i32>} : memref<256x128xf32, #tpu.memory_space<vmem>>, vector<1x16xf32>,
      %mul3A_384 = arith.constant 2 : i32
      %mul3A_385 = arith.muli %mul3A_384, %add3A_292 : i32
      %add3A_386 = arith.constant 1 : i32
      %add3A_387 = arith.addi %mul3A_385, %add3A_386 : i32
      %get3A_388 = arith.index_cast %add3A_387 : i32 to index
      %get3A_389 = arith.constant 48 : index
      %get3A_390 = tpu.vector_load %arg6[%get3A_388, %get3A_389] {strides = array<i32>} : memref<512x64xf32, #tpu.memory_space<vmem>>, vector<1x16xf32>,
      %get3A_391 = vector.shape_cast %get3A_390 : vector<1x16xf32> to vector<16xf32>
      %swap3A_392 = arith.index_cast %add3A_292 : i32 to index
      %swap3A_393 = arith.constant 112 : index
      %swap3A_394 = tpu.vector_load %arg7[%swap3A_392, %swap3A_393] {strides = array<i32>} : memref<256x128xf32, #tpu.memory_space<vmem>>, vector<1x16xf32>,
      %swap3A_395 = vector.shape_cast %swap3A_394 : vector<1x16xf32> to vector<16xf32>
      %swap3A_396 = vector.shape_cast %get3A_391 : vector<16xf32> to vector<1x16xf32>
      tpu.vector_store %arg7[%swap3A_392, %swap3A_393], %swap3A_396 {strides = array<i32>} : memref<256x128xf32, #tpu.memory_space<vmem>>, vector<1x16xf32>,
      %mul3A_397 = arith.constant 16 : i32
      %mul3A_398 = arith.muli %scan3A_74, %mul3A_397 : i32
      %add3A_399 = arith.constant 3 : i32
      %add3A_400 = arith.addi %mul3A_398, %add3A_399 : i32
      %mul3A_401 = arith.constant 2 : i32
      %mul3A_402 = arith.muli %mul3A_401, %add3A_400 : i32
      %add3A_403 = arith.constant 0 : i32
      %add3A_404 = arith.addi %mul3A_402, %add3A_403 : i32
      %get3A_405 = arith.index_cast %add3A_404 : i32 to index
      %get3A_406 = arith.constant 0 : index
      %get3A_407 = tpu.vector_load %arg6[%get3A_405, %get3A_406] {strides = array<i32>} : memref<512x64xf32, #tpu.memory_space<vmem>>, vector<1x16xf32>,
      %get3A_408 = vector.shape_cast %get3A_407 : vector<1x16xf32> to vector<16xf32>
      %swap3A_409 = arith.index_cast %add3A_400 : i32 to index
      %swap3A_410 = arith.constant 0 : index
      %swap3A_411 = tpu.vector_load %arg7[%swap3A_409, %swap3A_410] {strides = array<i32>} : memref<256x128xf32, #tpu.memory_space<vmem>>, vector<1x16xf32>,
      %swap3A_412 = vector.shape_cast %swap3A_411 : vector<1x16xf32> to vector<16xf32>
      %swap3A_413 = vector.shape_cast %get3A_408 : vector<16xf32> to vector<1x16xf32>
      tpu.vector_store %arg7[%swap3A_409, %swap3A_410], %swap3A_413 {strides = array<i32>} : memref<256x128xf32, #tpu.memory_space<vmem>>, vector<1x16xf32>,
      %mul3A_414 = arith.constant 2 : i32
      %mul3A_415 = arith.muli %mul3A_414, %add3A_400 : i32
      %add3A_416 = arith.constant 0 : i32
      %add3A_417 = arith.addi %mul3A_415, %add3A_416 : i32
      %get3A_418 = arith.index_cast %add3A_417 : i32 to index
      %get3A_419 = arith.constant 16 : index
      %get3A_420 = tpu.vector_load %arg6[%get3A_418, %get3A_419] {strides = array<i32>} : memref<512x64xf32, #tpu.memory_space<vmem>>, vector<1x16xf32>,
      %get3A_421 = vector.shape_cast %get3A_420 : vector<1x16xf32> to vector<16xf32>
      %swap3A_422 = arith.index_cast %add3A_400 : i32 to index
      %swap3A_423 = arith.constant 16 : index
      %swap3A_424 = tpu.vector_load %arg7[%swap3A_422, %swap3A_423] {strides = array<i32>} : memref<256x128xf32, #tpu.memory_space<vmem>>, vector<1x16xf32>,
      %swap3A_425 = vector.shape_cast %swap3A_424 : vector<1x16xf32> to vector<16xf32>
      %swap3A_426 = vector.shape_cast %get3A_421 : vector<16xf32> to vector<1x16xf32>
      tpu.vector_store %arg7[%swap3A_422, %swap3A_423], %swap3A_426 {strides = array<i32>} : memref<256x128xf32, #tpu.memory_space<vmem>>, vector<1x16xf32>,
      %mul3A_427 = arith.constant 2 : i32
      %mul3A_428 = arith.muli %mul3A_427, %add3A_400 : i32
      %add3A_429 = arith.constant 0 : i32
      %add3A_430 = arith.addi %mul3A_428, %add3A_429 : i32
      %get3A_431 = arith.index_cast %add3A_430 : i32 to index
      %get3A_432 = arith.constant 32 : index
      %get3A_433 = tpu.vector_load %arg6[%get3A_431, %get3A_432] {strides = array<i32>} : memref<512x64xf32, #tpu.memory_space<vmem>>, vector<1x16xf32>,
      %get3A_434 = vector.shape_cast %get3A_433 : vector<1x16xf32> to vector<16xf32>
      %swap3A_435 = arith.index_cast %add3A_400 : i32 to index
      %swap3A_436 = arith.constant 32 : index
      %swap3A_437 = tpu.vector_load %arg7[%swap3A_435, %swap3A_436] {strides = array<i32>} : memref<256x128xf32, #tpu.memory_space<vmem>>, vector<1x16xf32>,
      %swap3A_438 = vector.shape_cast %swap3A_437 : vector<1x16xf32> to vector<16xf32>
      %swap3A_439 = vector.shape_cast %get3A_434 : vector<16xf32> to vector<1x16xf32>
      tpu.vector_store %arg7[%swap3A_435, %swap3A_436], %swap3A_439 {strides = array<i32>} : memref<256x128xf32, #tpu.memory_space<vmem>>, vector<1x16xf32>,
      %mul3A_440 = arith.constant 2 : i32
      %mul3A_441 = arith.muli %mul3A_440, %add3A_400 : i32
      %add3A_442 = arith.constant 0 : i32
      %add3A_443 = arith.addi %mul3A_441, %add3A_442 : i32
      %get3A_444 = arith.index_cast %add3A_443 : i32 to index
      %get3A_445 = arith.constant 48 : index
      %get3A_446 = tpu.vector_load %arg6[%get3A_444, %get3A_445] {strides = array<i32>} : memref<512x64xf32, #tpu.memory_space<vmem>>, vector<1x16xf32>,
      %get3A_447 = vector.shape_cast %get3A_446 : vector<1x16xf32> to vector<16xf32>
      %swap3A_448 = arith.index_cast %add3A_400 : i32 to index
      %swap3A_449 = arith.constant 48 : index
      %swap3A_450 = tpu.vector_load %arg7[%swap3A_448, %swap3A_449] {strides = array<i32>} : memref<256x128xf32, #tpu.memory_space<vmem>>, vector<1x16xf32>,
      %swap3A_451 = vector.shape_cast %swap3A_450 : vector<1x16xf32> to vector<16xf32>
      %swap3A_452 = vector.shape_cast %get3A_447 : vector<16xf32> to vector<1x16xf32>
      tpu.vector_store %arg7[%swap3A_448, %swap3A_449], %swap3A_452 {strides = array<i32>} : memref<256x128xf32, #tpu.memory_space<vmem>>, vector<1x16xf32>,
      %mul3A_453 = arith.constant 2 : i32
      %mul3A_454 = arith.muli %mul3A_453, %add3A_400 : i32
      %add3A_455 = arith.constant 1 : i32
      %add3A_456 = arith.addi %mul3A_454, %add3A_455 : i32
      %get3A_457 = arith.index_cast %add3A_456 : i32 to index
      %get3A_458 = arith.constant 0 : index
      %get3A_459 = tpu.vector_load %arg6[%get3A_457, %get3A_458] {strides = array<i32>} : memref<512x64xf32, #tpu.memory_space<vmem>>, vector<1x16xf32>,
      %get3A_460 = vector.shape_cast %get3A_459 : vector<1x16xf32> to vector<16xf32>
      %swap3A_461 = arith.index_cast %add3A_400 : i32 to index
      %swap3A_462 = arith.constant 64 : index
      %swap3A_463 = tpu.vector_load %arg7[%swap3A_461, %swap3A_462] {strides = array<i32>} : memref<256x128xf32, #tpu.memory_space<vmem>>, vector<1x16xf32>,
      %swap3A_464 = vector.shape_cast %swap3A_463 : vector<1x16xf32> to vector<16xf32>
      %swap3A_465 = vector.shape_cast %get3A_460 : vector<16xf32> to vector<1x16xf32>
      tpu.vector_store %arg7[%swap3A_461, %swap3A_462], %swap3A_465 {strides = array<i32>} : memref<256x128xf32, #tpu.memory_space<vmem>>, vector<1x16xf32>,
      %mul3A_466 = arith.constant 2 : i32
      %mul3A_467 = arith.muli %mul3A_466, %add3A_400 : i32
      %add3A_468 = arith.constant 1 : i32
      %add3A_469 = arith.addi %mul3A_467, %add3A_468 : i32
      %get3A_470 = arith.index_cast %add3A_469 : i32 to index
      %get3A_471 = arith.constant 16 : index
      %get3A_472 = tpu.vector_load %arg6[%get3A_470, %get3A_471] {strides = array<i32>} : memref<512x64xf32, #tpu.memory_space<vmem>>, vector<1x16xf32>,
      %get3A_473 = vector.shape_cast %get3A_472 : vector<1x16xf32> to vector<16xf32>
      %swap3A_474 = arith.index_cast %add3A_400 : i32 to index
      %swap3A_475 = arith.constant 80 : index
      %swap3A_476 = tpu.vector_load %arg7[%swap3A_474, %swap3A_475] {strides = array<i32>} : memref<256x128xf32, #tpu.memory_space<vmem>>, vector<1x16xf32>,
      %swap3A_477 = vector.shape_cast %swap3A_476 : vector<1x16xf32> to vector<16xf32>
      %swap3A_478 = vector.shape_cast %get3A_473 : vector<16xf32> to vector<1x16xf32>
      tpu.vector_store %arg7[%swap3A_474, %swap3A_475], %swap3A_478 {strides = array<i32>} : memref<256x128xf32, #tpu.memory_space<vmem>>, vector<1x16xf32>,
      %mul3A_479 = arith.constant 2 : i32
      %mul3A_480 = arith.muli %mul3A_479, %add3A_400 : i32
      %add3A_481 = arith.constant 1 : i32
      %add3A_482 = arith.addi %mul3A_480, %add3A_481 : i32
      %get3A_483 = arith.index_cast %add3A_482 : i32 to index
      %get3A_484 = arith.constant 32 : index
      %get3A_485 = tpu.vector_load %arg6[%get3A_483, %get3A_484] {strides = array<i32>} : memref<512x64xf32, #tpu.memory_space<vmem>>, vector<1x16xf32>,
      %get3A_486 = vector.shape_cast %get3A_485 : vector<1x16xf32> to vector<16xf32>
      %swap3A_487 = arith.index_cast %add3A_400 : i32 to index
      %swap3A_488 = arith.constant 96 : index
      %swap3A_489 = tpu.vector_load %arg7[%swap3A_487, %swap3A_488] {strides = array<i32>} : memref<256x128xf32, #tpu.memory_space<vmem>>, vector<1x16xf32>,
      %swap3A_490 = vector.shape_cast %swap3A_489 : vector<1x16xf32> to vector<16xf32>
      %swap3A_491 = vector.shape_cast %get3A_486 : vector<16xf32> to vector<1x16xf32>
      tpu.vector_store %arg7[%swap3A_487, %swap3A_488], %swap3A_491 {strides = array<i32>} : memref<256x128xf32, #tpu.memory_space<vmem>>, vector<1x16xf32>,
      %mul3A_492 = arith.constant 2 : i32
      %mul3A_493 = arith.muli %mul3A_492, %add3A_400 : i32
      %add3A_494 = arith.constant 1 : i32
      %add3A_495 = arith.addi %mul3A_493, %add3A_494 : i32
      %get3A_496 = arith.index_cast %add3A_495 : i32 to index
      %get3A_497 = arith.constant 48 : index
      %get3A_498 = tpu.vector_load %arg6[%get3A_496, %get3A_497] {strides = array<i32>} : memref<512x64xf32, #tpu.memory_space<vmem>>, vector<1x16xf32>,
      %get3A_499 = vector.shape_cast %get3A_498 : vector<1x16xf32> to vector<16xf32>
      %swap3A_500 = arith.index_cast %add3A_400 : i32 to index
      %swap3A_501 = arith.constant 112 : index
      %swap3A_502 = tpu.vector_load %arg7[%swap3A_500, %swap3A_501] {strides = array<i32>} : memref<256x128xf32, #tpu.memory_space<vmem>>, vector<1x16xf32>,
      %swap3A_503 = vector.shape_cast %swap3A_502 : vector<1x16xf32> to vector<16xf32>
      %swap3A_504 = vector.shape_cast %get3A_499 : vector<16xf32> to vector<1x16xf32>
      tpu.vector_store %arg7[%swap3A_500, %swap3A_501], %swap3A_504 {strides = array<i32>} : memref<256x128xf32, #tpu.memory_space<vmem>>, vector<1x16xf32>,
      %mul3A_505 = arith.constant 16 : i32
      %mul3A_506 = arith.muli %scan3A_74, %mul3A_505 : i32
      %add3A_507 = arith.constant 4 : i32
      %add3A_508 = arith.addi %mul3A_506, %add3A_507 : i32
      %mul3A_509 = arith.constant 2 : i32
      %mul3A_510 = arith.muli %mul3A_509, %add3A_508 : i32
      %add3A_511 = arith.constant 0 : i32
      %add3A_512 = arith.addi %mul3A_510, %add3A_511 : i32
      %get3A_513 = arith.index_cast %add3A_512 : i32 to index
      %get3A_514 = arith.constant 0 : index
      %get3A_515 = tpu.vector_load %arg6[%get3A_513, %get3A_514] {strides = array<i32>} : memref<512x64xf32, #tpu.memory_space<vmem>>, vector<1x16xf32>,
      %get3A_516 = vector.shape_cast %get3A_515 : vector<1x16xf32> to vector<16xf32>
      %swap3A_517 = arith.index_cast %add3A_508 : i32 to index
      %swap3A_518 = arith.constant 0 : index
      %swap3A_519 = tpu.vector_load %arg7[%swap3A_517, %swap3A_518] {strides = array<i32>} : memref<256x128xf32, #tpu.memory_space<vmem>>, vector<1x16xf32>,
      %swap3A_520 = vector.shape_cast %swap3A_519 : vector<1x16xf32> to vector<16xf32>
      %swap3A_521 = vector.shape_cast %get3A_516 : vector<16xf32> to vector<1x16xf32>
      tpu.vector_store %arg7[%swap3A_517, %swap3A_518], %swap3A_521 {strides = array<i32>} : memref<256x128xf32, #tpu.memory_space<vmem>>, vector<1x16xf32>,
      %mul3A_522 = arith.constant 2 : i32
      %mul3A_523 = arith.muli %mul3A_522, %add3A_508 : i32
      %add3A_524 = arith.constant 0 : i32
      %add3A_525 = arith.addi %mul3A_523, %add3A_524 : i32
      %get3A_526 = arith.index_cast %add3A_525 : i32 to index
      %get3A_527 = arith.constant 16 : index
      %get3A_528 = tpu.vector_load %arg6[%get3A_526, %get3A_527] {strides = array<i32>} : memref<512x64xf32, #tpu.memory_space<vmem>>, vector<1x16xf32>,
      %get3A_529 = vector.shape_cast %get3A_528 : vector<1x16xf32> to vector<16xf32>
      %swap3A_530 = arith.index_cast %add3A_508 : i32 to index
      %swap3A_531 = arith.constant 16 : index
      %swap3A_532 = tpu.vector_load %arg7[%swap3A_530, %swap3A_531] {strides = array<i32>} : memref<256x128xf32, #tpu.memory_space<vmem>>, vector<1x16xf32>,
      %swap3A_533 = vector.shape_cast %swap3A_532 : vector<1x16xf32> to vector<16xf32>
      %swap3A_534 = vector.shape_cast %get3A_529 : vector<16xf32> to vector<1x16xf32>
      tpu.vector_store %arg7[%swap3A_530, %swap3A_531], %swap3A_534 {strides = array<i32>} : memref<256x128xf32, #tpu.memory_space<vmem>>, vector<1x16xf32>,
      %mul3A_535 = arith.constant 2 : i32
      %mul3A_536 = arith.muli %mul3A_535, %add3A_508 : i32
      %add3A_537 = arith.constant 0 : i32
      %add3A_538 = arith.addi %mul3A_536, %add3A_537 : i32
      %get3A_539 = arith.index_cast %add3A_538 : i32 to index
      %get3A_540 = arith.constant 32 : index
      %get3A_541 = tpu.vector_load %arg6[%get3A_539, %get3A_540] {strides = array<i32>} : memref<512x64xf32, #tpu.memory_space<vmem>>, vector<1x16xf32>,
      %get3A_542 = vector.shape_cast %get3A_541 : vector<1x16xf32> to vector<16xf32>
      %swap3A_543 = arith.index_cast %add3A_508 : i32 to index
      %swap3A_544 = arith.constant 32 : index
      %swap3A_545 = tpu.vector_load %arg7[%swap3A_543, %swap3A_544] {strides = array<i32>} : memref<256x128xf32, #tpu.memory_space<vmem>>, vector<1x16xf32>,
      %swap3A_546 = vector.shape_cast %swap3A_545 : vector<1x16xf32> to vector<16xf32>
      %swap3A_547 = vector.shape_cast %get3A_542 : vector<16xf32> to vector<1x16xf32>
      tpu.vector_store %arg7[%swap3A_543, %swap3A_544], %swap3A_547 {strides = array<i32>} : memref<256x128xf32, #tpu.memory_space<vmem>>, vector<1x16xf32>,
      %mul3A_548 = arith.constant 2 : i32
      %mul3A_549 = arith.muli %mul3A_548, %add3A_508 : i32
      %add3A_550 = arith.constant 0 : i32
      %add3A_551 = arith.addi %mul3A_549, %add3A_550 : i32
      %get3A_552 = arith.index_cast %add3A_551 : i32 to index
      %get3A_553 = arith.constant 48 : index
      %get3A_554 = tpu.vector_load %arg6[%get3A_552, %get3A_553] {strides = array<i32>} : memref<512x64xf32, #tpu.memory_space<vmem>>, vector<1x16xf32>,
      %get3A_555 = vector.shape_cast %get3A_554 : vector<1x16xf32> to vector<16xf32>
      %swap3A_556 = arith.index_cast %add3A_508 : i32 to index
      %swap3A_557 = arith.constant 48 : index
      %swap3A_558 = tpu.vector_load %arg7[%swap3A_556, %swap3A_557] {strides = array<i32>} : memref<256x128xf32, #tpu.memory_space<vmem>>, vector<1x16xf32>,
      %swap3A_559 = vector.shape_cast %swap3A_558 : vector<1x16xf32> to vector<16xf32>
      %swap3A_560 = vector.shape_cast %get3A_555 : vector<16xf32> to vector<1x16xf32>
      tpu.vector_store %arg7[%swap3A_556, %swap3A_557], %swap3A_560 {strides = array<i32>} : memref<256x128xf32, #tpu.memory_space<vmem>>, vector<1x16xf32>,
      %mul3A_561 = arith.constant 2 : i32
      %mul3A_562 = arith.muli %mul3A_561, %add3A_508 : i32
      %add3A_563 = arith.constant 1 : i32
      %add3A_564 = arith.addi %mul3A_562, %add3A_563 : i32
      %get3A_565 = arith.index_cast %add3A_564 : i32 to index
      %get3A_566 = arith.constant 0 : index
      %get3A_567 = tpu.vector_load %arg6[%get3A_565, %get3A_566] {strides = array<i32>} : memref<512x64xf32, #tpu.memory_space<vmem>>, vector<1x16xf32>,
      %get3A_568 = vector.shape_cast %get3A_567 : vector<1x16xf32> to vector<16xf32>
      %swap3A_569 = arith.index_cast %add3A_508 : i32 to index
      %swap3A_570 = arith.constant 64 : index
      %swap3A_571 = tpu.vector_load %arg7[%swap3A_569, %swap3A_570] {strides = array<i32>} : memref<256x128xf32, #tpu.memory_space<vmem>>, vector<1x16xf32>,
      %swap3A_572 = vector.shape_cast %swap3A_571 : vector<1x16xf32> to vector<16xf32>
      %swap3A_573 = vector.shape_cast %get3A_568 : vector<16xf32> to vector<1x16xf32>
      tpu.vector_store %arg7[%swap3A_569, %swap3A_570], %swap3A_573 {strides = array<i32>} : memref<256x128xf32, #tpu.memory_space<vmem>>, vector<1x16xf32>,
      %mul3A_574 = arith.constant 2 : i32
      %mul3A_575 = arith.muli %mul3A_574, %add3A_508 : i32
      %add3A_576 = arith.constant 1 : i32
      %add3A_577 = arith.addi %mul3A_575, %add3A_576 : i32
      %get3A_578 = arith.index_cast %add3A_577 : i32 to index
      %get3A_579 = arith.constant 16 : index
      %get3A_580 = tpu.vector_load %arg6[%get3A_578, %get3A_579] {strides = array<i32>} : memref<512x64xf32, #tpu.memory_space<vmem>>, vector<1x16xf32>,
      %get3A_581 = vector.shape_cast %get3A_580 : vector<1x16xf32> to vector<16xf32>
      %swap3A_582 = arith.index_cast %add3A_508 : i32 to index
      %swap3A_583 = arith.constant 80 : index
      %swap3A_584 = tpu.vector_load %arg7[%swap3A_582, %swap3A_583] {strides = array<i32>} : memref<256x128xf32, #tpu.memory_space<vmem>>, vector<1x16xf32>,
      %swap3A_585 = vector.shape_cast %swap3A_584 : vector<1x16xf32> to vector<16xf32>
      %swap3A_586 = vector.shape_cast %get3A_581 : vector<16xf32> to vector<1x16xf32>
      tpu.vector_store %arg7[%swap3A_582, %swap3A_583], %swap3A_586 {strides = array<i32>} : memref<256x128xf32, #tpu.memory_space<vmem>>, vector<1x16xf32>,
      %mul3A_587 = arith.constant 2 : i32
      %mul3A_588 = arith.muli %mul3A_587, %add3A_508 : i32
      %add3A_589 = arith.constant 1 : i32
      %add3A_590 = arith.addi %mul3A_588, %add3A_589 : i32
      %get3A_591 = arith.index_cast %add3A_590 : i32 to index
      %get3A_592 = arith.constant 32 : index
      %get3A_593 = tpu.vector_load %arg6[%get3A_591, %get3A_592] {strides = array<i32>} : memref<512x64xf32, #tpu.memory_space<vmem>>, vector<1x16xf32>,
      %get3A_594 = vector.shape_cast %get3A_593 : vector<1x16xf32> to vector<16xf32>
      %swap3A_595 = arith.index_cast %add3A_508 : i32 to index
      %swap3A_596 = arith.constant 96 : index
      %swap3A_597 = tpu.vector_load %arg7[%swap3A_595, %swap3A_596] {strides = array<i32>} : memref<256x128xf32, #tpu.memory_space<vmem>>, vector<1x16xf32>,
      %swap3A_598 = vector.shape_cast %swap3A_597 : vector<1x16xf32> to vector<16xf32>
      %swap3A_599 = vector.shape_cast %get3A_594 : vector<16xf32> to vector<1x16xf32>
      tpu.vector_store %arg7[%swap3A_595, %swap3A_596], %swap3A_599 {strides = array<i32>} : memref<256x128xf32, #tpu.memory_space<vmem>>, vector<1x16xf32>,
      %mul3A_600 = arith.constant 2 : i32
      %mul3A_601 = arith.muli %mul3A_600, %add3A_508 : i32
      %add3A_602 = arith.constant 1 : i32
      %add3A_603 = arith.addi %mul3A_601, %add3A_602 : i32
      %get3A_604 = arith.index_cast %add3A_603 : i32 to index
      %get3A_605 = arith.constant 48 : index
      %get3A_606 = tpu.vector_load %arg6[%get3A_604, %get3A_605] {strides = array<i32>} : memref<512x64xf32, #tpu.memory_space<vmem>>, vector<1x16xf32>,
      %get3A_607 = vector.shape_cast %get3A_606 : vector<1x16xf32> to vector<16xf32>
      %swap3A_608 = arith.index_cast %add3A_508 : i32 to index
      %swap3A_609 = arith.constant 112 : index
      %swap3A_610 = tpu.vector_load %arg7[%swap3A_608, %swap3A_609] {strides = array<i32>} : memref<256x128xf32, #tpu.memory_space<vmem>>, vector<1x16xf32>,
      %swap3A_611 = vector.shape_cast %swap3A_610 : vector<1x16xf32> to vector<16xf32>
      %swap3A_612 = vector.shape_cast %get3A_607 : vector<16xf32> to vector<1x16xf32>
      tpu.vector_store %arg7[%swap3A_608, %swap3A_609], %swap3A_612 {strides = array<i32>} : memref<256x128xf32, #tpu.memory_space<vmem>>, vector<1x16xf32>,
      %mul3A_613 = arith.constant 16 : i32
      %mul3A_614 = arith.muli %scan3A_74, %mul3A_613 : i32
      %add3A_615 = arith.constant 5 : i32
      %add3A_616 = arith.addi %mul3A_614, %add3A_615 : i32
      %mul3A_617 = arith.constant 2 : i32
      %mul3A_618 = arith.muli %mul3A_617, %add3A_616 : i32
      %add3A_619 = arith.constant 0 : i32
      %add3A_620 = arith.addi %mul3A_618, %add3A_619 : i32
      %get3A_621 = arith.index_cast %add3A_620 : i32 to index
      %get3A_622 = arith.constant 0 : index
      %get3A_623 = tpu.vector_load %arg6[%get3A_621, %get3A_622] {strides = array<i32>} : memref<512x64xf32, #tpu.memory_space<vmem>>, vector<1x16xf32>,
      %get3A_624 = vector.shape_cast %get3A_623 : vector<1x16xf32> to vector<16xf32>
      %swap3A_625 = arith.index_cast %add3A_616 : i32 to index
      %swap3A_626 = arith.constant 0 : index
      %swap3A_627 = tpu.vector_load %arg7[%swap3A_625, %swap3A_626] {strides = array<i32>} : memref<256x128xf32, #tpu.memory_space<vmem>>, vector<1x16xf32>,
      %swap3A_628 = vector.shape_cast %swap3A_627 : vector<1x16xf32> to vector<16xf32>
      %swap3A_629 = vector.shape_cast %get3A_624 : vector<16xf32> to vector<1x16xf32>
      tpu.vector_store %arg7[%swap3A_625, %swap3A_626], %swap3A_629 {strides = array<i32>} : memref<256x128xf32, #tpu.memory_space<vmem>>, vector<1x16xf32>,
      %mul3A_630 = arith.constant 2 : i32
      %mul3A_631 = arith.muli %mul3A_630, %add3A_616 : i32
      %add3A_632 = arith.constant 0 : i32
      %add3A_633 = arith.addi %mul3A_631, %add3A_632 : i32
      %get3A_634 = arith.index_cast %add3A_633 : i32 to index
      %get3A_635 = arith.constant 16 : index
      %get3A_636 = tpu.vector_load %arg6[%get3A_634, %get3A_635] {strides = array<i32>} : memref<512x64xf32, #tpu.memory_space<vmem>>, vector<1x16xf32>,
      %get3A_637 = vector.shape_cast %get3A_636 : vector<1x16xf32> to vector<16xf32>
      %swap3A_638 = arith.index_cast %add3A_616 : i32 to index
      %swap3A_639 = arith.constant 16 : index
      %swap3A_640 = tpu.vector_load %arg7[%swap3A_638, %swap3A_639] {strides = array<i32>} : memref<256x128xf32, #tpu.memory_space<vmem>>, vector<1x16xf32>,
      %swap3A_641 = vector.shape_cast %swap3A_640 : vector<1x16xf32> to vector<16xf32>
      %swap3A_642 = vector.shape_cast %get3A_637 : vector<16xf32> to vector<1x16xf32>
      tpu.vector_store %arg7[%swap3A_638, %swap3A_639], %swap3A_642 {strides = array<i32>} : memref<256x128xf32, #tpu.memory_space<vmem>>, vector<1x16xf32>,
      %mul3A_643 = arith.constant 2 : i32
      %mul3A_644 = arith.muli %mul3A_643, %add3A_616 : i32
      %add3A_645 = arith.constant 0 : i32
      %add3A_646 = arith.addi %mul3A_644, %add3A_645 : i32
      %get3A_647 = arith.index_cast %add3A_646 : i32 to index
      %get3A_648 = arith.constant 32 : index
      %get3A_649 = tpu.vector_load %arg6[%get3A_647, %get3A_648] {strides = array<i32>} : memref<512x64xf32, #tpu.memory_space<vmem>>, vector<1x16xf32>,
      %get3A_650 = vector.shape_cast %get3A_649 : vector<1x16xf32> to vector<16xf32>
      %swap3A_651 = arith.index_cast %add3A_616 : i32 to index
      %swap3A_652 = arith.constant 32 : index
      %swap3A_653 = tpu.vector_load %arg7[%swap3A_651, %swap3A_652] {strides = array<i32>} : memref<256x128xf32, #tpu.memory_space<vmem>>, vector<1x16xf32>,
      %swap3A_654 = vector.shape_cast %swap3A_653 : vector<1x16xf32> to vector<16xf32>
      %swap3A_655 = vector.shape_cast %get3A_650 : vector<16xf32> to vector<1x16xf32>
      tpu.vector_store %arg7[%swap3A_651, %swap3A_652], %swap3A_655 {strides = array<i32>} : memref<256x128xf32, #tpu.memory_space<vmem>>, vector<1x16xf32>,
      %mul3A_656 = arith.constant 2 : i32
      %mul3A_657 = arith.muli %mul3A_656, %add3A_616 : i32
      %add3A_658 = arith.constant 0 : i32
      %add3A_659 = arith.addi %mul3A_657, %add3A_658 : i32
      %get3A_660 = arith.index_cast %add3A_659 : i32 to index
      %get3A_661 = arith.constant 48 : index
      %get3A_662 = tpu.vector_load %arg6[%get3A_660, %get3A_661] {strides = array<i32>} : memref<512x64xf32, #tpu.memory_space<vmem>>, vector<1x16xf32>,
      %get3A_663 = vector.shape_cast %get3A_662 : vector<1x16xf32> to vector<16xf32>
      %swap3A_664 = arith.index_cast %add3A_616 : i32 to index
      %swap3A_665 = arith.constant 48 : index
      %swap3A_666 = tpu.vector_load %arg7[%swap3A_664, %swap3A_665] {strides = array<i32>} : memref<256x128xf32, #tpu.memory_space<vmem>>, vector<1x16xf32>,
      %swap3A_667 = vector.shape_cast %swap3A_666 : vector<1x16xf32> to vector<16xf32>
      %swap3A_668 = vector.shape_cast %get3A_663 : vector<16xf32> to vector<1x16xf32>
      tpu.vector_store %arg7[%swap3A_664, %swap3A_665], %swap3A_668 {strides = array<i32>} : memref<256x128xf32, #tpu.memory_space<vmem>>, vector<1x16xf32>,
      %mul3A_669 = arith.constant 2 : i32
      %mul3A_670 = arith.muli %mul3A_669, %add3A_616 : i32
      %add3A_671 = arith.constant 1 : i32
      %add3A_672 = arith.addi %mul3A_670, %add3A_671 : i32
      %get3A_673 = arith.index_cast %add3A_672 : i32 to index
      %get3A_674 = arith.constant 0 : index
      %get3A_675 = tpu.vector_load %arg6[%get3A_673, %get3A_674] {strides = array<i32>} : memref<512x64xf32, #tpu.memory_space<vmem>>, vector<1x16xf32>,
      %get3A_676 = vector.shape_cast %get3A_675 : vector<1x16xf32> to vector<16xf32>
      %swap3A_677 = arith.index_cast %add3A_616 : i32 to index
      %swap3A_678 = arith.constant 64 : index
      %swap3A_679 = tpu.vector_load %arg7[%swap3A_677, %swap3A_678] {strides = array<i32>} : memref<256x128xf32, #tpu.memory_space<vmem>>, vector<1x16xf32>,
      %swap3A_680 = vector.shape_cast %swap3A_679 : vector<1x16xf32> to vector<16xf32>
      %swap3A_681 = vector.shape_cast %get3A_676 : vector<16xf32> to vector<1x16xf32>
      tpu.vector_store %arg7[%swap3A_677, %swap3A_678], %swap3A_681 {strides = array<i32>} : memref<256x128xf32, #tpu.memory_space<vmem>>, vector<1x16xf32>,
      %mul3A_682 = arith.constant 2 : i32
      %mul3A_683 = arith.muli %mul3A_682, %add3A_616 : i32
      %add3A_684 = arith.constant 1 : i32
      %add3A_685 = arith.addi %mul3A_683, %add3A_684 : i32
      %get3A_686 = arith.index_cast %add3A_685 : i32 to index
      %get3A_687 = arith.constant 16 : index
      %get3A_688 = tpu.vector_load %arg6[%get3A_686, %get3A_687] {strides = array<i32>} : memref<512x64xf32, #tpu.memory_space<vmem>>, vector<1x16xf32>,
      %get3A_689 = vector.shape_cast %get3A_688 : vector<1x16xf32> to vector<16xf32>
      %swap3A_690 = arith.index_cast %add3A_616 : i32 to index
      %swap3A_691 = arith.constant 80 : index
      %swap3A_692 = tpu.vector_load %arg7[%swap3A_690, %swap3A_691] {strides = array<i32>} : memref<256x128xf32, #tpu.memory_space<vmem>>, vector<1x16xf32>,
      %swap3A_693 = vector.shape_cast %swap3A_692 : vector<1x16xf32> to vector<16xf32>
      %swap3A_694 = vector.shape_cast %get3A_689 : vector<16xf32> to vector<1x16xf32>
      tpu.vector_store %arg7[%swap3A_690, %swap3A_691], %swap3A_694 {strides = array<i32>} : memref<256x128xf32, #tpu.memory_space<vmem>>, vector<1x16xf32>,
      %mul3A_695 = arith.constant 2 : i32
      %mul3A_696 = arith.muli %mul3A_695, %add3A_616 : i32
      %add3A_697 = arith.constant 1 : i32
      %add3A_698 = arith.addi %mul3A_696, %add3A_697 : i32
      %get3A_699 = arith.index_cast %add3A_698 : i32 to index
      %get3A_700 = arith.constant 32 : index
      %get3A_701 = tpu.vector_load %arg6[%get3A_699, %get3A_700] {strides = array<i32>} : memref<512x64xf32, #tpu.memory_space<vmem>>, vector<1x16xf32>,
      %get3A_702 = vector.shape_cast %get3A_701 : vector<1x16xf32> to vector<16xf32>
      %swap3A_703 = arith.index_cast %add3A_616 : i32 to index
      %swap3A_704 = arith.constant 96 : index
      %swap3A_705 = tpu.vector_load %arg7[%swap3A_703, %swap3A_704] {strides = array<i32>} : memref<256x128xf32, #tpu.memory_space<vmem>>, vector<1x16xf32>,
      %swap3A_706 = vector.shape_cast %swap3A_705 : vector<1x16xf32> to vector<16xf32>
      %swap3A_707 = vector.shape_cast %get3A_702 : vector<16xf32> to vector<1x16xf32>
      tpu.vector_store %arg7[%swap3A_703, %swap3A_704], %swap3A_707 {strides = array<i32>} : memref<256x128xf32, #tpu.memory_space<vmem>>, vector<1x16xf32>,
      %mul3A_708 = arith.constant 2 : i32
      %mul3A_709 = arith.muli %mul3A_708, %add3A_616 : i32
      %add3A_710 = arith.constant 1 : i32
      %add3A_711 = arith.addi %mul3A_709, %add3A_710 : i32
      %get3A_712 = arith.index_cast %add3A_711 : i32 to index
      %get3A_713 = arith.constant 48 : index
      %get3A_714 = tpu.vector_load %arg6[%get3A_712, %get3A_713] {strides = array<i32>} : memref<512x64xf32, #tpu.memory_space<vmem>>, vector<1x16xf32>,
      %get3A_715 = vector.shape_cast %get3A_714 : vector<1x16xf32> to vector<16xf32>
      %swap3A_716 = arith.index_cast %add3A_616 : i32 to index
      %swap3A_717 = arith.constant 112 : index
      %swap3A_718 = tpu.vector_load %arg7[%swap3A_716, %swap3A_717] {strides = array<i32>} : memref<256x128xf32, #tpu.memory_space<vmem>>, vector<1x16xf32>,
      %swap3A_719 = vector.shape_cast %swap3A_718 : vector<1x16xf32> to vector<16xf32>
      %swap3A_720 = vector.shape_cast %get3A_715 : vector<16xf32> to vector<1x16xf32>
      tpu.vector_store %arg7[%swap3A_716, %swap3A_717], %swap3A_720 {strides = array<i32>} : memref<256x128xf32, #tpu.memory_space<vmem>>, vector<1x16xf32>,
      %mul3A_721 = arith.constant 16 : i32
      %mul3A_722 = arith.muli %scan3A_74, %mul3A_721 : i32
      %add3A_723 = arith.constant 6 : i32
      %add3A_724 = arith.addi %mul3A_722, %add3A_723 : i32
      %mul3A_725 = arith.constant 2 : i32
      %mul3A_726 = arith.muli %mul3A_725, %add3A_724 : i32
      %add3A_727 = arith.constant 0 : i32
      %add3A_728 = arith.addi %mul3A_726, %add3A_727 : i32
      %get3A_729 = arith.index_cast %add3A_728 : i32 to index
      %get3A_730 = arith.constant 0 : index
      %get3A_731 = tpu.vector_load %arg6[%get3A_729, %get3A_730] {strides = array<i32>} : memref<512x64xf32, #tpu.memory_space<vmem>>, vector<1x16xf32>,
      %get3A_732 = vector.shape_cast %get3A_731 : vector<1x16xf32> to vector<16xf32>
      %swap3A_733 = arith.index_cast %add3A_724 : i32 to index
      %swap3A_734 = arith.constant 0 : index
      %swap3A_735 = tpu.vector_load %arg7[%swap3A_733, %swap3A_734] {strides = array<i32>} : memref<256x128xf32, #tpu.memory_space<vmem>>, vector<1x16xf32>,
      %swap3A_736 = vector.shape_cast %swap3A_735 : vector<1x16xf32> to vector<16xf32>
      %swap3A_737 = vector.shape_cast %get3A_732 : vector<16xf32> to vector<1x16xf32>
      tpu.vector_store %arg7[%swap3A_733, %swap3A_734], %swap3A_737 {strides = array<i32>} : memref<256x128xf32, #tpu.memory_space<vmem>>, vector<1x16xf32>,
      %mul3A_738 = arith.constant 2 : i32
      %mul3A_739 = arith.muli %mul3A_738, %add3A_724 : i32
      %add3A_740 = arith.constant 0 : i32
      %add3A_741 = arith.addi %mul3A_739, %add3A_740 : i32
      %get3A_742 = arith.index_cast %add3A_741 : i32 to index
      %get3A_743 = arith.constant 16 : index
      %get3A_744 = tpu.vector_load %arg6[%get3A_742, %get3A_743] {strides = array<i32>} : memref<512x64xf32, #tpu.memory_space<vmem>>, vector<1x16xf32>,
      %get3A_745 = vector.shape_cast %get3A_744 : vector<1x16xf32> to vector<16xf32>
      %swap3A_746 = arith.index_cast %add3A_724 : i32 to index
      %swap3A_747 = arith.constant 16 : index
      %swap3A_748 = tpu.vector_load %arg7[%swap3A_746, %swap3A_747] {strides = array<i32>} : memref<256x128xf32, #tpu.memory_space<vmem>>, vector<1x16xf32>,
      %swap3A_749 = vector.shape_cast %swap3A_748 : vector<1x16xf32> to vector<16xf32>
      %swap3A_750 = vector.shape_cast %get3A_745 : vector<16xf32> to vector<1x16xf32>
      tpu.vector_store %arg7[%swap3A_746, %swap3A_747], %swap3A_750 {strides = array<i32>} : memref<256x128xf32, #tpu.memory_space<vmem>>, vector<1x16xf32>,
      %mul3A_751 = arith.constant 2 : i32
      %mul3A_752 = arith.muli %mul3A_751, %add3A_724 : i32
      %add3A_753 = arith.constant 0 : i32
      %add3A_754 = arith.addi %mul3A_752, %add3A_753 : i32
      %get3A_755 = arith.index_cast %add3A_754 : i32 to index
      %get3A_756 = arith.constant 32 : index
      %get3A_757 = tpu.vector_load %arg6[%get3A_755, %get3A_756] {strides = array<i32>} : memref<512x64xf32, #tpu.memory_space<vmem>>, vector<1x16xf32>,
      %get3A_758 = vector.shape_cast %get3A_757 : vector<1x16xf32> to vector<16xf32>
      %swap3A_759 = arith.index_cast %add3A_724 : i32 to index
      %swap3A_760 = arith.constant 32 : index
      %swap3A_761 = tpu.vector_load %arg7[%swap3A_759, %swap3A_760] {strides = array<i32>} : memref<256x128xf32, #tpu.memory_space<vmem>>, vector<1x16xf32>,
      %swap3A_762 = vector.shape_cast %swap3A_761 : vector<1x16xf32> to vector<16xf32>
      %swap3A_763 = vector.shape_cast %get3A_758 : vector<16xf32> to vector<1x16xf32>
      tpu.vector_store %arg7[%swap3A_759, %swap3A_760], %swap3A_763 {strides = array<i32>} : memref<256x128xf32, #tpu.memory_space<vmem>>, vector<1x16xf32>,
      %mul3A_764 = arith.constant 2 : i32
      %mul3A_765 = arith.muli %mul3A_764, %add3A_724 : i32
      %add3A_766 = arith.constant 0 : i32
      %add3A_767 = arith.addi %mul3A_765, %add3A_766 : i32
      %get3A_768 = arith.index_cast %add3A_767 : i32 to index
      %get3A_769 = arith.constant 48 : index
      %get3A_770 = tpu.vector_load %arg6[%get3A_768, %get3A_769] {strides = array<i32>} : memref<512x64xf32, #tpu.memory_space<vmem>>, vector<1x16xf32>,
      %get3A_771 = vector.shape_cast %get3A_770 : vector<1x16xf32> to vector<16xf32>
      %swap3A_772 = arith.index_cast %add3A_724 : i32 to index
      %swap3A_773 = arith.constant 48 : index
      %swap3A_774 = tpu.vector_load %arg7[%swap3A_772, %swap3A_773] {strides = array<i32>} : memref<256x128xf32, #tpu.memory_space<vmem>>, vector<1x16xf32>,
      %swap3A_775 = vector.shape_cast %swap3A_774 : vector<1x16xf32> to vector<16xf32>
      %swap3A_776 = vector.shape_cast %get3A_771 : vector<16xf32> to vector<1x16xf32>
      tpu.vector_store %arg7[%swap3A_772, %swap3A_773], %swap3A_776 {strides = array<i32>} : memref<256x128xf32, #tpu.memory_space<vmem>>, vector<1x16xf32>,
      %mul3A_777 = arith.constant 2 : i32
      %mul3A_778 = arith.muli %mul3A_777, %add3A_724 : i32
      %add3A_779 = arith.constant 1 : i32
      %add3A_780 = arith.addi %mul3A_778, %add3A_779 : i32
      %get3A_781 = arith.index_cast %add3A_780 : i32 to index
      %get3A_782 = arith.constant 0 : index
      %get3A_783 = tpu.vector_load %arg6[%get3A_781, %get3A_782] {strides = array<i32>} : memref<512x64xf32, #tpu.memory_space<vmem>>, vector<1x16xf32>,
      %get3A_784 = vector.shape_cast %get3A_783 : vector<1x16xf32> to vector<16xf32>
      %swap3A_785 = arith.index_cast %add3A_724 : i32 to index
      %swap3A_786 = arith.constant 64 : index
      %swap3A_787 = tpu.vector_load %arg7[%swap3A_785, %swap3A_786] {strides = array<i32>} : memref<256x128xf32, #tpu.memory_space<vmem>>, vector<1x16xf32>,
      %swap3A_788 = vector.shape_cast %swap3A_787 : vector<1x16xf32> to vector<16xf32>
      %swap3A_789 = vector.shape_cast %get3A_784 : vector<16xf32> to vector<1x16xf32>
      tpu.vector_store %arg7[%swap3A_785, %swap3A_786], %swap3A_789 {strides = array<i32>} : memref<256x128xf32, #tpu.memory_space<vmem>>, vector<1x16xf32>,
      %mul3A_790 = arith.constant 2 : i32
      %mul3A_791 = arith.muli %mul3A_790, %add3A_724 : i32
      %add3A_792 = arith.constant 1 : i32
      %add3A_793 = arith.addi %mul3A_791, %add3A_792 : i32
      %get3A_794 = arith.index_cast %add3A_793 : i32 to index
      %get3A_795 = arith.constant 16 : index
      %get3A_796 = tpu.vector_load %arg6[%get3A_794, %get3A_795] {strides = array<i32>} : memref<512x64xf32, #tpu.memory_space<vmem>>, vector<1x16xf32>,
      %get3A_797 = vector.shape_cast %get3A_796 : vector<1x16xf32> to vector<16xf32>
      %swap3A_798 = arith.index_cast %add3A_724 : i32 to index
      %swap3A_799 = arith.constant 80 : index
      %swap3A_800 = tpu.vector_load %arg7[%swap3A_798, %swap3A_799] {strides = array<i32>} : memref<256x128xf32, #tpu.memory_space<vmem>>, vector<1x16xf32>,
      %swap3A_801 = vector.shape_cast %swap3A_800 : vector<1x16xf32> to vector<16xf32>
      %swap3A_802 = vector.shape_cast %get3A_797 : vector<16xf32> to vector<1x16xf32>
      tpu.vector_store %arg7[%swap3A_798, %swap3A_799], %swap3A_802 {strides = array<i32>} : memref<256x128xf32, #tpu.memory_space<vmem>>, vector<1x16xf32>,
      %mul3A_803 = arith.constant 2 : i32
      %mul3A_804 = arith.muli %mul3A_803, %add3A_724 : i32
      %add3A_805 = arith.constant 1 : i32
      %add3A_806 = arith.addi %mul3A_804, %add3A_805 : i32
      %get3A_807 = arith.index_cast %add3A_806 : i32 to index
      %get3A_808 = arith.constant 32 : index
      %get3A_809 = tpu.vector_load %arg6[%get3A_807, %get3A_808] {strides = array<i32>} : memref<512x64xf32, #tpu.memory_space<vmem>>, vector<1x16xf32>,
      %get3A_810 = vector.shape_cast %get3A_809 : vector<1x16xf32> to vector<16xf32>
      %swap3A_811 = arith.index_cast %add3A_724 : i32 to index
      %swap3A_812 = arith.constant 96 : index
      %swap3A_813 = tpu.vector_load %arg7[%swap3A_811, %swap3A_812] {strides = array<i32>} : memref<256x128xf32, #tpu.memory_space<vmem>>, vector<1x16xf32>,
      %swap3A_814 = vector.shape_cast %swap3A_813 : vector<1x16xf32> to vector<16xf32>
      %swap3A_815 = vector.shape_cast %get3A_810 : vector<16xf32> to vector<1x16xf32>
      tpu.vector_store %arg7[%swap3A_811, %swap3A_812], %swap3A_815 {strides = array<i32>} : memref<256x128xf32, #tpu.memory_space<vmem>>, vector<1x16xf32>,
      %mul3A_816 = arith.constant 2 : i32
      %mul3A_817 = arith.muli %mul3A_816, %add3A_724 : i32
      %add3A_818 = arith.constant 1 : i32
      %add3A_819 = arith.addi %mul3A_817, %add3A_818 : i32
      %get3A_820 = arith.index_cast %add3A_819 : i32 to index
      %get3A_821 = arith.constant 48 : index
      %get3A_822 = tpu.vector_load %arg6[%get3A_820, %get3A_821] {strides = array<i32>} : memref<512x64xf32, #tpu.memory_space<vmem>>, vector<1x16xf32>,
      %get3A_823 = vector.shape_cast %get3A_822 : vector<1x16xf32> to vector<16xf32>
      %swap3A_824 = arith.index_cast %add3A_724 : i32 to index
      %swap3A_825 = arith.constant 112 : index
      %swap3A_826 = tpu.vector_load %arg7[%swap3A_824, %swap3A_825] {strides = array<i32>} : memref<256x128xf32, #tpu.memory_space<vmem>>, vector<1x16xf32>,
      %swap3A_827 = vector.shape_cast %swap3A_826 : vector<1x16xf32> to vector<16xf32>
      %swap3A_828 = vector.shape_cast %get3A_823 : vector<16xf32> to vector<1x16xf32>
      tpu.vector_store %arg7[%swap3A_824, %swap3A_825], %swap3A_828 {strides = array<i32>} : memref<256x128xf32, #tpu.memory_space<vmem>>, vector<1x16xf32>,
      %mul3A_829 = arith.constant 16 : i32
      %mul3A_830 = arith.muli %scan3A_74, %mul3A_829 : i32
      %add3A_831 = arith.constant 7 : i32
      %add3A_832 = arith.addi %mul3A_830, %add3A_831 : i32
      %mul3A_833 = arith.constant 2 : i32
      %mul3A_834 = arith.muli %mul3A_833, %add3A_832 : i32
      %add3A_835 = arith.constant 0 : i32
      %add3A_836 = arith.addi %mul3A_834, %add3A_835 : i32
      %get3A_837 = arith.index_cast %add3A_836 : i32 to index
      %get3A_838 = arith.constant 0 : index
      %get3A_839 = tpu.vector_load %arg6[%get3A_837, %get3A_838] {strides = array<i32>} : memref<512x64xf32, #tpu.memory_space<vmem>>, vector<1x16xf32>,
      %get3A_840 = vector.shape_cast %get3A_839 : vector<1x16xf32> to vector<16xf32>
      %swap3A_841 = arith.index_cast %add3A_832 : i32 to index
      %swap3A_842 = arith.constant 0 : index
      %swap3A_843 = tpu.vector_load %arg7[%swap3A_841, %swap3A_842] {strides = array<i32>} : memref<256x128xf32, #tpu.memory_space<vmem>>, vector<1x16xf32>,
      %swap3A_844 = vector.shape_cast %swap3A_843 : vector<1x16xf32> to vector<16xf32>
      %swap3A_845 = vector.shape_cast %get3A_840 : vector<16xf32> to vector<1x16xf32>
      tpu.vector_store %arg7[%swap3A_841, %swap3A_842], %swap3A_845 {strides = array<i32>} : memref<256x128xf32, #tpu.memory_space<vmem>>, vector<1x16xf32>,
      %mul3A_846 = arith.constant 2 : i32
      %mul3A_847 = arith.muli %mul3A_846, %add3A_832 : i32
      %add3A_848 = arith.constant 0 : i32
      %add3A_849 = arith.addi %mul3A_847, %add3A_848 : i32
      %get3A_850 = arith.index_cast %add3A_849 : i32 to index
      %get3A_851 = arith.constant 16 : index
      %get3A_852 = tpu.vector_load %arg6[%get3A_850, %get3A_851] {strides = array<i32>} : memref<512x64xf32, #tpu.memory_space<vmem>>, vector<1x16xf32>,
      %get3A_853 = vector.shape_cast %get3A_852 : vector<1x16xf32> to vector<16xf32>
      %swap3A_854 = arith.index_cast %add3A_832 : i32 to index
      %swap3A_855 = arith.constant 16 : index
      %swap3A_856 = tpu.vector_load %arg7[%swap3A_854, %swap3A_855] {strides = array<i32>} : memref<256x128xf32, #tpu.memory_space<vmem>>, vector<1x16xf32>,
      %swap3A_857 = vector.shape_cast %swap3A_856 : vector<1x16xf32> to vector<16xf32>
      %swap3A_858 = vector.shape_cast %get3A_853 : vector<16xf32> to vector<1x16xf32>
      tpu.vector_store %arg7[%swap3A_854, %swap3A_855], %swap3A_858 {strides = array<i32>} : memref<256x128xf32, #tpu.memory_space<vmem>>, vector<1x16xf32>,
      %mul3A_859 = arith.constant 2 : i32
      %mul3A_860 = arith.muli %mul3A_859, %add3A_832 : i32
      %add3A_861 = arith.constant 0 : i32
      %add3A_862 = arith.addi %mul3A_860, %add3A_861 : i32
      %get3A_863 = arith.index_cast %add3A_862 : i32 to index
      %get3A_864 = arith.constant 32 : index
      %get3A_865 = tpu.vector_load %arg6[%get3A_863, %get3A_864] {strides = array<i32>} : memref<512x64xf32, #tpu.memory_space<vmem>>, vector<1x16xf32>,
      %get3A_866 = vector.shape_cast %get3A_865 : vector<1x16xf32> to vector<16xf32>
      %swap3A_867 = arith.index_cast %add3A_832 : i32 to index
      %swap3A_868 = arith.constant 32 : index
      %swap3A_869 = tpu.vector_load %arg7[%swap3A_867, %swap3A_868] {strides = array<i32>} : memref<256x128xf32, #tpu.memory_space<vmem>>, vector<1x16xf32>,
      %swap3A_870 = vector.shape_cast %swap3A_869 : vector<1x16xf32> to vector<16xf32>
      %swap3A_871 = vector.shape_cast %get3A_866 : vector<16xf32> to vector<1x16xf32>
      tpu.vector_store %arg7[%swap3A_867, %swap3A_868], %swap3A_871 {strides = array<i32>} : memref<256x128xf32, #tpu.memory_space<vmem>>, vector<1x16xf32>,
      %mul3A_872 = arith.constant 2 : i32
      %mul3A_873 = arith.muli %mul3A_872, %add3A_832 : i32
      %add3A_874 = arith.constant 0 : i32
      %add3A_875 = arith.addi %mul3A_873, %add3A_874 : i32
      %get3A_876 = arith.index_cast %add3A_875 : i32 to index
      %get3A_877 = arith.constant 48 : index
      %get3A_878 = tpu.vector_load %arg6[%get3A_876, %get3A_877] {strides = array<i32>} : memref<512x64xf32, #tpu.memory_space<vmem>>, vector<1x16xf32>,
      %get3A_879 = vector.shape_cast %get3A_878 : vector<1x16xf32> to vector<16xf32>
      %swap3A_880 = arith.index_cast %add3A_832 : i32 to index
      %swap3A_881 = arith.constant 48 : index
      %swap3A_882 = tpu.vector_load %arg7[%swap3A_880, %swap3A_881] {strides = array<i32>} : memref<256x128xf32, #tpu.memory_space<vmem>>, vector<1x16xf32>,
      %swap3A_883 = vector.shape_cast %swap3A_882 : vector<1x16xf32> to vector<16xf32>
      %swap3A_884 = vector.shape_cast %get3A_879 : vector<16xf32> to vector<1x16xf32>
      tpu.vector_store %arg7[%swap3A_880, %swap3A_881], %swap3A_884 {strides = array<i32>} : memref<256x128xf32, #tpu.memory_space<vmem>>, vector<1x16xf32>,
      %mul3A_885 = arith.constant 2 : i32
      %mul3A_886 = arith.muli %mul3A_885, %add3A_832 : i32
      %add3A_887 = arith.constant 1 : i32
      %add3A_888 = arith.addi %mul3A_886, %add3A_887 : i32
      %get3A_889 = arith.index_cast %add3A_888 : i32 to index
      %get3A_890 = arith.constant 0 : index
      %get3A_891 = tpu.vector_load %arg6[%get3A_889, %get3A_890] {strides = array<i32>} : memref<512x64xf32, #tpu.memory_space<vmem>>, vector<1x16xf32>,
      %get3A_892 = vector.shape_cast %get3A_891 : vector<1x16xf32> to vector<16xf32>
      %swap3A_893 = arith.index_cast %add3A_832 : i32 to index
      %swap3A_894 = arith.constant 64 : index
      %swap3A_895 = tpu.vector_load %arg7[%swap3A_893, %swap3A_894] {strides = array<i32>} : memref<256x128xf32, #tpu.memory_space<vmem>>, vector<1x16xf32>,
      %swap3A_896 = vector.shape_cast %swap3A_895 : vector<1x16xf32> to vector<16xf32>
      %swap3A_897 = vector.shape_cast %get3A_892 : vector<16xf32> to vector<1x16xf32>
      tpu.vector_store %arg7[%swap3A_893, %swap3A_894], %swap3A_897 {strides = array<i32>} : memref<256x128xf32, #tpu.memory_space<vmem>>, vector<1x16xf32>,
      %mul3A_898 = arith.constant 2 : i32
      %mul3A_899 = arith.muli %mul3A_898, %add3A_832 : i32
      %add3A_900 = arith.constant 1 : i32
      %add3A_901 = arith.addi %mul3A_899, %add3A_900 : i32
      %get3A_902 = arith.index_cast %add3A_901 : i32 to index
      %get3A_903 = arith.constant 16 : index
      %get3A_904 = tpu.vector_load %arg6[%get3A_902, %get3A_903] {strides = array<i32>} : memref<512x64xf32, #tpu.memory_space<vmem>>, vector<1x16xf32>,
      %get3A_905 = vector.shape_cast %get3A_904 : vector<1x16xf32> to vector<16xf32>
      %swap3A_906 = arith.index_cast %add3A_832 : i32 to index
      %swap3A_907 = arith.constant 80 : index
      %swap3A_908 = tpu.vector_load %arg7[%swap3A_906, %swap3A_907] {strides = array<i32>} : memref<256x128xf32, #tpu.memory_space<vmem>>, vector<1x16xf32>,
      %swap3A_909 = vector.shape_cast %swap3A_908 : vector<1x16xf32> to vector<16xf32>
      %swap3A_910 = vector.shape_cast %get3A_905 : vector<16xf32> to vector<1x16xf32>
      tpu.vector_store %arg7[%swap3A_906, %swap3A_907], %swap3A_910 {strides = array<i32>} : memref<256x128xf32, #tpu.memory_space<vmem>>, vector<1x16xf32>,
      %mul3A_911 = arith.constant 2 : i32
      %mul3A_912 = arith.muli %mul3A_911, %add3A_832 : i32
      %add3A_913 = arith.constant 1 : i32
      %add3A_914 = arith.addi %mul3A_912, %add3A_913 : i32
      %get3A_915 = arith.index_cast %add3A_914 : i32 to index
      %get3A_916 = arith.constant 32 : index
      %get3A_917 = tpu.vector_load %arg6[%get3A_915, %get3A_916] {strides = array<i32>} : memref<512x64xf32, #tpu.memory_space<vmem>>, vector<1x16xf32>,
      %get3A_918 = vector.shape_cast %get3A_917 : vector<1x16xf32> to vector<16xf32>
      %swap3A_919 = arith.index_cast %add3A_832 : i32 to index
      %swap3A_920 = arith.constant 96 : index
      %swap3A_921 = tpu.vector_load %arg7[%swap3A_919, %swap3A_920] {strides = array<i32>} : memref<256x128xf32, #tpu.memory_space<vmem>>, vector<1x16xf32>,
      %swap3A_922 = vector.shape_cast %swap3A_921 : vector<1x16xf32> to vector<16xf32>
      %swap3A_923 = vector.shape_cast %get3A_918 : vector<16xf32> to vector<1x16xf32>
      tpu.vector_store %arg7[%swap3A_919, %swap3A_920], %swap3A_923 {strides = array<i32>} : memref<256x128xf32, #tpu.memory_space<vmem>>, vector<1x16xf32>,
      %mul3A_924 = arith.constant 2 : i32
      %mul3A_925 = arith.muli %mul3A_924, %add3A_832 : i32
      %add3A_926 = arith.constant 1 : i32
      %add3A_927 = arith.addi %mul3A_925, %add3A_926 : i32
      %get3A_928 = arith.index_cast %add3A_927 : i32 to index
      %get3A_929 = arith.constant 48 : index
      %get3A_930 = tpu.vector_load %arg6[%get3A_928, %get3A_929] {strides = array<i32>} : memref<512x64xf32, #tpu.memory_space<vmem>>, vector<1x16xf32>,
      %get3A_931 = vector.shape_cast %get3A_930 : vector<1x16xf32> to vector<16xf32>
      %swap3A_932 = arith.index_cast %add3A_832 : i32 to index
      %swap3A_933 = arith.constant 112 : index
      %swap3A_934 = tpu.vector_load %arg7[%swap3A_932, %swap3A_933] {strides = array<i32>} : memref<256x128xf32, #tpu.memory_space<vmem>>, vector<1x16xf32>,
      %swap3A_935 = vector.shape_cast %swap3A_934 : vector<1x16xf32> to vector<16xf32>
      %swap3A_936 = vector.shape_cast %get3A_931 : vector<16xf32> to vector<1x16xf32>
      tpu.vector_store %arg7[%swap3A_932, %swap3A_933], %swap3A_936 {strides = array<i32>} : memref<256x128xf32, #tpu.memory_space<vmem>>, vector<1x16xf32>,
      %mul3A_937 = arith.constant 16 : i32
      %mul3A_938 = arith.muli %scan3A_74, %mul3A_937 : i32
      %add3A_939 = arith.constant 8 : i32
      %add3A_940 = arith.addi %mul3A_938, %add3A_939 : i32
      %mul3A_941 = arith.constant 2 : i32
      %mul3A_942 = arith.muli %mul3A_941, %add3A_940 : i32
      %add3A_943 = arith.constant 0 : i32
      %add3A_944 = arith.addi %mul3A_942, %add3A_943 : i32
      %get3A_945 = arith.index_cast %add3A_944 : i32 to index
      %get3A_946 = arith.constant 0 : index
      %get3A_947 = tpu.vector_load %arg6[%get3A_945, %get3A_946] {strides = array<i32>} : memref<512x64xf32, #tpu.memory_space<vmem>>, vector<1x16xf32>,
      %get3A_948 = vector.shape_cast %get3A_947 : vector<1x16xf32> to vector<16xf32>
      %swap3A_949 = arith.index_cast %add3A_940 : i32 to index
      %swap3A_950 = arith.constant 0 : index
      %swap3A_951 = tpu.vector_load %arg7[%swap3A_949, %swap3A_950] {strides = array<i32>} : memref<256x128xf32, #tpu.memory_space<vmem>>, vector<1x16xf32>,
      %swap3A_952 = vector.shape_cast %swap3A_951 : vector<1x16xf32> to vector<16xf32>
      %swap3A_953 = vector.shape_cast %get3A_948 : vector<16xf32> to vector<1x16xf32>
      tpu.vector_store %arg7[%swap3A_949, %swap3A_950], %swap3A_953 {strides = array<i32>} : memref<256x128xf32, #tpu.memory_space<vmem>>, vector<1x16xf32>,
      %mul3A_954 = arith.constant 2 : i32
      %mul3A_955 = arith.muli %mul3A_954, %add3A_940 : i32
      %add3A_956 = arith.constant 0 : i32
      %add3A_957 = arith.addi %mul3A_955, %add3A_956 : i32
      %get3A_958 = arith.index_cast %add3A_957 : i32 to index
      %get3A_959 = arith.constant 16 : index
      %get3A_960 = tpu.vector_load %arg6[%get3A_958, %get3A_959] {strides = array<i32>} : memref<512x64xf32, #tpu.memory_space<vmem>>, vector<1x16xf32>,
      %get3A_961 = vector.shape_cast %get3A_960 : vector<1x16xf32> to vector<16xf32>
      %swap3A_962 = arith.index_cast %add3A_940 : i32 to index
      %swap3A_963 = arith.constant 16 : index
      %swap3A_964 = tpu.vector_load %arg7[%swap3A_962, %swap3A_963] {strides = array<i32>} : memref<256x128xf32, #tpu.memory_space<vmem>>, vector<1x16xf32>,
      %swap3A_965 = vector.shape_cast %swap3A_964 : vector<1x16xf32> to vector<16xf32>
      %swap3A_966 = vector.shape_cast %get3A_961 : vector<16xf32> to vector<1x16xf32>
      tpu.vector_store %arg7[%swap3A_962, %swap3A_963], %swap3A_966 {strides = array<i32>} : memref<256x128xf32, #tpu.memory_space<vmem>>, vector<1x16xf32>,
      %mul3A_967 = arith.constant 2 : i32
      %mul3A_968 = arith.muli %mul3A_967, %add3A_940 : i32
      %add3A_969 = arith.constant 0 : i32
      %add3A_970 = arith.addi %mul3A_968, %add3A_969 : i32
      %get3A_971 = arith.index_cast %add3A_970 : i32 to index
      %get3A_972 = arith.constant 32 : index
      %get3A_973 = tpu.vector_load %arg6[%get3A_971, %get3A_972] {strides = array<i32>} : memref<512x64xf32, #tpu.memory_space<vmem>>, vector<1x16xf32>,
      %get3A_974 = vector.shape_cast %get3A_973 : vector<1x16xf32> to vector<16xf32>
      %swap3A_975 = arith.index_cast %add3A_940 : i32 to index
      %swap3A_976 = arith.constant 32 : index
      %swap3A_977 = tpu.vector_load %arg7[%swap3A_975, %swap3A_976] {strides = array<i32>} : memref<256x128xf32, #tpu.memory_space<vmem>>, vector<1x16xf32>,
      %swap3A_978 = vector.shape_cast %swap3A_977 : vector<1x16xf32> to vector<16xf32>
      %swap3A_979 = vector.shape_cast %get3A_974 : vector<16xf32> to vector<1x16xf32>
      tpu.vector_store %arg7[%swap3A_975, %swap3A_976], %swap3A_979 {strides = array<i32>} : memref<256x128xf32, #tpu.memory_space<vmem>>, vector<1x16xf32>,
      %mul3A_980 = arith.constant 2 : i32
      %mul3A_981 = arith.muli %mul3A_980, %add3A_940 : i32
      %add3A_982 = arith.constant 0 : i32
      %add3A_983 = arith.addi %mul3A_981, %add3A_982 : i32
      %get3A_984 = arith.index_cast %add3A_983 : i32 to index
      %get3A_985 = arith.constant 48 : index
      %get3A_986 = tpu.vector_load %arg6[%get3A_984, %get3A_985] {strides = array<i32>} : memref<512x64xf32, #tpu.memory_space<vmem>>, vector<1x16xf32>,
      %get3A_987 = vector.shape_cast %get3A_986 : vector<1x16xf32> to vector<16xf32>
      %swap3A_988 = arith.index_cast %add3A_940 : i32 to index
      %swap3A_989 = arith.constant 48 : index
      %swap3A_990 = tpu.vector_load %arg7[%swap3A_988, %swap3A_989] {strides = array<i32>} : memref<256x128xf32, #tpu.memory_space<vmem>>, vector<1x16xf32>,
      %swap3A_991 = vector.shape_cast %swap3A_990 : vector<1x16xf32> to vector<16xf32>
      %swap3A_992 = vector.shape_cast %get3A_987 : vector<16xf32> to vector<1x16xf32>
      tpu.vector_store %arg7[%swap3A_988, %swap3A_989], %swap3A_992 {strides = array<i32>} : memref<256x128xf32, #tpu.memory_space<vmem>>, vector<1x16xf32>,
      %mul3A_993 = arith.constant 2 : i32
      %mul3A_994 = arith.muli %mul3A_993, %add3A_940 : i32
      %add3A_995 = arith.constant 1 : i32
      %add3A_996 = arith.addi %mul3A_994, %add3A_995 : i32
      %get3A_997 = arith.index_cast %add3A_996 : i32 to index
      %get3A_998 = arith.constant 0 : index
      %get3A_999 = tpu.vector_load %arg6[%get3A_997, %get3A_998] {strides = array<i32>} : memref<512x64xf32, #tpu.memory_space<vmem>>, vector<1x16xf32>,
      %get3A_1000 = vector.shape_cast %get3A_999 : vector<1x16xf32> to vector<16xf32>
      %swap3A_1001 = arith.index_cast %add3A_940 : i32 to index
      %swap3A_1002 = arith.constant 64 : index
      %swap3A_1003 = tpu.vector_load %arg7[%swap3A_1001, %swap3A_1002] {strides = array<i32>} : memref<256x128xf32, #tpu.memory_space<vmem>>, vector<1x16xf32>,
      %swap3A_1004 = vector.shape_cast %swap3A_1003 : vector<1x16xf32> to vector<16xf32>
      %swap3A_1005 = vector.shape_cast %get3A_1000 : vector<16xf32> to vector<1x16xf32>
      tpu.vector_store %arg7[%swap3A_1001, %swap3A_1002], %swap3A_1005 {strides = array<i32>} : memref<256x128xf32, #tpu.memory_space<vmem>>, vector<1x16xf32>,
      %mul3A_1006 = arith.constant 2 : i32
      %mul3A_1007 = arith.muli %mul3A_1006, %add3A_940 : i32
      %add3A_1008 = arith.constant 1 : i32
      %add3A_1009 = arith.addi %mul3A_1007, %add3A_1008 : i32
      %get3A_1010 = arith.index_cast %add3A_1009 : i32 to index
      %get3A_1011 = arith.constant 16 : index
      %get3A_1012 = tpu.vector_load %arg6[%get3A_1010, %get3A_1011] {strides = array<i32>} : memref<512x64xf32, #tpu.memory_space<vmem>>, vector<1x16xf32>,
      %get3A_1013 = vector.shape_cast %get3A_1012 : vector<1x16xf32> to vector<16xf32>
      %swap3A_1014 = arith.index_cast %add3A_940 : i32 to index
      %swap3A_1015 = arith.constant 80 : index
      %swap3A_1016 = tpu.vector_load %arg7[%swap3A_1014, %swap3A_1015] {strides = array<i32>} : memref<256x128xf32, #tpu.memory_space<vmem>>, vector<1x16xf32>,
      %swap3A_1017 = vector.shape_cast %swap3A_1016 : vector<1x16xf32> to vector<16xf32>
      %swap3A_1018 = vector.shape_cast %get3A_1013 : vector<16xf32> to vector<1x16xf32>
      tpu.vector_store %arg7[%swap3A_1014, %swap3A_1015], %swap3A_1018 {strides = array<i32>} : memref<256x128xf32, #tpu.memory_space<vmem>>, vector<1x16xf32>,
      %mul3A_1019 = arith.constant 2 : i32
      %mul3A_1020 = arith.muli %mul3A_1019, %add3A_940 : i32
      %add3A_1021 = arith.constant 1 : i32
      %add3A_1022 = arith.addi %mul3A_1020, %add3A_1021 : i32
      %get3A_1023 = arith.index_cast %add3A_1022 : i32 to index
      %get3A_1024 = arith.constant 32 : index
      %get3A_1025 = tpu.vector_load %arg6[%get3A_1023, %get3A_1024] {strides = array<i32>} : memref<512x64xf32, #tpu.memory_space<vmem>>, vector<1x16xf32>,
      %get3A_1026 = vector.shape_cast %get3A_1025 : vector<1x16xf32> to vector<16xf32>
      %swap3A_1027 = arith.index_cast %add3A_940 : i32 to index
      %swap3A_1028 = arith.constant 96 : index
      %swap3A_1029 = tpu.vector_load %arg7[%swap3A_1027, %swap3A_1028] {strides = array<i32>} : memref<256x128xf32, #tpu.memory_space<vmem>>, vector<1x16xf32>,
      %swap3A_1030 = vector.shape_cast %swap3A_1029 : vector<1x16xf32> to vector<16xf32>
      %swap3A_1031 = vector.shape_cast %get3A_1026 : vector<16xf32> to vector<1x16xf32>
      tpu.vector_store %arg7[%swap3A_1027, %swap3A_1028], %swap3A_1031 {strides = array<i32>} : memref<256x128xf32, #tpu.memory_space<vmem>>, vector<1x16xf32>,
      %mul3A_1032 = arith.constant 2 : i32
      %mul3A_1033 = arith.muli %mul3A_1032, %add3A_940 : i32
      %add3A_1034 = arith.constant 1 : i32
      %add3A_1035 = arith.addi %mul3A_1033, %add3A_1034 : i32
      %get3A_1036 = arith.index_cast %add3A_1035 : i32 to index
      %get3A_1037 = arith.constant 48 : index
      %get3A_1038 = tpu.vector_load %arg6[%get3A_1036, %get3A_1037] {strides = array<i32>} : memref<512x64xf32, #tpu.memory_space<vmem>>, vector<1x16xf32>,
      %get3A_1039 = vector.shape_cast %get3A_1038 : vector<1x16xf32> to vector<16xf32>
      %swap3A_1040 = arith.index_cast %add3A_940 : i32 to index
      %swap3A_1041 = arith.constant 112 : index
      %swap3A_1042 = tpu.vector_load %arg7[%swap3A_1040, %swap3A_1041] {strides = array<i32>} : memref<256x128xf32, #tpu.memory_space<vmem>>, vector<1x16xf32>,
      %swap3A_1043 = vector.shape_cast %swap3A_1042 : vector<1x16xf32> to vector<16xf32>
      %swap3A_1044 = vector.shape_cast %get3A_1039 : vector<16xf32> to vector<1x16xf32>
      tpu.vector_store %arg7[%swap3A_1040, %swap3A_1041], %swap3A_1044 {strides = array<i32>} : memref<256x128xf32, #tpu.memory_space<vmem>>, vector<1x16xf32>,
      %mul3A_1045 = arith.constant 16 : i32
      %mul3A_1046 = arith.muli %scan3A_74, %mul3A_1045 : i32
      %add3A_1047 = arith.constant 9 : i32
      %add3A_1048 = arith.addi %mul3A_1046, %add3A_1047 : i32
      %mul3A_1049 = arith.constant 2 : i32
      %mul3A_1050 = arith.muli %mul3A_1049, %add3A_1048 : i32
      %add3A_1051 = arith.constant 0 : i32
      %add3A_1052 = arith.addi %mul3A_1050, %add3A_1051 : i32
      %get3A_1053 = arith.index_cast %add3A_1052 : i32 to index
      %get3A_1054 = arith.constant 0 : index
      %get3A_1055 = tpu.vector_load %arg6[%get3A_1053, %get3A_1054] {strides = array<i32>} : memref<512x64xf32, #tpu.memory_space<vmem>>, vector<1x16xf32>,
      %get3A_1056 = vector.shape_cast %get3A_1055 : vector<1x16xf32> to vector<16xf32>
      %swap3A_1057 = arith.index_cast %add3A_1048 : i32 to index
      %swap3A_1058 = arith.constant 0 : index
      %swap3A_1059 = tpu.vector_load %arg7[%swap3A_1057, %swap3A_1058] {strides = array<i32>} : memref<256x128xf32, #tpu.memory_space<vmem>>, vector<1x16xf32>,
      %swap3A_1060 = vector.shape_cast %swap3A_1059 : vector<1x16xf32> to vector<16xf32>
      %swap3A_1061 = vector.shape_cast %get3A_1056 : vector<16xf32> to vector<1x16xf32>
      tpu.vector_store %arg7[%swap3A_1057, %swap3A_1058], %swap3A_1061 {strides = array<i32>} : memref<256x128xf32, #tpu.memory_space<vmem>>, vector<1x16xf32>,
      %mul3A_1062 = arith.constant 2 : i32
      %mul3A_1063 = arith.muli %mul3A_1062, %add3A_1048 : i32
      %add3A_1064 = arith.constant 0 : i32
      %add3A_1065 = arith.addi %mul3A_1063, %add3A_1064 : i32
      %get3A_1066 = arith.index_cast %add3A_1065 : i32 to index
      %get3A_1067 = arith.constant 16 : index
      %get3A_1068 = tpu.vector_load %arg6[%get3A_1066, %get3A_1067] {strides = array<i32>} : memref<512x64xf32, #tpu.memory_space<vmem>>, vector<1x16xf32>,
      %get3A_1069 = vector.shape_cast %get3A_1068 : vector<1x16xf32> to vector<16xf32>
      %swap3A_1070 = arith.index_cast %add3A_1048 : i32 to index
      %swap3A_1071 = arith.constant 16 : index
      %swap3A_1072 = tpu.vector_load %arg7[%swap3A_1070, %swap3A_1071] {strides = array<i32>} : memref<256x128xf32, #tpu.memory_space<vmem>>, vector<1x16xf32>,
      %swap3A_1073 = vector.shape_cast %swap3A_1072 : vector<1x16xf32> to vector<16xf32>
      %swap3A_1074 = vector.shape_cast %get3A_1069 : vector<16xf32> to vector<1x16xf32>
      tpu.vector_store %arg7[%swap3A_1070, %swap3A_1071], %swap3A_1074 {strides = array<i32>} : memref<256x128xf32, #tpu.memory_space<vmem>>, vector<1x16xf32>,
      %mul3A_1075 = arith.constant 2 : i32
      %mul3A_1076 = arith.muli %mul3A_1075, %add3A_1048 : i32
      %add3A_1077 = arith.constant 0 : i32
      %add3A_1078 = arith.addi %mul3A_1076, %add3A_1077 : i32
      %get3A_1079 = arith.index_cast %add3A_1078 : i32 to index
      %get3A_1080 = arith.constant 32 : index
      %get3A_1081 = tpu.vector_load %arg6[%get3A_1079, %get3A_1080] {strides = array<i32>} : memref<512x64xf32, #tpu.memory_space<vmem>>, vector<1x16xf32>,
      %get3A_1082 = vector.shape_cast %get3A_1081 : vector<1x16xf32> to vector<16xf32>
      %swap3A_1083 = arith.index_cast %add3A_1048 : i32 to index
      %swap3A_1084 = arith.constant 32 : index
      %swap3A_1085 = tpu.vector_load %arg7[%swap3A_1083, %swap3A_1084] {strides = array<i32>} : memref<256x128xf32, #tpu.memory_space<vmem>>, vector<1x16xf32>,
      %swap3A_1086 = vector.shape_cast %swap3A_1085 : vector<1x16xf32> to vector<16xf32>
      %swap3A_1087 = vector.shape_cast %get3A_1082 : vector<16xf32> to vector<1x16xf32>
      tpu.vector_store %arg7[%swap3A_1083, %swap3A_1084], %swap3A_1087 {strides = array<i32>} : memref<256x128xf32, #tpu.memory_space<vmem>>, vector<1x16xf32>,
      %mul3A_1088 = arith.constant 2 : i32
      %mul3A_1089 = arith.muli %mul3A_1088, %add3A_1048 : i32
      %add3A_1090 = arith.constant 0 : i32
      %add3A_1091 = arith.addi %mul3A_1089, %add3A_1090 : i32
      %get3A_1092 = arith.index_cast %add3A_1091 : i32 to index
      %get3A_1093 = arith.constant 48 : index
      %get3A_1094 = tpu.vector_load %arg6[%get3A_1092, %get3A_1093] {strides = array<i32>} : memref<512x64xf32, #tpu.memory_space<vmem>>, vector<1x16xf32>,
      %get3A_1095 = vector.shape_cast %get3A_1094 : vector<1x16xf32> to vector<16xf32>
      %swap3A_1096 = arith.index_cast %add3A_1048 : i32 to index
      %swap3A_1097 = arith.constant 48 : index
      %swap3A_1098 = tpu.vector_load %arg7[%swap3A_1096, %swap3A_1097] {strides = array<i32>} : memref<256x128xf32, #tpu.memory_space<vmem>>, vector<1x16xf32>,
      %swap3A_1099 = vector.shape_cast %swap3A_1098 : vector<1x16xf32> to vector<16xf32>
      %swap3A_1100 = vector.shape_cast %get3A_1095 : vector<16xf32> to vector<1x16xf32>
      tpu.vector_store %arg7[%swap3A_1096, %swap3A_1097], %swap3A_1100 {strides = array<i32>} : memref<256x128xf32, #tpu.memory_space<vmem>>, vector<1x16xf32>,
      %mul3A_1101 = arith.constant 2 : i32
      %mul3A_1102 = arith.muli %mul3A_1101, %add3A_1048 : i32
      %add3A_1103 = arith.constant 1 : i32
      %add3A_1104 = arith.addi %mul3A_1102, %add3A_1103 : i32
      %get3A_1105 = arith.index_cast %add3A_1104 : i32 to index
      %get3A_1106 = arith.constant 0 : index
      %get3A_1107 = tpu.vector_load %arg6[%get3A_1105, %get3A_1106] {strides = array<i32>} : memref<512x64xf32, #tpu.memory_space<vmem>>, vector<1x16xf32>,
      %get3A_1108 = vector.shape_cast %get3A_1107 : vector<1x16xf32> to vector<16xf32>
      %swap3A_1109 = arith.index_cast %add3A_1048 : i32 to index
      %swap3A_1110 = arith.constant 64 : index
      %swap3A_1111 = tpu.vector_load %arg7[%swap3A_1109, %swap3A_1110] {strides = array<i32>} : memref<256x128xf32, #tpu.memory_space<vmem>>, vector<1x16xf32>,
      %swap3A_1112 = vector.shape_cast %swap3A_1111 : vector<1x16xf32> to vector<16xf32>
      %swap3A_1113 = vector.shape_cast %get3A_1108 : vector<16xf32> to vector<1x16xf32>
      tpu.vector_store %arg7[%swap3A_1109, %swap3A_1110], %swap3A_1113 {strides = array<i32>} : memref<256x128xf32, #tpu.memory_space<vmem>>, vector<1x16xf32>,
      %mul3A_1114 = arith.constant 2 : i32
      %mul3A_1115 = arith.muli %mul3A_1114, %add3A_1048 : i32
      %add3A_1116 = arith.constant 1 : i32
      %add3A_1117 = arith.addi %mul3A_1115, %add3A_1116 : i32
      %get3A_1118 = arith.index_cast %add3A_1117 : i32 to index
      %get3A_1119 = arith.constant 16 : index
      %get3A_1120 = tpu.vector_load %arg6[%get3A_1118, %get3A_1119] {strides = array<i32>} : memref<512x64xf32, #tpu.memory_space<vmem>>, vector<1x16xf32>,
      %get3A_1121 = vector.shape_cast %get3A_1120 : vector<1x16xf32> to vector<16xf32>
      %swap3A_1122 = arith.index_cast %add3A_1048 : i32 to index
      %swap3A_1123 = arith.constant 80 : index
      %swap3A_1124 = tpu.vector_load %arg7[%swap3A_1122, %swap3A_1123] {strides = array<i32>} : memref<256x128xf32, #tpu.memory_space<vmem>>, vector<1x16xf32>,
      %swap3A_1125 = vector.shape_cast %swap3A_1124 : vector<1x16xf32> to vector<16xf32>
      %swap3A_1126 = vector.shape_cast %get3A_1121 : vector<16xf32> to vector<1x16xf32>
      tpu.vector_store %arg7[%swap3A_1122, %swap3A_1123], %swap3A_1126 {strides = array<i32>} : memref<256x128xf32, #tpu.memory_space<vmem>>, vector<1x16xf32>,
      %mul3A_1127 = arith.constant 2 : i32
      %mul3A_1128 = arith.muli %mul3A_1127, %add3A_1048 : i32
      %add3A_1129 = arith.constant 1 : i32
      %add3A_1130 = arith.addi %mul3A_1128, %add3A_1129 : i32
      %get3A_1131 = arith.index_cast %add3A_1130 : i32 to index
      %get3A_1132 = arith.constant 32 : index
      %get3A_1133 = tpu.vector_load %arg6[%get3A_1131, %get3A_1132] {strides = array<i32>} : memref<512x64xf32, #tpu.memory_space<vmem>>, vector<1x16xf32>,
      %get3A_1134 = vector.shape_cast %get3A_1133 : vector<1x16xf32> to vector<16xf32>
      %swap3A_1135 = arith.index_cast %add3A_1048 : i32 to index
      %swap3A_1136 = arith.constant 96 : index
      %swap3A_1137 = tpu.vector_load %arg7[%swap3A_1135, %swap3A_1136] {strides = array<i32>} : memref<256x128xf32, #tpu.memory_space<vmem>>, vector<1x16xf32>,
      %swap3A_1138 = vector.shape_cast %swap3A_1137 : vector<1x16xf32> to vector<16xf32>
      %swap3A_1139 = vector.shape_cast %get3A_1134 : vector<16xf32> to vector<1x16xf32>
      tpu.vector_store %arg7[%swap3A_1135, %swap3A_1136], %swap3A_1139 {strides = array<i32>} : memref<256x128xf32, #tpu.memory_space<vmem>>, vector<1x16xf32>,
      %mul3A_1140 = arith.constant 2 : i32
      %mul3A_1141 = arith.muli %mul3A_1140, %add3A_1048 : i32
      %add3A_1142 = arith.constant 1 : i32
      %add3A_1143 = arith.addi %mul3A_1141, %add3A_1142 : i32
      %get3A_1144 = arith.index_cast %add3A_1143 : i32 to index
      %get3A_1145 = arith.constant 48 : index
      %get3A_1146 = tpu.vector_load %arg6[%get3A_1144, %get3A_1145] {strides = array<i32>} : memref<512x64xf32, #tpu.memory_space<vmem>>, vector<1x16xf32>,
      %get3A_1147 = vector.shape_cast %get3A_1146 : vector<1x16xf32> to vector<16xf32>
      %swap3A_1148 = arith.index_cast %add3A_1048 : i32 to index
      %swap3A_1149 = arith.constant 112 : index
      %swap3A_1150 = tpu.vector_load %arg7[%swap3A_1148, %swap3A_1149] {strides = array<i32>} : memref<256x128xf32, #tpu.memory_space<vmem>>, vector<1x16xf32>,
      %swap3A_1151 = vector.shape_cast %swap3A_1150 : vector<1x16xf32> to vector<16xf32>
      %swap3A_1152 = vector.shape_cast %get3A_1147 : vector<16xf32> to vector<1x16xf32>
      tpu.vector_store %arg7[%swap3A_1148, %swap3A_1149], %swap3A_1152 {strides = array<i32>} : memref<256x128xf32, #tpu.memory_space<vmem>>, vector<1x16xf32>,
      %mul3A_1153 = arith.constant 16 : i32
      %mul3A_1154 = arith.muli %scan3A_74, %mul3A_1153 : i32
      %add3A_1155 = arith.constant 10 : i32
      %add3A_1156 = arith.addi %mul3A_1154, %add3A_1155 : i32
      %mul3A_1157 = arith.constant 2 : i32
      %mul3A_1158 = arith.muli %mul3A_1157, %add3A_1156 : i32
      %add3A_1159 = arith.constant 0 : i32
      %add3A_1160 = arith.addi %mul3A_1158, %add3A_1159 : i32
      %get3A_1161 = arith.index_cast %add3A_1160 : i32 to index
      %get3A_1162 = arith.constant 0 : index
      %get3A_1163 = tpu.vector_load %arg6[%get3A_1161, %get3A_1162] {strides = array<i32>} : memref<512x64xf32, #tpu.memory_space<vmem>>, vector<1x16xf32>,
      %get3A_1164 = vector.shape_cast %get3A_1163 : vector<1x16xf32> to vector<16xf32>
      %swap3A_1165 = arith.index_cast %add3A_1156 : i32 to index
      %swap3A_1166 = arith.constant 0 : index
      %swap3A_1167 = tpu.vector_load %arg7[%swap3A_1165, %swap3A_1166] {strides = array<i32>} : memref<256x128xf32, #tpu.memory_space<vmem>>, vector<1x16xf32>,
      %swap3A_1168 = vector.shape_cast %swap3A_1167 : vector<1x16xf32> to vector<16xf32>
      %swap3A_1169 = vector.shape_cast %get3A_1164 : vector<16xf32> to vector<1x16xf32>
      tpu.vector_store %arg7[%swap3A_1165, %swap3A_1166], %swap3A_1169 {strides = array<i32>} : memref<256x128xf32, #tpu.memory_space<vmem>>, vector<1x16xf32>,
      %mul3A_1170 = arith.constant 2 : i32
      %mul3A_1171 = arith.muli %mul3A_1170, %add3A_1156 : i32
      %add3A_1172 = arith.constant 0 : i32
      %add3A_1173 = arith.addi %mul3A_1171, %add3A_1172 : i32
      %get3A_1174 = arith.index_cast %add3A_1173 : i32 to index
      %get3A_1175 = arith.constant 16 : index
      %get3A_1176 = tpu.vector_load %arg6[%get3A_1174, %get3A_1175] {strides = array<i32>} : memref<512x64xf32, #tpu.memory_space<vmem>>, vector<1x16xf32>,
      %get3A_1177 = vector.shape_cast %get3A_1176 : vector<1x16xf32> to vector<16xf32>
      %swap3A_1178 = arith.index_cast %add3A_1156 : i32 to index
      %swap3A_1179 = arith.constant 16 : index
      %swap3A_1180 = tpu.vector_load %arg7[%swap3A_1178, %swap3A_1179] {strides = array<i32>} : memref<256x128xf32, #tpu.memory_space<vmem>>, vector<1x16xf32>,
      %swap3A_1181 = vector.shape_cast %swap3A_1180 : vector<1x16xf32> to vector<16xf32>
      %swap3A_1182 = vector.shape_cast %get3A_1177 : vector<16xf32> to vector<1x16xf32>
      tpu.vector_store %arg7[%swap3A_1178, %swap3A_1179], %swap3A_1182 {strides = array<i32>} : memref<256x128xf32, #tpu.memory_space<vmem>>, vector<1x16xf32>,
      %mul3A_1183 = arith.constant 2 : i32
      %mul3A_1184 = arith.muli %mul3A_1183, %add3A_1156 : i32
      %add3A_1185 = arith.constant 0 : i32
      %add3A_1186 = arith.addi %mul3A_1184, %add3A_1185 : i32
      %get3A_1187 = arith.index_cast %add3A_1186 : i32 to index
      %get3A_1188 = arith.constant 32 : index
      %get3A_1189 = tpu.vector_load %arg6[%get3A_1187, %get3A_1188] {strides = array<i32>} : memref<512x64xf32, #tpu.memory_space<vmem>>, vector<1x16xf32>,
      %get3A_1190 = vector.shape_cast %get3A_1189 : vector<1x16xf32> to vector<16xf32>
      %swap3A_1191 = arith.index_cast %add3A_1156 : i32 to index
      %swap3A_1192 = arith.constant 32 : index
      %swap3A_1193 = tpu.vector_load %arg7[%swap3A_1191, %swap3A_1192] {strides = array<i32>} : memref<256x128xf32, #tpu.memory_space<vmem>>, vector<1x16xf32>,
      %swap3A_1194 = vector.shape_cast %swap3A_1193 : vector<1x16xf32> to vector<16xf32>
      %swap3A_1195 = vector.shape_cast %get3A_1190 : vector<16xf32> to vector<1x16xf32>
      tpu.vector_store %arg7[%swap3A_1191, %swap3A_1192], %swap3A_1195 {strides = array<i32>} : memref<256x128xf32, #tpu.memory_space<vmem>>, vector<1x16xf32>,
      %mul3A_1196 = arith.constant 2 : i32
      %mul3A_1197 = arith.muli %mul3A_1196, %add3A_1156 : i32
      %add3A_1198 = arith.constant 0 : i32
      %add3A_1199 = arith.addi %mul3A_1197, %add3A_1198 : i32
      %get3A_1200 = arith.index_cast %add3A_1199 : i32 to index
      %get3A_1201 = arith.constant 48 : index
      %get3A_1202 = tpu.vector_load %arg6[%get3A_1200, %get3A_1201] {strides = array<i32>} : memref<512x64xf32, #tpu.memory_space<vmem>>, vector<1x16xf32>,
      %get3A_1203 = vector.shape_cast %get3A_1202 : vector<1x16xf32> to vector<16xf32>
      %swap3A_1204 = arith.index_cast %add3A_1156 : i32 to index
      %swap3A_1205 = arith.constant 48 : index
      %swap3A_1206 = tpu.vector_load %arg7[%swap3A_1204, %swap3A_1205] {strides = array<i32>} : memref<256x128xf32, #tpu.memory_space<vmem>>, vector<1x16xf32>,
      %swap3A_1207 = vector.shape_cast %swap3A_1206 : vector<1x16xf32> to vector<16xf32>
      %swap3A_1208 = vector.shape_cast %get3A_1203 : vector<16xf32> to vector<1x16xf32>
      tpu.vector_store %arg7[%swap3A_1204, %swap3A_1205], %swap3A_1208 {strides = array<i32>} : memref<256x128xf32, #tpu.memory_space<vmem>>, vector<1x16xf32>,
      %mul3A_1209 = arith.constant 2 : i32
      %mul3A_1210 = arith.muli %mul3A_1209, %add3A_1156 : i32
      %add3A_1211 = arith.constant 1 : i32
      %add3A_1212 = arith.addi %mul3A_1210, %add3A_1211 : i32
      %get3A_1213 = arith.index_cast %add3A_1212 : i32 to index
      %get3A_1214 = arith.constant 0 : index
      %get3A_1215 = tpu.vector_load %arg6[%get3A_1213, %get3A_1214] {strides = array<i32>} : memref<512x64xf32, #tpu.memory_space<vmem>>, vector<1x16xf32>,
      %get3A_1216 = vector.shape_cast %get3A_1215 : vector<1x16xf32> to vector<16xf32>
      %swap3A_1217 = arith.index_cast %add3A_1156 : i32 to index
      %swap3A_1218 = arith.constant 64 : index
      %swap3A_1219 = tpu.vector_load %arg7[%swap3A_1217, %swap3A_1218] {strides = array<i32>} : memref<256x128xf32, #tpu.memory_space<vmem>>, vector<1x16xf32>,
      %swap3A_1220 = vector.shape_cast %swap3A_1219 : vector<1x16xf32> to vector<16xf32>
      %swap3A_1221 = vector.shape_cast %get3A_1216 : vector<16xf32> to vector<1x16xf32>
      tpu.vector_store %arg7[%swap3A_1217, %swap3A_1218], %swap3A_1221 {strides = array<i32>} : memref<256x128xf32, #tpu.memory_space<vmem>>, vector<1x16xf32>,
      %mul3A_1222 = arith.constant 2 : i32
      %mul3A_1223 = arith.muli %mul3A_1222, %add3A_1156 : i32
      %add3A_1224 = arith.constant 1 : i32
      %add3A_1225 = arith.addi %mul3A_1223, %add3A_1224 : i32
      %get3A_1226 = arith.index_cast %add3A_1225 : i32 to index
      %get3A_1227 = arith.constant 16 : index
      %get3A_1228 = tpu.vector_load %arg6[%get3A_1226, %get3A_1227] {strides = array<i32>} : memref<512x64xf32, #tpu.memory_space<vmem>>, vector<1x16xf32>,
      %get3A_1229 = vector.shape_cast %get3A_1228 : vector<1x16xf32> to vector<16xf32>
      %swap3A_1230 = arith.index_cast %add3A_1156 : i32 to index
      %swap3A_1231 = arith.constant 80 : index
      %swap3A_1232 = tpu.vector_load %arg7[%swap3A_1230, %swap3A_1231] {strides = array<i32>} : memref<256x128xf32, #tpu.memory_space<vmem>>, vector<1x16xf32>,
      %swap3A_1233 = vector.shape_cast %swap3A_1232 : vector<1x16xf32> to vector<16xf32>
      %swap3A_1234 = vector.shape_cast %get3A_1229 : vector<16xf32> to vector<1x16xf32>
      tpu.vector_store %arg7[%swap3A_1230, %swap3A_1231], %swap3A_1234 {strides = array<i32>} : memref<256x128xf32, #tpu.memory_space<vmem>>, vector<1x16xf32>,
      %mul3A_1235 = arith.constant 2 : i32
      %mul3A_1236 = arith.muli %mul3A_1235, %add3A_1156 : i32
      %add3A_1237 = arith.constant 1 : i32
      %add3A_1238 = arith.addi %mul3A_1236, %add3A_1237 : i32
      %get3A_1239 = arith.index_cast %add3A_1238 : i32 to index
      %get3A_1240 = arith.constant 32 : index
      %get3A_1241 = tpu.vector_load %arg6[%get3A_1239, %get3A_1240] {strides = array<i32>} : memref<512x64xf32, #tpu.memory_space<vmem>>, vector<1x16xf32>,
      %get3A_1242 = vector.shape_cast %get3A_1241 : vector<1x16xf32> to vector<16xf32>
      %swap3A_1243 = arith.index_cast %add3A_1156 : i32 to index
      %swap3A_1244 = arith.constant 96 : index
      %swap3A_1245 = tpu.vector_load %arg7[%swap3A_1243, %swap3A_1244] {strides = array<i32>} : memref<256x128xf32, #tpu.memory_space<vmem>>, vector<1x16xf32>,
      %swap3A_1246 = vector.shape_cast %swap3A_1245 : vector<1x16xf32> to vector<16xf32>
      %swap3A_1247 = vector.shape_cast %get3A_1242 : vector<16xf32> to vector<1x16xf32>
      tpu.vector_store %arg7[%swap3A_1243, %swap3A_1244], %swap3A_1247 {strides = array<i32>} : memref<256x128xf32, #tpu.memory_space<vmem>>, vector<1x16xf32>,
      %mul3A_1248 = arith.constant 2 : i32
      %mul3A_1249 = arith.muli %mul3A_1248, %add3A_1156 : i32
      %add3A_1250 = arith.constant 1 : i32
      %add3A_1251 = arith.addi %mul3A_1249, %add3A_1250 : i32
      %get3A_1252 = arith.index_cast %add3A_1251 : i32 to index
      %get3A_1253 = arith.constant 48 : index
      %get3A_1254 = tpu.vector_load %arg6[%get3A_1252, %get3A_1253] {strides = array<i32>} : memref<512x64xf32, #tpu.memory_space<vmem>>, vector<1x16xf32>,
      %get3A_1255 = vector.shape_cast %get3A_1254 : vector<1x16xf32> to vector<16xf32>
      %swap3A_1256 = arith.index_cast %add3A_1156 : i32 to index
      %swap3A_1257 = arith.constant 112 : index
      %swap3A_1258 = tpu.vector_load %arg7[%swap3A_1256, %swap3A_1257] {strides = array<i32>} : memref<256x128xf32, #tpu.memory_space<vmem>>, vector<1x16xf32>,
      %swap3A_1259 = vector.shape_cast %swap3A_1258 : vector<1x16xf32> to vector<16xf32>
      %swap3A_1260 = vector.shape_cast %get3A_1255 : vector<16xf32> to vector<1x16xf32>
      tpu.vector_store %arg7[%swap3A_1256, %swap3A_1257], %swap3A_1260 {strides = array<i32>} : memref<256x128xf32, #tpu.memory_space<vmem>>, vector<1x16xf32>,
      %mul3A_1261 = arith.constant 16 : i32
      %mul3A_1262 = arith.muli %scan3A_74, %mul3A_1261 : i32
      %add3A_1263 = arith.constant 11 : i32
      %add3A_1264 = arith.addi %mul3A_1262, %add3A_1263 : i32
      %mul3A_1265 = arith.constant 2 : i32
      %mul3A_1266 = arith.muli %mul3A_1265, %add3A_1264 : i32
      %add3A_1267 = arith.constant 0 : i32
      %add3A_1268 = arith.addi %mul3A_1266, %add3A_1267 : i32
      %get3A_1269 = arith.index_cast %add3A_1268 : i32 to index
      %get3A_1270 = arith.constant 0 : index
      %get3A_1271 = tpu.vector_load %arg6[%get3A_1269, %get3A_1270] {strides = array<i32>} : memref<512x64xf32, #tpu.memory_space<vmem>>, vector<1x16xf32>,
      %get3A_1272 = vector.shape_cast %get3A_1271 : vector<1x16xf32> to vector<16xf32>
      %swap3A_1273 = arith.index_cast %add3A_1264 : i32 to index
      %swap3A_1274 = arith.constant 0 : index
      %swap3A_1275 = tpu.vector_load %arg7[%swap3A_1273, %swap3A_1274] {strides = array<i32>} : memref<256x128xf32, #tpu.memory_space<vmem>>, vector<1x16xf32>,
      %swap3A_1276 = vector.shape_cast %swap3A_1275 : vector<1x16xf32> to vector<16xf32>
      %swap3A_1277 = vector.shape_cast %get3A_1272 : vector<16xf32> to vector<1x16xf32>
      tpu.vector_store %arg7[%swap3A_1273, %swap3A_1274], %swap3A_1277 {strides = array<i32>} : memref<256x128xf32, #tpu.memory_space<vmem>>, vector<1x16xf32>,
      %mul3A_1278 = arith.constant 2 : i32
      %mul3A_1279 = arith.muli %mul3A_1278, %add3A_1264 : i32
      %add3A_1280 = arith.constant 0 : i32
      %add3A_1281 = arith.addi %mul3A_1279, %add3A_1280 : i32
      %get3A_1282 = arith.index_cast %add3A_1281 : i32 to index
      %get3A_1283 = arith.constant 16 : index
      %get3A_1284 = tpu.vector_load %arg6[%get3A_1282, %get3A_1283] {strides = array<i32>} : memref<512x64xf32, #tpu.memory_space<vmem>>, vector<1x16xf32>,
      %get3A_1285 = vector.shape_cast %get3A_1284 : vector<1x16xf32> to vector<16xf32>
      %swap3A_1286 = arith.index_cast %add3A_1264 : i32 to index
      %swap3A_1287 = arith.constant 16 : index
      %swap3A_1288 = tpu.vector_load %arg7[%swap3A_1286, %swap3A_1287] {strides = array<i32>} : memref<256x128xf32, #tpu.memory_space<vmem>>, vector<1x16xf32>,
      %swap3A_1289 = vector.shape_cast %swap3A_1288 : vector<1x16xf32> to vector<16xf32>
      %swap3A_1290 = vector.shape_cast %get3A_1285 : vector<16xf32> to vector<1x16xf32>
      tpu.vector_store %arg7[%swap3A_1286, %swap3A_1287], %swap3A_1290 {strides = array<i32>} : memref<256x128xf32, #tpu.memory_space<vmem>>, vector<1x16xf32>,
      %mul3A_1291 = arith.constant 2 : i32
      %mul3A_1292 = arith.muli %mul3A_1291, %add3A_1264 : i32
      %add3A_1293 = arith.constant 0 : i32
      %add3A_1294 = arith.addi %mul3A_1292, %add3A_1293 : i32
      %get3A_1295 = arith.index_cast %add3A_1294 : i32 to index
      %get3A_1296 = arith.constant 32 : index
      %get3A_1297 = tpu.vector_load %arg6[%get3A_1295, %get3A_1296] {strides = array<i32>} : memref<512x64xf32, #tpu.memory_space<vmem>>, vector<1x16xf32>,
      %get3A_1298 = vector.shape_cast %get3A_1297 : vector<1x16xf32> to vector<16xf32>
      %swap3A_1299 = arith.index_cast %add3A_1264 : i32 to index
      %swap3A_1300 = arith.constant 32 : index
      %swap3A_1301 = tpu.vector_load %arg7[%swap3A_1299, %swap3A_1300] {strides = array<i32>} : memref<256x128xf32, #tpu.memory_space<vmem>>, vector<1x16xf32>,
      %swap3A_1302 = vector.shape_cast %swap3A_1301 : vector<1x16xf32> to vector<16xf32>
      %swap3A_1303 = vector.shape_cast %get3A_1298 : vector<16xf32> to vector<1x16xf32>
      tpu.vector_store %arg7[%swap3A_1299, %swap3A_1300], %swap3A_1303 {strides = array<i32>} : memref<256x128xf32, #tpu.memory_space<vmem>>, vector<1x16xf32>,
      %mul3A_1304 = arith.constant 2 : i32
      %mul3A_1305 = arith.muli %mul3A_1304, %add3A_1264 : i32
      %add3A_1306 = arith.constant 0 : i32
      %add3A_1307 = arith.addi %mul3A_1305, %add3A_1306 : i32
      %get3A_1308 = arith.index_cast %add3A_1307 : i32 to index
      %get3A_1309 = arith.constant 48 : index
      %get3A_1310 = tpu.vector_load %arg6[%get3A_1308, %get3A_1309] {strides = array<i32>} : memref<512x64xf32, #tpu.memory_space<vmem>>, vector<1x16xf32>,
      %get3A_1311 = vector.shape_cast %get3A_1310 : vector<1x16xf32> to vector<16xf32>
      %swap3A_1312 = arith.index_cast %add3A_1264 : i32 to index
      %swap3A_1313 = arith.constant 48 : index
      %swap3A_1314 = tpu.vector_load %arg7[%swap3A_1312, %swap3A_1313] {strides = array<i32>} : memref<256x128xf32, #tpu.memory_space<vmem>>, vector<1x16xf32>,
      %swap3A_1315 = vector.shape_cast %swap3A_1314 : vector<1x16xf32> to vector<16xf32>
      %swap3A_1316 = vector.shape_cast %get3A_1311 : vector<16xf32> to vector<1x16xf32>
      tpu.vector_store %arg7[%swap3A_1312, %swap3A_1313], %swap3A_1316 {strides = array<i32>} : memref<256x128xf32, #tpu.memory_space<vmem>>, vector<1x16xf32>,
      %mul3A_1317 = arith.constant 2 : i32
      %mul3A_1318 = arith.muli %mul3A_1317, %add3A_1264 : i32
      %add3A_1319 = arith.constant 1 : i32
      %add3A_1320 = arith.addi %mul3A_1318, %add3A_1319 : i32
      %get3A_1321 = arith.index_cast %add3A_1320 : i32 to index
      %get3A_1322 = arith.constant 0 : index
      %get3A_1323 = tpu.vector_load %arg6[%get3A_1321, %get3A_1322] {strides = array<i32>} : memref<512x64xf32, #tpu.memory_space<vmem>>, vector<1x16xf32>,
      %get3A_1324 = vector.shape_cast %get3A_1323 : vector<1x16xf32> to vector<16xf32>
      %swap3A_1325 = arith.index_cast %add3A_1264 : i32 to index
      %swap3A_1326 = arith.constant 64 : index
      %swap3A_1327 = tpu.vector_load %arg7[%swap3A_1325, %swap3A_1326] {strides = array<i32>} : memref<256x128xf32, #tpu.memory_space<vmem>>, vector<1x16xf32>,
      %swap3A_1328 = vector.shape_cast %swap3A_1327 : vector<1x16xf32> to vector<16xf32>
      %swap3A_1329 = vector.shape_cast %get3A_1324 : vector<16xf32> to vector<1x16xf32>
      tpu.vector_store %arg7[%swap3A_1325, %swap3A_1326], %swap3A_1329 {strides = array<i32>} : memref<256x128xf32, #tpu.memory_space<vmem>>, vector<1x16xf32>,
      %mul3A_1330 = arith.constant 2 : i32
      %mul3A_1331 = arith.muli %mul3A_1330, %add3A_1264 : i32
      %add3A_1332 = arith.constant 1 : i32
      %add3A_1333 = arith.addi %mul3A_1331, %add3A_1332 : i32
      %get3A_1334 = arith.index_cast %add3A_1333 : i32 to index
      %get3A_1335 = arith.constant 16 : index
      %get3A_1336 = tpu.vector_load %arg6[%get3A_1334, %get3A_1335] {strides = array<i32>} : memref<512x64xf32, #tpu.memory_space<vmem>>, vector<1x16xf32>,
      %get3A_1337 = vector.shape_cast %get3A_1336 : vector<1x16xf32> to vector<16xf32>
      %swap3A_1338 = arith.index_cast %add3A_1264 : i32 to index
      %swap3A_1339 = arith.constant 80 : index
      %swap3A_1340 = tpu.vector_load %arg7[%swap3A_1338, %swap3A_1339] {strides = array<i32>} : memref<256x128xf32, #tpu.memory_space<vmem>>, vector<1x16xf32>,
      %swap3A_1341 = vector.shape_cast %swap3A_1340 : vector<1x16xf32> to vector<16xf32>
      %swap3A_1342 = vector.shape_cast %get3A_1337 : vector<16xf32> to vector<1x16xf32>
      tpu.vector_store %arg7[%swap3A_1338, %swap3A_1339], %swap3A_1342 {strides = array<i32>} : memref<256x128xf32, #tpu.memory_space<vmem>>, vector<1x16xf32>,
      %mul3A_1343 = arith.constant 2 : i32
      %mul3A_1344 = arith.muli %mul3A_1343, %add3A_1264 : i32
      %add3A_1345 = arith.constant 1 : i32
      %add3A_1346 = arith.addi %mul3A_1344, %add3A_1345 : i32
      %get3A_1347 = arith.index_cast %add3A_1346 : i32 to index
      %get3A_1348 = arith.constant 32 : index
      %get3A_1349 = tpu.vector_load %arg6[%get3A_1347, %get3A_1348] {strides = array<i32>} : memref<512x64xf32, #tpu.memory_space<vmem>>, vector<1x16xf32>,
      %get3A_1350 = vector.shape_cast %get3A_1349 : vector<1x16xf32> to vector<16xf32>
      %swap3A_1351 = arith.index_cast %add3A_1264 : i32 to index
      %swap3A_1352 = arith.constant 96 : index
      %swap3A_1353 = tpu.vector_load %arg7[%swap3A_1351, %swap3A_1352] {strides = array<i32>} : memref<256x128xf32, #tpu.memory_space<vmem>>, vector<1x16xf32>,
      %swap3A_1354 = vector.shape_cast %swap3A_1353 : vector<1x16xf32> to vector<16xf32>
      %swap3A_1355 = vector.shape_cast %get3A_1350 : vector<16xf32> to vector<1x16xf32>
      tpu.vector_store %arg7[%swap3A_1351, %swap3A_1352], %swap3A_1355 {strides = array<i32>} : memref<256x128xf32, #tpu.memory_space<vmem>>, vector<1x16xf32>,
      %mul3A_1356 = arith.constant 2 : i32
      %mul3A_1357 = arith.muli %mul3A_1356, %add3A_1264 : i32
      %add3A_1358 = arith.constant 1 : i32
      %add3A_1359 = arith.addi %mul3A_1357, %add3A_1358 : i32
      %get3A_1360 = arith.index_cast %add3A_1359 : i32 to index
      %get3A_1361 = arith.constant 48 : index
      %get3A_1362 = tpu.vector_load %arg6[%get3A_1360, %get3A_1361] {strides = array<i32>} : memref<512x64xf32, #tpu.memory_space<vmem>>, vector<1x16xf32>,
      %get3A_1363 = vector.shape_cast %get3A_1362 : vector<1x16xf32> to vector<16xf32>
      %swap3A_1364 = arith.index_cast %add3A_1264 : i32 to index
      %swap3A_1365 = arith.constant 112 : index
      %swap3A_1366 = tpu.vector_load %arg7[%swap3A_1364, %swap3A_1365] {strides = array<i32>} : memref<256x128xf32, #tpu.memory_space<vmem>>, vector<1x16xf32>,
      %swap3A_1367 = vector.shape_cast %swap3A_1366 : vector<1x16xf32> to vector<16xf32>
      %swap3A_1368 = vector.shape_cast %get3A_1363 : vector<16xf32> to vector<1x16xf32>
      tpu.vector_store %arg7[%swap3A_1364, %swap3A_1365], %swap3A_1368 {strides = array<i32>} : memref<256x128xf32, #tpu.memory_space<vmem>>, vector<1x16xf32>,
      %mul3A_1369 = arith.constant 16 : i32
      %mul3A_1370 = arith.muli %scan3A_74, %mul3A_1369 : i32
      %add3A_1371 = arith.constant 12 : i32
      %add3A_1372 = arith.addi %mul3A_1370, %add3A_1371 : i32
      %mul3A_1373 = arith.constant 2 : i32
      %mul3A_1374 = arith.muli %mul3A_1373, %add3A_1372 : i32
      %add3A_1375 = arith.constant 0 : i32
      %add3A_1376 = arith.addi %mul3A_1374, %add3A_1375 : i32
      %get3A_1377 = arith.index_cast %add3A_1376 : i32 to index
      %get3A_1378 = arith.constant 0 : index
      %get3A_1379 = tpu.vector_load %arg6[%get3A_1377, %get3A_1378] {strides = array<i32>} : memref<512x64xf32, #tpu.memory_space<vmem>>, vector<1x16xf32>,
      %get3A_1380 = vector.shape_cast %get3A_1379 : vector<1x16xf32> to vector<16xf32>
      %swap3A_1381 = arith.index_cast %add3A_1372 : i32 to index
      %swap3A_1382 = arith.constant 0 : index
      %swap3A_1383 = tpu.vector_load %arg7[%swap3A_1381, %swap3A_1382] {strides = array<i32>} : memref<256x128xf32, #tpu.memory_space<vmem>>, vector<1x16xf32>,
      %swap3A_1384 = vector.shape_cast %swap3A_1383 : vector<1x16xf32> to vector<16xf32>
      %swap3A_1385 = vector.shape_cast %get3A_1380 : vector<16xf32> to vector<1x16xf32>
      tpu.vector_store %arg7[%swap3A_1381, %swap3A_1382], %swap3A_1385 {strides = array<i32>} : memref<256x128xf32, #tpu.memory_space<vmem>>, vector<1x16xf32>,
      %mul3A_1386 = arith.constant 2 : i32
      %mul3A_1387 = arith.muli %mul3A_1386, %add3A_1372 : i32
      %add3A_1388 = arith.constant 0 : i32
      %add3A_1389 = arith.addi %mul3A_1387, %add3A_1388 : i32
      %get3A_1390 = arith.index_cast %add3A_1389 : i32 to index
      %get3A_1391 = arith.constant 16 : index
      %get3A_1392 = tpu.vector_load %arg6[%get3A_1390, %get3A_1391] {strides = array<i32>} : memref<512x64xf32, #tpu.memory_space<vmem>>, vector<1x16xf32>,
      %get3A_1393 = vector.shape_cast %get3A_1392 : vector<1x16xf32> to vector<16xf32>
      %swap3A_1394 = arith.index_cast %add3A_1372 : i32 to index
      %swap3A_1395 = arith.constant 16 : index
      %swap3A_1396 = tpu.vector_load %arg7[%swap3A_1394, %swap3A_1395] {strides = array<i32>} : memref<256x128xf32, #tpu.memory_space<vmem>>, vector<1x16xf32>,
      %swap3A_1397 = vector.shape_cast %swap3A_1396 : vector<1x16xf32> to vector<16xf32>
      %swap3A_1398 = vector.shape_cast %get3A_1393 : vector<16xf32> to vector<1x16xf32>
      tpu.vector_store %arg7[%swap3A_1394, %swap3A_1395], %swap3A_1398 {strides = array<i32>} : memref<256x128xf32, #tpu.memory_space<vmem>>, vector<1x16xf32>,
      %mul3A_1399 = arith.constant 2 : i32
      %mul3A_1400 = arith.muli %mul3A_1399, %add3A_1372 : i32
      %add3A_1401 = arith.constant 0 : i32
      %add3A_1402 = arith.addi %mul3A_1400, %add3A_1401 : i32
      %get3A_1403 = arith.index_cast %add3A_1402 : i32 to index
      %get3A_1404 = arith.constant 32 : index
      %get3A_1405 = tpu.vector_load %arg6[%get3A_1403, %get3A_1404] {strides = array<i32>} : memref<512x64xf32, #tpu.memory_space<vmem>>, vector<1x16xf32>,
      %get3A_1406 = vector.shape_cast %get3A_1405 : vector<1x16xf32> to vector<16xf32>
      %swap3A_1407 = arith.index_cast %add3A_1372 : i32 to index
      %swap3A_1408 = arith.constant 32 : index
      %swap3A_1409 = tpu.vector_load %arg7[%swap3A_1407, %swap3A_1408] {strides = array<i32>} : memref<256x128xf32, #tpu.memory_space<vmem>>, vector<1x16xf32>,
      %swap3A_1410 = vector.shape_cast %swap3A_1409 : vector<1x16xf32> to vector<16xf32>
      %swap3A_1411 = vector.shape_cast %get3A_1406 : vector<16xf32> to vector<1x16xf32>
      tpu.vector_store %arg7[%swap3A_1407, %swap3A_1408], %swap3A_1411 {strides = array<i32>} : memref<256x128xf32, #tpu.memory_space<vmem>>, vector<1x16xf32>,
      %mul3A_1412 = arith.constant 2 : i32
      %mul3A_1413 = arith.muli %mul3A_1412, %add3A_1372 : i32
      %add3A_1414 = arith.constant 0 : i32
      %add3A_1415 = arith.addi %mul3A_1413, %add3A_1414 : i32
      %get3A_1416 = arith.index_cast %add3A_1415 : i32 to index
      %get3A_1417 = arith.constant 48 : index
      %get3A_1418 = tpu.vector_load %arg6[%get3A_1416, %get3A_1417] {strides = array<i32>} : memref<512x64xf32, #tpu.memory_space<vmem>>, vector<1x16xf32>,
      %get3A_1419 = vector.shape_cast %get3A_1418 : vector<1x16xf32> to vector<16xf32>
      %swap3A_1420 = arith.index_cast %add3A_1372 : i32 to index
      %swap3A_1421 = arith.constant 48 : index
      %swap3A_1422 = tpu.vector_load %arg7[%swap3A_1420, %swap3A_1421] {strides = array<i32>} : memref<256x128xf32, #tpu.memory_space<vmem>>, vector<1x16xf32>,
      %swap3A_1423 = vector.shape_cast %swap3A_1422 : vector<1x16xf32> to vector<16xf32>
      %swap3A_1424 = vector.shape_cast %get3A_1419 : vector<16xf32> to vector<1x16xf32>
      tpu.vector_store %arg7[%swap3A_1420, %swap3A_1421], %swap3A_1424 {strides = array<i32>} : memref<256x128xf32, #tpu.memory_space<vmem>>, vector<1x16xf32>,
      %mul3A_1425 = arith.constant 2 : i32
      %mul3A_1426 = arith.muli %mul3A_1425, %add3A_1372 : i32
      %add3A_1427 = arith.constant 1 : i32
      %add3A_1428 = arith.addi %mul3A_1426, %add3A_1427 : i32
      %get3A_1429 = arith.index_cast %add3A_1428 : i32 to index
      %get3A_1430 = arith.constant 0 : index
      %get3A_1431 = tpu.vector_load %arg6[%get3A_1429, %get3A_1430] {strides = array<i32>} : memref<512x64xf32, #tpu.memory_space<vmem>>, vector<1x16xf32>,
      %get3A_1432 = vector.shape_cast %get3A_1431 : vector<1x16xf32> to vector<16xf32>
      %swap3A_1433 = arith.index_cast %add3A_1372 : i32 to index
      %swap3A_1434 = arith.constant 64 : index
      %swap3A_1435 = tpu.vector_load %arg7[%swap3A_1433, %swap3A_1434] {strides = array<i32>} : memref<256x128xf32, #tpu.memory_space<vmem>>, vector<1x16xf32>,
      %swap3A_1436 = vector.shape_cast %swap3A_1435 : vector<1x16xf32> to vector<16xf32>
      %swap3A_1437 = vector.shape_cast %get3A_1432 : vector<16xf32> to vector<1x16xf32>
      tpu.vector_store %arg7[%swap3A_1433, %swap3A_1434], %swap3A_1437 {strides = array<i32>} : memref<256x128xf32, #tpu.memory_space<vmem>>, vector<1x16xf32>,
      %mul3A_1438 = arith.constant 2 : i32
      %mul3A_1439 = arith.muli %mul3A_1438, %add3A_1372 : i32
      %add3A_1440 = arith.constant 1 : i32
      %add3A_1441 = arith.addi %mul3A_1439, %add3A_1440 : i32
      %get3A_1442 = arith.index_cast %add3A_1441 : i32 to index
      %get3A_1443 = arith.constant 16 : index
      %get3A_1444 = tpu.vector_load %arg6[%get3A_1442, %get3A_1443] {strides = array<i32>} : memref<512x64xf32, #tpu.memory_space<vmem>>, vector<1x16xf32>,
      %get3A_1445 = vector.shape_cast %get3A_1444 : vector<1x16xf32> to vector<16xf32>
      %swap3A_1446 = arith.index_cast %add3A_1372 : i32 to index
      %swap3A_1447 = arith.constant 80 : index
      %swap3A_1448 = tpu.vector_load %arg7[%swap3A_1446, %swap3A_1447] {strides = array<i32>} : memref<256x128xf32, #tpu.memory_space<vmem>>, vector<1x16xf32>,
      %swap3A_1449 = vector.shape_cast %swap3A_1448 : vector<1x16xf32> to vector<16xf32>
      %swap3A_1450 = vector.shape_cast %get3A_1445 : vector<16xf32> to vector<1x16xf32>
      tpu.vector_store %arg7[%swap3A_1446, %swap3A_1447], %swap3A_1450 {strides = array<i32>} : memref<256x128xf32, #tpu.memory_space<vmem>>, vector<1x16xf32>,
      %mul3A_1451 = arith.constant 2 : i32
      %mul3A_1452 = arith.muli %mul3A_1451, %add3A_1372 : i32
      %add3A_1453 = arith.constant 1 : i32
      %add3A_1454 = arith.addi %mul3A_1452, %add3A_1453 : i32
      %get3A_1455 = arith.index_cast %add3A_1454 : i32 to index
      %get3A_1456 = arith.constant 32 : index
      %get3A_1457 = tpu.vector_load %arg6[%get3A_1455, %get3A_1456] {strides = array<i32>} : memref<512x64xf32, #tpu.memory_space<vmem>>, vector<1x16xf32>,
      %get3A_1458 = vector.shape_cast %get3A_1457 : vector<1x16xf32> to vector<16xf32>
      %swap3A_1459 = arith.index_cast %add3A_1372 : i32 to index
      %swap3A_1460 = arith.constant 96 : index
      %swap3A_1461 = tpu.vector_load %arg7[%swap3A_1459, %swap3A_1460] {strides = array<i32>} : memref<256x128xf32, #tpu.memory_space<vmem>>, vector<1x16xf32>,
      %swap3A_1462 = vector.shape_cast %swap3A_1461 : vector<1x16xf32> to vector<16xf32>
      %swap3A_1463 = vector.shape_cast %get3A_1458 : vector<16xf32> to vector<1x16xf32>
      tpu.vector_store %arg7[%swap3A_1459, %swap3A_1460], %swap3A_1463 {strides = array<i32>} : memref<256x128xf32, #tpu.memory_space<vmem>>, vector<1x16xf32>,
      %mul3A_1464 = arith.constant 2 : i32
      %mul3A_1465 = arith.muli %mul3A_1464, %add3A_1372 : i32
      %add3A_1466 = arith.constant 1 : i32
      %add3A_1467 = arith.addi %mul3A_1465, %add3A_1466 : i32
      %get3A_1468 = arith.index_cast %add3A_1467 : i32 to index
      %get3A_1469 = arith.constant 48 : index
      %get3A_1470 = tpu.vector_load %arg6[%get3A_1468, %get3A_1469] {strides = array<i32>} : memref<512x64xf32, #tpu.memory_space<vmem>>, vector<1x16xf32>,
      %get3A_1471 = vector.shape_cast %get3A_1470 : vector<1x16xf32> to vector<16xf32>
      %swap3A_1472 = arith.index_cast %add3A_1372 : i32 to index
      %swap3A_1473 = arith.constant 112 : index
      %swap3A_1474 = tpu.vector_load %arg7[%swap3A_1472, %swap3A_1473] {strides = array<i32>} : memref<256x128xf32, #tpu.memory_space<vmem>>, vector<1x16xf32>,
      %swap3A_1475 = vector.shape_cast %swap3A_1474 : vector<1x16xf32> to vector<16xf32>
      %swap3A_1476 = vector.shape_cast %get3A_1471 : vector<16xf32> to vector<1x16xf32>
      tpu.vector_store %arg7[%swap3A_1472, %swap3A_1473], %swap3A_1476 {strides = array<i32>} : memref<256x128xf32, #tpu.memory_space<vmem>>, vector<1x16xf32>,
      %mul3A_1477 = arith.constant 16 : i32
      %mul3A_1478 = arith.muli %scan3A_74, %mul3A_1477 : i32
      %add3A_1479 = arith.constant 13 : i32
      %add3A_1480 = arith.addi %mul3A_1478, %add3A_1479 : i32
      %mul3A_1481 = arith.constant 2 : i32
      %mul3A_1482 = arith.muli %mul3A_1481, %add3A_1480 : i32
      %add3A_1483 = arith.constant 0 : i32
      %add3A_1484 = arith.addi %mul3A_1482, %add3A_1483 : i32
      %get3A_1485 = arith.index_cast %add3A_1484 : i32 to index
      %get3A_1486 = arith.constant 0 : index
      %get3A_1487 = tpu.vector_load %arg6[%get3A_1485, %get3A_1486] {strides = array<i32>} : memref<512x64xf32, #tpu.memory_space<vmem>>, vector<1x16xf32>,
      %get3A_1488 = vector.shape_cast %get3A_1487 : vector<1x16xf32> to vector<16xf32>
      %swap3A_1489 = arith.index_cast %add3A_1480 : i32 to index
      %swap3A_1490 = arith.constant 0 : index
      %swap3A_1491 = tpu.vector_load %arg7[%swap3A_1489, %swap3A_1490] {strides = array<i32>} : memref<256x128xf32, #tpu.memory_space<vmem>>, vector<1x16xf32>,
      %swap3A_1492 = vector.shape_cast %swap3A_1491 : vector<1x16xf32> to vector<16xf32>
      %swap3A_1493 = vector.shape_cast %get3A_1488 : vector<16xf32> to vector<1x16xf32>
      tpu.vector_store %arg7[%swap3A_1489, %swap3A_1490], %swap3A_1493 {strides = array<i32>} : memref<256x128xf32, #tpu.memory_space<vmem>>, vector<1x16xf32>,
      %mul3A_1494 = arith.constant 2 : i32
      %mul3A_1495 = arith.muli %mul3A_1494, %add3A_1480 : i32
      %add3A_1496 = arith.constant 0 : i32
      %add3A_1497 = arith.addi %mul3A_1495, %add3A_1496 : i32
      %get3A_1498 = arith.index_cast %add3A_1497 : i32 to index
      %get3A_1499 = arith.constant 16 : index
      %get3A_1500 = tpu.vector_load %arg6[%get3A_1498, %get3A_1499] {strides = array<i32>} : memref<512x64xf32, #tpu.memory_space<vmem>>, vector<1x16xf32>,
      %get3A_1501 = vector.shape_cast %get3A_1500 : vector<1x16xf32> to vector<16xf32>
      %swap3A_1502 = arith.index_cast %add3A_1480 : i32 to index
      %swap3A_1503 = arith.constant 16 : index
      %swap3A_1504 = tpu.vector_load %arg7[%swap3A_1502, %swap3A_1503] {strides = array<i32>} : memref<256x128xf32, #tpu.memory_space<vmem>>, vector<1x16xf32>,
      %swap3A_1505 = vector.shape_cast %swap3A_1504 : vector<1x16xf32> to vector<16xf32>
      %swap3A_1506 = vector.shape_cast %get3A_1501 : vector<16xf32> to vector<1x16xf32>
      tpu.vector_store %arg7[%swap3A_1502, %swap3A_1503], %swap3A_1506 {strides = array<i32>} : memref<256x128xf32, #tpu.memory_space<vmem>>, vector<1x16xf32>,
      %mul3A_1507 = arith.constant 2 : i32
      %mul3A_1508 = arith.muli %mul3A_1507, %add3A_1480 : i32
      %add3A_1509 = arith.constant 0 : i32
      %add3A_1510 = arith.addi %mul3A_1508, %add3A_1509 : i32
      %get3A_1511 = arith.index_cast %add3A_1510 : i32 to index
      %get3A_1512 = arith.constant 32 : index
      %get3A_1513 = tpu.vector_load %arg6[%get3A_1511, %get3A_1512] {strides = array<i32>} : memref<512x64xf32, #tpu.memory_space<vmem>>, vector<1x16xf32>,
      %get3A_1514 = vector.shape_cast %get3A_1513 : vector<1x16xf32> to vector<16xf32>
      %swap3A_1515 = arith.index_cast %add3A_1480 : i32 to index
      %swap3A_1516 = arith.constant 32 : index
      %swap3A_1517 = tpu.vector_load %arg7[%swap3A_1515, %swap3A_1516] {strides = array<i32>} : memref<256x128xf32, #tpu.memory_space<vmem>>, vector<1x16xf32>,
      %swap3A_1518 = vector.shape_cast %swap3A_1517 : vector<1x16xf32> to vector<16xf32>
      %swap3A_1519 = vector.shape_cast %get3A_1514 : vector<16xf32> to vector<1x16xf32>
      tpu.vector_store %arg7[%swap3A_1515, %swap3A_1516], %swap3A_1519 {strides = array<i32>} : memref<256x128xf32, #tpu.memory_space<vmem>>, vector<1x16xf32>,
      %mul3A_1520 = arith.constant 2 : i32
      %mul3A_1521 = arith.muli %mul3A_1520, %add3A_1480 : i32
      %add3A_1522 = arith.constant 0 : i32
      %add3A_1523 = arith.addi %mul3A_1521, %add3A_1522 : i32
      %get3A_1524 = arith.index_cast %add3A_1523 : i32 to index
      %get3A_1525 = arith.constant 48 : index
      %get3A_1526 = tpu.vector_load %arg6[%get3A_1524, %get3A_1525] {strides = array<i32>} : memref<512x64xf32, #tpu.memory_space<vmem>>, vector<1x16xf32>,
      %get3A_1527 = vector.shape_cast %get3A_1526 : vector<1x16xf32> to vector<16xf32>
      %swap3A_1528 = arith.index_cast %add3A_1480 : i32 to index
      %swap3A_1529 = arith.constant 48 : index
      %swap3A_1530 = tpu.vector_load %arg7[%swap3A_1528, %swap3A_1529] {strides = array<i32>} : memref<256x128xf32, #tpu.memory_space<vmem>>, vector<1x16xf32>,
      %swap3A_1531 = vector.shape_cast %swap3A_1530 : vector<1x16xf32> to vector<16xf32>
      %swap3A_1532 = vector.shape_cast %get3A_1527 : vector<16xf32> to vector<1x16xf32>
      tpu.vector_store %arg7[%swap3A_1528, %swap3A_1529], %swap3A_1532 {strides = array<i32>} : memref<256x128xf32, #tpu.memory_space<vmem>>, vector<1x16xf32>,
      %mul3A_1533 = arith.constant 2 : i32
      %mul3A_1534 = arith.muli %mul3A_1533, %add3A_1480 : i32
      %add3A_1535 = arith.constant 1 : i32
      %add3A_1536 = arith.addi %mul3A_1534, %add3A_1535 : i32
      %get3A_1537 = arith.index_cast %add3A_1536 : i32 to index
      %get3A_1538 = arith.constant 0 : index
      %get3A_1539 = tpu.vector_load %arg6[%get3A_1537, %get3A_1538] {strides = array<i32>} : memref<512x64xf32, #tpu.memory_space<vmem>>, vector<1x16xf32>,
      %get3A_1540 = vector.shape_cast %get3A_1539 : vector<1x16xf32> to vector<16xf32>
      %swap3A_1541 = arith.index_cast %add3A_1480 : i32 to index
      %swap3A_1542 = arith.constant 64 : index
      %swap3A_1543 = tpu.vector_load %arg7[%swap3A_1541, %swap3A_1542] {strides = array<i32>} : memref<256x128xf32, #tpu.memory_space<vmem>>, vector<1x16xf32>,
      %swap3A_1544 = vector.shape_cast %swap3A_1543 : vector<1x16xf32> to vector<16xf32>
      %swap3A_1545 = vector.shape_cast %get3A_1540 : vector<16xf32> to vector<1x16xf32>
      tpu.vector_store %arg7[%swap3A_1541, %swap3A_1542], %swap3A_1545 {strides = array<i32>} : memref<256x128xf32, #tpu.memory_space<vmem>>, vector<1x16xf32>,
      %mul3A_1546 = arith.constant 2 : i32
      %mul3A_1547 = arith.muli %mul3A_1546, %add3A_1480 : i32
      %add3A_1548 = arith.constant 1 : i32
      %add3A_1549 = arith.addi %mul3A_1547, %add3A_1548 : i32
      %get3A_1550 = arith.index_cast %add3A_1549 : i32 to index
      %get3A_1551 = arith.constant 16 : index
      %get3A_1552 = tpu.vector_load %arg6[%get3A_1550, %get3A_1551] {strides = array<i32>} : memref<512x64xf32, #tpu.memory_space<vmem>>, vector<1x16xf32>,
      %get3A_1553 = vector.shape_cast %get3A_1552 : vector<1x16xf32> to vector<16xf32>
      %swap3A_1554 = arith.index_cast %add3A_1480 : i32 to index
      %swap3A_1555 = arith.constant 80 : index
      %swap3A_1556 = tpu.vector_load %arg7[%swap3A_1554, %swap3A_1555] {strides = array<i32>} : memref<256x128xf32, #tpu.memory_space<vmem>>, vector<1x16xf32>,
      %swap3A_1557 = vector.shape_cast %swap3A_1556 : vector<1x16xf32> to vector<16xf32>
      %swap3A_1558 = vector.shape_cast %get3A_1553 : vector<16xf32> to vector<1x16xf32>
      tpu.vector_store %arg7[%swap3A_1554, %swap3A_1555], %swap3A_1558 {strides = array<i32>} : memref<256x128xf32, #tpu.memory_space<vmem>>, vector<1x16xf32>,
      %mul3A_1559 = arith.constant 2 : i32
      %mul3A_1560 = arith.muli %mul3A_1559, %add3A_1480 : i32
      %add3A_1561 = arith.constant 1 : i32
      %add3A_1562 = arith.addi %mul3A_1560, %add3A_1561 : i32
      %get3A_1563 = arith.index_cast %add3A_1562 : i32 to index
      %get3A_1564 = arith.constant 32 : index
      %get3A_1565 = tpu.vector_load %arg6[%get3A_1563, %get3A_1564] {strides = array<i32>} : memref<512x64xf32, #tpu.memory_space<vmem>>, vector<1x16xf32>,
      %get3A_1566 = vector.shape_cast %get3A_1565 : vector<1x16xf32> to vector<16xf32>
      %swap3A_1567 = arith.index_cast %add3A_1480 : i32 to index
      %swap3A_1568 = arith.constant 96 : index
      %swap3A_1569 = tpu.vector_load %arg7[%swap3A_1567, %swap3A_1568] {strides = array<i32>} : memref<256x128xf32, #tpu.memory_space<vmem>>, vector<1x16xf32>,
      %swap3A_1570 = vector.shape_cast %swap3A_1569 : vector<1x16xf32> to vector<16xf32>
      %swap3A_1571 = vector.shape_cast %get3A_1566 : vector<16xf32> to vector<1x16xf32>
      tpu.vector_store %arg7[%swap3A_1567, %swap3A_1568], %swap3A_1571 {strides = array<i32>} : memref<256x128xf32, #tpu.memory_space<vmem>>, vector<1x16xf32>,
      %mul3A_1572 = arith.constant 2 : i32
      %mul3A_1573 = arith.muli %mul3A_1572, %add3A_1480 : i32
      %add3A_1574 = arith.constant 1 : i32
      %add3A_1575 = arith.addi %mul3A_1573, %add3A_1574 : i32
      %get3A_1576 = arith.index_cast %add3A_1575 : i32 to index
      %get3A_1577 = arith.constant 48 : index
      %get3A_1578 = tpu.vector_load %arg6[%get3A_1576, %get3A_1577] {strides = array<i32>} : memref<512x64xf32, #tpu.memory_space<vmem>>, vector<1x16xf32>,
      %get3A_1579 = vector.shape_cast %get3A_1578 : vector<1x16xf32> to vector<16xf32>
      %swap3A_1580 = arith.index_cast %add3A_1480 : i32 to index
      %swap3A_1581 = arith.constant 112 : index
      %swap3A_1582 = tpu.vector_load %arg7[%swap3A_1580, %swap3A_1581] {strides = array<i32>} : memref<256x128xf32, #tpu.memory_space<vmem>>, vector<1x16xf32>,
      %swap3A_1583 = vector.shape_cast %swap3A_1582 : vector<1x16xf32> to vector<16xf32>
      %swap3A_1584 = vector.shape_cast %get3A_1579 : vector<16xf32> to vector<1x16xf32>
      tpu.vector_store %arg7[%swap3A_1580, %swap3A_1581], %swap3A_1584 {strides = array<i32>} : memref<256x128xf32, #tpu.memory_space<vmem>>, vector<1x16xf32>,
      %mul3A_1585 = arith.constant 16 : i32
      %mul3A_1586 = arith.muli %scan3A_74, %mul3A_1585 : i32
      %add3A_1587 = arith.constant 14 : i32
      %add3A_1588 = arith.addi %mul3A_1586, %add3A_1587 : i32
      %mul3A_1589 = arith.constant 2 : i32
      %mul3A_1590 = arith.muli %mul3A_1589, %add3A_1588 : i32
      %add3A_1591 = arith.constant 0 : i32
      %add3A_1592 = arith.addi %mul3A_1590, %add3A_1591 : i32
      %get3A_1593 = arith.index_cast %add3A_1592 : i32 to index
      %get3A_1594 = arith.constant 0 : index
      %get3A_1595 = tpu.vector_load %arg6[%get3A_1593, %get3A_1594] {strides = array<i32>} : memref<512x64xf32, #tpu.memory_space<vmem>>, vector<1x16xf32>,
      %get3A_1596 = vector.shape_cast %get3A_1595 : vector<1x16xf32> to vector<16xf32>
      %swap3A_1597 = arith.index_cast %add3A_1588 : i32 to index
      %swap3A_1598 = arith.constant 0 : index
      %swap3A_1599 = tpu.vector_load %arg7[%swap3A_1597, %swap3A_1598] {strides = array<i32>} : memref<256x128xf32, #tpu.memory_space<vmem>>, vector<1x16xf32>,
      %swap3A_1600 = vector.shape_cast %swap3A_1599 : vector<1x16xf32> to vector<16xf32>
      %swap3A_1601 = vector.shape_cast %get3A_1596 : vector<16xf32> to vector<1x16xf32>
      tpu.vector_store %arg7[%swap3A_1597, %swap3A_1598], %swap3A_1601 {strides = array<i32>} : memref<256x128xf32, #tpu.memory_space<vmem>>, vector<1x16xf32>,
      %mul3A_1602 = arith.constant 2 : i32
      %mul3A_1603 = arith.muli %mul3A_1602, %add3A_1588 : i32
      %add3A_1604 = arith.constant 0 : i32
      %add3A_1605 = arith.addi %mul3A_1603, %add3A_1604 : i32
      %get3A_1606 = arith.index_cast %add3A_1605 : i32 to index
      %get3A_1607 = arith.constant 16 : index
      %get3A_1608 = tpu.vector_load %arg6[%get3A_1606, %get3A_1607] {strides = array<i32>} : memref<512x64xf32, #tpu.memory_space<vmem>>, vector<1x16xf32>,
      %get3A_1609 = vector.shape_cast %get3A_1608 : vector<1x16xf32> to vector<16xf32>
      %swap3A_1610 = arith.index_cast %add3A_1588 : i32 to index
      %swap3A_1611 = arith.constant 16 : index
      %swap3A_1612 = tpu.vector_load %arg7[%swap3A_1610, %swap3A_1611] {strides = array<i32>} : memref<256x128xf32, #tpu.memory_space<vmem>>, vector<1x16xf32>,
      %swap3A_1613 = vector.shape_cast %swap3A_1612 : vector<1x16xf32> to vector<16xf32>
      %swap3A_1614 = vector.shape_cast %get3A_1609 : vector<16xf32> to vector<1x16xf32>
      tpu.vector_store %arg7[%swap3A_1610, %swap3A_1611], %swap3A_1614 {strides = array<i32>} : memref<256x128xf32, #tpu.memory_space<vmem>>, vector<1x16xf32>,
      %mul3A_1615 = arith.constant 2 : i32
      %mul3A_1616 = arith.muli %mul3A_1615, %add3A_1588 : i32
      %add3A_1617 = arith.constant 0 : i32
      %add3A_1618 = arith.addi %mul3A_1616, %add3A_1617 : i32
      %get3A_1619 = arith.index_cast %add3A_1618 : i32 to index
      %get3A_1620 = arith.constant 32 : index
      %get3A_1621 = tpu.vector_load %arg6[%get3A_1619, %get3A_1620] {strides = array<i32>} : memref<512x64xf32, #tpu.memory_space<vmem>>, vector<1x16xf32>,
      %get3A_1622 = vector.shape_cast %get3A_1621 : vector<1x16xf32> to vector<16xf32>
      %swap3A_1623 = arith.index_cast %add3A_1588 : i32 to index
      %swap3A_1624 = arith.constant 32 : index
      %swap3A_1625 = tpu.vector_load %arg7[%swap3A_1623, %swap3A_1624] {strides = array<i32>} : memref<256x128xf32, #tpu.memory_space<vmem>>, vector<1x16xf32>,
      %swap3A_1626 = vector.shape_cast %swap3A_1625 : vector<1x16xf32> to vector<16xf32>
      %swap3A_1627 = vector.shape_cast %get3A_1622 : vector<16xf32> to vector<1x16xf32>
      tpu.vector_store %arg7[%swap3A_1623, %swap3A_1624], %swap3A_1627 {strides = array<i32>} : memref<256x128xf32, #tpu.memory_space<vmem>>, vector<1x16xf32>,
      %mul3A_1628 = arith.constant 2 : i32
      %mul3A_1629 = arith.muli %mul3A_1628, %add3A_1588 : i32
      %add3A_1630 = arith.constant 0 : i32
      %add3A_1631 = arith.addi %mul3A_1629, %add3A_1630 : i32
      %get3A_1632 = arith.index_cast %add3A_1631 : i32 to index
      %get3A_1633 = arith.constant 48 : index
      %get3A_1634 = tpu.vector_load %arg6[%get3A_1632, %get3A_1633] {strides = array<i32>} : memref<512x64xf32, #tpu.memory_space<vmem>>, vector<1x16xf32>,
      %get3A_1635 = vector.shape_cast %get3A_1634 : vector<1x16xf32> to vector<16xf32>
      %swap3A_1636 = arith.index_cast %add3A_1588 : i32 to index
      %swap3A_1637 = arith.constant 48 : index
      %swap3A_1638 = tpu.vector_load %arg7[%swap3A_1636, %swap3A_1637] {strides = array<i32>} : memref<256x128xf32, #tpu.memory_space<vmem>>, vector<1x16xf32>,
      %swap3A_1639 = vector.shape_cast %swap3A_1638 : vector<1x16xf32> to vector<16xf32>
      %swap3A_1640 = vector.shape_cast %get3A_1635 : vector<16xf32> to vector<1x16xf32>
      tpu.vector_store %arg7[%swap3A_1636, %swap3A_1637], %swap3A_1640 {strides = array<i32>} : memref<256x128xf32, #tpu.memory_space<vmem>>, vector<1x16xf32>,
      %mul3A_1641 = arith.constant 2 : i32
      %mul3A_1642 = arith.muli %mul3A_1641, %add3A_1588 : i32
      %add3A_1643 = arith.constant 1 : i32
      %add3A_1644 = arith.addi %mul3A_1642, %add3A_1643 : i32
      %get3A_1645 = arith.index_cast %add3A_1644 : i32 to index
      %get3A_1646 = arith.constant 0 : index
      %get3A_1647 = tpu.vector_load %arg6[%get3A_1645, %get3A_1646] {strides = array<i32>} : memref<512x64xf32, #tpu.memory_space<vmem>>, vector<1x16xf32>,
      %get3A_1648 = vector.shape_cast %get3A_1647 : vector<1x16xf32> to vector<16xf32>
      %swap3A_1649 = arith.index_cast %add3A_1588 : i32 to index
      %swap3A_1650 = arith.constant 64 : index
      %swap3A_1651 = tpu.vector_load %arg7[%swap3A_1649, %swap3A_1650] {strides = array<i32>} : memref<256x128xf32, #tpu.memory_space<vmem>>, vector<1x16xf32>,
      %swap3A_1652 = vector.shape_cast %swap3A_1651 : vector<1x16xf32> to vector<16xf32>
      %swap3A_1653 = vector.shape_cast %get3A_1648 : vector<16xf32> to vector<1x16xf32>
      tpu.vector_store %arg7[%swap3A_1649, %swap3A_1650], %swap3A_1653 {strides = array<i32>} : memref<256x128xf32, #tpu.memory_space<vmem>>, vector<1x16xf32>,
      %mul3A_1654 = arith.constant 2 : i32
      %mul3A_1655 = arith.muli %mul3A_1654, %add3A_1588 : i32
      %add3A_1656 = arith.constant 1 : i32
      %add3A_1657 = arith.addi %mul3A_1655, %add3A_1656 : i32
      %get3A_1658 = arith.index_cast %add3A_1657 : i32 to index
      %get3A_1659 = arith.constant 16 : index
      %get3A_1660 = tpu.vector_load %arg6[%get3A_1658, %get3A_1659] {strides = array<i32>} : memref<512x64xf32, #tpu.memory_space<vmem>>, vector<1x16xf32>,
      %get3A_1661 = vector.shape_cast %get3A_1660 : vector<1x16xf32> to vector<16xf32>
      %swap3A_1662 = arith.index_cast %add3A_1588 : i32 to index
      %swap3A_1663 = arith.constant 80 : index
      %swap3A_1664 = tpu.vector_load %arg7[%swap3A_1662, %swap3A_1663] {strides = array<i32>} : memref<256x128xf32, #tpu.memory_space<vmem>>, vector<1x16xf32>,
      %swap3A_1665 = vector.shape_cast %swap3A_1664 : vector<1x16xf32> to vector<16xf32>
      %swap3A_1666 = vector.shape_cast %get3A_1661 : vector<16xf32> to vector<1x16xf32>
      tpu.vector_store %arg7[%swap3A_1662, %swap3A_1663], %swap3A_1666 {strides = array<i32>} : memref<256x128xf32, #tpu.memory_space<vmem>>, vector<1x16xf32>,
      %mul3A_1667 = arith.constant 2 : i32
      %mul3A_1668 = arith.muli %mul3A_1667, %add3A_1588 : i32
      %add3A_1669 = arith.constant 1 : i32
      %add3A_1670 = arith.addi %mul3A_1668, %add3A_1669 : i32
      %get3A_1671 = arith.index_cast %add3A_1670 : i32 to index
      %get3A_1672 = arith.constant 32 : index
      %get3A_1673 = tpu.vector_load %arg6[%get3A_1671, %get3A_1672] {strides = array<i32>} : memref<512x64xf32, #tpu.memory_space<vmem>>, vector<1x16xf32>,
      %get3A_1674 = vector.shape_cast %get3A_1673 : vector<1x16xf32> to vector<16xf32>
      %swap3A_1675 = arith.index_cast %add3A_1588 : i32 to index
      %swap3A_1676 = arith.constant 96 : index
      %swap3A_1677 = tpu.vector_load %arg7[%swap3A_1675, %swap3A_1676] {strides = array<i32>} : memref<256x128xf32, #tpu.memory_space<vmem>>, vector<1x16xf32>,
      %swap3A_1678 = vector.shape_cast %swap3A_1677 : vector<1x16xf32> to vector<16xf32>
      %swap3A_1679 = vector.shape_cast %get3A_1674 : vector<16xf32> to vector<1x16xf32>
      tpu.vector_store %arg7[%swap3A_1675, %swap3A_1676], %swap3A_1679 {strides = array<i32>} : memref<256x128xf32, #tpu.memory_space<vmem>>, vector<1x16xf32>,
      %mul3A_1680 = arith.constant 2 : i32
      %mul3A_1681 = arith.muli %mul3A_1680, %add3A_1588 : i32
      %add3A_1682 = arith.constant 1 : i32
      %add3A_1683 = arith.addi %mul3A_1681, %add3A_1682 : i32
      %get3A_1684 = arith.index_cast %add3A_1683 : i32 to index
      %get3A_1685 = arith.constant 48 : index
      %get3A_1686 = tpu.vector_load %arg6[%get3A_1684, %get3A_1685] {strides = array<i32>} : memref<512x64xf32, #tpu.memory_space<vmem>>, vector<1x16xf32>,
      %get3A_1687 = vector.shape_cast %get3A_1686 : vector<1x16xf32> to vector<16xf32>
      %swap3A_1688 = arith.index_cast %add3A_1588 : i32 to index
      %swap3A_1689 = arith.constant 112 : index
      %swap3A_1690 = tpu.vector_load %arg7[%swap3A_1688, %swap3A_1689] {strides = array<i32>} : memref<256x128xf32, #tpu.memory_space<vmem>>, vector<1x16xf32>,
      %swap3A_1691 = vector.shape_cast %swap3A_1690 : vector<1x16xf32> to vector<16xf32>
      %swap3A_1692 = vector.shape_cast %get3A_1687 : vector<16xf32> to vector<1x16xf32>
      tpu.vector_store %arg7[%swap3A_1688, %swap3A_1689], %swap3A_1692 {strides = array<i32>} : memref<256x128xf32, #tpu.memory_space<vmem>>, vector<1x16xf32>,
      %mul3A_1693 = arith.constant 16 : i32
      %mul3A_1694 = arith.muli %scan3A_74, %mul3A_1693 : i32
      %add3A_1695 = arith.constant 15 : i32
      %add3A_1696 = arith.addi %mul3A_1694, %add3A_1695 : i32
      %mul3A_1697 = arith.constant 2 : i32
      %mul3A_1698 = arith.muli %mul3A_1697, %add3A_1696 : i32
      %add3A_1699 = arith.constant 0 : i32
      %add3A_1700 = arith.addi %mul3A_1698, %add3A_1699 : i32
      %get3A_1701 = arith.index_cast %add3A_1700 : i32 to index
      %get3A_1702 = arith.constant 0 : index
      %get3A_1703 = tpu.vector_load %arg6[%get3A_1701, %get3A_1702] {strides = array<i32>} : memref<512x64xf32, #tpu.memory_space<vmem>>, vector<1x16xf32>,
      %get3A_1704 = vector.shape_cast %get3A_1703 : vector<1x16xf32> to vector<16xf32>
      %swap3A_1705 = arith.index_cast %add3A_1696 : i32 to index
      %swap3A_1706 = arith.constant 0 : index
      %swap3A_1707 = tpu.vector_load %arg7[%swap3A_1705, %swap3A_1706] {strides = array<i32>} : memref<256x128xf32, #tpu.memory_space<vmem>>, vector<1x16xf32>,
      %swap3A_1708 = vector.shape_cast %swap3A_1707 : vector<1x16xf32> to vector<16xf32>
      %swap3A_1709 = vector.shape_cast %get3A_1704 : vector<16xf32> to vector<1x16xf32>
      tpu.vector_store %arg7[%swap3A_1705, %swap3A_1706], %swap3A_1709 {strides = array<i32>} : memref<256x128xf32, #tpu.memory_space<vmem>>, vector<1x16xf32>,
      %mul3A_1710 = arith.constant 2 : i32
      %mul3A_1711 = arith.muli %mul3A_1710, %add3A_1696 : i32
      %add3A_1712 = arith.constant 0 : i32
      %add3A_1713 = arith.addi %mul3A_1711, %add3A_1712 : i32
      %get3A_1714 = arith.index_cast %add3A_1713 : i32 to index
      %get3A_1715 = arith.constant 16 : index
      %get3A_1716 = tpu.vector_load %arg6[%get3A_1714, %get3A_1715] {strides = array<i32>} : memref<512x64xf32, #tpu.memory_space<vmem>>, vector<1x16xf32>,
      %get3A_1717 = vector.shape_cast %get3A_1716 : vector<1x16xf32> to vector<16xf32>
      %swap3A_1718 = arith.index_cast %add3A_1696 : i32 to index
      %swap3A_1719 = arith.constant 16 : index
      %swap3A_1720 = tpu.vector_load %arg7[%swap3A_1718, %swap3A_1719] {strides = array<i32>} : memref<256x128xf32, #tpu.memory_space<vmem>>, vector<1x16xf32>,
      %swap3A_1721 = vector.shape_cast %swap3A_1720 : vector<1x16xf32> to vector<16xf32>
      %swap3A_1722 = vector.shape_cast %get3A_1717 : vector<16xf32> to vector<1x16xf32>
      tpu.vector_store %arg7[%swap3A_1718, %swap3A_1719], %swap3A_1722 {strides = array<i32>} : memref<256x128xf32, #tpu.memory_space<vmem>>, vector<1x16xf32>,
      %mul3A_1723 = arith.constant 2 : i32
      %mul3A_1724 = arith.muli %mul3A_1723, %add3A_1696 : i32
      %add3A_1725 = arith.constant 0 : i32
      %add3A_1726 = arith.addi %mul3A_1724, %add3A_1725 : i32
      %get3A_1727 = arith.index_cast %add3A_1726 : i32 to index
      %get3A_1728 = arith.constant 32 : index
      %get3A_1729 = tpu.vector_load %arg6[%get3A_1727, %get3A_1728] {strides = array<i32>} : memref<512x64xf32, #tpu.memory_space<vmem>>, vector<1x16xf32>,
      %get3A_1730 = vector.shape_cast %get3A_1729 : vector<1x16xf32> to vector<16xf32>
      %swap3A_1731 = arith.index_cast %add3A_1696 : i32 to index
      %swap3A_1732 = arith.constant 32 : index
      %swap3A_1733 = tpu.vector_load %arg7[%swap3A_1731, %swap3A_1732] {strides = array<i32>} : memref<256x128xf32, #tpu.memory_space<vmem>>, vector<1x16xf32>,
      %swap3A_1734 = vector.shape_cast %swap3A_1733 : vector<1x16xf32> to vector<16xf32>
      %swap3A_1735 = vector.shape_cast %get3A_1730 : vector<16xf32> to vector<1x16xf32>
      tpu.vector_store %arg7[%swap3A_1731, %swap3A_1732], %swap3A_1735 {strides = array<i32>} : memref<256x128xf32, #tpu.memory_space<vmem>>, vector<1x16xf32>,
      %mul3A_1736 = arith.constant 2 : i32
      %mul3A_1737 = arith.muli %mul3A_1736, %add3A_1696 : i32
      %add3A_1738 = arith.constant 0 : i32
      %add3A_1739 = arith.addi %mul3A_1737, %add3A_1738 : i32
      %get3A_1740 = arith.index_cast %add3A_1739 : i32 to index
      %get3A_1741 = arith.constant 48 : index
      %get3A_1742 = tpu.vector_load %arg6[%get3A_1740, %get3A_1741] {strides = array<i32>} : memref<512x64xf32, #tpu.memory_space<vmem>>, vector<1x16xf32>,
      %get3A_1743 = vector.shape_cast %get3A_1742 : vector<1x16xf32> to vector<16xf32>
      %swap3A_1744 = arith.index_cast %add3A_1696 : i32 to index
      %swap3A_1745 = arith.constant 48 : index
      %swap3A_1746 = tpu.vector_load %arg7[%swap3A_1744, %swap3A_1745] {strides = array<i32>} : memref<256x128xf32, #tpu.memory_space<vmem>>, vector<1x16xf32>,
      %swap3A_1747 = vector.shape_cast %swap3A_1746 : vector<1x16xf32> to vector<16xf32>
      %swap3A_1748 = vector.shape_cast %get3A_1743 : vector<16xf32> to vector<1x16xf32>
      tpu.vector_store %arg7[%swap3A_1744, %swap3A_1745], %swap3A_1748 {strides = array<i32>} : memref<256x128xf32, #tpu.memory_space<vmem>>, vector<1x16xf32>,
      %mul3A_1749 = arith.constant 2 : i32
      %mul3A_1750 = arith.muli %mul3A_1749, %add3A_1696 : i32
      %add3A_1751 = arith.constant 1 : i32
      %add3A_1752 = arith.addi %mul3A_1750, %add3A_1751 : i32
      %get3A_1753 = arith.index_cast %add3A_1752 : i32 to index
      %get3A_1754 = arith.constant 0 : index
      %get3A_1755 = tpu.vector_load %arg6[%get3A_1753, %get3A_1754] {strides = array<i32>} : memref<512x64xf32, #tpu.memory_space<vmem>>, vector<1x16xf32>,
      %get3A_1756 = vector.shape_cast %get3A_1755 : vector<1x16xf32> to vector<16xf32>
      %swap3A_1757 = arith.index_cast %add3A_1696 : i32 to index
      %swap3A_1758 = arith.constant 64 : index
      %swap3A_1759 = tpu.vector_load %arg7[%swap3A_1757, %swap3A_1758] {strides = array<i32>} : memref<256x128xf32, #tpu.memory_space<vmem>>, vector<1x16xf32>,
      %swap3A_1760 = vector.shape_cast %swap3A_1759 : vector<1x16xf32> to vector<16xf32>
      %swap3A_1761 = vector.shape_cast %get3A_1756 : vector<16xf32> to vector<1x16xf32>
      tpu.vector_store %arg7[%swap3A_1757, %swap3A_1758], %swap3A_1761 {strides = array<i32>} : memref<256x128xf32, #tpu.memory_space<vmem>>, vector<1x16xf32>,
      %mul3A_1762 = arith.constant 2 : i32
      %mul3A_1763 = arith.muli %mul3A_1762, %add3A_1696 : i32
      %add3A_1764 = arith.constant 1 : i32
      %add3A_1765 = arith.addi %mul3A_1763, %add3A_1764 : i32
      %get3A_1766 = arith.index_cast %add3A_1765 : i32 to index
      %get3A_1767 = arith.constant 16 : index
      %get3A_1768 = tpu.vector_load %arg6[%get3A_1766, %get3A_1767] {strides = array<i32>} : memref<512x64xf32, #tpu.memory_space<vmem>>, vector<1x16xf32>,
      %get3A_1769 = vector.shape_cast %get3A_1768 : vector<1x16xf32> to vector<16xf32>
      %swap3A_1770 = arith.index_cast %add3A_1696 : i32 to index
      %swap3A_1771 = arith.constant 80 : index
      %swap3A_1772 = tpu.vector_load %arg7[%swap3A_1770, %swap3A_1771] {strides = array<i32>} : memref<256x128xf32, #tpu.memory_space<vmem>>, vector<1x16xf32>,
      %swap3A_1773 = vector.shape_cast %swap3A_1772 : vector<1x16xf32> to vector<16xf32>
      %swap3A_1774 = vector.shape_cast %get3A_1769 : vector<16xf32> to vector<1x16xf32>
      tpu.vector_store %arg7[%swap3A_1770, %swap3A_1771], %swap3A_1774 {strides = array<i32>} : memref<256x128xf32, #tpu.memory_space<vmem>>, vector<1x16xf32>,
      %mul3A_1775 = arith.constant 2 : i32
      %mul3A_1776 = arith.muli %mul3A_1775, %add3A_1696 : i32
      %add3A_1777 = arith.constant 1 : i32
      %add3A_1778 = arith.addi %mul3A_1776, %add3A_1777 : i32
      %get3A_1779 = arith.index_cast %add3A_1778 : i32 to index
      %get3A_1780 = arith.constant 32 : index
      %get3A_1781 = tpu.vector_load %arg6[%get3A_1779, %get3A_1780] {strides = array<i32>} : memref<512x64xf32, #tpu.memory_space<vmem>>, vector<1x16xf32>,
      %get3A_1782 = vector.shape_cast %get3A_1781 : vector<1x16xf32> to vector<16xf32>
      %swap3A_1783 = arith.index_cast %add3A_1696 : i32 to index
      %swap3A_1784 = arith.constant 96 : index
      %swap3A_1785 = tpu.vector_load %arg7[%swap3A_1783, %swap3A_1784] {strides = array<i32>} : memref<256x128xf32, #tpu.memory_space<vmem>>, vector<1x16xf32>,
      %swap3A_1786 = vector.shape_cast %swap3A_1785 : vector<1x16xf32> to vector<16xf32>
      %swap3A_1787 = vector.shape_cast %get3A_1782 : vector<16xf32> to vector<1x16xf32>
      tpu.vector_store %arg7[%swap3A_1783, %swap3A_1784], %swap3A_1787 {strides = array<i32>} : memref<256x128xf32, #tpu.memory_space<vmem>>, vector<1x16xf32>,
      %mul3A_1788 = arith.constant 2 : i32
      %mul3A_1789 = arith.muli %mul3A_1788, %add3A_1696 : i32
      %add3A_1790 = arith.constant 1 : i32
      %add3A_1791 = arith.addi %mul3A_1789, %add3A_1790 : i32
      %get3A_1792 = arith.index_cast %add3A_1791 : i32 to index
      %get3A_1793 = arith.constant 48 : index
      %get3A_1794 = tpu.vector_load %arg6[%get3A_1792, %get3A_1793] {strides = array<i32>} : memref<512x64xf32, #tpu.memory_space<vmem>>, vector<1x16xf32>,
      %get3A_1795 = vector.shape_cast %get3A_1794 : vector<1x16xf32> to vector<16xf32>
      %swap3A_1796 = arith.index_cast %add3A_1696 : i32 to index
      %swap3A_1797 = arith.constant 112 : index
      %swap3A_1798 = tpu.vector_load %arg7[%swap3A_1796, %swap3A_1797] {strides = array<i32>} : memref<256x128xf32, #tpu.memory_space<vmem>>, vector<1x16xf32>,
      %swap3A_1799 = vector.shape_cast %swap3A_1798 : vector<1x16xf32> to vector<16xf32>
      %swap3A_1800 = vector.shape_cast %get3A_1795 : vector<16xf32> to vector<1x16xf32>
      tpu.vector_store %arg7[%swap3A_1796, %swap3A_1797], %swap3A_1800 {strides = array<i32>} : memref<256x128xf32, #tpu.memory_space<vmem>>, vector<1x16xf32>,
    }
    %scan3A_59 = arith.constant 16 : i32
    %mul3A_60 = arith.constant 512 : i32
    %mul3A_61 = arith.muli %add3A, %mul3A_60 : i32
    %add3A_62 = arith.constant 256 : i32
    %add3A_63 = arith.addi %mul3A_61, %add3A_62 : i32
    %dma_start3A_64 = arith.constant 0 : i32
    %dma_start3A_65 = tpu.memref_slice %arg4[%add3A_63, %dma_start3A_64] : memref<16384x128xf32, #tpu.memory_space<hbm>> -> memref<256x128xf32, #tpu.memory_space<hbm>>
    %dma_start3A_66 = arith.constant 0 : i32
    %dma_start3A_67 = tpu.memref_slice %arg4[%add3A_63, %dma_start3A_66] : memref<16384x128xf32, #tpu.memory_space<hbm>> -> memref<256x128xf32, #tpu.memory_space<hbm>>
    tpu.enqueue_dma source(%arg7 : memref<256x128xf32, #tpu.memory_space<vmem>>) target(%dma_start3A_67 : memref<256x128xf32, #tpu.memory_space<hbm>>) target_semaphore(%arg10 : memref<!tpu.dma_semaphore, #tpu.memory_space<semaphore_mem>>)
    %dma_wait3A_68 = arith.constant 0 : i32
    %dma_wait3A_69 = arith.constant 0 : i32
    %dma_wait3A_70 = tpu.memref_slice %arg4[%dma_wait3A_68, %dma_wait3A_69] : memref<16384x128xf32, #tpu.memory_space<hbm>> -> memref<256x128xf32, #tpu.memory_space<hbm>>
    %dma_wait3A_71 = arith.constant 0 : i32
    %dma_wait3A_72 = arith.constant 0 : i32
    %dma_wait3A_73 = tpu.memref_slice %arg4[%dma_wait3A_71, %dma_wait3A_72] : memref<16384x128xf32, #tpu.memory_space<hbm>> -> memref<256x128xf32, #tpu.memory_space<hbm>>
    tpu.wait_dma2 semaphore(%arg10 : memref<!tpu.dma_semaphore, #tpu.memory_space<semaphore_mem>>) src(%arg7 : memref<256x128xf32, #tpu.memory_space<vmem>>) dst(%dma_wait3A_73 : memref<256x128xf32, #tpu.memory_space<hbm>>)
    return
  }
}

</mosaic_0001>

<sc_bundles>
// kernel: kernel.3.cloned.1.call-start
scs
__scs_entry_jumppad:
0x0: {  	(pc) =	sbr.rel $0x88, $3  }
0x1: {  	(tag) =	ssettag $0x0;
	lr =	simm.s32 $0x1  }
0x2: {  	[smem:$0x3F9E] =	sst lr;
	_ =	strace $0xD0000000  }
0x3: {  	_ = 	snop  }
0x4: {  	_ = 	snop  }
0x5: {  	_ = 	snop  }
0x6: {  	_ = 	snop  }
0x7: {  	_ = 	snop  }
__scs_overlays_trampoline_lowered:
0x8: {  	[smem:$0x3FAD] =	sst s0  }
0x9: {  	[smem:$0x3FAE] =	sst s1  }
0xa: {  	[smem:$0x3FAF] =	sst s2  }
0xb: {  	[smem:$0x3FB0] =	sst s3  }
0xc: {  	[smem:$0x3FB1] =	sst s4  }
0xd: {  	[smem:$0x3FB2] =	sst s5  }
0xe: {  	[smem:$0x3FB3] =	sst s6  }
0xf: {  	[smem:$0x3FB4] =	sst s7  }
0x10: {  	[smem:$0x3FB5] =	sst s8  }
0x11: {  	[smem:$0x3FB6] =	sst s9;
	s0 =	simm.s32 @!p0 $0x0  }
0x12: {  	s1 =	sld [smem:$0x3F9C];
	s0 =	simm.s32 @p0 $0x1  }
0x13: {  	[smem:$0x3FB7] =	sst s0;
	s0 =	simm.s32 @!p1 $0x0  }
0x14: {  	s2 =	sld [smem:$0x3F9B];
	s0 =	simm.s32 @p1 $0x1  }
0x15: {  	[smem:$0x3FB8] =	sst s0;
	s0 =	simm.s32 @!p2 $0x0  }
0x16: {  	s3 =	sld [smem:$0x3FDB];
	s0 =	simm.s32 @p2 $0x1  }
0x17: {  	s4 =	simm.s32 $0x1BF5;
	[smem:$0x3FBA] =	sst s0  }
0x18: {  	s0 =	sld [smem:$0x3F9D];
	_ =	swait.ge [sflag:s4], $0x0  }
0x19: {  	s7 =	sld [smem:$0x3F9E]  }
0x1a: {  	s8 =	sadd.s32 $0xFFFFE003, lr  }
0x1b: {  	s9 =	sadd.s32 $0xFFFFFEF7, lr;
	s5 =	simm.s32 $0xFFFFFFFF;
	p2 =	slt.u32 s8, $0xFFFFF086  }
0x1c: {  	p1 =	slt.u32 s9, $0xF7A;
	s5 =	simm.s32 @!p2 $0x0  }
0x1d: {  	s5 =	simm.s32 @p1 $0x1;
	p0 =	seq.s32 s7, s2  }
0x1e: {  	s7 =	smul.u32 @!p0 $0xF7A, s2;
	p2 =	seq.s32 @!p0 s5, $0x0  }
0x1f: {  	s9 =	smul.u32 $0xF7A, s1;
	s8 =	simm.s32 @!p0 $0x1BF5;
	p2 =	por !p2, p0  }
0x20: {  	[sflag:s8] =	ssyncset.s32 @!p0 $0xFFFFF086;
	s6 =	sadd.s32 @!p0 s3, s7;
	s7 =	simm.s32 @!p0 $0x108  }
0x21: {  	s3 =	sadd.s32 s3, s9;
	s6 =	sadd.s32 @!p0 $0x88, s6;
	s7 =	simm.s32 @p2 $0x1082  }
0x22: {  	[simem:s7], [sflag:s8] =	dma.local @!p0 [hbm:s6], $0xF7A  }
0x23: {  	s9 =	sor.u32 $0xD0000000, s2;
	s6 =	simm.s32 $0x108;
	_ =	swait.ge @!p0 [sflag:s8], $0x0  }
0x24: {  	s3 =	sadd.s32 $0x88, s3;
	s6 =	simm.s32 @!p1 $0x1082;
	[sflag:s4] =	ssyncset.s32 $0xFFFFF086  }
0x25: {  	[simem:s6], [sflag:s4] =	dma.local [hbm:s3], $0xF7A  }
0x26: {  	[smem:$0x3F9E] =	sst s1;
	(tag) =	ssettag s2;
	_ =	strace s9  }
0x27: {  	s1 =	sld [smem:$0x3FAE]  }
0x28: {  	s2 =	sld [smem:$0x3FAF]  }
0x29: {  	s4 =	sld [smem:$0x3FB1]  }
0x2a: {  	p0 =	seq.s32 s5, $0x0;
	s5 =	sld [smem:$0x3FB2]  }
0x2b: {  	s6 =	sld [smem:$0x3FB3]  }
0x2c: {  	s7 =	sld [smem:$0x3FB4]  }
0x2d: {  	s3 =	simm.s32 $0x108;
	s8 =	sld [smem:$0x3FB5]  }
0x2e: {  	s3 =	simm.s32 @!p0 $0x1082;
	s9 =	sld [smem:$0x3FB6]  }
0x2f: {  	lr =	sadd.s32 s0, s3;
	s0 =	sld [smem:$0x3FAD]  }
0x30: {  	s3 =	sld [smem:$0x3FB0]  }
0x31: {  	[smem:$0x3FB9] =	sst s10  }
0x32: {  	s10 =	sld [smem:$0x3FB7];
	_ =	sdelay $0x3  }
0x33: {  	p0 =	seq.s32 s10, $0x1;
	s10 =	sld [smem:$0x3FB9];
	_ =	sdelay $0x3  }
0x34: {  	[smem:$0x3FB9] =	sst s10  }
0x35: {  	s10 =	sld [smem:$0x3FB8];
	_ =	sdelay $0x3  }
0x36: {  	p1 =	seq.s32 s10, $0x1;
	s10 =	sld [smem:$0x3FB9];
	_ =	sdelay $0x3  }
0x37: {  	[smem:$0x3FB9] =	sst s10  }
0x38: {  	s10 =	sld [smem:$0x3FBA]  }
0x39: {  	_ = 	snop;
	(pc) =	sbr.ind lr, $3  }
0x3a: {  	_ = 	snop  }
0x3b: {  	_ = 	snop  }
0x3c: {  	p2 =	seq.s32 s10, $0x1;
	s10 =	sld [smem:$0x3FB9]  }
0x3d: {  	_ =	shalt  }
0x3e: {  	_ =	shalt  }
0x3f: {  	_ =	shalt  }
0x40: {  	_ =	shalt  }
0x41: {  	_ =	shalt  }
0x42: {  	_ =	shalt  }
0x43: {  	_ =	shalt  }
0x44: {  	_ =	shalt  }
0x45: {  	_ =	shalt  }
0x46: {  	_ =	shalt  }
0x47: {  	_ =	shalt  }
0x48: {  	_ =	shalt  }
0x49: {  	_ =	shalt  }
0x4a: {  	_ =	shalt  }
0x4b: {  	_ =	shalt  }
0x4c: {  	_ =	shalt  }
0x4d: {  	_ =	shalt  }
0x4e: {  	_ =	shalt  }
0x4f: {  	_ =	shalt  }
0x50: {  	_ =	shalt  }
0x51: {  	_ =	shalt  }
0x52: {  	_ =	shalt  }
0x53: {  	_ =	shalt  }
0x54: {  	_ =	shalt  }
0x55: {  	_ =	shalt  }
0x56: {  	_ =	shalt  }
0x57: {  	_ =	shalt  }
0x58: {  	_ =	shalt  }
0x59: {  	_ =	shalt  }
0x5a: {  	_ =	shalt  }
0x5b: {  	_ =	shalt  }
0x5c: {  	_ =	shalt  }
0x5d: {  	_ =	shalt  }
0x5e: {  	_ =	shalt  }
0x5f: {  	_ =	shalt  }
0x60: {  	_ =	shalt  }
0x61: {  	_ =	shalt  }
0x62: {  	_ =	shalt  }
0x63: {  	_ =	shalt  }
0x64: {  	_ =	shalt  }
0x65: {  	_ =	shalt  }
0x66: {  	_ =	shalt  }
0x67: {  	_ =	shalt  }
0x68: {  	_ =	shalt  }
0x69: {  	_ =	shalt  }
0x6a: {  	_ =	shalt  }
0x6b: {  	_ =	shalt  }
0x6c: {  	_ =	shalt  }
0x6d: {  	_ =	shalt  }
0x6e: {  	_ =	shalt  }
0x6f: {  	_ =	shalt  }
0x70: {  	_ =	shalt  }
0x71: {  	_ =	shalt  }
0x72: {  	_ =	shalt  }
0x73: {  	_ =	shalt  }
0x74: {  	_ =	shalt  }
0x75: {  	_ =	shalt  }
0x76: {  	_ =	shalt  }
0x77: {  	_ =	shalt  }
0x78: {  	_ =	shalt  }
0x79: {  	_ =	shalt  }
0x7a: {  	_ =	shalt  }
0x7b: {  	_ =	shalt  }
0x7c: {  	_ =	shalt  }
0x7d: {  	_ =	shalt  }
0x7e: {  	_ =	shalt  }
0x7f: {  	_ =	shalt  }
0x80: {  	_ =	shalt  }
0x81: {  	_ =	shalt  }
0x82: {  	_ =	shalt  }
0x83: {  	_ =	shalt  }
0x84: {  	_ =	shalt  }
0x85: {  	_ =	shalt  }
0x86: {  	_ =	shalt  }
0x87: {  	_ =	shalt  }
.Lfunc_end0:
.L_simem_size_0:
called_computation_lowered:
.L_overlay_start_0:
0x88: {  	s2 =	sld [smem:$0x3FD9]  }
0x89: {  	s3 =	sld [smem:$0x3FFE];
	_ =	sdelay $0x1  }
0x8a: {  	s1 =	srdreg.scid  }
0x8b: {  	s0 =	sand.u32 $0x1, s1  }
0x8c: {  	s17 =	sshll.u32 s0, $0xA;
	s2 =	sadd.s32 s3, s2  }
0x8d: {  	s2 =	sadd.s32 s2, s17  }
0x8e: {  	[smem:$0x3FC5] =	sst s2  }
0x8f: {  	_ = 	snop  }
0x90: {  	s2 =	sld [smem:$0x3FD0];
	(tm) =	ssettm $0x1  }
0x91: {  	s18 =	sld [smem:$0x3FFB];
	_ =	sdelay $0x3  }
0x92: {  	_ =	strace s18  }
0x93: {  	s3 =	sld [smem:$0x3FFC];
	_ =	sdelay $0x3  }
0x94: {  	_ =	strace s3  }
0x95: {  	s3 =	sld [smem:$0x3FFD];
	_ =	sdelay $0x3  }
0x96: {  	_ =	strace s3  }
0x97: {  	_ =	strace $0x8FFFFFFF  }
0x98: {  	s19 =	sld [smem:$0x3FDB];
	_ =	sdelay $0x1  }
0x99: {  	s4 =	simm.s32 $_scs_section_size  }
0x9a: {  	s5 =	simm.s32 $_size__tile_overlayer_lowered;
	s6 =	simm.s32 $_tile_overlayer_lowered  }
0x9b: {  	s22 =	simm.s32 $0x1BFF;
	s21 =	sshll.u32 s6, $0x1;
	s3 =	sadd.s32 s4, s19  }
0x9c: {  	s7 =	simm.s32 $0x0;
	s20 =	sshll.u32 s5, $0x1;
	s5 =	sadd.s32 s21, s3  }
0x9d: {  	[timem:s7], [sflag:s22] =	dma.local [hbm:s5], s20  }
0x9e: {  	_ =	swait.ge [sflag:s22], s20  }
0x9f: {  	s4 =	ssub.s32 $0x0, s20;
	[sflag:s22] =	ssyncset.done $0x0  }
0xa0: {  	[sflag:s22] =	ssyncadd.s32 s4;
	_ =	sdelay $0x1  }
0xa1: {  	s23 =	simm.s32 $0x1B8B  }
0xa2: {  	_ =	swait.ge [sflag:s23], $0x1  }
0xa3: {  	[sflag:s23] =	ssyncset.done $0x0  }
0xa4: {  	s25 =	simm.s32 $0x1B8E;
	s24 =	sld [smem:$0x3FFE];
	[sflag:s23] =	ssyncadd.s32 $0xFFFFFFFF  }
0xa5: {  	s26 =	simm.s32 $execute0_lowered;
	[smem:$0x3FD2] =	sst s25  }
0xa6: {  	s5 =	sshll.u32 s26, $0x1;
	_ =	strace $0x80000046;
	[dreg:$0x1] =	wrdreg $0xFFFFFFFF  }
0xa7: {  	s28 =	simm.s32 $_size_execute0_lowered;
	s3 =	sadd.s32 s3, s5;
	[dreg:$0x0] =	wrdreg $0x0  }
0xa8: {  	s5 =	sshll.u32 s28, $0x1;
	[dreg:$0x2] =	wrdreg s3  }
0xa9: {  	[dreg:$0x3] =	wrdreg s5  }
0xaa: {  	[dreg:$0x4] =	wrdreg $0xC0  }
0xab: {  	_ =	task [dreg:s7], $0x5FFFF  }
0xac: {  	[dreg:$0x1] =	wrdreg $0xFFFFFFFF  }
0xad: {  	[dreg:$0x0] =	wrdreg $0x60  }
0xae: {  	[dreg:$0x2] =	wrdreg s24  }
0xaf: {  	[dreg:$0x3] =	wrdreg s2  }
0xb0: {  	[dreg:$0x4] =	wrdreg $0x9  }
0xb1: {  	_ =	task.clear_ibuf [dreg:s7], $0x5FFFF;
	_ =	strace $0x90000046  }
0xb2: {  	s29 =	simm.s32 $0x9;
	_ =	strace $0x80000048  }
0xb3: {  	_ =	swait.ge [sflag:s29], $0x1  }
0xb4: {  	[sflag:s29] =	ssyncadd.s32 $0xFFFFFFFF  }
0xb5: {  	_ =	strace $0x90000048  }
0xb6: {  	_ =	sfence  }
0xb7: {  	s30 =	sld [smem:$0x0];
	_ =	sdelay $0x2  }
0xb8: {  	s31 =	sshll.u32 s1, $0xD;
	s1 =	sshrl.u32 s1, $0x2  }
0xb9: {  	s3 =	sand.u32 $0x4000, s31;
	s1 =	sadd.s32 s1, s30  }
0xba: {  	s0 =	sor.u32 s3, s0;
	s1 =	sshll.u32 s1, $0x11  }
0xbb: {  	s0 =	sor.u32 s1, s0  }
0xbc: {  	s0 =	sadd.s32 $0x8F2B, s0  }
0xbd: {  	[sflag:s0] =	ssyncadd.remote.s32 $0x1  }
0xbe: {  	_ =	sfence.sel $0xFFFF  }
0xbf: {  	[dreg:$0x0] =	wrdreg $0xFFFFFFFF;
	(pc) =	sbr.abs _section_cstart, $3  }
0xc0: {  	[dreg:$0x1] =	wrdreg $0xFFFFFFFF  }
0xc1: {  	_ =	task.clear_ibuf [dreg:s7], $0x2FFFF;
	_ =	strace $0x9FFFFFFF  }
0xc2: {  	(tm) =	ssettm $0x7FFFFFFF  }
0xc3: {  	_ =	shalt  }
tec
execute0_lowered:
.L_overlay_start_1:
0x0: {  	(tag) =	ssettag $0x1  }
0x1: {  	s4 =	rddreg [dreg:$0x0]  }
0x2: {  	s5 =	rddreg [dreg:$0x1];
	s2 =	simm.s32 $0x0  }
0x3: {  	s0 =	stileid.u32;
	s3 =	srdreg.scid;
	s10 =	simm.s32 $0x1  }
0x4: {  	s11 =	simm.s32 $0x2;
	s13 =	simm.s32 $0x3;
	s14 =	simm.s32 $0x0  }
0x5: {  	[smem:$0x7FF] =	sst s2;
	s6 =	sand.u32 $0x1, s3;
	s25 =	sshll.u32 s0, $0x1  }
0x6: {  	s7 =	sshll.u32 s0, $0x8;
	s3 =	sadd.s32 $0x1400, s4;
	s8 =	sor.u32 s6, s25  }
0x7: {  	_ =	strace $0x80000047;
	s7 =	sand.u32 $0xC00, s7;
	s9 =	sshll.u32 s8, $0x4  }
0x8: {  	s6 =	ssub.s32 $0x2, s6;
	s4 =	sadd.s32 s7, s4;
	s26 =	sand.u32 $0x70, s9  }
0x9: {  	s28 =	sshrl.u32 s6, $0x1;
	s29 =	sshll.u32 s8, $0xD;
	s4 =	sadd.s32 s26, s4  }
0xa: {  	s30 =	ssub.s32 s6, s28;
	s5 =	sadd.s32 s5, s29;
	s31 =	sadd.s32 $0x400, s4  }
0xb: {  	s6 =	sadd.s32 $0x1000, s5;
	s7 =	smax.u32 s30, $0x1;
	[dreg:$0x3] =	wrdreg s31  }
.LBB2_1:
0xc: {  	s0 =	rddreg [dreg:$0x3];
	s1 =	simm.s32 $0x80;
	s4 =	simm.s32 $0x400  }
0xd: {  	[tilespmem:s2], [sflag:$0x1] =	stream.strided.gather [hbm4b:s0+s1], $0x400, s4, s1, $0x38;
	[tilespmem:$0x18400] =	vst v63  }
0xe: {  	_ =	swait.ge [sflag:s10], $0x400  }
0xf: {  	[sflag:s10] =	ssyncset.done $0x0  }
0x10: {  	s16 =	simm.s32 $0x10;
	[sflag:s10] =	ssyncadd.s32 $0xFFFFFC00  }
0x11: {  	v0 =	vld [tilespmem:s16+$0xFFFFFFF0];
	_ =	sdelay $0x4  }
0x12: {  	v0 =	vshll.u32 v0, $0x4  }
0x13: {  	(v2sf) =	vpush v0, $0x0  }
0x14: {  	(v2sf) =	vpush v0, $0x1  }
0x15: {  	(v2sf) =	vpush v0, $0x2;
	_ =	sdelay $0x1  }
0x16: {  	(v2sf) =	vpush v0, $0x3  }
0x17: {  	(v2sf) =	vpush v0, $0x4;
	_ =	sdelay $0x1  }
0x18: {  	(v2sf) =	vpush v0, $0x5;
	_ =	sdelay $0x1  }
0x19: {  	s17 =	simm.s32 $0x4000;
	s15 =	simm.s32 $0x0;
	(v2sf) =	vpush v0, $0x6  }
.LBB2_2:
0x1a: {  	p0 =	sne.s32 s17, $0x3C000  }
0x1b: {  	s29 =	sadd.s32 $0x480, s15;
	s30 =	sadd.s32 $0x500, s15;
	(v2sf) =	vpush v0, $0x7;
	s18 =	smov.u32 s17  }
0x1c: {  	s17 =	sadd.s32 $0x4000, s17;
	s28 =	sadd.s32 $0x680, s15;
	s20 =	sadd.s32 $0x900, s15  }
0x1d: {  	s26 =	sadd.s32 $0x700, s15;
	s25 =	sadd.s32 $0x780, s15;
	s24 =	sadd.s32 $0x800, s15;
	(v2sf) =	vpush v0, $0x8  }
0x1e: {  	s31 =	sadd.s32 $0x400, s15;
	s23 =	sadd.s32 $0x880, s15;
	s19 =	sadd.s32 $0xA00, s15  }
0x1f: {  	s0 =	sadd.s32 $0x580, s15;
	s22 =	sadd.s32 $0x980, s15;
	s21 =	spop (v2sf);
	(v2sf) =	vpush v0, $0x9  }
0x20: {  	s1 =	sadd.s32 $0x600, s15;
	s21 =	sand.u32 $0x1FFFFFF0, s21;
	s8 =	spop (v2sf)  }
0x21: {  	s9 =	sadd.s32 s3, s21;
	s21 =	sadd.s32 $0xA80, s15;
	s12 =	spop (v2sf);
	(v2sf) =	vpush v0, $0xA  }
0x22: {  	[tilespmem:s31], [sflag:$0x2] =	stream.linear.gather [hbm4b:s9+s2], $0x80, $0x38;
	[tilespmem:$0x18400] =	vst v63  }
0x23: {  	s8 =	sand.u32 $0x1FFFFFF0, s8;
	s9 =	sand.u32 $0x1FFFFFF0, s12;
	s12 =	spop (v2sf);
	(v2sf) =	vpush v0, $0xB  }
0x24: {  	s8 =	sadd.s32 s3, s8;
	s12 =	sand.u32 $0x1FFFFFF0, s12;
	s31 =	spop (v2sf)  }
0x25: {  	[tilespmem:s29], [sflag:$0x2] =	stream.linear.gather [hbm4b:s8+s2], $0x80, $0x38;
	(v2sf) =	vpush v0, $0xC;
	[tilespmem:$0x18400] =	vst v63  }
0x26: {  	s8 =	sadd.s32 s3, s9;
	s9 =	sand.u32 $0x1FFFFFF0, s31;
	s29 =	spop (v2sf)  }
0x27: {  	[tilespmem:s30], [sflag:$0x2] =	stream.linear.gather [hbm4b:s8+s2], $0x80, $0x38;
	(v2sf) =	vpush v0, $0xD;
	[tilespmem:$0x18400] =	vst v63  }
0x28: {  	s8 =	sadd.s32 s3, s12;
	s12 =	sand.u32 $0x1FFFFFF0, s29;
	s29 =	spop (v2sf)  }
0x29: {  	[tilespmem:s0], [sflag:$0x2] =	stream.linear.gather [hbm4b:s8+s2], $0x80, $0x38;
	(v2sf) =	vpush v0, $0xE;
	[tilespmem:$0x18400] =	vst v63  }
0x2a: {  	s0 =	sadd.s32 s3, s9;
	s8 =	sand.u32 $0x1FFFFFF0, s29;
	s9 =	spop (v2sf)  }
0x2b: {  	[tilespmem:s1], [sflag:$0x2] =	stream.linear.gather [hbm4b:s0+s2], $0x80, $0x38;
	(v2sf) =	vpush v0, $0xF;
	[tilespmem:$0x18400] =	vst v63  }
0x2c: {  	s0 =	sadd.s32 s3, s12;
	s1 =	sand.u32 $0x1FFFFFF0, s9;
	s9 =	spop (v2sf)  }
0x2d: {  	[tilespmem:s28], [sflag:$0x2] =	stream.linear.gather [hbm4b:s0+s2], $0x80, $0x38;
	[tilespmem:$0x18400] =	vst v63  }
0x2e: {  	s0 =	sadd.s32 s3, s8;
	s8 =	sand.u32 $0x1FFFFFF0, s9;
	s9 =	spop (v2sf)  }
0x2f: {  	[tilespmem:s26], [sflag:$0x2] =	stream.linear.gather [hbm4b:s0+s2], $0x80, $0x38;
	[tilespmem:$0x18400] =	vst v63  }
0x30: {  	s0 =	sadd.s32 s3, s1;
	s1 =	sand.u32 $0x1FFFFFF0, s9;
	s9 =	spop (v2sf)  }
0x31: {  	[tilespmem:s25], [sflag:$0x2] =	stream.linear.gather [hbm4b:s0+s2], $0x80, $0x38;
	[tilespmem:$0x18400] =	vst v63  }
0x32: {  	s0 =	sadd.s32 s3, s8;
	s8 =	sand.u32 $0x1FFFFFF0, s9;
	s9 =	spop (v2sf)  }
0x33: {  	[tilespmem:s24], [sflag:$0x2] =	stream.linear.gather [hbm4b:s0+s2], $0x80, $0x38;
	[tilespmem:$0x18400] =	vst v63  }
0x34: {  	s0 =	sadd.s32 s3, s1;
	s1 =	sand.u32 $0x1FFFFFF0, s9;
	s9 =	spop (v2sf)  }
0x35: {  	[tilespmem:s23], [sflag:$0x2] =	stream.linear.gather [hbm4b:s0+s2], $0x80, $0x38;
	[tilespmem:$0x18400] =	vst v63  }
0x36: {  	s0 =	sadd.s32 s3, s8;
	s8 =	sand.u32 $0x1FFFFFF0, s9;
	s9 =	spop (v2sf)  }
0x37: {  	[tilespmem:s20], [sflag:$0x2] =	stream.linear.gather [hbm4b:s0+s2], $0x80, $0x38;
	[tilespmem:$0x18400] =	vst v63  }
0x38: {  	s0 =	sadd.s32 s3, s1;
	s1 =	sand.u32 $0x1FFFFFF0, s9;
	s9 =	spop (v2sf)  }
0x39: {  	[tilespmem:s22], [sflag:$0x2] =	stream.linear.gather [hbm4b:s0+s2], $0x80, $0x38;
	[tilespmem:$0x18400] =	vst v63  }
0x3a: {  	s0 =	sadd.s32 s3, s8;
	s8 =	sand.u32 $0x1FFFFFF0, s9;
	s9 =	spop (v2sf)  }
0x3b: {  	[tilespmem:s19], [sflag:$0x2] =	stream.linear.gather [hbm4b:s0+s2], $0x80, $0x38;
	[tilespmem:$0x18400] =	vst v63  }
0x3c: {  	s0 =	sadd.s32 s3, s1;
	s1 =	sadd.s32 $0xB00, s15  }
0x3d: {  	[tilespmem:s21], [sflag:$0x2] =	stream.linear.gather [hbm4b:s0+s2], $0x80, $0x38;
	[tilespmem:$0x18400] =	vst v63  }
0x3e: {  	s9 =	sand.u32 $0x1FFFFFF0, s9;
	s0 =	sadd.s32 s3, s8;
	s8 =	sadd.s32 $0xB80, s15  }
0x3f: {  	[tilespmem:s1], [sflag:$0x2] =	stream.linear.gather [hbm4b:s0+s2], $0x80, $0x38;
	[tilespmem:$0x18400] =	vst v63  }
0x40: {  	s0 =	sadd.s32 s3, s9  }
0x41: {  	[tilespmem:s8], [sflag:$0x2] =	stream.linear.gather [hbm4b:s0+s2], $0x80, $0x38;
	[tilespmem:$0x18400] =	vst v63  }
0x42: {  	v0 =	vld [tilespmem:s16+$0x0];
	_ =	sdelay $0x4  }
0x43: {  	v0 =	vshll.u32 v0, $0x4  }
0x44: {  	(v2sf) =	vpush v0, $0x0  }
0x45: {  	(v2sf) =	vpush v0, $0x1  }
0x46: {  	(v2sf) =	vpush v0, $0x2;
	_ =	sdelay $0x1  }
0x47: {  	(v2sf) =	vpush v0, $0x3;
	_ =	sdelay $0x1  }
0x48: {  	(v2sf) =	vpush v0, $0x4;
	_ =	sdelay $0x1  }
0x49: {  	(v2sf) =	vpush v0, $0x5;
	_ =	sdelay $0x1  }
0x4a: {  	s16 =	sadd.s32 $0x20, s16;
	(v2sf) =	vpush v0, $0x6  }
0x4b: {  	s20 =	sadd.s32 $0x1280, s15;
	s19 =	sadd.s32 $0x1380, s15;
	s21 =	sadd.s32 $0x1200, s15  }
0x4c: {  	s24 =	sadd.s32 $0x1080, s15;
	s23 =	sadd.s32 $0x1100, s15;
	s22 =	sadd.s32 $0x1180, s15;
	(v2sf) =	vpush v0, $0x7  }
0x4d: {  	s28 =	sadd.s32 $0xF00, s15;
	s26 =	sadd.s32 $0xF80, s15;
	s25 =	sadd.s32 $0x1000, s15  }
0x4e: {  	s1 =	sadd.s32 $0xE00, s15;
	s0 =	sadd.s32 $0xD80, s15;
	s8 =	sadd.s32 $0xE80, s15;
	(v2sf) =	vpush v0, $0x8  }
0x4f: {  	s12 =	sadd.s32 $0xD00, s15;
	s9 =	sadd.s32 $0xC80, s15;
	s29 =	spop (v2sf)  }
0x50: {  	s30 =	sadd.s32 $0xC00, s15;
	s29 =	sand.u32 $0x1FFFFFF0, s29;
	s31 =	spop (v2sf);
	(v2sf) =	vpush v0, $0x9  }
0x51: {  	s29 =	sadd.s32 s3, s29;
	s31 =	sand.u32 $0x1FFFFFF0, s31;
	s4 =	spop (v2sf)  }
0x52: {  	[tilespmem:s30], [sflag:$0x2] =	stream.linear.gather [hbm4b:s29+s2], $0x80, $0x38;
	(v2sf) =	vpush v0, $0xA;
	[tilespmem:$0x18400] =	vst v63  }
0x53: {  	s29 =	sadd.s32 s3, s31;
	s4 =	sand.u32 $0x1FFFFFF0, s4;
	s30 =	spop (v2sf)  }
0x54: {  	[tilespmem:s9], [sflag:$0x2] =	stream.linear.gather [hbm4b:s29+s2], $0x80, $0x38;
	(v2sf) =	vpush v0, $0xB;
	[tilespmem:$0x18400] =	vst v63  }
0x55: {  	s4 =	sadd.s32 s3, s4;
	s9 =	sand.u32 $0x1FFFFFF0, s30;
	s29 =	spop (v2sf)  }
0x56: {  	[tilespmem:s12], [sflag:$0x2] =	stream.linear.gather [hbm4b:s4+s2], $0x80, $0x38;
	(v2sf) =	vpush v0, $0xC;
	[tilespmem:$0x18400] =	vst v63  }
0x57: {  	s4 =	sadd.s32 s3, s9;
	s9 =	sand.u32 $0x1FFFFFF0, s29;
	s12 =	spop (v2sf)  }
0x58: {  	[tilespmem:s0], [sflag:$0x2] =	stream.linear.gather [hbm4b:s4+s2], $0x80, $0x38;
	(v2sf) =	vpush v0, $0xD;
	[tilespmem:$0x18400] =	vst v63  }
0x59: {  	s0 =	sadd.s32 s3, s9;
	s4 =	sand.u32 $0x1FFFFFF0, s12;
	s9 =	spop (v2sf)  }
0x5a: {  	[tilespmem:s1], [sflag:$0x2] =	stream.linear.gather [hbm4b:s0+s2], $0x80, $0x38;
	(v2sf) =	vpush v0, $0xE;
	[tilespmem:$0x18400] =	vst v63  }
0x5b: {  	s0 =	sadd.s32 s3, s4;
	s1 =	sand.u32 $0x1FFFFFF0, s9;
	s4 =	spop (v2sf)  }
0x5c: {  	[tilespmem:s8], [sflag:$0x2] =	stream.linear.gather [hbm4b:s0+s2], $0x80, $0x38;
	(v2sf) =	vpush v0, $0xF;
	[tilespmem:$0x18400] =	vst v63  }
0x5d: {  	s0 =	sadd.s32 s3, s1;
	s1 =	sand.u32 $0x1FFFFFF0, s4;
	s4 =	spop (v2sf)  }
0x5e: {  	[tilespmem:s28], [sflag:$0x2] =	stream.linear.gather [hbm4b:s0+s2], $0x80, $0x38;
	[tilespmem:$0x18400] =	vst v63  }
0x5f: {  	s0 =	sadd.s32 s3, s1;
	s1 =	sand.u32 $0x1FFFFFF0, s4;
	s4 =	spop (v2sf)  }
0x60: {  	[tilespmem:s26], [sflag:$0x2] =	stream.linear.gather [hbm4b:s0+s2], $0x80, $0x38;
	[tilespmem:$0x18400] =	vst v63  }
0x61: {  	s0 =	sadd.s32 s3, s1;
	s1 =	sand.u32 $0x1FFFFFF0, s4;
	s4 =	spop (v2sf)  }
0x62: {  	[tilespmem:s25], [sflag:$0x2] =	stream.linear.gather [hbm4b:s0+s2], $0x80, $0x38;
	[tilespmem:$0x18400] =	vst v63  }
0x63: {  	s0 =	sadd.s32 s3, s1;
	s1 =	sand.u32 $0x1FFFFFF0, s4;
	s4 =	spop (v2sf)  }
0x64: {  	[tilespmem:s24], [sflag:$0x2] =	stream.linear.gather [hbm4b:s0+s2], $0x80, $0x38;
	[tilespmem:$0x18400] =	vst v63  }
0x65: {  	s0 =	sadd.s32 s3, s1;
	s1 =	sand.u32 $0x1FFFFFF0, s4;
	s4 =	spop (v2sf)  }
0x66: {  	[tilespmem:s23], [sflag:$0x2] =	stream.linear.gather [hbm4b:s0+s2], $0x80, $0x38;
	[tilespmem:$0x18400] =	vst v63  }
0x67: {  	s0 =	sadd.s32 s3, s1;
	s1 =	sand.u32 $0x1FFFFFF0, s4;
	s4 =	spop (v2sf)  }
0x68: {  	[tilespmem:s22], [sflag:$0x2] =	stream.linear.gather [hbm4b:s0+s2], $0x80, $0x38;
	[tilespmem:$0x18400] =	vst v63  }
0x69: {  	s0 =	sadd.s32 s3, s1;
	s1 =	sand.u32 $0x1FFFFFF0, s4;
	s4 =	spop (v2sf)  }
0x6a: {  	[tilespmem:s21], [sflag:$0x2] =	stream.linear.gather [hbm4b:s0+s2], $0x80, $0x38;
	[tilespmem:$0x18400] =	vst v63  }
0x6b: {  	s0 =	sadd.s32 s3, s1;
	s1 =	sand.u32 $0x1FFFFFF0, s4;
	s4 =	spop (v2sf)  }
0x6c: {  	[tilespmem:s20], [sflag:$0x2] =	stream.linear.gather [hbm4b:s0+s2], $0x80, $0x38;
	[tilespmem:$0x18400] =	vst v63  }
0x6d: {  	s1 =	sadd.s32 s3, s1;
	s0 =	sadd.s32 $0x1300, s15;
	s4 =	sand.u32 $0x1FFFFFF0, s4  }
0x6e: {  	[tilespmem:s0], [sflag:$0x2] =	stream.linear.gather [hbm4b:s1+s2], $0x80, $0x38;
	[tilespmem:$0x18400] =	vst v63  }
0x6f: {  	s0 =	sadd.s32 s3, s4  }
0x70: {  	[tilespmem:s19], [sflag:$0x2] =	stream.linear.gather [hbm4b:s0+s2], $0x80, $0x38;
	[tilespmem:$0x18400] =	vst v63  }
0x71: {  	v0 =	vld [tilespmem:s16+$0xFFFFFFF0];
	_ =	sdelay $0x4  }
0x72: {  	v0 =	vshll.u32 v0, $0x4  }
0x73: {  	(v2sf) =	vpush v0, $0x0  }
0x74: {  	(v2sf) =	vpush v0, $0x1  }
0x75: {  	(v2sf) =	vpush v0, $0x2;
	_ =	sdelay $0x1  }
0x76: {  	(v2sf) =	vpush v0, $0x3  }
0x77: {  	(v2sf) =	vpush v0, $0x4  }
.Ltmp0:
0x78: {  	(pc) =	sbr.rel @p0 .LBB2_2-.Ltmp0, $3  }
0x79: {  	(v2sf) =	vpush v0, $0x5;
	_ =	sdelay $0x1  }
0x7a: {  	(v2sf) =	vpush v0, $0x6  }
0x7b: {  	s15 =	sshra.s32 s18, $0x2  }
0x7c: {  	_ = 	snop  }
0x7d: {  	s0 =	sadd.s32 $0x480, s15;
	s1 =	sadd.s32 $0x500, s15  }
0x7e: {  	(v2sf) =	vpush v0, $0x7;
	s4 =	sadd.s32 $0x680, s15;
	s18 =	sadd.s32 $0x900, s15;
	s8 =	sadd.s32 $0x700, s15  }
0x7f: {  	s9 =	sadd.s32 $0x780, s15;
	s12 =	sadd.s32 $0x800, s15;
	s19 =	sadd.s32 $0x400, s15  }
0x80: {  	s20 =	sadd.s32 $0x880, s15;
	s17 =	sadd.s32 $0xA00, s15;
	(v2sf) =	vpush v0, $0x8;
	s21 =	spop (v2sf)  }
0x81: {  	s22 =	sadd.s32 $0x580, s15;
	s23 =	sadd.s32 $0x980, s15;
	s21 =	sand.u32 $0x1FFFFFF0, s21  }
0x82: {  	s24 =	sadd.s32 $0x600, s15;
	(v2sf) =	vpush v0, $0x9;
	s25 =	spop (v2sf);
	s21 =	sadd.s32 s3, s21  }
0x83: {  	[tilespmem:s19], [sflag:$0x2] =	stream.linear.gather [hbm4b:s21+s2], $0x80, $0x38;
	[tilespmem:$0x18400] =	vst v63  }
0x84: {  	s29 =	spop (v2sf);
	(v2sf) =	vpush v0, $0xA;
	s25 =	sand.u32 $0x1FFFFFF0, s25;
	s19 =	sadd.s32 $0xA80, s15  }
0x85: {  	s21 =	sand.u32 $0x1FFFFFF0, s29;
	s25 =	sadd.s32 s3, s25;
	s26 =	spop (v2sf)  }
0x86: {  	(v2sf) =	vpush v0, $0xB;
	[tilespmem:s0], [sflag:$0x2] =	stream.linear.gather [hbm4b:s25+s2], $0x80, $0x38;
	[tilespmem:$0x18400] =	vst v63  }
0x87: {  	s21 =	sadd.s32 s3, s21;
	s30 =	sand.u32 $0x1FFFFFF0, s26;
	s31 =	spop (v2sf)  }
0x88: {  	(v2sf) =	vpush v0, $0xC;
	[tilespmem:s1], [sflag:$0x2] =	stream.linear.gather [hbm4b:s21+s2], $0x80, $0x38;
	[tilespmem:$0x18400] =	vst v63  }
0x89: {  	s25 =	sand.u32 $0x1FFFFFF0, s31;
	s0 =	sadd.s32 s3, s30;
	s26 =	spop (v2sf)  }
0x8a: {  	(v2sf) =	vpush v0, $0xD;
	[tilespmem:s22], [sflag:$0x2] =	stream.linear.gather [hbm4b:s0+s2], $0x80, $0x38;
	[tilespmem:$0x18400] =	vst v63  }
0x8b: {  	s1 =	sadd.s32 s3, s25;
	s28 =	sand.u32 $0x1FFFFFF0, s26;
	s29 =	spop (v2sf)  }
0x8c: {  	(v2sf) =	vpush v0, $0xE;
	[tilespmem:s24], [sflag:$0x2] =	stream.linear.gather [hbm4b:s1+s2], $0x80, $0x38;
	[tilespmem:$0x18400] =	vst v63  }
0x8d: {  	s0 =	sadd.s32 s3, s28;
	s30 =	sand.u32 $0x1FFFFFF0, s29;
	s31 =	spop (v2sf)  }
0x8e: {  	(v2sf) =	vpush v0, $0xF;
	[tilespmem:s4], [sflag:$0x2] =	stream.linear.gather [hbm4b:s0+s2], $0x80, $0x38;
	[tilespmem:$0x18400] =	vst v63  }
0x8f: {  	s1 =	sadd.s32 s3, s30;
	s22 =	sand.u32 $0x1FFFFFF0, s31;
	s24 =	spop (v2sf)  }
0x90: {  	[tilespmem:s8], [sflag:$0x2] =	stream.linear.gather [hbm4b:s1+s2], $0x80, $0x38;
	[tilespmem:$0x18400] =	vst v63  }
0x91: {  	s25 =	sand.u32 $0x1FFFFFF0, s24;
	s0 =	sadd.s32 s3, s22;
	s26 =	spop (v2sf)  }
0x92: {  	[tilespmem:s9], [sflag:$0x2] =	stream.linear.gather [hbm4b:s0+s2], $0x80, $0x38;
	[tilespmem:$0x18400] =	vst v63  }
0x93: {  	s1 =	sadd.s32 s3, s25;
	s28 =	sand.u32 $0x1FFFFFF0, s26;
	s29 =	spop (v2sf)  }
0x94: {  	[tilespmem:s12], [sflag:$0x2] =	stream.linear.gather [hbm4b:s1+s2], $0x80, $0x38;
	[tilespmem:$0x18400] =	vst v63  }
0x95: {  	s0 =	sadd.s32 s3, s28;
	s30 =	sand.u32 $0x1FFFFFF0, s29;
	s31 =	spop (v2sf)  }
0x96: {  	[tilespmem:s20], [sflag:$0x2] =	stream.linear.gather [hbm4b:s0+s2], $0x80, $0x38;
	[tilespmem:$0x18400] =	vst v63  }
0x97: {  	s1 =	sadd.s32 s3, s30;
	s8 =	sand.u32 $0x1FFFFFF0, s31;
	s9 =	spop (v2sf)  }
0x98: {  	[tilespmem:s18], [sflag:$0x2] =	stream.linear.gather [hbm4b:s1+s2], $0x80, $0x38;
	[tilespmem:$0x18400] =	vst v63  }
0x99: {  	s12 =	sand.u32 $0x1FFFFFF0, s9;
	s0 =	sadd.s32 s3, s8;
	s18 =	spop (v2sf)  }
0x9a: {  	[tilespmem:s23], [sflag:$0x2] =	stream.linear.gather [hbm4b:s0+s2], $0x80, $0x38;
	[tilespmem:$0x18400] =	vst v63  }
0x9b: {  	s1 =	sadd.s32 s3, s12;
	s20 =	sand.u32 $0x1FFFFFF0, s18;
	s21 =	spop (v2sf)  }
0x9c: {  	[tilespmem:s17], [sflag:$0x2] =	stream.linear.gather [hbm4b:s1+s2], $0x80, $0x38;
	[tilespmem:$0x18400] =	vst v63  }
0x9d: {  	s22 =	sand.u32 $0x1FFFFFF0, s21;
	s0 =	sadd.s32 s3, s20;
	s23 =	spop (v2sf)  }
0x9e: {  	[tilespmem:s19], [sflag:$0x2] =	stream.linear.gather [hbm4b:s0+s2], $0x80, $0x38;
	[tilespmem:$0x18400] =	vst v63  }
0x9f: {  	s24 =	sadd.s32 $0xB00, s15;
	s1 =	sadd.s32 s3, s22;
	s4 =	sand.u32 $0x1FFFFFF0, s23  }
0xa0: {  	[tilespmem:s24], [sflag:$0x2] =	stream.linear.gather [hbm4b:s1+s2], $0x80, $0x38;
	[tilespmem:$0x18400] =	vst v63  }
0xa1: {  	s25 =	sadd.s32 $0xB80, s15;
	s26 =	sadd.s32 s3, s4  }
0xa2: {  	[tilespmem:s25], [sflag:$0x2] =	stream.linear.gather [hbm4b:s26+s2], $0x80, $0x38;
	[tilespmem:$0x18400] =	vst v63  }
0xa3: {  	v63 =	vld [tilespmem:s16+$0x0];
	_ =	sdelay $0x4  }
0xa4: {  	v0 =	vshll.u32 v63, $0x4  }
0xa5: {  	(v2sf) =	vpush v0, $0x0  }
0xa6: {  	(v2sf) =	vpush v0, $0x1  }
0xa7: {  	(v2sf) =	vpush v0, $0x2;
	_ =	sdelay $0x1  }
0xa8: {  	(v2sf) =	vpush v0, $0x3;
	_ =	sdelay $0x1  }
0xa9: {  	(v2sf) =	vpush v0, $0x4;
	_ =	sdelay $0x1  }
0xaa: {  	(v2sf) =	vpush v0, $0x5;
	_ =	sdelay $0x1  }
0xab: {  	(v2sf) =	vpush v0, $0x6  }
0xac: {  	s29 =	sadd.s32 $0xC00, s15;
	s8 =	sadd.s32 $0xD80, s15  }
0xad: {  	s9 =	sadd.s32 $0xE00, s15;
	s12 =	sadd.s32 $0xE80, s15;
	s18 =	sadd.s32 $0x1180, s15;
	(v2sf) =	vpush v0, $0x7  }
0xae: {  	s20 =	sadd.s32 $0x1080, s15;
	s21 =	sadd.s32 $0xC80, s15;
	s17 =	sadd.s32 $0x1200, s15  }
0xaf: {  	s22 =	sadd.s32 $0xD00, s15;
	s4 =	sadd.s32 $0x1000, s15;
	s19 =	sadd.s32 $0x1100, s15;
	(v2sf) =	vpush v0, $0x8  }
0xb0: {  	s0 =	sadd.s32 $0xF00, s15;
	s1 =	sadd.s32 $0xF80, s15;
	s28 =	spop (v2sf)  }
0xb1: {  	s16 =	sadd.s32 $0x1280, s15;
	(v2sf) =	vpush v0, $0x9;
	s23 =	sand.u32 $0x1FFFFFF0, s28;
	s30 =	spop (v2sf)  }
0xb2: {  	s23 =	sadd.s32 s3, s23;
	s25 =	sand.u32 $0x1FFFFFF0, s30;
	s31 =	spop (v2sf)  }
0xb3: {  	(v2sf) =	vpush v0, $0xA;
	[tilespmem:s29], [sflag:$0x2] =	stream.linear.gather [hbm4b:s23+s2], $0x80, $0x38;
	[tilespmem:$0x18400] =	vst v63  }
0xb4: {  	s25 =	sadd.s32 s3, s25;
	s26 =	sand.u32 $0x1FFFFFF0, s31;
	s28 =	spop (v2sf)  }
0xb5: {  	(v2sf) =	vpush v0, $0xB;
	[tilespmem:s21], [sflag:$0x2] =	stream.linear.gather [hbm4b:s25+s2], $0x80, $0x38;
	[tilespmem:$0x18400] =	vst v63  }
0xb6: {  	s29 =	sadd.s32 s3, s26;
	s30 =	sand.u32 $0x1FFFFFF0, s28;
	s31 =	spop (v2sf)  }
0xb7: {  	(v2sf) =	vpush v0, $0xC;
	[tilespmem:s22], [sflag:$0x2] =	stream.linear.gather [hbm4b:s29+s2], $0x80, $0x38;
	[tilespmem:$0x18400] =	vst v63  }
0xb8: {  	s23 =	sand.u32 $0x1FFFFFF0, s31;
	s24 =	spop (v2sf);
	s22 =	sadd.s32 s3, s30  }
0xb9: {  	(v2sf) =	vpush v0, $0xD;
	[tilespmem:s8], [sflag:$0x2] =	stream.linear.gather [hbm4b:s22+s2], $0x80, $0x38;
	[tilespmem:$0x18400] =	vst v63  }
0xba: {  	s25 =	sadd.s32 s3, s23;
	s26 =	sand.u32 $0x1FFFFFF0, s24;
	s28 =	spop (v2sf)  }
0xbb: {  	(v2sf) =	vpush v0, $0xE;
	[tilespmem:s9], [sflag:$0x2] =	stream.linear.gather [hbm4b:s25+s2], $0x80, $0x38;
	[tilespmem:$0x18400] =	vst v63  }
0xbc: {  	s29 =	sadd.s32 s3, s26;
	s30 =	sand.u32 $0x1FFFFFF0, s28;
	s31 =	spop (v2sf)  }
0xbd: {  	(v2sf) =	vpush v0, $0xF;
	[tilespmem:s12], [sflag:$0x2] =	stream.linear.gather [hbm4b:s29+s2], $0x80, $0x38;
	[tilespmem:$0x18400] =	vst v63  }
0xbe: {  	s21 =	spop (v2sf);
	s9 =	sadd.s32 s3, s30;
	s12 =	sand.u32 $0x1FFFFFF0, s31  }
0xbf: {  	[tilespmem:s0], [sflag:$0x2] =	stream.linear.gather [hbm4b:s9+s2], $0x80, $0x38;
	[tilespmem:$0x18400] =	vst v63  }
0xc0: {  	s23 =	sand.u32 $0x1FFFFFF0, s21;
	s22 =	sadd.s32 s3, s12;
	s24 =	spop (v2sf)  }
0xc1: {  	[tilespmem:s1], [sflag:$0x2] =	stream.linear.gather [hbm4b:s22+s2], $0x80, $0x38;
	[tilespmem:$0x18400] =	vst v63  }
0xc2: {  	s25 =	sadd.s32 s3, s23;
	s26 =	sand.u32 $0x1FFFFFF0, s24;
	s28 =	spop (v2sf)  }
0xc3: {  	[tilespmem:s4], [sflag:$0x2] =	stream.linear.gather [hbm4b:s25+s2], $0x80, $0x38;
	[tilespmem:$0x18400] =	vst v63  }
0xc4: {  	s29 =	sadd.s32 s3, s26;
	s30 =	sand.u32 $0x1FFFFFF0, s28;
	s31 =	spop (v2sf)  }
0xc5: {  	[tilespmem:s20], [sflag:$0x2] =	stream.linear.gather [hbm4b:s29+s2], $0x80, $0x38;
	[tilespmem:$0x18400] =	vst v63  }
0xc6: {  	s8 =	sadd.s32 s3, s30;
	s9 =	sand.u32 $0x1FFFFFF0, s31;
	s12 =	spop (v2sf)  }
0xc7: {  	[tilespmem:s19], [sflag:$0x2] =	stream.linear.gather [hbm4b:s8+s2], $0x80, $0x38;
	[tilespmem:$0x18400] =	vst v63  }
0xc8: {  	s21 =	spop (v2sf);
	s20 =	sand.u32 $0x1FFFFFF0, s12;
	s19 =	sadd.s32 s3, s9  }
0xc9: {  	[tilespmem:s18], [sflag:$0x2] =	stream.linear.gather [hbm4b:s19+s2], $0x80, $0x38;
	[tilespmem:$0x18400] =	vst v63  }
0xca: {  	s23 =	sand.u32 $0x1FFFFFF0, s21;
	s24 =	spop (v2sf);
	s22 =	sadd.s32 s3, s20  }
0xcb: {  	[tilespmem:s17], [sflag:$0x2] =	stream.linear.gather [hbm4b:s22+s2], $0x80, $0x38;
	[tilespmem:$0x18400] =	vst v63  }
0xcc: {  	s25 =	sadd.s32 s3, s23;
	s26 =	sand.u32 $0x1FFFFFF0, s24;
	s28 =	spop (v2sf)  }
0xcd: {  	[tilespmem:s16], [sflag:$0x2] =	stream.linear.gather [hbm4b:s25+s2], $0x80, $0x38;
	[tilespmem:$0x18400] =	vst v63  }
0xce: {  	s29 =	sadd.s32 $0x1300, s15;
	s1 =	sadd.s32 s3, s26;
	s4 =	sand.u32 $0x1FFFFFF0, s28  }
0xcf: {  	[tilespmem:s29], [sflag:$0x2] =	stream.linear.gather [hbm4b:s1+s2], $0x80, $0x38;
	[tilespmem:$0x18400] =	vst v63  }
0xd0: {  	s30 =	sadd.s32 $0x1380, s15;
	s31 =	sadd.s32 s3, s4  }
0xd1: {  	[tilespmem:s30], [sflag:$0x2] =	stream.linear.gather [hbm4b:s31+s2], $0x80, $0x38;
	[tilespmem:$0x18400] =	vst v63  }
0xd2: {  	_ =	swait.ge [sflag:s11], $0x10000  }
0xd3: {  	[sflag:s11] =	ssyncset.done $0x0  }
0xd4: {  	s15 =	simm.s32 $0x0;
	[sflag:s11] =	ssyncadd.s32 $0xFFFF0000  }
.LBB2_4:
0xd5: {  	s0 =	sshll.u32 s15, $0xC  }
0xd6: {  	s0 =	sand.u32 $0x3FFFF000, s0  }
0xd7: {  	v0 =	vld [tilespmem:s0+$0x400];
	_ =	sdelay $0x2  }
0xd8: {  	s1 =	sshll.u32 s15, $0xB  }
0xd9: {  	s1 =	sand.u32 $0x3FFFF800, s1  }
0xda: {  	[tilespmem:s1+$0x10400] =	vst v0  }
0xdb: {  	v0 =	vld [tilespmem:s0+$0x410];
	_ =	sdelay $0x4  }
0xdc: {  	[tilespmem:s1+$0x10410] =	vst v0  }
0xdd: {  	v0 =	vld [tilespmem:s0+$0x420];
	_ =	sdelay $0x4  }
0xde: {  	[tilespmem:s1+$0x10420] =	vst v0  }
0xdf: {  	v0 =	vld [tilespmem:s0+$0x430];
	_ =	sdelay $0x4  }
0xe0: {  	[tilespmem:s1+$0x10430] =	vst v0  }
0xe1: {  	v0 =	vld [tilespmem:s0+$0x480];
	_ =	sdelay $0x4  }
0xe2: {  	[tilespmem:s1+$0x10440] =	vst v0  }
0xe3: {  	v0 =	vld [tilespmem:s0+$0x490];
	_ =	sdelay $0x4  }
0xe4: {  	[tilespmem:s1+$0x10450] =	vst v0  }
0xe5: {  	v0 =	vld [tilespmem:s0+$0x4A0];
	_ =	sdelay $0x4  }
0xe6: {  	[tilespmem:s1+$0x10460] =	vst v0  }
0xe7: {  	v0 =	vld [tilespmem:s0+$0x4B0];
	_ =	sdelay $0x1  }
0xe8: {  	s16 =	sshll.u32 s15, $0x4  }
0xe9: {  	s21 =	sor.u32 $0x1, s16  }
0xea: {  	s4 =	sshll.u32 s21, $0x8  }
0xeb: {  	s22 =	sand.u32 $0x3FFFF100, s4;
	[tilespmem:s1+$0x10470] =	vst v0  }
0xec: {  	v0 =	vld [tilespmem:s22+$0x400];
	_ =	sdelay $0x2  }
0xed: {  	s0 =	sshll.u32 s21, $0x7  }
0xee: {  	s0 =	sand.u32 $0x3FFFF880, s0  }
0xef: {  	[tilespmem:s0+$0x10400] =	vst v0  }
0xf0: {  	v0 =	vld [tilespmem:s22+$0x410];
	_ =	sdelay $0x4  }
0xf1: {  	[tilespmem:s0+$0x10410] =	vst v0  }
0xf2: {  	v0 =	vld [tilespmem:s22+$0x420];
	_ =	sdelay $0x4  }
0xf3: {  	[tilespmem:s0+$0x10420] =	vst v0  }
0xf4: {  	v0 =	vld [tilespmem:s22+$0x430];
	_ =	sdelay $0x4  }
0xf5: {  	[tilespmem:s0+$0x10430] =	vst v0  }
0xf6: {  	v0 =	vld [tilespmem:s22+$0x480];
	_ =	sdelay $0x4  }
0xf7: {  	[tilespmem:s0+$0x10440] =	vst v0  }
0xf8: {  	v0 =	vld [tilespmem:s22+$0x490];
	_ =	sdelay $0x4  }
0xf9: {  	[tilespmem:s0+$0x10450] =	vst v0  }
0xfa: {  	v0 =	vld [tilespmem:s22+$0x4A0];
	_ =	sdelay $0x4  }
0xfb: {  	[tilespmem:s0+$0x10460] =	vst v0  }
0xfc: {  	v0 =	vld [tilespmem:s22+$0x4B0];
	_ =	sdelay $0x2  }
0xfd: {  	s23 =	sor.u32 $0x2, s16  }
0xfe: {  	s24 =	sshll.u32 s23, $0x8  }
0xff: {  	s25 =	sand.u32 $0x3FFFF200, s24;
	[tilespmem:s0+$0x10470] =	vst v0  }
0x100: {  	v0 =	vld [tilespmem:s25+$0x400];
	_ =	sdelay $0x2  }
0x101: {  	s1 =	sshll.u32 s23, $0x7  }
0x102: {  	s1 =	sand.u32 $0x3FFFF900, s1  }
0x103: {  	[tilespmem:s1+$0x10400] =	vst v0  }
0x104: {  	v0 =	vld [tilespmem:s25+$0x410];
	_ =	sdelay $0x4  }
0x105: {  	[tilespmem:s1+$0x10410] =	vst v0  }
0x106: {  	v0 =	vld [tilespmem:s25+$0x420];
	_ =	sdelay $0x4  }
0x107: {  	[tilespmem:s1+$0x10420] =	vst v0  }
0x108: {  	v0 =	vld [tilespmem:s25+$0x430];
	_ =	sdelay $0x4  }
0x109: {  	[tilespmem:s1+$0x10430] =	vst v0  }
0x10a: {  	v0 =	vld [tilespmem:s25+$0x480];
	_ =	sdelay $0x4  }
0x10b: {  	[tilespmem:s1+$0x10440] =	vst v0  }
0x10c: {  	v0 =	vld [tilespmem:s25+$0x490];
	_ =	sdelay $0x4  }
0x10d: {  	[tilespmem:s1+$0x10450] =	vst v0  }
0x10e: {  	v0 =	vld [tilespmem:s25+$0x4A0];
	_ =	sdelay $0x4  }
0x10f: {  	[tilespmem:s1+$0x10460] =	vst v0  }
0x110: {  	v0 =	vld [tilespmem:s25+$0x4B0];
	_ =	sdelay $0x2  }
0x111: {  	s26 =	sor.u32 $0x3, s16  }
0x112: {  	s28 =	sshll.u32 s26, $0x8  }
0x113: {  	s29 =	sand.u32 $0x3FFFF300, s28;
	[tilespmem:s1+$0x10470] =	vst v0  }
0x114: {  	v0 =	vld [tilespmem:s29+$0x400];
	_ =	sdelay $0x2  }
0x115: {  	s0 =	sshll.u32 s26, $0x7  }
0x116: {  	s0 =	sand.u32 $0x3FFFF980, s0  }
0x117: {  	[tilespmem:s0+$0x10400] =	vst v0  }
0x118: {  	v0 =	vld [tilespmem:s29+$0x410];
	_ =	sdelay $0x4  }
0x119: {  	[tilespmem:s0+$0x10410] =	vst v0  }
0x11a: {  	v0 =	vld [tilespmem:s29+$0x420];
	_ =	sdelay $0x4  }
0x11b: {  	[tilespmem:s0+$0x10420] =	vst v0  }
0x11c: {  	v0 =	vld [tilespmem:s29+$0x430];
	_ =	sdelay $0x4  }
0x11d: {  	[tilespmem:s0+$0x10430] =	vst v0  }
0x11e: {  	v0 =	vld [tilespmem:s29+$0x480];
	_ =	sdelay $0x4  }
0x11f: {  	[tilespmem:s0+$0x10440] =	vst v0  }
0x120: {  	v0 =	vld [tilespmem:s29+$0x490];
	_ =	sdelay $0x4  }
0x121: {  	[tilespmem:s0+$0x10450] =	vst v0  }
0x122: {  	v0 =	vld [tilespmem:s29+$0x4A0];
	_ =	sdelay $0x4  }
0x123: {  	[tilespmem:s0+$0x10460] =	vst v0  }
0x124: {  	v0 =	vld [tilespmem:s29+$0x4B0];
	_ =	sdelay $0x2  }
0x125: {  	s30 =	sor.u32 $0x4, s16  }
0x126: {  	s31 =	sshll.u32 s30, $0x8  }
0x127: {  	s8 =	sand.u32 $0x3FFFF400, s31;
	[tilespmem:s0+$0x10470] =	vst v0  }
0x128: {  	v0 =	vld [tilespmem:s8+$0x400];
	_ =	sdelay $0x2  }
0x129: {  	s1 =	sshll.u32 s30, $0x7  }
0x12a: {  	s1 =	sand.u32 $0x3FFFFA00, s1  }
0x12b: {  	[tilespmem:s1+$0x10400] =	vst v0  }
0x12c: {  	v0 =	vld [tilespmem:s8+$0x410];
	_ =	sdelay $0x4  }
0x12d: {  	[tilespmem:s1+$0x10410] =	vst v0  }
0x12e: {  	v0 =	vld [tilespmem:s8+$0x420];
	_ =	sdelay $0x4  }
0x12f: {  	[tilespmem:s1+$0x10420] =	vst v0  }
0x130: {  	v0 =	vld [tilespmem:s8+$0x430];
	_ =	sdelay $0x4  }
0x131: {  	[tilespmem:s1+$0x10430] =	vst v0  }
0x132: {  	v0 =	vld [tilespmem:s8+$0x480];
	_ =	sdelay $0x4  }
0x133: {  	[tilespmem:s1+$0x10440] =	vst v0  }
0x134: {  	v0 =	vld [tilespmem:s8+$0x490];
	_ =	sdelay $0x4  }
0x135: {  	[tilespmem:s1+$0x10450] =	vst v0  }
0x136: {  	v0 =	vld [tilespmem:s8+$0x4A0];
	_ =	sdelay $0x4  }
0x137: {  	[tilespmem:s1+$0x10460] =	vst v0  }
0x138: {  	v0 =	vld [tilespmem:s8+$0x4B0];
	_ =	sdelay $0x2  }
0x139: {  	s9 =	sor.u32 $0x5, s16  }
0x13a: {  	s12 =	sshll.u32 s9, $0x8  }
0x13b: {  	s17 =	sand.u32 $0x3FFFF500, s12;
	[tilespmem:s1+$0x10470] =	vst v0  }
0x13c: {  	v0 =	vld [tilespmem:s17+$0x400];
	_ =	sdelay $0x2  }
0x13d: {  	s0 =	sshll.u32 s9, $0x7  }
0x13e: {  	s0 =	sand.u32 $0x3FFFFA80, s0  }
0x13f: {  	[tilespmem:s0+$0x10400] =	vst v0  }
0x140: {  	v0 =	vld [tilespmem:s17+$0x410];
	_ =	sdelay $0x4  }
0x141: {  	[tilespmem:s0+$0x10410] =	vst v0  }
0x142: {  	v0 =	vld [tilespmem:s17+$0x420];
	_ =	sdelay $0x4  }
0x143: {  	[tilespmem:s0+$0x10420] =	vst v0  }
0x144: {  	v0 =	vld [tilespmem:s17+$0x430];
	_ =	sdelay $0x4  }
0x145: {  	[tilespmem:s0+$0x10430] =	vst v0  }
0x146: {  	v0 =	vld [tilespmem:s17+$0x480];
	_ =	sdelay $0x4  }
0x147: {  	[tilespmem:s0+$0x10440] =	vst v0  }
0x148: {  	v0 =	vld [tilespmem:s17+$0x490];
	_ =	sdelay $0x4  }
0x149: {  	[tilespmem:s0+$0x10450] =	vst v0  }
0x14a: {  	v0 =	vld [tilespmem:s17+$0x4A0];
	_ =	sdelay $0x4  }
0x14b: {  	[tilespmem:s0+$0x10460] =	vst v0  }
0x14c: {  	v0 =	vld [tilespmem:s17+$0x4B0];
	_ =	sdelay $0x2  }
0x14d: {  	s18 =	sor.u32 $0x6, s16  }
0x14e: {  	s19 =	sshll.u32 s18, $0x8  }
0x14f: {  	s20 =	sand.u32 $0x3FFFF600, s19;
	[tilespmem:s0+$0x10470] =	vst v0  }
0x150: {  	v0 =	vld [tilespmem:s20+$0x400];
	_ =	sdelay $0x2  }
0x151: {  	s1 =	sshll.u32 s18, $0x7  }
0x152: {  	s1 =	sand.u32 $0x3FFFFB00, s1  }
0x153: {  	[tilespmem:s1+$0x10400] =	vst v0  }
0x154: {  	v0 =	vld [tilespmem:s20+$0x410];
	_ =	sdelay $0x4  }
0x155: {  	[tilespmem:s1+$0x10410] =	vst v0  }
0x156: {  	v0 =	vld [tilespmem:s20+$0x420];
	_ =	sdelay $0x4  }
0x157: {  	[tilespmem:s1+$0x10420] =	vst v0  }
0x158: {  	v0 =	vld [tilespmem:s20+$0x430];
	_ =	sdelay $0x4  }
0x159: {  	[tilespmem:s1+$0x10430] =	vst v0  }
0x15a: {  	v0 =	vld [tilespmem:s20+$0x480];
	_ =	sdelay $0x4  }
0x15b: {  	[tilespmem:s1+$0x10440] =	vst v0  }
0x15c: {  	v0 =	vld [tilespmem:s20+$0x490];
	_ =	sdelay $0x4  }
0x15d: {  	[tilespmem:s1+$0x10450] =	vst v0  }
0x15e: {  	v0 =	vld [tilespmem:s20+$0x4A0];
	_ =	sdelay $0x4  }
0x15f: {  	[tilespmem:s1+$0x10460] =	vst v0  }
0x160: {  	v0 =	vld [tilespmem:s20+$0x4B0];
	_ =	sdelay $0x2  }
0x161: {  	s21 =	sor.u32 $0x7, s16  }
0x162: {  	s22 =	sshll.u32 s21, $0x8  }
0x163: {  	s23 =	sand.u32 $0x3FFFF700, s22;
	[tilespmem:s1+$0x10470] =	vst v0  }
0x164: {  	v0 =	vld [tilespmem:s23+$0x400];
	_ =	sdelay $0x2  }
0x165: {  	s0 =	sshll.u32 s21, $0x7  }
0x166: {  	s0 =	sand.u32 $0x3FFFFB80, s0  }
0x167: {  	[tilespmem:s0+$0x10400] =	vst v0  }
0x168: {  	v0 =	vld [tilespmem:s23+$0x410];
	_ =	sdelay $0x4  }
0x169: {  	[tilespmem:s0+$0x10410] =	vst v0  }
0x16a: {  	v0 =	vld [tilespmem:s23+$0x420];
	_ =	sdelay $0x4  }
0x16b: {  	[tilespmem:s0+$0x10420] =	vst v0  }
0x16c: {  	v0 =	vld [tilespmem:s23+$0x430];
	_ =	sdelay $0x4  }
0x16d: {  	[tilespmem:s0+$0x10430] =	vst v0  }
0x16e: {  	v0 =	vld [tilespmem:s23+$0x480];
	_ =	sdelay $0x4  }
0x16f: {  	[tilespmem:s0+$0x10440] =	vst v0  }
0x170: {  	v0 =	vld [tilespmem:s23+$0x490];
	_ =	sdelay $0x4  }
0x171: {  	[tilespmem:s0+$0x10450] =	vst v0  }
0x172: {  	v0 =	vld [tilespmem:s23+$0x4A0];
	_ =	sdelay $0x4  }
0x173: {  	[tilespmem:s0+$0x10460] =	vst v0  }
0x174: {  	v0 =	vld [tilespmem:s23+$0x4B0];
	_ =	sdelay $0x2  }
0x175: {  	s24 =	sor.u32 $0x8, s16  }
0x176: {  	s25 =	sshll.u32 s24, $0x8  }
0x177: {  	s26 =	sand.u32 $0x3FFFF800, s25;
	[tilespmem:s0+$0x10470] =	vst v0  }
0x178: {  	v0 =	vld [tilespmem:s26+$0x400];
	_ =	sdelay $0x2  }
0x179: {  	s1 =	sshll.u32 s24, $0x7  }
0x17a: {  	s1 =	sand.u32 $0x3FFFFC00, s1  }
0x17b: {  	[tilespmem:s1+$0x10400] =	vst v0  }
0x17c: {  	v0 =	vld [tilespmem:s26+$0x410];
	_ =	sdelay $0x4  }
0x17d: {  	[tilespmem:s1+$0x10410] =	vst v0  }
0x17e: {  	v0 =	vld [tilespmem:s26+$0x420];
	_ =	sdelay $0x4  }
0x17f: {  	[tilespmem:s1+$0x10420] =	vst v0  }
0x180: {  	v0 =	vld [tilespmem:s26+$0x430];
	_ =	sdelay $0x4  }
0x181: {  	[tilespmem:s1+$0x10430] =	vst v0  }
0x182: {  	v0 =	vld [tilespmem:s26+$0x480];
	_ =	sdelay $0x4  }
0x183: {  	[tilespmem:s1+$0x10440] =	vst v0  }
0x184: {  	v0 =	vld [tilespmem:s26+$0x490];
	_ =	sdelay $0x4  }
0x185: {  	[tilespmem:s1+$0x10450] =	vst v0  }
0x186: {  	v0 =	vld [tilespmem:s26+$0x4A0];
	_ =	sdelay $0x4  }
0x187: {  	[tilespmem:s1+$0x10460] =	vst v0  }
0x188: {  	v0 =	vld [tilespmem:s26+$0x4B0];
	_ =	sdelay $0x2  }
0x189: {  	s28 =	sor.u32 $0x9, s16  }
0x18a: {  	s29 =	sshll.u32 s28, $0x8  }
0x18b: {  	s30 =	sand.u32 $0x3FFFF900, s29;
	[tilespmem:s1+$0x10470] =	vst v0  }
0x18c: {  	v0 =	vld [tilespmem:s30+$0x400];
	_ =	sdelay $0x2  }
0x18d: {  	s0 =	sshll.u32 s28, $0x7  }
0x18e: {  	s0 =	sand.u32 $0x3FFFFC80, s0  }
0x18f: {  	[tilespmem:s0+$0x10400] =	vst v0  }
0x190: {  	v0 =	vld [tilespmem:s30+$0x410];
	_ =	sdelay $0x4  }
0x191: {  	[tilespmem:s0+$0x10410] =	vst v0  }
0x192: {  	v0 =	vld [tilespmem:s30+$0x420];
	_ =	sdelay $0x4  }
0x193: {  	[tilespmem:s0+$0x10420] =	vst v0  }
0x194: {  	v0 =	vld [tilespmem:s30+$0x430];
	_ =	sdelay $0x4  }
0x195: {  	[tilespmem:s0+$0x10430] =	vst v0  }
0x196: {  	v0 =	vld [tilespmem:s30+$0x480];
	_ =	sdelay $0x4  }
0x197: {  	[tilespmem:s0+$0x10440] =	vst v0  }
0x198: {  	v0 =	vld [tilespmem:s30+$0x490];
	_ =	sdelay $0x4  }
0x199: {  	[tilespmem:s0+$0x10450] =	vst v0  }
0x19a: {  	v0 =	vld [tilespmem:s30+$0x4A0];
	_ =	sdelay $0x4  }
0x19b: {  	[tilespmem:s0+$0x10460] =	vst v0  }
0x19c: {  	v0 =	vld [tilespmem:s30+$0x4B0];
	_ =	sdelay $0x2  }
0x19d: {  	s31 =	sor.u32 $0xA, s16  }
0x19e: {  	s8 =	sshll.u32 s31, $0x8  }
0x19f: {  	s9 =	sand.u32 $0x3FFFFA00, s8;
	[tilespmem:s0+$0x10470] =	vst v0  }
0x1a0: {  	v0 =	vld [tilespmem:s9+$0x400];
	_ =	sdelay $0x2  }
0x1a1: {  	s1 =	sshll.u32 s31, $0x7  }
0x1a2: {  	s1 =	sand.u32 $0x3FFFFD00, s1  }
0x1a3: {  	[tilespmem:s1+$0x10400] =	vst v0  }
0x1a4: {  	v0 =	vld [tilespmem:s9+$0x410];
	_ =	sdelay $0x4  }
0x1a5: {  	[tilespmem:s1+$0x10410] =	vst v0  }
0x1a6: {  	v0 =	vld [tilespmem:s9+$0x420];
	_ =	sdelay $0x4  }
0x1a7: {  	[tilespmem:s1+$0x10420] =	vst v0  }
0x1a8: {  	v0 =	vld [tilespmem:s9+$0x430];
	_ =	sdelay $0x4  }
0x1a9: {  	[tilespmem:s1+$0x10430] =	vst v0  }
0x1aa: {  	v0 =	vld [tilespmem:s9+$0x480];
	_ =	sdelay $0x4  }
0x1ab: {  	[tilespmem:s1+$0x10440] =	vst v0  }
0x1ac: {  	v0 =	vld [tilespmem:s9+$0x490];
	_ =	sdelay $0x4  }
0x1ad: {  	[tilespmem:s1+$0x10450] =	vst v0  }
0x1ae: {  	v0 =	vld [tilespmem:s9+$0x4A0];
	_ =	sdelay $0x4  }
0x1af: {  	[tilespmem:s1+$0x10460] =	vst v0  }
0x1b0: {  	v0 =	vld [tilespmem:s9+$0x4B0];
	_ =	sdelay $0x2  }
0x1b1: {  	s12 =	sor.u32 $0xB, s16  }
0x1b2: {  	s17 =	sshll.u32 s12, $0x8  }
0x1b3: {  	s18 =	sand.u32 $0x3FFFFB00, s17;
	[tilespmem:s1+$0x10470] =	vst v0  }
0x1b4: {  	v0 =	vld [tilespmem:s18+$0x400];
	_ =	sdelay $0x2  }
0x1b5: {  	s0 =	sshll.u32 s12, $0x7  }
0x1b6: {  	s0 =	sand.u32 $0x3FFFFD80, s0  }
0x1b7: {  	[tilespmem:s0+$0x10400] =	vst v0  }
0x1b8: {  	v0 =	vld [tilespmem:s18+$0x410];
	_ =	sdelay $0x4  }
0x1b9: {  	[tilespmem:s0+$0x10410] =	vst v0  }
0x1ba: {  	v0 =	vld [tilespmem:s18+$0x420];
	_ =	sdelay $0x4  }
0x1bb: {  	[tilespmem:s0+$0x10420] =	vst v0  }
0x1bc: {  	v0 =	vld [tilespmem:s18+$0x430];
	_ =	sdelay $0x4  }
0x1bd: {  	[tilespmem:s0+$0x10430] =	vst v0  }
0x1be: {  	v0 =	vld [tilespmem:s18+$0x480];
	_ =	sdelay $0x4  }
0x1bf: {  	[tilespmem:s0+$0x10440] =	vst v0  }
0x1c0: {  	v0 =	vld [tilespmem:s18+$0x490];
	_ =	sdelay $0x4  }
0x1c1: {  	[tilespmem:s0+$0x10450] =	vst v0  }
0x1c2: {  	v0 =	vld [tilespmem:s18+$0x4A0];
	_ =	sdelay $0x4  }
0x1c3: {  	[tilespmem:s0+$0x10460] =	vst v0  }
0x1c4: {  	v0 =	vld [tilespmem:s18+$0x4B0];
	_ =	sdelay $0x2  }
0x1c5: {  	s19 =	sor.u32 $0xC, s16  }
0x1c6: {  	s20 =	sshll.u32 s19, $0x8  }
0x1c7: {  	s21 =	sand.u32 $0x3FFFFC00, s20;
	[tilespmem:s0+$0x10470] =	vst v0  }
0x1c8: {  	v0 =	vld [tilespmem:s21+$0x400];
	_ =	sdelay $0x2  }
0x1c9: {  	s1 =	sshll.u32 s19, $0x7  }
0x1ca: {  	s1 =	sand.u32 $0x3FFFFE00, s1  }
0x1cb: {  	[tilespmem:s1+$0x10400] =	vst v0  }
0x1cc: {  	v0 =	vld [tilespmem:s21+$0x410];
	_ =	sdelay $0x4  }
0x1cd: {  	[tilespmem:s1+$0x10410] =	vst v0  }
0x1ce: {  	v0 =	vld [tilespmem:s21+$0x420];
	_ =	sdelay $0x4  }
0x1cf: {  	[tilespmem:s1+$0x10420] =	vst v0  }
0x1d0: {  	v0 =	vld [tilespmem:s21+$0x430];
	_ =	sdelay $0x4  }
0x1d1: {  	[tilespmem:s1+$0x10430] =	vst v0  }
0x1d2: {  	v0 =	vld [tilespmem:s21+$0x480];
	_ =	sdelay $0x4  }
0x1d3: {  	[tilespmem:s1+$0x10440] =	vst v0  }
0x1d4: {  	v0 =	vld [tilespmem:s21+$0x490];
	_ =	sdelay $0x4  }
0x1d5: {  	[tilespmem:s1+$0x10450] =	vst v0  }
0x1d6: {  	v0 =	vld [tilespmem:s21+$0x4A0];
	_ =	sdelay $0x4  }
0x1d7: {  	[tilespmem:s1+$0x10460] =	vst v0  }
0x1d8: {  	v0 =	vld [tilespmem:s21+$0x4B0];
	_ =	sdelay $0x2  }
0x1d9: {  	s22 =	sor.u32 $0xD, s16  }
0x1da: {  	s23 =	sshll.u32 s22, $0x8  }
0x1db: {  	s24 =	sand.u32 $0x3FFFFD00, s23;
	[tilespmem:s1+$0x10470] =	vst v0  }
0x1dc: {  	v0 =	vld [tilespmem:s24+$0x400];
	_ =	sdelay $0x2  }
0x1dd: {  	s0 =	sshll.u32 s22, $0x7  }
0x1de: {  	s0 =	sand.u32 $0x3FFFFE80, s0  }
0x1df: {  	[tilespmem:s0+$0x10400] =	vst v0  }
0x1e0: {  	v0 =	vld [tilespmem:s24+$0x410];
	_ =	sdelay $0x4  }
0x1e1: {  	[tilespmem:s0+$0x10410] =	vst v0  }
0x1e2: {  	v0 =	vld [tilespmem:s24+$0x420];
	_ =	sdelay $0x4  }
0x1e3: {  	[tilespmem:s0+$0x10420] =	vst v0  }
0x1e4: {  	v0 =	vld [tilespmem:s24+$0x430];
	_ =	sdelay $0x4  }
0x1e5: {  	[tilespmem:s0+$0x10430] =	vst v0  }
0x1e6: {  	v0 =	vld [tilespmem:s24+$0x480];
	_ =	sdelay $0x4  }
0x1e7: {  	[tilespmem:s0+$0x10440] =	vst v0  }
0x1e8: {  	v0 =	vld [tilespmem:s24+$0x490];
	_ =	sdelay $0x4  }
0x1e9: {  	[tilespmem:s0+$0x10450] =	vst v0  }
0x1ea: {  	v0 =	vld [tilespmem:s24+$0x4A0];
	_ =	sdelay $0x4  }
0x1eb: {  	[tilespmem:s0+$0x10460] =	vst v0  }
0x1ec: {  	v0 =	vld [tilespmem:s24+$0x4B0];
	_ =	sdelay $0x2  }
0x1ed: {  	s25 =	sor.u32 $0xE, s16  }
0x1ee: {  	s26 =	sshll.u32 s25, $0x8  }
0x1ef: {  	s28 =	sand.u32 $0x3FFFFE00, s26;
	[tilespmem:s0+$0x10470] =	vst v0  }
0x1f0: {  	v0 =	vld [tilespmem:s28+$0x400];
	_ =	sdelay $0x2  }
0x1f1: {  	s1 =	sshll.u32 s25, $0x7  }
0x1f2: {  	s1 =	sand.u32 $0x3FFFFF00, s1  }
0x1f3: {  	[tilespmem:s1+$0x10400] =	vst v0  }
0x1f4: {  	v0 =	vld [tilespmem:s28+$0x410];
	_ =	sdelay $0x4  }
0x1f5: {  	[tilespmem:s1+$0x10410] =	vst v0  }
0x1f6: {  	v0 =	vld [tilespmem:s28+$0x420];
	_ =	sdelay $0x4  }
0x1f7: {  	[tilespmem:s1+$0x10420] =	vst v0  }
0x1f8: {  	v0 =	vld [tilespmem:s28+$0x430];
	_ =	sdelay $0x4  }
0x1f9: {  	[tilespmem:s1+$0x10430] =	vst v0  }
0x1fa: {  	v0 =	vld [tilespmem:s28+$0x480];
	_ =	sdelay $0x4  }
0x1fb: {  	[tilespmem:s1+$0x10440] =	vst v0  }
0x1fc: {  	v0 =	vld [tilespmem:s28+$0x490];
	_ =	sdelay $0x4  }
0x1fd: {  	[tilespmem:s1+$0x10450] =	vst v0  }
0x1fe: {  	v0 =	vld [tilespmem:s28+$0x4A0];
	_ =	sdelay $0x4  }
0x1ff: {  	[tilespmem:s1+$0x10460] =	vst v0  }
0x200: {  	v0 =	vld [tilespmem:s28+$0x4B0];
	_ =	sdelay $0x2  }
0x201: {  	s29 =	sshllo.u32 s15, $0x4  }
0x202: {  	s30 =	sshll.u32 s29, $0x8  }
0x203: {  	s31 =	sand.u32 $0x3FFFFF00, s30;
	[tilespmem:s1+$0x10470] =	vst v0  }
0x204: {  	v0 =	vld [tilespmem:s31+$0x400];
	_ =	sdelay $0x2  }
0x205: {  	s0 =	sshll.u32 s29, $0x7  }
0x206: {  	s0 =	sand.u32 $0x3FFFFF80, s0  }
0x207: {  	[tilespmem:s0+$0x10400] =	vst v0  }
0x208: {  	v0 =	vld [tilespmem:s31+$0x410];
	_ =	sdelay $0x4  }
0x209: {  	[tilespmem:s0+$0x10410] =	vst v0  }
0x20a: {  	v0 =	vld [tilespmem:s31+$0x420];
	_ =	sdelay $0x4  }
0x20b: {  	[tilespmem:s0+$0x10420] =	vst v0  }
0x20c: {  	v0 =	vld [tilespmem:s31+$0x430];
	_ =	sdelay $0x4  }
0x20d: {  	[tilespmem:s0+$0x10430] =	vst v0  }
0x20e: {  	v0 =	vld [tilespmem:s31+$0x480];
	_ =	sdelay $0x4  }
0x20f: {  	[tilespmem:s0+$0x10440] =	vst v0  }
0x210: {  	v0 =	vld [tilespmem:s31+$0x490];
	_ =	sdelay $0x4  }
0x211: {  	[tilespmem:s0+$0x10450] =	vst v0  }
0x212: {  	v0 =	vld [tilespmem:s31+$0x4A0];
	_ =	sdelay $0x4  }
0x213: {  	[tilespmem:s0+$0x10460] =	vst v0  }
0x214: {  	p0 =	sne.s32 s15, $0xF;
	v0 =	vld [tilespmem:s31+$0x4B0]  }
.Ltmp1:
0x215: {  	_ = 	snop;
	(pc) =	sbr.rel @p0 .LBB2_4-.Ltmp1, $2  }
0x216: {  	_ =	sdelay $0x2  }
0x217: {  	s15 =	sadd.s32 $0x1, s15;
	[tilespmem:s0+$0x10470] =	vst v0  }
0x218: {  	s0 =	simm.s32 $0x0;
	s1 =	simm.s32 $0x10400  }
0x219: {  	[hbm4b:s5+s0] =	stream.linear.scatter [tilespmem:s1], [sflag:$0x3], $0x8000, $0x38;
	[tilespmem:$0x18400] =	vst v63  }
0x21a: {  	s0 =	sand.u32 $0x1E0, s0  }
0x21b: {  	v0 =	vld [tilespmem:s0+$0x200];
	_ =	sdelay $0x4  }
0x21c: {  	v0 =	vshll.u32 v0, $0x4  }
0x21d: {  	(v2sf) =	vpush v0, $0x0  }
0x21e: {  	(v2sf) =	vpush v0, $0x1  }
0x21f: {  	(v2sf) =	vpush v0, $0x2;
	_ =	sdelay $0x1  }
0x220: {  	(v2sf) =	vpush v0, $0x4;
	_ =	sdelay $0x1  }
0x221: {  	(v2sf) =	vpush v0, $0x3  }
0x222: {  	s16 =	simm.s32 $0x210;
	(v2sf) =	vpush v0, $0x5  }
0x223: {  	s17 =	simm.s32 $0x4000;
	s15 =	simm.s32 $0x0;
	s18 =	simm.s32 $0x20;
	(v2sf) =	vpush v0, $0x6  }
.LBB2_6:
0x224: {  	p0 =	sne.s32 s17, $0x3C000  }
0x225: {  	s0 =	sadd.s32 $0x480, s15;
	s22 =	sadd.s32 $0x980, s15;
	s19 =	smov.u32 s17  }
0x226: {  	s17 =	sadd.s32 $0x4000, s17;
	s25 =	sadd.s32 $0x780, s15;
	s20 =	sadd.s32 $0xA00, s15;
	(v2sf) =	vpush v0, $0x7  }
0x227: {  	s28 =	sadd.s32 $0x680, s15;
	s24 =	sadd.s32 $0x800, s15;
	s21 =	sadd.s32 $0xA80, s15  }
0x228: {  	s1 =	sadd.s32 $0x400, s15;
	s4 =	sadd.s32 $0x600, s15;
	(v2sf) =	vpush v0, $0x8  }
0x229: {  	s8 =	sadd.s32 $0x700, s15  }
0x22a: {  	s9 =	sadd.s32 $0x500, s15;
	s23 =	sadd.s32 $0x900, s15;
	s12 =	spop (v2sf);
	(v2sf) =	vpush v0, $0x9  }
0x22b: {  	s26 =	sadd.s32 $0x880, s15;
	s12 =	sand.u32 $0x1FFFFFF0, s12;
	s29 =	spop (v2sf)  }
0x22c: {  	s12 =	sadd.s32 s3, s12;
	s29 =	sand.u32 $0x1FFFFFF0, s29;
	s30 =	spop (v2sf);
	(v2sf) =	vpush v0, $0xA  }
0x22d: {  	[tilespmem:s1], [sflag:$0x2] =	stream.linear.gather [hbm4b:s12+s2], $0x80, $0x38;
	[tilespmem:$0x18400] =	vst v63  }
0x22e: {  	s1 =	sadd.s32 s3, s29;
	s12 =	sadd.s32 $0x580, s15;
	s29 =	spop (v2sf);
	(v2sf) =	vpush v0, $0xB  }
0x22f: {  	[tilespmem:s0], [sflag:$0x2] =	stream.linear.gather [hbm4b:s1+s2], $0x80, $0x38;
	[tilespmem:$0x18400] =	vst v63  }
0x230: {  	s0 =	sand.u32 $0x1FFFFFF0, s30;
	s1 =	sand.u32 $0x1FFFFFF0, s29;
	s29 =	spop (v2sf);
	(v2sf) =	vpush v0, $0xC  }
0x231: {  	s0 =	sadd.s32 s3, s0;
	s29 =	sand.u32 $0x1FFFFFF0, s29;
	s30 =	spop (v2sf)  }
0x232: {  	[tilespmem:s9], [sflag:$0x2] =	stream.linear.gather [hbm4b:s0+s2], $0x80, $0x38;
	(v2sf) =	vpush v0, $0xD;
	[tilespmem:$0x18400] =	vst v63  }
0x233: {  	s0 =	sadd.s32 s3, s29;
	s9 =	sand.u32 $0x1FFFFFF0, s30;
	s29 =	spop (v2sf)  }
0x234: {  	[tilespmem:s12], [sflag:$0x2] =	stream.linear.gather [hbm4b:s0+s2], $0x80, $0x38;
	(v2sf) =	vpush v0, $0xE;
	[tilespmem:$0x18400] =	vst v63  }
0x235: {  	s0 =	sadd.s32 s3, s1;
	s1 =	sand.u32 $0x1FFFFFF0, s29;
	s12 =	spop (v2sf)  }
0x236: {  	[tilespmem:s4], [sflag:$0x2] =	stream.linear.gather [hbm4b:s0+s2], $0x80, $0x38;
	(v2sf) =	vpush v0, $0xF;
	[tilespmem:$0x18400] =	vst v63  }
0x237: {  	s0 =	sadd.s32 s3, s9;
	s4 =	sand.u32 $0x1FFFFFF0, s12;
	s9 =	spop (v2sf)  }
0x238: {  	[tilespmem:s28], [sflag:$0x2] =	stream.linear.gather [hbm4b:s0+s2], $0x80, $0x38;
	[tilespmem:$0x18400] =	vst v63  }
0x239: {  	s0 =	sadd.s32 s3, s1;
	s1 =	sand.u32 $0x1FFFFFF0, s9;
	s9 =	spop (v2sf)  }
0x23a: {  	[tilespmem:s8], [sflag:$0x2] =	stream.linear.gather [hbm4b:s0+s2], $0x80, $0x38;
	[tilespmem:$0x18400] =	vst v63  }
0x23b: {  	s0 =	sadd.s32 s3, s4;
	s4 =	sand.u32 $0x1FFFFFF0, s9;
	s8 =	spop (v2sf)  }
0x23c: {  	[tilespmem:s25], [sflag:$0x2] =	stream.linear.gather [hbm4b:s0+s2], $0x80, $0x38;
	[tilespmem:$0x18400] =	vst v63  }
0x23d: {  	s0 =	sadd.s32 s3, s1;
	s1 =	sand.u32 $0x1FFFFFF0, s8;
	s8 =	spop (v2sf)  }
0x23e: {  	[tilespmem:s24], [sflag:$0x2] =	stream.linear.gather [hbm4b:s0+s2], $0x80, $0x38;
	[tilespmem:$0x18400] =	vst v63  }
0x23f: {  	s0 =	sadd.s32 s3, s4;
	s4 =	sand.u32 $0x1FFFFFF0, s8;
	s8 =	spop (v2sf)  }
0x240: {  	[tilespmem:s26], [sflag:$0x2] =	stream.linear.gather [hbm4b:s0+s2], $0x80, $0x38;
	[tilespmem:$0x18400] =	vst v63  }
0x241: {  	s0 =	sadd.s32 s3, s1;
	s1 =	sand.u32 $0x1FFFFFF0, s8;
	s8 =	spop (v2sf)  }
0x242: {  	[tilespmem:s23], [sflag:$0x2] =	stream.linear.gather [hbm4b:s0+s2], $0x80, $0x38;
	[tilespmem:$0x18400] =	vst v63  }
0x243: {  	s0 =	sadd.s32 s3, s4;
	s4 =	sand.u32 $0x1FFFFFF0, s8;
	s8 =	spop (v2sf)  }
0x244: {  	[tilespmem:s22], [sflag:$0x2] =	stream.linear.gather [hbm4b:s0+s2], $0x80, $0x38;
	[tilespmem:$0x18400] =	vst v63  }
0x245: {  	s0 =	sadd.s32 s3, s1;
	s1 =	sand.u32 $0x1FFFFFF0, s8;
	s8 =	spop (v2sf)  }
0x246: {  	[tilespmem:s20], [sflag:$0x2] =	stream.linear.gather [hbm4b:s0+s2], $0x80, $0x38;
	[tilespmem:$0x18400] =	vst v63  }
0x247: {  	s0 =	sadd.s32 s3, s4;
	s4 =	sand.u32 $0x1FFFFFF0, s8  }
0x248: {  	[tilespmem:s21], [sflag:$0x2] =	stream.linear.gather [hbm4b:s0+s2], $0x80, $0x38;
	[tilespmem:$0x18400] =	vst v63  }
0x249: {  	s1 =	sadd.s32 s3, s1;
	s0 =	sadd.s32 $0xB00, s15  }
0x24a: {  	[tilespmem:s0], [sflag:$0x2] =	stream.linear.gather [hbm4b:s1+s2], $0x80, $0x38;
	[tilespmem:$0x18400] =	vst v63  }
0x24b: {  	s0 =	sadd.s32 $0xB80, s15;
	s1 =	sadd.s32 s3, s4  }
0x24c: {  	[tilespmem:s0], [sflag:$0x2] =	stream.linear.gather [hbm4b:s1+s2], $0x80, $0x38;
	[tilespmem:$0x18400] =	vst v63  }
0x24d: {  	v0 =	vld [tilespmem:s16+$0x0];
	_ =	sdelay $0x4  }
0x24e: {  	v0 =	vshll.u32 v0, $0x4  }
0x24f: {  	(v2sf) =	vpush v0, $0x0  }
0x250: {  	(v2sf) =	vpush v0, $0x1  }
0x251: {  	(v2sf) =	vpush v0, $0x2;
	_ =	sdelay $0x1  }
0x252: {  	(v2sf) =	vpush v0, $0x3;
	_ =	sdelay $0x1  }
0x253: {  	(v2sf) =	vpush v0, $0x4;
	_ =	sdelay $0x1  }
0x254: {  	(v2sf) =	vpush v0, $0x5;
	_ =	sdelay $0x1  }
0x255: {  	(v2sf) =	vpush v0, $0x6  }
0x256: {  	s20 =	sadd.s32 $0x1280, s15;
	s21 =	sadd.s32 $0x1200, s15;
	s16 =	sadd.s32 $0x20, s16  }
0x257: {  	s24 =	sadd.s32 $0x1080, s15;
	s23 =	sadd.s32 $0x1100, s15;
	s22 =	sadd.s32 $0x1180, s15;
	(v2sf) =	vpush v0, $0x7  }
0x258: {  	s28 =	sadd.s32 $0xF00, s15;
	s25 =	sadd.s32 $0x1000, s15;
	s26 =	sadd.s32 $0xF80, s15  }
0x259: {  	s4 =	sadd.s32 $0xE80, s15;
	s0 =	sadd.s32 $0xD80, s15;
	s1 =	sadd.s32 $0xE00, s15;
	(v2sf) =	vpush v0, $0x8  }
0x25a: {  	s9 =	sadd.s32 $0xD00, s15;
	s8 =	sadd.s32 $0xC80, s15;
	s12 =	spop (v2sf)  }
0x25b: {  	s29 =	sadd.s32 $0xC00, s15;
	s12 =	sand.u32 $0x1FFFFFF0, s12;
	s30 =	spop (v2sf);
	(v2sf) =	vpush v0, $0x9  }
0x25c: {  	s12 =	sadd.s32 s3, s12;
	s30 =	sand.u32 $0x1FFFFFF0, s30;
	s31 =	spop (v2sf)  }
0x25d: {  	[tilespmem:s29], [sflag:$0x2] =	stream.linear.gather [hbm4b:s12+s2], $0x80, $0x38;
	(v2sf) =	vpush v0, $0xA;
	[tilespmem:$0x18400] =	vst v63  }
0x25e: {  	s12 =	sadd.s32 s3, s30;
	s29 =	sand.u32 $0x1FFFFFF0, s31;
	s30 =	spop (v2sf)  }
0x25f: {  	[tilespmem:s8], [sflag:$0x2] =	stream.linear.gather [hbm4b:s12+s2], $0x80, $0x38;
	(v2sf) =	vpush v0, $0xB;
	[tilespmem:$0x18400] =	vst v63  }
0x260: {  	s8 =	sadd.s32 s3, s29;
	s12 =	sand.u32 $0x1FFFFFF0, s30;
	s29 =	spop (v2sf)  }
0x261: {  	[tilespmem:s9], [sflag:$0x2] =	stream.linear.gather [hbm4b:s8+s2], $0x80, $0x38;
	(v2sf) =	vpush v0, $0xC;
	[tilespmem:$0x18400] =	vst v63  }
0x262: {  	s8 =	sadd.s32 s3, s12;
	s9 =	sand.u32 $0x1FFFFFF0, s29;
	s12 =	spop (v2sf)  }
0x263: {  	[tilespmem:s0], [sflag:$0x2] =	stream.linear.gather [hbm4b:s8+s2], $0x80, $0x38;
	(v2sf) =	vpush v0, $0xD;
	[tilespmem:$0x18400] =	vst v63  }
0x264: {  	s0 =	sadd.s32 s3, s9;
	s8 =	sand.u32 $0x1FFFFFF0, s12;
	s9 =	spop (v2sf)  }
0x265: {  	[tilespmem:s1], [sflag:$0x2] =	stream.linear.gather [hbm4b:s0+s2], $0x80, $0x38;
	(v2sf) =	vpush v0, $0xE;
	[tilespmem:$0x18400] =	vst v63  }
0x266: {  	s0 =	sadd.s32 s3, s8;
	s1 =	sand.u32 $0x1FFFFFF0, s9;
	s8 =	spop (v2sf)  }
0x267: {  	[tilespmem:s4], [sflag:$0x2] =	stream.linear.gather [hbm4b:s0+s2], $0x80, $0x38;
	(v2sf) =	vpush v0, $0xF;
	[tilespmem:$0x18400] =	vst v63  }
0x268: {  	s0 =	sadd.s32 s3, s1;
	s1 =	sand.u32 $0x1FFFFFF0, s8;
	s4 =	spop (v2sf)  }
0x269: {  	[tilespmem:s28], [sflag:$0x2] =	stream.linear.gather [hbm4b:s0+s2], $0x80, $0x38;
	[tilespmem:$0x18400] =	vst v63  }
0x26a: {  	s0 =	sadd.s32 s3, s1;
	s1 =	sand.u32 $0x1FFFFFF0, s4;
	s4 =	spop (v2sf)  }
0x26b: {  	[tilespmem:s26], [sflag:$0x2] =	stream.linear.gather [hbm4b:s0+s2], $0x80, $0x38;
	[tilespmem:$0x18400] =	vst v63  }
0x26c: {  	s0 =	sadd.s32 s3, s1;
	s1 =	sand.u32 $0x1FFFFFF0, s4;
	s4 =	spop (v2sf)  }
0x26d: {  	[tilespmem:s25], [sflag:$0x2] =	stream.linear.gather [hbm4b:s0+s2], $0x80, $0x38;
	[tilespmem:$0x18400] =	vst v63  }
0x26e: {  	s0 =	sadd.s32 s3, s1;
	s1 =	sand.u32 $0x1FFFFFF0, s4;
	s4 =	spop (v2sf)  }
0x26f: {  	[tilespmem:s24], [sflag:$0x2] =	stream.linear.gather [hbm4b:s0+s2], $0x80, $0x38;
	[tilespmem:$0x18400] =	vst v63  }
0x270: {  	s0 =	sadd.s32 s3, s1;
	s1 =	sand.u32 $0x1FFFFFF0, s4;
	s4 =	spop (v2sf)  }
0x271: {  	[tilespmem:s23], [sflag:$0x2] =	stream.linear.gather [hbm4b:s0+s2], $0x80, $0x38;
	[tilespmem:$0x18400] =	vst v63  }
0x272: {  	s0 =	sadd.s32 s3, s1;
	s1 =	sand.u32 $0x1FFFFFF0, s4;
	s4 =	spop (v2sf)  }
0x273: {  	[tilespmem:s22], [sflag:$0x2] =	stream.linear.gather [hbm4b:s0+s2], $0x80, $0x38;
	[tilespmem:$0x18400] =	vst v63  }
0x274: {  	s0 =	sadd.s32 s3, s1;
	s1 =	sand.u32 $0x1FFFFFF0, s4;
	s4 =	spop (v2sf)  }
0x275: {  	[tilespmem:s21], [sflag:$0x2] =	stream.linear.gather [hbm4b:s0+s2], $0x80, $0x38;
	[tilespmem:$0x18400] =	vst v63  }
0x276: {  	s0 =	sadd.s32 s3, s1;
	s1 =	sand.u32 $0x1FFFFFF0, s4;
	s4 =	spop (v2sf)  }
0x277: {  	[tilespmem:s20], [sflag:$0x2] =	stream.linear.gather [hbm4b:s0+s2], $0x80, $0x38;
	[tilespmem:$0x18400] =	vst v63  }
0x278: {  	s1 =	sadd.s32 s3, s1;
	s0 =	sadd.s32 $0x1300, s15;
	s4 =	sand.u32 $0x1FFFFFF0, s4  }
0x279: {  	[tilespmem:s0], [sflag:$0x2] =	stream.linear.gather [hbm4b:s1+s2], $0x80, $0x38;
	[tilespmem:$0x18400] =	vst v63  }
0x27a: {  	s4 =	sadd.s32 s3, s4;
	s0 =	sand.u32 $0x1E0, s18;
	s1 =	sadd.s32 $0x1380, s15  }
0x27b: {  	[tilespmem:s1], [sflag:$0x2] =	stream.linear.gather [hbm4b:s4+s2], $0x80, $0x38;
	[tilespmem:$0x18400] =	vst v63  }
0x27c: {  	v0 =	vld [tilespmem:s0+$0x200];
	_ =	sdelay $0x4  }
0x27d: {  	v0 =	vshll.u32 v0, $0x4  }
0x27e: {  	(v2sf) =	vpush v0, $0x0  }
0x27f: {  	(v2sf) =	vpush v0, $0x1  }
0x280: {  	(v2sf) =	vpush v0, $0x2;
	_ =	sdelay $0x1  }
0x281: {  	(v2sf) =	vpush v0, $0x4  }
.Ltmp2:
0x282: {  	(pc) =	sbr.rel @p0 .LBB2_6-.Ltmp2, $3  }
0x283: {  	(v2sf) =	vpush v0, $0x3  }
0x284: {  	(v2sf) =	vpush v0, $0x5;
	_ =	sdelay $0x1  }
0x285: {  	s15 =	sshra.s32 s19, $0x2;
	s18 =	sadd.s32 $0x20, s18;
	(v2sf) =	vpush v0, $0x6  }
0x286: {  	_ =	sdelay $0x1  }
0x287: {  	s0 =	sadd.s32 $0x480, s15;
	s19 =	sadd.s32 $0x980, s15  }
0x288: {  	s1 =	sadd.s32 $0x780, s15;
	s17 =	sadd.s32 $0xA00, s15;
	(v2sf) =	vpush v0, $0x7;
	s4 =	sadd.s32 $0x680, s15  }
0x289: {  	s8 =	sadd.s32 $0x800, s15;
	s18 =	sadd.s32 $0xA80, s15;
	s9 =	sadd.s32 $0x400, s15  }
0x28a: {  	s12 =	sadd.s32 $0x600, s15;
	s20 =	sadd.s32 $0x700, s15;
	(v2sf) =	vpush v0, $0x8;
	s21 =	spop (v2sf)  }
0x28b: {  	s22 =	sadd.s32 $0x500, s15;
	s21 =	sand.u32 $0x1FFFFFF0, s21;
	s23 =	spop (v2sf)  }
0x28c: {  	(v2sf) =	vpush v0, $0x9;
	s21 =	sadd.s32 s3, s21;
	s23 =	sand.u32 $0x1FFFFFF0, s23;
	s24 =	spop (v2sf)  }
0x28d: {  	[tilespmem:s9], [sflag:$0x2] =	stream.linear.gather [hbm4b:s21+s2], $0x80, $0x38;
	[tilespmem:$0x18400] =	vst v63  }
0x28e: {  	s25 =	sadd.s32 $0x580, s15;
	(v2sf) =	vpush v0, $0xA;
	s28 =	sadd.s32 s3, s23;
	s29 =	spop (v2sf)  }
0x28f: {  	[tilespmem:s0], [sflag:$0x2] =	stream.linear.gather [hbm4b:s28+s2], $0x80, $0x38;
	[tilespmem:$0x18400] =	vst v63  }
0x290: {  	s9 =	sadd.s32 $0x900, s15;
	s30 =	sand.u32 $0x1FFFFFF0, s24;
	(v2sf) =	vpush v0, $0xB;
	s31 =	spop (v2sf)  }
0x291: {  	s21 =	sadd.s32 s3, s30;
	s0 =	sadd.s32 $0x880, s15;
	s24 =	sand.u32 $0x1FFFFFF0, s31  }
0x292: {  	(v2sf) =	vpush v0, $0xC;
	[tilespmem:s22], [sflag:$0x2] =	stream.linear.gather [hbm4b:s21+s2], $0x80, $0x38;
	[tilespmem:$0x18400] =	vst v63  }
0x293: {  	s26 =	sand.u32 $0x1FFFFFF0, s29;
	s28 =	spop (v2sf);
	s29 =	sadd.s32 s3, s24  }
0x294: {  	(v2sf) =	vpush v0, $0xD;
	[tilespmem:s25], [sflag:$0x2] =	stream.linear.gather [hbm4b:s29+s2], $0x80, $0x38;
	[tilespmem:$0x18400] =	vst v63  }
0x295: {  	s21 =	sadd.s32 s3, s26;
	s22 =	sand.u32 $0x1FFFFFF0, s28;
	s30 =	spop (v2sf)  }
0x296: {  	(v2sf) =	vpush v0, $0xE;
	[tilespmem:s12], [sflag:$0x2] =	stream.linear.gather [hbm4b:s21+s2], $0x80, $0x38;
	[tilespmem:$0x18400] =	vst v63  }
0x297: {  	s22 =	sadd.s32 s3, s22;
	s31 =	sand.u32 $0x1FFFFFF0, s30;
	s23 =	spop (v2sf)  }
0x298: {  	(v2sf) =	vpush v0, $0xF;
	[tilespmem:s4], [sflag:$0x2] =	stream.linear.gather [hbm4b:s22+s2], $0x80, $0x38;
	[tilespmem:$0x18400] =	vst v63  }
0x299: {  	s24 =	sand.u32 $0x1FFFFFF0, s23;
	s25 =	spop (v2sf);
	s12 =	sadd.s32 s3, s31  }
0x29a: {  	[tilespmem:s20], [sflag:$0x2] =	stream.linear.gather [hbm4b:s12+s2], $0x80, $0x38;
	[tilespmem:$0x18400] =	vst v63  }
0x29b: {  	s26 =	sand.u32 $0x1FFFFFF0, s25;
	s4 =	sadd.s32 s3, s24;
	s28 =	spop (v2sf)  }
0x29c: {  	[tilespmem:s1], [sflag:$0x2] =	stream.linear.gather [hbm4b:s4+s2], $0x80, $0x38;
	[tilespmem:$0x18400] =	vst v63  }
0x29d: {  	s12 =	sadd.s32 s3, s26;
	s29 =	sand.u32 $0x1FFFFFF0, s28;
	s30 =	spop (v2sf)  }
0x29e: {  	[tilespmem:s8], [sflag:$0x2] =	stream.linear.gather [hbm4b:s12+s2], $0x80, $0x38;
	[tilespmem:$0x18400] =	vst v63  }
0x29f: {  	s4 =	sand.u32 $0x1FFFFFF0, s30;
	s1 =	sadd.s32 s3, s29;
	s31 =	spop (v2sf)  }
0x2a0: {  	[tilespmem:s0], [sflag:$0x2] =	stream.linear.gather [hbm4b:s1+s2], $0x80, $0x38;
	[tilespmem:$0x18400] =	vst v63  }
0x2a1: {  	s4 =	sadd.s32 s3, s4;
	s8 =	sand.u32 $0x1FFFFFF0, s31;
	s12 =	spop (v2sf)  }
0x2a2: {  	[tilespmem:s9], [sflag:$0x2] =	stream.linear.gather [hbm4b:s4+s2], $0x80, $0x38;
	[tilespmem:$0x18400] =	vst v63  }
0x2a3: {  	s0 =	sadd.s32 s3, s8;
	s1 =	sand.u32 $0x1FFFFFF0, s12;
	s20 =	spop (v2sf)  }
0x2a4: {  	[tilespmem:s19], [sflag:$0x2] =	stream.linear.gather [hbm4b:s0+s2], $0x80, $0x38;
	[tilespmem:$0x18400] =	vst v63  }
0x2a5: {  	s21 =	sand.u32 $0x1FFFFFF0, s20;
	s22 =	spop (v2sf);
	s1 =	sadd.s32 s3, s1  }
0x2a6: {  	[tilespmem:s17], [sflag:$0x2] =	stream.linear.gather [hbm4b:s1+s2], $0x80, $0x38;
	[tilespmem:$0x18400] =	vst v63  }
0x2a7: {  	s23 =	sand.u32 $0x1FFFFFF0, s22;
	s24 =	spop (v2sf);
	s0 =	sadd.s32 s3, s21  }
0x2a8: {  	[tilespmem:s18], [sflag:$0x2] =	stream.linear.gather [hbm4b:s0+s2], $0x80, $0x38;
	[tilespmem:$0x18400] =	vst v63  }
0x2a9: {  	s26 =	sadd.s32 $0xB00, s15;
	s25 =	sand.u32 $0x1FFFFFF0, s24;
	s1 =	sadd.s32 s3, s23  }
0x2aa: {  	[tilespmem:s26], [sflag:$0x2] =	stream.linear.gather [hbm4b:s1+s2], $0x80, $0x38;
	[tilespmem:$0x18400] =	vst v63  }
0x2ab: {  	s28 =	sadd.s32 $0xB80, s15;
	s0 =	sadd.s32 s3, s25  }
0x2ac: {  	[tilespmem:s28], [sflag:$0x2] =	stream.linear.gather [hbm4b:s0+s2], $0x80, $0x38;
	[tilespmem:$0x18400] =	vst v63  }
0x2ad: {  	v63 =	vld [tilespmem:s16+$0x0];
	_ =	sdelay $0x4  }
0x2ae: {  	v0 =	vshll.u32 v63, $0x4  }
0x2af: {  	(v2sf) =	vpush v0, $0x0  }
0x2b0: {  	(v2sf) =	vpush v0, $0x1  }
0x2b1: {  	(v2sf) =	vpush v0, $0x2;
	_ =	sdelay $0x1  }
0x2b2: {  	(v2sf) =	vpush v0, $0x3;
	_ =	sdelay $0x1  }
0x2b3: {  	(v2sf) =	vpush v0, $0x4;
	_ =	sdelay $0x1  }
0x2b4: {  	(v2sf) =	vpush v0, $0x5;
	_ =	sdelay $0x1  }
0x2b5: {  	(v2sf) =	vpush v0, $0x6  }
0x2b6: {  	s30 =	sadd.s32 $0xC00, s15;
	s8 =	sadd.s32 $0xD80, s15  }
0x2b7: {  	s12 =	sadd.s32 $0xE80, s15;
	s20 =	sadd.s32 $0x1080, s15;
	s4 =	sadd.s32 $0x1000, s15;
	(v2sf) =	vpush v0, $0x7  }
0x2b8: {  	s9 =	sadd.s32 $0xE00, s15;
	s22 =	sadd.s32 $0xD00, s15;
	s19 =	sadd.s32 $0x1100, s15  }
0x2b9: {  	s21 =	sadd.s32 $0xC80, s15;
	s17 =	sadd.s32 $0x1200, s15;
	s18 =	sadd.s32 $0x1180, s15;
	(v2sf) =	vpush v0, $0x8  }
0x2ba: {  	s1 =	sadd.s32 $0xF80, s15;
	s0 =	sadd.s32 $0xF00, s15;
	s29 =	spop (v2sf)  }
0x2bb: {  	s16 =	sadd.s32 $0x1280, s15;
	(v2sf) =	vpush v0, $0x9;
	s23 =	sand.u32 $0x1FFFFFF0, s29;
	s31 =	spop (v2sf)  }
0x2bc: {  	s23 =	sadd.s32 s3, s23;
	s25 =	sand.u32 $0x1FFFFFF0, s31;
	s26 =	spop (v2sf)  }
0x2bd: {  	(v2sf) =	vpush v0, $0xA;
	[tilespmem:s30], [sflag:$0x2] =	stream.linear.gather [hbm4b:s23+s2], $0x80, $0x38;
	[tilespmem:$0x18400] =	vst v63  }
0x2be: {  	s25 =	sadd.s32 s3, s25;
	s26 =	sand.u32 $0x1FFFFFF0, s26;
	s28 =	spop (v2sf)  }
0x2bf: {  	(v2sf) =	vpush v0, $0xB;
	[tilespmem:s21], [sflag:$0x2] =	stream.linear.gather [hbm4b:s25+s2], $0x80, $0x38;
	[tilespmem:$0x18400] =	vst v63  }
0x2c0: {  	s29 =	sadd.s32 s3, s26;
	s30 =	sand.u32 $0x1FFFFFF0, s28;
	s31 =	spop (v2sf)  }
0x2c1: {  	(v2sf) =	vpush v0, $0xC;
	[tilespmem:s22], [sflag:$0x2] =	stream.linear.gather [hbm4b:s29+s2], $0x80, $0x38;
	[tilespmem:$0x18400] =	vst v63  }
0x2c2: {  	s23 =	sand.u32 $0x1FFFFFF0, s31;
	s24 =	spop (v2sf);
	s22 =	sadd.s32 s3, s30  }
0x2c3: {  	(v2sf) =	vpush v0, $0xD;
	[tilespmem:s8], [sflag:$0x2] =	stream.linear.gather [hbm4b:s22+s2], $0x80, $0x38;
	[tilespmem:$0x18400] =	vst v63  }
0x2c4: {  	s25 =	sadd.s32 s3, s23;
	s26 =	sand.u32 $0x1FFFFFF0, s24;
	s28 =	spop (v2sf)  }
0x2c5: {  	(v2sf) =	vpush v0, $0xE;
	[tilespmem:s9], [sflag:$0x2] =	stream.linear.gather [hbm4b:s25+s2], $0x80, $0x38;
	[tilespmem:$0x18400] =	vst v63  }
0x2c6: {  	s29 =	sadd.s32 s3, s26;
	s30 =	sand.u32 $0x1FFFFFF0, s28;
	s31 =	spop (v2sf)  }
0x2c7: {  	(v2sf) =	vpush v0, $0xF;
	[tilespmem:s12], [sflag:$0x2] =	stream.linear.gather [hbm4b:s29+s2], $0x80, $0x38;
	[tilespmem:$0x18400] =	vst v63  }
0x2c8: {  	s21 =	spop (v2sf);
	s9 =	sadd.s32 s3, s30;
	s12 =	sand.u32 $0x1FFFFFF0, s31  }
0x2c9: {  	[tilespmem:s0], [sflag:$0x2] =	stream.linear.gather [hbm4b:s9+s2], $0x80, $0x38;
	[tilespmem:$0x18400] =	vst v63  }
0x2ca: {  	s23 =	sand.u32 $0x1FFFFFF0, s21;
	s22 =	sadd.s32 s3, s12;
	s24 =	spop (v2sf)  }
0x2cb: {  	[tilespmem:s1], [sflag:$0x2] =	stream.linear.gather [hbm4b:s22+s2], $0x80, $0x38;
	[tilespmem:$0x18400] =	vst v63  }
0x2cc: {  	s25 =	sadd.s32 s3, s23;
	s26 =	sand.u32 $0x1FFFFFF0, s24;
	s28 =	spop (v2sf)  }
0x2cd: {  	[tilespmem:s4], [sflag:$0x2] =	stream.linear.gather [hbm4b:s25+s2], $0x80, $0x38;
	[tilespmem:$0x18400] =	vst v63  }
0x2ce: {  	s29 =	sadd.s32 s3, s26;
	s30 =	sand.u32 $0x1FFFFFF0, s28;
	s31 =	spop (v2sf)  }
0x2cf: {  	[tilespmem:s20], [sflag:$0x2] =	stream.linear.gather [hbm4b:s29+s2], $0x80, $0x38;
	[tilespmem:$0x18400] =	vst v63  }
0x2d0: {  	s8 =	sadd.s32 s3, s30;
	s9 =	sand.u32 $0x1FFFFFF0, s31;
	s12 =	spop (v2sf)  }
0x2d1: {  	[tilespmem:s19], [sflag:$0x2] =	stream.linear.gather [hbm4b:s8+s2], $0x80, $0x38;
	[tilespmem:$0x18400] =	vst v63  }
0x2d2: {  	s21 =	spop (v2sf);
	s20 =	sand.u32 $0x1FFFFFF0, s12;
	s19 =	sadd.s32 s3, s9  }
0x2d3: {  	[tilespmem:s18], [sflag:$0x2] =	stream.linear.gather [hbm4b:s19+s2], $0x80, $0x38;
	[tilespmem:$0x18400] =	vst v63  }
0x2d4: {  	s23 =	sand.u32 $0x1FFFFFF0, s21;
	s24 =	spop (v2sf);
	s22 =	sadd.s32 s3, s20  }
0x2d5: {  	[tilespmem:s17], [sflag:$0x2] =	stream.linear.gather [hbm4b:s22+s2], $0x80, $0x38;
	[tilespmem:$0x18400] =	vst v63  }
0x2d6: {  	s25 =	sadd.s32 s3, s23;
	s26 =	sand.u32 $0x1FFFFFF0, s24;
	s28 =	spop (v2sf)  }
0x2d7: {  	[tilespmem:s16], [sflag:$0x2] =	stream.linear.gather [hbm4b:s25+s2], $0x80, $0x38;
	[tilespmem:$0x18400] =	vst v63  }
0x2d8: {  	s29 =	sadd.s32 $0x1300, s15;
	s1 =	sadd.s32 s3, s26;
	s4 =	sand.u32 $0x1FFFFFF0, s28  }
0x2d9: {  	[tilespmem:s29], [sflag:$0x2] =	stream.linear.gather [hbm4b:s1+s2], $0x80, $0x38;
	[tilespmem:$0x18400] =	vst v63  }
0x2da: {  	s30 =	sadd.s32 $0x1380, s15;
	s31 =	sadd.s32 s3, s4  }
0x2db: {  	[tilespmem:s30], [sflag:$0x2] =	stream.linear.gather [hbm4b:s31+s2], $0x80, $0x38;
	[tilespmem:$0x18400] =	vst v63  }
0x2dc: {  	_ =	swait.ge [sflag:s11], $0x10000  }
0x2dd: {  	[sflag:s11] =	ssyncset.done $0x0  }
0x2de: {  	[sflag:s11] =	ssyncadd.s32 $0xFFFF0000  }
0x2df: {  	_ =	swait.ge [sflag:s13], $0x8000  }
0x2e0: {  	[sflag:s13] =	ssyncset.done $0x0  }
0x2e1: {  	s15 =	simm.s32 $0x0;
	[sflag:s13] =	ssyncadd.s32 $0xFFFF8000  }
.LBB2_8:
0x2e2: {  	s0 =	sshll.u32 s15, $0xC  }
0x2e3: {  	s0 =	sand.u32 $0x3FFFF000, s0  }
0x2e4: {  	v0 =	vld [tilespmem:s0+$0x400];
	_ =	sdelay $0x2  }
0x2e5: {  	s1 =	sshll.u32 s15, $0xB  }
0x2e6: {  	s1 =	sand.u32 $0x3FFFF800, s1  }
0x2e7: {  	[tilespmem:s1+$0x10400] =	vst v0  }
0x2e8: {  	v0 =	vld [tilespmem:s0+$0x410];
	_ =	sdelay $0x4  }
0x2e9: {  	[tilespmem:s1+$0x10410] =	vst v0  }
0x2ea: {  	v0 =	vld [tilespmem:s0+$0x420];
	_ =	sdelay $0x4  }
0x2eb: {  	[tilespmem:s1+$0x10420] =	vst v0  }
0x2ec: {  	v0 =	vld [tilespmem:s0+$0x430];
	_ =	sdelay $0x4  }
0x2ed: {  	[tilespmem:s1+$0x10430] =	vst v0  }
0x2ee: {  	v0 =	vld [tilespmem:s0+$0x480];
	_ =	sdelay $0x4  }
0x2ef: {  	[tilespmem:s1+$0x10440] =	vst v0  }
0x2f0: {  	v0 =	vld [tilespmem:s0+$0x490];
	_ =	sdelay $0x4  }
0x2f1: {  	[tilespmem:s1+$0x10450] =	vst v0  }
0x2f2: {  	v0 =	vld [tilespmem:s0+$0x4A0];
	_ =	sdelay $0x4  }
0x2f3: {  	[tilespmem:s1+$0x10460] =	vst v0  }
0x2f4: {  	v0 =	vld [tilespmem:s0+$0x4B0];
	_ =	sdelay $0x1  }
0x2f5: {  	s16 =	sshll.u32 s15, $0x4  }
0x2f6: {  	s21 =	sor.u32 $0x1, s16  }
0x2f7: {  	s4 =	sshll.u32 s21, $0x8  }
0x2f8: {  	s22 =	sand.u32 $0x3FFFF100, s4;
	[tilespmem:s1+$0x10470] =	vst v0  }
0x2f9: {  	v0 =	vld [tilespmem:s22+$0x400];
	_ =	sdelay $0x2  }
0x2fa: {  	s0 =	sshll.u32 s21, $0x7  }
0x2fb: {  	s0 =	sand.u32 $0x3FFFF880, s0  }
0x2fc: {  	[tilespmem:s0+$0x10400] =	vst v0  }
0x2fd: {  	v0 =	vld [tilespmem:s22+$0x410];
	_ =	sdelay $0x4  }
0x2fe: {  	[tilespmem:s0+$0x10410] =	vst v0  }
0x2ff: {  	v0 =	vld [tilespmem:s22+$0x420];
	_ =	sdelay $0x4  }
0x300: {  	[tilespmem:s0+$0x10420] =	vst v0  }
0x301: {  	v0 =	vld [tilespmem:s22+$0x430];
	_ =	sdelay $0x4  }
0x302: {  	[tilespmem:s0+$0x10430] =	vst v0  }
0x303: {  	v0 =	vld [tilespmem:s22+$0x480];
	_ =	sdelay $0x4  }
0x304: {  	[tilespmem:s0+$0x10440] =	vst v0  }
0x305: {  	v0 =	vld [tilespmem:s22+$0x490];
	_ =	sdelay $0x4  }
0x306: {  	[tilespmem:s0+$0x10450] =	vst v0  }
0x307: {  	v0 =	vld [tilespmem:s22+$0x4A0];
	_ =	sdelay $0x4  }
0x308: {  	[tilespmem:s0+$0x10460] =	vst v0  }
0x309: {  	v0 =	vld [tilespmem:s22+$0x4B0];
	_ =	sdelay $0x2  }
0x30a: {  	s23 =	sor.u32 $0x2, s16  }
0x30b: {  	s24 =	sshll.u32 s23, $0x8  }
0x30c: {  	s25 =	sand.u32 $0x3FFFF200, s24;
	[tilespmem:s0+$0x10470] =	vst v0  }
0x30d: {  	v0 =	vld [tilespmem:s25+$0x400];
	_ =	sdelay $0x2  }
0x30e: {  	s1 =	sshll.u32 s23, $0x7  }
0x30f: {  	s1 =	sand.u32 $0x3FFFF900, s1  }
0x310: {  	[tilespmem:s1+$0x10400] =	vst v0  }
0x311: {  	v0 =	vld [tilespmem:s25+$0x410];
	_ =	sdelay $0x4  }
0x312: {  	[tilespmem:s1+$0x10410] =	vst v0  }
0x313: {  	v0 =	vld [tilespmem:s25+$0x420];
	_ =	sdelay $0x4  }
0x314: {  	[tilespmem:s1+$0x10420] =	vst v0  }
0x315: {  	v0 =	vld [tilespmem:s25+$0x430];
	_ =	sdelay $0x4  }
0x316: {  	[tilespmem:s1+$0x10430] =	vst v0  }
0x317: {  	v0 =	vld [tilespmem:s25+$0x480];
	_ =	sdelay $0x4  }
0x318: {  	[tilespmem:s1+$0x10440] =	vst v0  }
0x319: {  	v0 =	vld [tilespmem:s25+$0x490];
	_ =	sdelay $0x4  }
0x31a: {  	[tilespmem:s1+$0x10450] =	vst v0  }
0x31b: {  	v0 =	vld [tilespmem:s25+$0x4A0];
	_ =	sdelay $0x4  }
0x31c: {  	[tilespmem:s1+$0x10460] =	vst v0  }
0x31d: {  	v0 =	vld [tilespmem:s25+$0x4B0];
	_ =	sdelay $0x2  }
0x31e: {  	s26 =	sor.u32 $0x3, s16  }
0x31f: {  	s28 =	sshll.u32 s26, $0x8  }
0x320: {  	s29 =	sand.u32 $0x3FFFF300, s28;
	[tilespmem:s1+$0x10470] =	vst v0  }
0x321: {  	v0 =	vld [tilespmem:s29+$0x400];
	_ =	sdelay $0x2  }
0x322: {  	s0 =	sshll.u32 s26, $0x7  }
0x323: {  	s0 =	sand.u32 $0x3FFFF980, s0  }
0x324: {  	[tilespmem:s0+$0x10400] =	vst v0  }
0x325: {  	v0 =	vld [tilespmem:s29+$0x410];
	_ =	sdelay $0x4  }
0x326: {  	[tilespmem:s0+$0x10410] =	vst v0  }
0x327: {  	v0 =	vld [tilespmem:s29+$0x420];
	_ =	sdelay $0x4  }
0x328: {  	[tilespmem:s0+$0x10420] =	vst v0  }
0x329: {  	v0 =	vld [tilespmem:s29+$0x430];
	_ =	sdelay $0x4  }
0x32a: {  	[tilespmem:s0+$0x10430] =	vst v0  }
0x32b: {  	v0 =	vld [tilespmem:s29+$0x480];
	_ =	sdelay $0x4  }
0x32c: {  	[tilespmem:s0+$0x10440] =	vst v0  }
0x32d: {  	v0 =	vld [tilespmem:s29+$0x490];
	_ =	sdelay $0x4  }
0x32e: {  	[tilespmem:s0+$0x10450] =	vst v0  }
0x32f: {  	v0 =	vld [tilespmem:s29+$0x4A0];
	_ =	sdelay $0x4  }
0x330: {  	[tilespmem:s0+$0x10460] =	vst v0  }
0x331: {  	v0 =	vld [tilespmem:s29+$0x4B0];
	_ =	sdelay $0x2  }
0x332: {  	s30 =	sor.u32 $0x4, s16  }
0x333: {  	s31 =	sshll.u32 s30, $0x8  }
0x334: {  	s8 =	sand.u32 $0x3FFFF400, s31;
	[tilespmem:s0+$0x10470] =	vst v0  }
0x335: {  	v0 =	vld [tilespmem:s8+$0x400];
	_ =	sdelay $0x2  }
0x336: {  	s1 =	sshll.u32 s30, $0x7  }
0x337: {  	s1 =	sand.u32 $0x3FFFFA00, s1  }
0x338: {  	[tilespmem:s1+$0x10400] =	vst v0  }
0x339: {  	v0 =	vld [tilespmem:s8+$0x410];
	_ =	sdelay $0x4  }
0x33a: {  	[tilespmem:s1+$0x10410] =	vst v0  }
0x33b: {  	v0 =	vld [tilespmem:s8+$0x420];
	_ =	sdelay $0x4  }
0x33c: {  	[tilespmem:s1+$0x10420] =	vst v0  }
0x33d: {  	v0 =	vld [tilespmem:s8+$0x430];
	_ =	sdelay $0x4  }
0x33e: {  	[tilespmem:s1+$0x10430] =	vst v0  }
0x33f: {  	v0 =	vld [tilespmem:s8+$0x480];
	_ =	sdelay $0x4  }
0x340: {  	[tilespmem:s1+$0x10440] =	vst v0  }
0x341: {  	v0 =	vld [tilespmem:s8+$0x490];
	_ =	sdelay $0x4  }
0x342: {  	[tilespmem:s1+$0x10450] =	vst v0  }
0x343: {  	v0 =	vld [tilespmem:s8+$0x4A0];
	_ =	sdelay $0x4  }
0x344: {  	[tilespmem:s1+$0x10460] =	vst v0  }
0x345: {  	v0 =	vld [tilespmem:s8+$0x4B0];
	_ =	sdelay $0x2  }
0x346: {  	s9 =	sor.u32 $0x5, s16  }
0x347: {  	s12 =	sshll.u32 s9, $0x8  }
0x348: {  	s17 =	sand.u32 $0x3FFFF500, s12;
	[tilespmem:s1+$0x10470] =	vst v0  }
0x349: {  	v0 =	vld [tilespmem:s17+$0x400];
	_ =	sdelay $0x2  }
0x34a: {  	s0 =	sshll.u32 s9, $0x7  }
0x34b: {  	s0 =	sand.u32 $0x3FFFFA80, s0  }
0x34c: {  	[tilespmem:s0+$0x10400] =	vst v0  }
0x34d: {  	v0 =	vld [tilespmem:s17+$0x410];
	_ =	sdelay $0x4  }
0x34e: {  	[tilespmem:s0+$0x10410] =	vst v0  }
0x34f: {  	v0 =	vld [tilespmem:s17+$0x420];
	_ =	sdelay $0x4  }
0x350: {  	[tilespmem:s0+$0x10420] =	vst v0  }
0x351: {  	v0 =	vld [tilespmem:s17+$0x430];
	_ =	sdelay $0x4  }
0x352: {  	[tilespmem:s0+$0x10430] =	vst v0  }
0x353: {  	v0 =	vld [tilespmem:s17+$0x480];
	_ =	sdelay $0x4  }
0x354: {  	[tilespmem:s0+$0x10440] =	vst v0  }
0x355: {  	v0 =	vld [tilespmem:s17+$0x490];
	_ =	sdelay $0x4  }
0x356: {  	[tilespmem:s0+$0x10450] =	vst v0  }
0x357: {  	v0 =	vld [tilespmem:s17+$0x4A0];
	_ =	sdelay $0x4  }
0x358: {  	[tilespmem:s0+$0x10460] =	vst v0  }
0x359: {  	v0 =	vld [tilespmem:s17+$0x4B0];
	_ =	sdelay $0x2  }
0x35a: {  	s18 =	sor.u32 $0x6, s16  }
0x35b: {  	s19 =	sshll.u32 s18, $0x8  }
0x35c: {  	s20 =	sand.u32 $0x3FFFF600, s19;
	[tilespmem:s0+$0x10470] =	vst v0  }
0x35d: {  	v0 =	vld [tilespmem:s20+$0x400];
	_ =	sdelay $0x2  }
0x35e: {  	s1 =	sshll.u32 s18, $0x7  }
0x35f: {  	s1 =	sand.u32 $0x3FFFFB00, s1  }
0x360: {  	[tilespmem:s1+$0x10400] =	vst v0  }
0x361: {  	v0 =	vld [tilespmem:s20+$0x410];
	_ =	sdelay $0x4  }
0x362: {  	[tilespmem:s1+$0x10410] =	vst v0  }
0x363: {  	v0 =	vld [tilespmem:s20+$0x420];
	_ =	sdelay $0x4  }
0x364: {  	[tilespmem:s1+$0x10420] =	vst v0  }
0x365: {  	v0 =	vld [tilespmem:s20+$0x430];
	_ =	sdelay $0x4  }
0x366: {  	[tilespmem:s1+$0x10430] =	vst v0  }
0x367: {  	v0 =	vld [tilespmem:s20+$0x480];
	_ =	sdelay $0x4  }
0x368: {  	[tilespmem:s1+$0x10440] =	vst v0  }
0x369: {  	v0 =	vld [tilespmem:s20+$0x490];
	_ =	sdelay $0x4  }
0x36a: {  	[tilespmem:s1+$0x10450] =	vst v0  }
0x36b: {  	v0 =	vld [tilespmem:s20+$0x4A0];
	_ =	sdelay $0x4  }
0x36c: {  	[tilespmem:s1+$0x10460] =	vst v0  }
0x36d: {  	v0 =	vld [tilespmem:s20+$0x4B0];
	_ =	sdelay $0x2  }
0x36e: {  	s21 =	sor.u32 $0x7, s16  }
0x36f: {  	s22 =	sshll.u32 s21, $0x8  }
0x370: {  	s23 =	sand.u32 $0x3FFFF700, s22;
	[tilespmem:s1+$0x10470] =	vst v0  }
0x371: {  	v0 =	vld [tilespmem:s23+$0x400];
	_ =	sdelay $0x2  }
0x372: {  	s0 =	sshll.u32 s21, $0x7  }
0x373: {  	s0 =	sand.u32 $0x3FFFFB80, s0  }
0x374: {  	[tilespmem:s0+$0x10400] =	vst v0  }
0x375: {  	v0 =	vld [tilespmem:s23+$0x410];
	_ =	sdelay $0x4  }
0x376: {  	[tilespmem:s0+$0x10410] =	vst v0  }
0x377: {  	v0 =	vld [tilespmem:s23+$0x420];
	_ =	sdelay $0x4  }
0x378: {  	[tilespmem:s0+$0x10420] =	vst v0  }
0x379: {  	v0 =	vld [tilespmem:s23+$0x430];
	_ =	sdelay $0x4  }
0x37a: {  	[tilespmem:s0+$0x10430] =	vst v0  }
0x37b: {  	v0 =	vld [tilespmem:s23+$0x480];
	_ =	sdelay $0x4  }
0x37c: {  	[tilespmem:s0+$0x10440] =	vst v0  }
0x37d: {  	v0 =	vld [tilespmem:s23+$0x490];
	_ =	sdelay $0x4  }
0x37e: {  	[tilespmem:s0+$0x10450] =	vst v0  }
0x37f: {  	v0 =	vld [tilespmem:s23+$0x4A0];
	_ =	sdelay $0x4  }
0x380: {  	[tilespmem:s0+$0x10460] =	vst v0  }
0x381: {  	v0 =	vld [tilespmem:s23+$0x4B0];
	_ =	sdelay $0x2  }
0x382: {  	s24 =	sor.u32 $0x8, s16  }
0x383: {  	s25 =	sshll.u32 s24, $0x8  }
0x384: {  	s26 =	sand.u32 $0x3FFFF800, s25;
	[tilespmem:s0+$0x10470] =	vst v0  }
0x385: {  	v0 =	vld [tilespmem:s26+$0x400];
	_ =	sdelay $0x2  }
0x386: {  	s1 =	sshll.u32 s24, $0x7  }
0x387: {  	s1 =	sand.u32 $0x3FFFFC00, s1  }
0x388: {  	[tilespmem:s1+$0x10400] =	vst v0  }
0x389: {  	v0 =	vld [tilespmem:s26+$0x410];
	_ =	sdelay $0x4  }
0x38a: {  	[tilespmem:s1+$0x10410] =	vst v0  }
0x38b: {  	v0 =	vld [tilespmem:s26+$0x420];
	_ =	sdelay $0x4  }
0x38c: {  	[tilespmem:s1+$0x10420] =	vst v0  }
0x38d: {  	v0 =	vld [tilespmem:s26+$0x430];
	_ =	sdelay $0x4  }
0x38e: {  	[tilespmem:s1+$0x10430] =	vst v0  }
0x38f: {  	v0 =	vld [tilespmem:s26+$0x480];
	_ =	sdelay $0x4  }
0x390: {  	[tilespmem:s1+$0x10440] =	vst v0  }
0x391: {  	v0 =	vld [tilespmem:s26+$0x490];
	_ =	sdelay $0x4  }
0x392: {  	[tilespmem:s1+$0x10450] =	vst v0  }
0x393: {  	v0 =	vld [tilespmem:s26+$0x4A0];
	_ =	sdelay $0x4  }
0x394: {  	[tilespmem:s1+$0x10460] =	vst v0  }
0x395: {  	v0 =	vld [tilespmem:s26+$0x4B0];
	_ =	sdelay $0x2  }
0x396: {  	s28 =	sor.u32 $0x9, s16  }
0x397: {  	s29 =	sshll.u32 s28, $0x8  }
0x398: {  	s30 =	sand.u32 $0x3FFFF900, s29;
	[tilespmem:s1+$0x10470] =	vst v0  }
0x399: {  	v0 =	vld [tilespmem:s30+$0x400];
	_ =	sdelay $0x2  }
0x39a: {  	s0 =	sshll.u32 s28, $0x7  }
0x39b: {  	s0 =	sand.u32 $0x3FFFFC80, s0  }
0x39c: {  	[tilespmem:s0+$0x10400] =	vst v0  }
0x39d: {  	v0 =	vld [tilespmem:s30+$0x410];
	_ =	sdelay $0x4  }
0x39e: {  	[tilespmem:s0+$0x10410] =	vst v0  }
0x39f: {  	v0 =	vld [tilespmem:s30+$0x420];
	_ =	sdelay $0x4  }
0x3a0: {  	[tilespmem:s0+$0x10420] =	vst v0  }
0x3a1: {  	v0 =	vld [tilespmem:s30+$0x430];
	_ =	sdelay $0x4  }
0x3a2: {  	[tilespmem:s0+$0x10430] =	vst v0  }
0x3a3: {  	v0 =	vld [tilespmem:s30+$0x480];
	_ =	sdelay $0x4  }
0x3a4: {  	[tilespmem:s0+$0x10440] =	vst v0  }
0x3a5: {  	v0 =	vld [tilespmem:s30+$0x490];
	_ =	sdelay $0x4  }
0x3a6: {  	[tilespmem:s0+$0x10450] =	vst v0  }
0x3a7: {  	v0 =	vld [tilespmem:s30+$0x4A0];
	_ =	sdelay $0x4  }
0x3a8: {  	[tilespmem:s0+$0x10460] =	vst v0  }
0x3a9: {  	v0 =	vld [tilespmem:s30+$0x4B0];
	_ =	sdelay $0x2  }
0x3aa: {  	s31 =	sor.u32 $0xA, s16  }
0x3ab: {  	s8 =	sshll.u32 s31, $0x8  }
0x3ac: {  	s9 =	sand.u32 $0x3FFFFA00, s8;
	[tilespmem:s0+$0x10470] =	vst v0  }
0x3ad: {  	v0 =	vld [tilespmem:s9+$0x400];
	_ =	sdelay $0x2  }
0x3ae: {  	s1 =	sshll.u32 s31, $0x7  }
0x3af: {  	s1 =	sand.u32 $0x3FFFFD00, s1  }
0x3b0: {  	[tilespmem:s1+$0x10400] =	vst v0  }
0x3b1: {  	v0 =	vld [tilespmem:s9+$0x410];
	_ =	sdelay $0x4  }
0x3b2: {  	[tilespmem:s1+$0x10410] =	vst v0  }
0x3b3: {  	v0 =	vld [tilespmem:s9+$0x420];
	_ =	sdelay $0x4  }
0x3b4: {  	[tilespmem:s1+$0x10420] =	vst v0  }
0x3b5: {  	v0 =	vld [tilespmem:s9+$0x430];
	_ =	sdelay $0x4  }
0x3b6: {  	[tilespmem:s1+$0x10430] =	vst v0  }
0x3b7: {  	v0 =	vld [tilespmem:s9+$0x480];
	_ =	sdelay $0x4  }
0x3b8: {  	[tilespmem:s1+$0x10440] =	vst v0  }
0x3b9: {  	v0 =	vld [tilespmem:s9+$0x490];
	_ =	sdelay $0x4  }
0x3ba: {  	[tilespmem:s1+$0x10450] =	vst v0  }
0x3bb: {  	v0 =	vld [tilespmem:s9+$0x4A0];
	_ =	sdelay $0x4  }
0x3bc: {  	[tilespmem:s1+$0x10460] =	vst v0  }
0x3bd: {  	v0 =	vld [tilespmem:s9+$0x4B0];
	_ =	sdelay $0x2  }
0x3be: {  	s12 =	sor.u32 $0xB, s16  }
0x3bf: {  	s17 =	sshll.u32 s12, $0x8  }
0x3c0: {  	s18 =	sand.u32 $0x3FFFFB00, s17;
	[tilespmem:s1+$0x10470] =	vst v0  }
0x3c1: {  	v0 =	vld [tilespmem:s18+$0x400];
	_ =	sdelay $0x2  }
0x3c2: {  	s0 =	sshll.u32 s12, $0x7  }
0x3c3: {  	s0 =	sand.u32 $0x3FFFFD80, s0  }
0x3c4: {  	[tilespmem:s0+$0x10400] =	vst v0  }
0x3c5: {  	v0 =	vld [tilespmem:s18+$0x410];
	_ =	sdelay $0x4  }
0x3c6: {  	[tilespmem:s0+$0x10410] =	vst v0  }
0x3c7: {  	v0 =	vld [tilespmem:s18+$0x420];
	_ =	sdelay $0x4  }
0x3c8: {  	[tilespmem:s0+$0x10420] =	vst v0  }
0x3c9: {  	v0 =	vld [tilespmem:s18+$0x430];
	_ =	sdelay $0x4  }
0x3ca: {  	[tilespmem:s0+$0x10430] =	vst v0  }
0x3cb: {  	v0 =	vld [tilespmem:s18+$0x480];
	_ =	sdelay $0x4  }
0x3cc: {  	[tilespmem:s0+$0x10440] =	vst v0  }
0x3cd: {  	v0 =	vld [tilespmem:s18+$0x490];
	_ =	sdelay $0x4  }
0x3ce: {  	[tilespmem:s0+$0x10450] =	vst v0  }
0x3cf: {  	v0 =	vld [tilespmem:s18+$0x4A0];
	_ =	sdelay $0x4  }
0x3d0: {  	[tilespmem:s0+$0x10460] =	vst v0  }
0x3d1: {  	v0 =	vld [tilespmem:s18+$0x4B0];
	_ =	sdelay $0x2  }
0x3d2: {  	s19 =	sor.u32 $0xC, s16  }
0x3d3: {  	s20 =	sshll.u32 s19, $0x8  }
0x3d4: {  	s21 =	sand.u32 $0x3FFFFC00, s20;
	[tilespmem:s0+$0x10470] =	vst v0  }
0x3d5: {  	v0 =	vld [tilespmem:s21+$0x400];
	_ =	sdelay $0x2  }
0x3d6: {  	s1 =	sshll.u32 s19, $0x7  }
0x3d7: {  	s1 =	sand.u32 $0x3FFFFE00, s1  }
0x3d8: {  	[tilespmem:s1+$0x10400] =	vst v0  }
0x3d9: {  	v0 =	vld [tilespmem:s21+$0x410];
	_ =	sdelay $0x4  }
0x3da: {  	[tilespmem:s1+$0x10410] =	vst v0  }
0x3db: {  	v0 =	vld [tilespmem:s21+$0x420];
	_ =	sdelay $0x4  }
0x3dc: {  	[tilespmem:s1+$0x10420] =	vst v0  }
0x3dd: {  	v0 =	vld [tilespmem:s21+$0x430];
	_ =	sdelay $0x4  }
0x3de: {  	[tilespmem:s1+$0x10430] =	vst v0  }
0x3df: {  	v0 =	vld [tilespmem:s21+$0x480];
	_ =	sdelay $0x4  }
0x3e0: {  	[tilespmem:s1+$0x10440] =	vst v0  }
0x3e1: {  	v0 =	vld [tilespmem:s21+$0x490];
	_ =	sdelay $0x4  }
0x3e2: {  	[tilespmem:s1+$0x10450] =	vst v0  }
0x3e3: {  	v0 =	vld [tilespmem:s21+$0x4A0];
	_ =	sdelay $0x4  }
0x3e4: {  	[tilespmem:s1+$0x10460] =	vst v0  }
0x3e5: {  	v0 =	vld [tilespmem:s21+$0x4B0];
	_ =	sdelay $0x2  }
0x3e6: {  	s22 =	sor.u32 $0xD, s16  }
0x3e7: {  	s23 =	sshll.u32 s22, $0x8  }
0x3e8: {  	s24 =	sand.u32 $0x3FFFFD00, s23;
	[tilespmem:s1+$0x10470] =	vst v0  }
0x3e9: {  	v0 =	vld [tilespmem:s24+$0x400];
	_ =	sdelay $0x2  }
0x3ea: {  	s0 =	sshll.u32 s22, $0x7  }
0x3eb: {  	s0 =	sand.u32 $0x3FFFFE80, s0  }
0x3ec: {  	[tilespmem:s0+$0x10400] =	vst v0  }
0x3ed: {  	v0 =	vld [tilespmem:s24+$0x410];
	_ =	sdelay $0x4  }
0x3ee: {  	[tilespmem:s0+$0x10410] =	vst v0  }
0x3ef: {  	v0 =	vld [tilespmem:s24+$0x420];
	_ =	sdelay $0x4  }
0x3f0: {  	[tilespmem:s0+$0x10420] =	vst v0  }
0x3f1: {  	v0 =	vld [tilespmem:s24+$0x430];
	_ =	sdelay $0x4  }
0x3f2: {  	[tilespmem:s0+$0x10430] =	vst v0  }
0x3f3: {  	v0 =	vld [tilespmem:s24+$0x480];
	_ =	sdelay $0x4  }
0x3f4: {  	[tilespmem:s0+$0x10440] =	vst v0  }
0x3f5: {  	v0 =	vld [tilespmem:s24+$0x490];
	_ =	sdelay $0x4  }
0x3f6: {  	[tilespmem:s0+$0x10450] =	vst v0  }
0x3f7: {  	v0 =	vld [tilespmem:s24+$0x4A0];
	_ =	sdelay $0x4  }
0x3f8: {  	[tilespmem:s0+$0x10460] =	vst v0  }
0x3f9: {  	v0 =	vld [tilespmem:s24+$0x4B0];
	_ =	sdelay $0x2  }
0x3fa: {  	s25 =	sor.u32 $0xE, s16  }
0x3fb: {  	s26 =	sshll.u32 s25, $0x8  }
0x3fc: {  	s28 =	sand.u32 $0x3FFFFE00, s26;
	[tilespmem:s0+$0x10470] =	vst v0  }
0x3fd: {  	v0 =	vld [tilespmem:s28+$0x400];
	_ =	sdelay $0x2  }
0x3fe: {  	s1 =	sshll.u32 s25, $0x7  }
0x3ff: {  	s1 =	sand.u32 $0x3FFFFF00, s1  }
0x400: {  	[tilespmem:s1+$0x10400] =	vst v0  }
0x401: {  	v0 =	vld [tilespmem:s28+$0x410];
	_ =	sdelay $0x4  }
0x402: {  	[tilespmem:s1+$0x10410] =	vst v0  }
0x403: {  	v0 =	vld [tilespmem:s28+$0x420];
	_ =	sdelay $0x4  }
0x404: {  	[tilespmem:s1+$0x10420] =	vst v0  }
0x405: {  	v0 =	vld [tilespmem:s28+$0x430];
	_ =	sdelay $0x4  }
0x406: {  	[tilespmem:s1+$0x10430] =	vst v0  }
0x407: {  	v0 =	vld [tilespmem:s28+$0x480];
	_ =	sdelay $0x4  }
0x408: {  	[tilespmem:s1+$0x10440] =	vst v0  }
0x409: {  	v0 =	vld [tilespmem:s28+$0x490];
	_ =	sdelay $0x4  }
0x40a: {  	[tilespmem:s1+$0x10450] =	vst v0  }
0x40b: {  	v0 =	vld [tilespmem:s28+$0x4A0];
	_ =	sdelay $0x4  }
0x40c: {  	[tilespmem:s1+$0x10460] =	vst v0  }
0x40d: {  	v0 =	vld [tilespmem:s28+$0x4B0];
	_ =	sdelay $0x2  }
0x40e: {  	s29 =	sshllo.u32 s15, $0x4  }
0x40f: {  	s30 =	sshll.u32 s29, $0x8  }
0x410: {  	s31 =	sand.u32 $0x3FFFFF00, s30;
	[tilespmem:s1+$0x10470] =	vst v0  }
0x411: {  	v0 =	vld [tilespmem:s31+$0x400];
	_ =	sdelay $0x2  }
0x412: {  	s0 =	sshll.u32 s29, $0x7  }
0x413: {  	s0 =	sand.u32 $0x3FFFFF80, s0  }
0x414: {  	[tilespmem:s0+$0x10400] =	vst v0  }
0x415: {  	v0 =	vld [tilespmem:s31+$0x410];
	_ =	sdelay $0x4  }
0x416: {  	[tilespmem:s0+$0x10410] =	vst v0  }
0x417: {  	v0 =	vld [tilespmem:s31+$0x420];
	_ =	sdelay $0x4  }
0x418: {  	[tilespmem:s0+$0x10420] =	vst v0  }
0x419: {  	v0 =	vld [tilespmem:s31+$0x430];
	_ =	sdelay $0x4  }
0x41a: {  	[tilespmem:s0+$0x10430] =	vst v0  }
0x41b: {  	v0 =	vld [tilespmem:s31+$0x480];
	_ =	sdelay $0x4  }
0x41c: {  	[tilespmem:s0+$0x10440] =	vst v0  }
0x41d: {  	v0 =	vld [tilespmem:s31+$0x490];
	_ =	sdelay $0x4  }
0x41e: {  	[tilespmem:s0+$0x10450] =	vst v0  }
0x41f: {  	v0 =	vld [tilespmem:s31+$0x4A0];
	_ =	sdelay $0x4  }
0x420: {  	[tilespmem:s0+$0x10460] =	vst v0  }
0x421: {  	p0 =	sne.s32 s15, $0xF;
	v0 =	vld [tilespmem:s31+$0x4B0]  }
.Ltmp3:
0x422: {  	_ = 	snop;
	(pc) =	sbr.rel @p0 .LBB2_8-.Ltmp3, $2  }
0x423: {  	_ =	sdelay $0x2  }
0x424: {  	s15 =	sadd.s32 $0x1, s15;
	[tilespmem:s0+$0x10470] =	vst v0  }
0x425: {  	s14 =	sadd.s32 $0x1, s14  }
0x426: {  	p0 =	sne.s32 s14, s7  }
.Ltmp4:
0x427: {  	s0 =	simm.s32 $0x10400;
	(pc) =	sbr.rel @p0 .LBB2_1-.Ltmp4, $4  }
0x428: {  	[hbm4b:s6+s2] =	stream.linear.scatter [tilespmem:s0], [sflag:$0x3], $0x8000, $0x38;
	[tilespmem:$0x18400] =	vst v63  }
0x429: {  	_ =	swait.ge [sflag:s13], $0x8000  }
0x42a: {  	[sflag:s13] =	ssyncset.done $0x0  }
0x42b: {  	[sflag:s13] =	ssyncadd.s32 $0xFFFF8000  }
0x42c: {  	_ =	sfence.sel $0x180000  }
0x42d: {  	[bflag:$0x0] =	sbarrier.arrive $0xFFFF  }
0x42e: {  	_ =	strace $0x90000047  }
0x42f: {  	s0 =	stileid.u32;
	[bflag:$0x2] =	sbarrier.arrive $0xFFFF  }
0x430: {  	p0 =	sne.s32 s0, $0x0;
	s0 =	rddreg [dreg:$0x2]  }
0x431: {  	s0 =	sadd.s32 @!p0 $0x100000, s0  }
0x432: {  	[sflag:s0] =	ssyncadd.tile.s32 @!p0 $0x1;
	_ =	shalt  }
.Lfunc_end2:
_tile_overlayer_lowered:
.L_overlay_start_2:
0x433: {  	(tag) =	ssettag $0x2  }
0x434: {  	s0 =	rddreg [dreg:$0x0];
	s2 =	stileid.u32  }
0x435: {  	s1 =	rddreg [dreg:$0x1];
	p0 =	sne.s32 s2, $0x0  }
0x436: {  	s3 =	rddreg [dreg:$0x2];
	[bflag:$0x3] =	sbarrier.arrive $0xFFFF;
	s2 =	simm.s32 @!p0 $0x1C04  }
0x437: {  	[timem:s3], [sflag:s2] =	dma.local @!p0 [hbm:s0], s1  }
0x438: {  	s0 =	simm.s32 @!p0 $0x4  }
0x439: {  	_ =	swait.ge @!p0 [sflag:s0], s1  }
0x43a: {  	s1 =	ssub.s32 @!p0 $0x0, s1;
	[sflag:s0] =	ssyncset.done @!p0 $0x0  }
0x43b: {  	[sflag:s0] =	ssyncadd.s32 @!p0 s1  }
0x43c: {  	[bflag:$0x3] =	sbarrier.arrive $0xFFFF  }
0x43d: {  	_ =	shalt  }

</sc_bundles>
